<compile_context>
chip_gen: v7x
topology: tpu7x:2x2x1
jax: 0.10.2.dev20260603
libtpu: 0.0.44.dev20260713+nightly
codegen_flags: <defaults>
</compile_context>

<pallas_src>
import functools

import jax
import jax.numpy as jnp
from jax import lax
from jax.experimental import pallas as pl
from jax.experimental.pallas import tpu as pltpu
from jax.experimental.pallas import tpu_sc as plsc

N = 10000
E = 320000
D = 128

NC = 2
NS = 16
NW = NC * NS
CHUNK = 128
EP = 327680
TCH = EP // (NW * CHUNK)
W = 8
NWIN = TCH // W
T0 = 120
T1 = 40
NWCHUNKS = EP // CHUNK
NPAD = 10112
RPT = NPAD // NS

_mesh = plsc.VectorSubcoreMesh(core_axis_name="c", subcore_axis_name="s")


def _zero_slice(buf, acc, base, nrows):
    for k in range(nrows // CHUNK):
        pltpu.sync_copy(buf, acc.at[pl.ds(base + k * CHUNK, CHUNK)])
    rem = nrows % CHUNK
    if rem:
        pltpu.sync_copy(buf.at[pl.ds(0, rem)],
                        acc.at[pl.ds(base + nrows - rem, rem)])


def _fill(buf, val):
    def row(i, carry):
        for k in range(D // 16):
            buf[i, pl.ds(k * 16, 16)] = jnp.full((16,), val, jnp.float32)
        return carry
    lax.fori_loop(0, CHUNK, row, 0)


@functools.partial(
    pl.kernel,
    out_type=jax.ShapeDtypeStruct((NC, NPAD, D), jnp.float32),
    mesh=_mesh,
    scratch_types=[
        pltpu.VMEM((TCH, CHUNK), jnp.int32),
        pltpu.VMEM((CHUNK, D), jnp.float32),
        pltpu.VMEM_SHARED((NPAD, D), jnp.float32),
    ],
)
def _deg_kernel(dst3, out, dst_v, buf, dacc):
    c = lax.axis_index("c")
    s = lax.axis_index("s")
    w = c * NS + s
    pltpu.sync_copy(dst3.at[w], dst_v)
    _fill(buf, 0.0)
    base = s * RPT
    _zero_slice(buf, dacc, base, RPT)
    _fill(buf, 1.0)
    plsc.subcore_barrier()

    def chunk(j, carry):
        pltpu.sync_copy(buf, dacc.at[dst_v.at[j]], add=True)
        return carry
    lax.fori_loop(0, TCH, chunk, 0)
    plsc.subcore_barrier()
    pltpu.sync_copy(dacc.at[pl.ds(base, RPT)], out.at[c, pl.ds(base, RPT)])


@functools.partial(
    pl.kernel,
    out_type=jax.ShapeDtypeStruct((NC, NPAD, D), jnp.float32),
    mesh=_mesh,
    scratch_types=[
        pltpu.VMEM((2, W, CHUNK), jnp.int32),
        pltpu.VMEM((2, W, CHUNK), jnp.int32),
        [pltpu.VMEM((CHUNK, D), jnp.float32)] * 2,
        [pltpu.SemaphoreType.DMA] * 2,
        [pltpu.SemaphoreType.DMA] * 2,
        pltpu.SemaphoreType.DMA,
        pltpu.VMEM_SHARED((NPAD, D), jnp.float32),
    ],
)
def _scatter_kernel(g, src3w, dst3w, out, src_w, dst_w, bufs, gsem, ssem,
                    isem, acc):
    c = lax.axis_index("c")
    s = lax.axis_index("s")
    _fill(bufs[0], 0.0)
    base = s * RPT
    _zero_slice(bufs[0], acc, base, RPT)

    nch = jnp.where(c == 0, T0, T1)
    nwin_t = jnp.where(c == 0, T0 // W, T1 // W)
    basew = jnp.where(c == 0, s * (T0 // W),
                      NS * (T0 // W) + s * (T1 // W))
    basew = jnp.minimum(basew, NWCHUNKS // W - 1)

    @pl.when(nch > 0)
    def _():
        pltpu.sync_copy(src3w.at[basew], src_w.at[0])
        pltpu.sync_copy(dst3w.at[basew], dst_w.at[0])
    plsc.subcore_barrier()

    def fire(idx_row, b):
        pltpu.async_copy(g.at[idx_row], bufs[b], gsem[b])

    def wait_g(b):
        pltpu.make_async_copy(g.at[pl.ds(0, CHUNK)], bufs[b], gsem[b]).wait()

    def wait_s(b):
        pltpu.make_async_copy(bufs[b], acc.at[dst_w.at[0, 0]], ssem[b]).wait()

    def wait_i():
        pltpu.make_async_copy(src3w.at[0], src_w.at[0], isem).wait()
        pltpu.make_async_copy(dst3w.at[0], dst_w.at[0], isem).wait()

    @pl.when(nch > 0)
    def _():
        fire(src_w.at[0, 0], 0)

    def win(w, carry):
        q = lax.rem(w, 2)
        qn = lax.rem(w + 1, 2)
        for r in range(W):
            j = w * W + r
            b = r % 2
            bn = (r + 1) % 2

            @pl.when(j >= 1)
            def _():
                wait_s(bn)

            if r == 1:
                @pl.when(w + 1 < nwin_t)
                def _():
                    pltpu.async_copy(src3w.at[basew + w + 1], src_w.at[qn],
                                     isem)
                    pltpu.async_copy(dst3w.at[basew + w + 1], dst_w.at[qn],
                                     isem)

            if r == W - 2:
                @pl.when(w + 1 < nwin_t)
                def _():
                    wait_i()

            @pl.when(j + 1 < nch)
            def _():
                if r < W - 1:
                    fire(src_w.at[q, r + 1], bn)
                else:
                    fire(src_w.at[qn, 0], bn)

            wait_g(b)
            pltpu.async_copy(bufs[b], acc.at[dst_w.at[q, r]], ssem[b],
                             add=True)
        return carry

    lax.fori_loop(0, nwin_t, win, 0)

    @pl.when(nch > 0)
    def _():
        wait_s(1)
    plsc.subcore_barrier()
    pltpu.sync_copy(acc.at[pl.ds(base, RPT)], out.at[c, pl.ds(base, RPT)])


R = 1000


def _dinv_of(dp_ref):
    deg = dp_ref[0, :, 0] + dp_ref[1, :, 0] + 1.0
    return lax.rsqrt(deg)


def _tc1_body(x_ref, w_ref, dp_ref, g_ref, t_ref):
    dinv = _dinv_of(dp_ref)
    t = jnp.dot(x_ref[...], w_ref[...], preferred_element_type=jnp.float32)
    t_ref[...] = t
    g_ref[...] = t * dinv[:, None]


def _tc2_body(s_ref, dp_ref, t1_ref, w_ref, b_ref, t2_ref, g2_ref):
    dinv = _dinv_of(dp_ref)
    h = ((s_ref[0] + s_ref[1]) * dinv[:, None]
         + t1_ref[...] * (dinv * dinv)[:, None] + b_ref[...])
    t2 = jnp.dot(h, w_ref[...], preferred_element_type=jnp.float32)
    t2_ref[...] = t2
    g2_ref[...] = t2 * dinv[:, None]


def _tc3_body(s_ref, dp_ref, t2_ref, b_ref, out_ref):
    dinv = _dinv_of(dp_ref)
    out_ref[...] = ((s_ref[0] + s_ref[1]) * dinv[:, None]
                    + t2_ref[...] * (dinv * dinv)[:, None] + b_ref[...])


_row_spec = pl.BlockSpec((R, D), lambda i: (i, 0))
_w_spec = pl.BlockSpec((D, D), lambda i: (0, 0))
_s_spec = pl.BlockSpec((NC, R, D), lambda i: (0, i, 0))
_b_spec = pl.BlockSpec((1, D), lambda i: (0, 0))

_tc1 = pl.pallas_call(
    _tc1_body,
    grid=(N // R,),
    in_specs=[_row_spec, _w_spec, _s_spec],
    out_specs=[_row_spec, _row_spec],
    out_shape=[jax.ShapeDtypeStruct((N, D), jnp.float32)] * 2,
)

_tc2 = pl.pallas_call(
    _tc2_body,
    grid=(N // R,),
    in_specs=[_s_spec, _s_spec, _row_spec, _w_spec, _b_spec],
    out_specs=[_row_spec, _row_spec],
    out_shape=[jax.ShapeDtypeStruct((N, D), jnp.float32)] * 2,
)

_tc3 = pl.pallas_call(
    _tc3_body,
    grid=(N // R,),
    in_specs=[_s_spec, _s_spec, _row_spec, _b_spec],
    out_specs=_row_spec,
    out_shape=jax.ShapeDtypeStruct((N, D), jnp.float32),
)


def kernel(x, adj, W1, b1, W2, b2):
    src = adj[0].astype(jnp.int32)
    dst = adj[1].astype(jnp.int32)
    pad = EP - E
    src_p = jnp.concatenate([src, jnp.zeros((pad,), jnp.int32)])
    dst_p = jnp.concatenate([dst, jnp.full((pad,), N, jnp.int32)])
    src3w = src_p.reshape(NWCHUNKS // W, W, CHUNK)
    dst3w = dst_p.reshape(NWCHUNKS // W, W, CHUNK)
    dst3 = dst_p.reshape(NW, TCH, CHUNK)

    dp = _deg_kernel(dst3)
    g1, t1 = _tc1(x, W1, dp)
    s1 = _scatter_kernel(g1, src3w, dst3w)
    t2, g2 = _tc2(s1, dp, t1, W2, b1.reshape(1, D))
    s2 = _scatter_kernel(g2, src3w, dst3w)
    out = _tc3(s2, dp, t2, b2.reshape(1, D))
    return out

# --- scband reference (transcript-rebuilt; emitter-appended) ---
"""Pipeline reference for scband-gcn-60636348285585 (READ-ONLY COPY).

The authoritative reference and input builder live on the scoring server;
editing this copy changes nothing except your own understanding.
"""

import jax, jax.numpy as jnp
import numpy as np

N_NODES = 10000
N_EDGES = 320000
D_IN = 128
D_HID = 128
D_OUT = 128


def setup_inputs(seed: int = 0) -> dict:
    key = jax.random.key(seed)
    k1, k2, k3, k4, k5, k6 = jax.random.split(key, 6)
    x = jax.random.normal(k1, (N_NODES, D_IN), dtype=jnp.float32)
    edge_index = jax.random.randint(k2, (2, N_EDGES), 0, N_NODES, dtype=jnp.int64)
    # Glorot-style init for GCN linear layers
    s1 = (6.0 / (D_IN + D_HID)) ** 0.5
    s2 = (6.0 / (D_HID + D_OUT)) ** 0.5
    W1 = jax.random.uniform(k3, (D_IN, D_HID), dtype=jnp.float32, minval=-s1, maxval=s1)
    b1 = jnp.zeros((D_HID,), dtype=jnp.float32)
    W2 = jax.random.uniform(k4, (D_HID, D_OUT), dtype=jnp.float32, minval=-s2, maxval=s2)
    b2 = jnp.zeros((D_OUT,), dtype=jnp.float32)
    return {"x": x, "adj": edge_index, "W1": W1, "b1": b1, "W2": W2, "b2": b2}


def _gcn_conv(x, src, dst, W, b, n_nodes):
    # symmetric GCN normalization with self-loops (PyG GCNConv semantics)
    loop = jnp.arange(n_nodes, dtype=src.dtype)
    src_sl = jnp.concatenate([src, loop])
    dst_sl = jnp.concatenate([dst, loop])
    deg = jnp.zeros((n_nodes,), dtype=jnp.float32).at[dst_sl].add(1.0)
    dinv = jnp.where(deg > 0, jax.lax.rsqrt(deg), 0.0)
    norm = dinv[src_sl] * dinv[dst_sl]
    h = x @ W
    msg = h[src_sl] * norm[:, None]
    out = jnp.zeros((n_nodes, h.shape[1]), dtype=h.dtype).at[dst_sl].add(msg)
    return out + b


def reference(x, adj, W1, b1, W2, b2):
    src, dst = adj[0], adj[1]
    n = x.shape[0]
    h = _gcn_conv(x, src, dst, W1, b1, n)
    # dropout is identity in eval mode
    out = _gcn_conv(h, src, dst, W2, b2, n)
    return out

if __name__ == "__main__":
    import jax
    _d = setup_inputs()
    print(jax.jit(kernel)(*tuple(_d.values())))

</pallas_src>

<mosaic_0001>
#map = affine_map<(d0, d1) -> (0, 0)>
#map1 = affine_map<(d0, d1) -> (0, 0, 0)>
module attributes {stable_mosaic.version = 14 : i64} {
  func.func @_scatter_kernel(%arg0: i32, %arg1: i32, %arg2: memref<10000x128xf32, #tpu.memory_space<hbm>>, %arg3: memref<320x8x128xi32, #tpu.memory_space<hbm>>, %arg4: memref<320x8x128xi32, #tpu.memory_space<hbm>>, %arg5: memref<2x10112x128xf32, #tpu.memory_space<hbm>>, %arg6: memref<2x8x128xi32, #tpu.memory_space<vmem>>, %arg7: memref<2x8x128xi32, #tpu.memory_space<vmem>>, %arg8: memref<128x128xf32, #tpu.memory_space<vmem>>, %arg9: memref<128x128xf32, #tpu.memory_space<vmem>>, %arg10: memref<!tpu.dma_semaphore, #tpu.memory_space<semaphore_mem>>, %arg11: memref<!tpu.dma_semaphore, #tpu.memory_space<semaphore_mem>>, %arg12: memref<!tpu.dma_semaphore, #tpu.memory_space<semaphore_mem>>, %arg13: memref<!tpu.dma_semaphore, #tpu.memory_space<semaphore_mem>>, %arg14: memref<!tpu.dma_semaphore, #tpu.memory_space<semaphore_mem>>, %arg15: memref<10112x128xf32, #tpu.memory_space<vmem_shared>>) attributes {dimension_semantics = [#tpu.dimension_semantics<core_parallel>, #tpu.dimension_semantics<subcore_parallel>], iteration_bounds = array<i64: 2, 16>, scalar_prefetch = 0 : i64, scratch_operands = 10 : i64, tpu.core_type = #tpu.core_type<sc_vector_subcore>, window_params = [{transform_indices = #map}, {transform_indices = #map1}, {transform_indices = #map1}, {transform_indices = #map1}]} {
    %scan3A = arith.constant 0 : i32
    %scan3A_0 = arith.constant 0 : i32
    %scan3A_1 = arith.constant 128 : i32
    %scan3A_2 = arith.addi %scan3A_0, %scan3A_1 : i32
    %scan3A_3 = arith.constant 1 : i32
    scf.for %scan3A_55 = %scan3A_0 to %scan3A_2 step %scan3A_3  : i32 {
      %broadcast_in_dim3A = arith.constant 0.000000e+00 : f32
      %broadcast_in_dim3A_56 = vector.broadcast %broadcast_in_dim3A : f32 to vector<16xf32>
      %swap3A = arith.index_cast %scan3A_55 : i32 to index
      %swap3A_57 = arith.constant 0 : index
      %swap3A_58 = tpu.vector_load %arg8[%swap3A, %swap3A_57] {strides = array<i32>} : memref<128x128xf32, #tpu.memory_space<vmem>>, vector<1x16xf32>,
      %swap3A_59 = vector.shape_cast %swap3A_58 : vector<1x16xf32> to vector<16xf32>
      %swap3A_60 = vector.shape_cast %broadcast_in_dim3A_56 : vector<16xf32> to vector<1x16xf32>
      tpu.vector_store %arg8[%swap3A, %swap3A_57], %swap3A_60 {strides = array<i32>} : memref<128x128xf32, #tpu.memory_space<vmem>>, vector<1x16xf32>,
      %broadcast_in_dim3A_61 = arith.constant 0.000000e+00 : f32
      %broadcast_in_dim3A_62 = vector.broadcast %broadcast_in_dim3A_61 : f32 to vector<16xf32>
      %swap3A_63 = arith.index_cast %scan3A_55 : i32 to index
      %swap3A_64 = arith.constant 16 : index
      %swap3A_65 = tpu.vector_load %arg8[%swap3A_63, %swap3A_64] {strides = array<i32>} : memref<128x128xf32, #tpu.memory_space<vmem>>, vector<1x16xf32>,
      %swap3A_66 = vector.shape_cast %swap3A_65 : vector<1x16xf32> to vector<16xf32>
      %swap3A_67 = vector.shape_cast %broadcast_in_dim3A_62 : vector<16xf32> to vector<1x16xf32>
      tpu.vector_store %arg8[%swap3A_63, %swap3A_64], %swap3A_67 {strides = array<i32>} : memref<128x128xf32, #tpu.memory_space<vmem>>, vector<1x16xf32>,
      %broadcast_in_dim3A_68 = arith.constant 0.000000e+00 : f32
      %broadcast_in_dim3A_69 = vector.broadcast %broadcast_in_dim3A_68 : f32 to vector<16xf32>
      %swap3A_70 = arith.index_cast %scan3A_55 : i32 to index
      %swap3A_71 = arith.constant 32 : index
      %swap3A_72 = tpu.vector_load %arg8[%swap3A_70, %swap3A_71] {strides = array<i32>} : memref<128x128xf32, #tpu.memory_space<vmem>>, vector<1x16xf32>,
      %swap3A_73 = vector.shape_cast %swap3A_72 : vector<1x16xf32> to vector<16xf32>
      %swap3A_74 = vector.shape_cast %broadcast_in_dim3A_69 : vector<16xf32> to vector<1x16xf32>
      tpu.vector_store %arg8[%swap3A_70, %swap3A_71], %swap3A_74 {strides = array<i32>} : memref<128x128xf32, #tpu.memory_space<vmem>>, vector<1x16xf32>,
      %broadcast_in_dim3A_75 = arith.constant 0.000000e+00 : f32
      %broadcast_in_dim3A_76 = vector.broadcast %broadcast_in_dim3A_75 : f32 to vector<16xf32>
      %swap3A_77 = arith.index_cast %scan3A_55 : i32 to index
      %swap3A_78 = arith.constant 48 : index
      %swap3A_79 = tpu.vector_load %arg8[%swap3A_77, %swap3A_78] {strides = array<i32>} : memref<128x128xf32, #tpu.memory_space<vmem>>, vector<1x16xf32>,
      %swap3A_80 = vector.shape_cast %swap3A_79 : vector<1x16xf32> to vector<16xf32>
      %swap3A_81 = vector.shape_cast %broadcast_in_dim3A_76 : vector<16xf32> to vector<1x16xf32>
      tpu.vector_store %arg8[%swap3A_77, %swap3A_78], %swap3A_81 {strides = array<i32>} : memref<128x128xf32, #tpu.memory_space<vmem>>, vector<1x16xf32>,
      %broadcast_in_dim3A_82 = arith.constant 0.000000e+00 : f32
      %broadcast_in_dim3A_83 = vector.broadcast %broadcast_in_dim3A_82 : f32 to vector<16xf32>
      %swap3A_84 = arith.index_cast %scan3A_55 : i32 to index
      %swap3A_85 = arith.constant 64 : index
      %swap3A_86 = tpu.vector_load %arg8[%swap3A_84, %swap3A_85] {strides = array<i32>} : memref<128x128xf32, #tpu.memory_space<vmem>>, vector<1x16xf32>,
      %swap3A_87 = vector.shape_cast %swap3A_86 : vector<1x16xf32> to vector<16xf32>
      %swap3A_88 = vector.shape_cast %broadcast_in_dim3A_83 : vector<16xf32> to vector<1x16xf32>
      tpu.vector_store %arg8[%swap3A_84, %swap3A_85], %swap3A_88 {strides = array<i32>} : memref<128x128xf32, #tpu.memory_space<vmem>>, vector<1x16xf32>,
      %broadcast_in_dim3A_89 = arith.constant 0.000000e+00 : f32
      %broadcast_in_dim3A_90 = vector.broadcast %broadcast_in_dim3A_89 : f32 to vector<16xf32>
      %swap3A_91 = arith.index_cast %scan3A_55 : i32 to index
      %swap3A_92 = arith.constant 80 : index
      %swap3A_93 = tpu.vector_load %arg8[%swap3A_91, %swap3A_92] {strides = array<i32>} : memref<128x128xf32, #tpu.memory_space<vmem>>, vector<1x16xf32>,
      %swap3A_94 = vector.shape_cast %swap3A_93 : vector<1x16xf32> to vector<16xf32>
      %swap3A_95 = vector.shape_cast %broadcast_in_dim3A_90 : vector<16xf32> to vector<1x16xf32>
      tpu.vector_store %arg8[%swap3A_91, %swap3A_92], %swap3A_95 {strides = array<i32>} : memref<128x128xf32, #tpu.memory_space<vmem>>, vector<1x16xf32>,
      %broadcast_in_dim3A_96 = arith.constant 0.000000e+00 : f32
      %broadcast_in_dim3A_97 = vector.broadcast %broadcast_in_dim3A_96 : f32 to vector<16xf32>
      %swap3A_98 = arith.index_cast %scan3A_55 : i32 to index
      %swap3A_99 = arith.constant 96 : index
      %swap3A_100 = tpu.vector_load %arg8[%swap3A_98, %swap3A_99] {strides = array<i32>} : memref<128x128xf32, #tpu.memory_space<vmem>>, vector<1x16xf32>,
      %swap3A_101 = vector.shape_cast %swap3A_100 : vector<1x16xf32> to vector<16xf32>
      %swap3A_102 = vector.shape_cast %broadcast_in_dim3A_97 : vector<16xf32> to vector<1x16xf32>
      tpu.vector_store %arg8[%swap3A_98, %swap3A_99], %swap3A_102 {strides = array<i32>} : memref<128x128xf32, #tpu.memory_space<vmem>>, vector<1x16xf32>,
      %broadcast_in_dim3A_103 = arith.constant 0.000000e+00 : f32
      %broadcast_in_dim3A_104 = vector.broadcast %broadcast_in_dim3A_103 : f32 to vector<16xf32>
      %swap3A_105 = arith.index_cast %scan3A_55 : i32 to index
      %swap3A_106 = arith.constant 112 : index
      %swap3A_107 = tpu.vector_load %arg8[%swap3A_105, %swap3A_106] {strides = array<i32>} : memref<128x128xf32, #tpu.memory_space<vmem>>, vector<1x16xf32>,
      %swap3A_108 = vector.shape_cast %swap3A_107 : vector<1x16xf32> to vector<16xf32>
      %swap3A_109 = vector.shape_cast %broadcast_in_dim3A_104 : vector<16xf32> to vector<1x16xf32>
      tpu.vector_store %arg8[%swap3A_105, %swap3A_106], %swap3A_109 {strides = array<i32>} : memref<128x128xf32, #tpu.memory_space<vmem>>, vector<1x16xf32>,
    }
    %scan3A_4 = arith.constant 128 : i32
    %mul3A = arith.constant 632 : i32
    %mul3A_5 = arith.muli %arg1, %mul3A : i32
    %add3A = arith.constant 0 : i32
    %add3A_6 = arith.addi %mul3A_5, %add3A : i32
    "tpu.region"() ({
      %run_scoped3A = tpu.sem_alloc : memref<!tpu.dma_semaphore, #tpu.memory_space<semaphore_mem>>
      %dma_start3A = arith.constant 0 : i32
      %dma_start3A_55 = tpu.memref_slice %arg15[%add3A_6, %dma_start3A] : memref<10112x128xf32, #tpu.memory_space<vmem_shared>> -> memref<128x128xf32, #tpu.memory_space<vmem_shared>>
      %dma_start3A_56 = arith.constant 0 : i32
      %dma_start3A_57 = tpu.memref_slice %arg15[%add3A_6, %dma_start3A_56] : memref<10112x128xf32, #tpu.memory_space<vmem_shared>> -> memref<128x128xf32, #tpu.memory_space<vmem_shared>>
      tpu.enqueue_dma source(%arg8 : memref<128x128xf32, #tpu.memory_space<vmem>>) target(%dma_start3A_57 : memref<128x128xf32, #tpu.memory_space<vmem_shared>>) target_semaphore(%run_scoped3A : memref<!tpu.dma_semaphore, #tpu.memory_space<semaphore_mem>>)
      %dma_wait3A = arith.constant 0 : i32
      %dma_wait3A_58 = tpu.memref_slice %arg15[%add3A_6, %dma_wait3A] : memref<10112x128xf32, #tpu.memory_space<vmem_shared>> -> memref<128x128xf32, #tpu.memory_space<vmem_shared>>
      %dma_wait3A_59 = arith.constant 0 : i32
      %dma_wait3A_60 = tpu.memref_slice %arg15[%add3A_6, %dma_wait3A_59] : memref<10112x128xf32, #tpu.memory_space<vmem_shared>> -> memref<128x128xf32, #tpu.memory_space<vmem_shared>>
      tpu.wait_dma2 semaphore(%run_scoped3A : memref<!tpu.dma_semaphore, #tpu.memory_space<semaphore_mem>>) src(%arg8 : memref<128x128xf32, #tpu.memory_space<vmem>>) dst(%dma_wait3A_60 : memref<128x128xf32, #tpu.memory_space<vmem_shared>>)
      tpu.yield
    }) : () -> ()
    %add3A_7 = arith.constant 128 : i32
    %add3A_8 = arith.addi %mul3A_5, %add3A_7 : i32
    "tpu.region"() ({
      %run_scoped3A = tpu.sem_alloc : memref<!tpu.dma_semaphore, #tpu.memory_space<semaphore_mem>>
      %dma_start3A = arith.constant 0 : i32
      %dma_start3A_55 = tpu.memref_slice %arg15[%add3A_8, %dma_start3A] : memref<10112x128xf32, #tpu.memory_space<vmem_shared>> -> memref<128x128xf32, #tpu.memory_space<vmem_shared>>
      %dma_start3A_56 = arith.constant 0 : i32
      %dma_start3A_57 = tpu.memref_slice %arg15[%add3A_8, %dma_start3A_56] : memref<10112x128xf32, #tpu.memory_space<vmem_shared>> -> memref<128x128xf32, #tpu.memory_space<vmem_shared>>
      tpu.enqueue_dma source(%arg8 : memref<128x128xf32, #tpu.memory_space<vmem>>) target(%dma_start3A_57 : memref<128x128xf32, #tpu.memory_space<vmem_shared>>) target_semaphore(%run_scoped3A : memref<!tpu.dma_semaphore, #tpu.memory_space<semaphore_mem>>)
      %dma_wait3A = arith.constant 0 : i32
      %dma_wait3A_58 = tpu.memref_slice %arg15[%add3A_8, %dma_wait3A] : memref<10112x128xf32, #tpu.memory_space<vmem_shared>> -> memref<128x128xf32, #tpu.memory_space<vmem_shared>>
      %dma_wait3A_59 = arith.constant 0 : i32
      %dma_wait3A_60 = tpu.memref_slice %arg15[%add3A_8, %dma_wait3A_59] : memref<10112x128xf32, #tpu.memory_space<vmem_shared>> -> memref<128x128xf32, #tpu.memory_space<vmem_shared>>
      tpu.wait_dma2 semaphore(%run_scoped3A : memref<!tpu.dma_semaphore, #tpu.memory_space<semaphore_mem>>) src(%arg8 : memref<128x128xf32, #tpu.memory_space<vmem>>) dst(%dma_wait3A_60 : memref<128x128xf32, #tpu.memory_space<vmem_shared>>)
      tpu.yield
    }) : () -> ()
    %add3A_9 = arith.constant 256 : i32
    %add3A_10 = arith.addi %mul3A_5, %add3A_9 : i32
    "tpu.region"() ({
      %run_scoped3A = tpu.sem_alloc : memref<!tpu.dma_semaphore, #tpu.memory_space<semaphore_mem>>
      %dma_start3A = arith.constant 0 : i32
      %dma_start3A_55 = tpu.memref_slice %arg15[%add3A_10, %dma_start3A] : memref<10112x128xf32, #tpu.memory_space<vmem_shared>> -> memref<128x128xf32, #tpu.memory_space<vmem_shared>>
      %dma_start3A_56 = arith.constant 0 : i32
      %dma_start3A_57 = tpu.memref_slice %arg15[%add3A_10, %dma_start3A_56] : memref<10112x128xf32, #tpu.memory_space<vmem_shared>> -> memref<128x128xf32, #tpu.memory_space<vmem_shared>>
      tpu.enqueue_dma source(%arg8 : memref<128x128xf32, #tpu.memory_space<vmem>>) target(%dma_start3A_57 : memref<128x128xf32, #tpu.memory_space<vmem_shared>>) target_semaphore(%run_scoped3A : memref<!tpu.dma_semaphore, #tpu.memory_space<semaphore_mem>>)
      %dma_wait3A = arith.constant 0 : i32
      %dma_wait3A_58 = tpu.memref_slice %arg15[%add3A_10, %dma_wait3A] : memref<10112x128xf32, #tpu.memory_space<vmem_shared>> -> memref<128x128xf32, #tpu.memory_space<vmem_shared>>
      %dma_wait3A_59 = arith.constant 0 : i32
      %dma_wait3A_60 = tpu.memref_slice %arg15[%add3A_10, %dma_wait3A_59] : memref<10112x128xf32, #tpu.memory_space<vmem_shared>> -> memref<128x128xf32, #tpu.memory_space<vmem_shared>>
      tpu.wait_dma2 semaphore(%run_scoped3A : memref<!tpu.dma_semaphore, #tpu.memory_space<semaphore_mem>>) src(%arg8 : memref<128x128xf32, #tpu.memory_space<vmem>>) dst(%dma_wait3A_60 : memref<128x128xf32, #tpu.memory_space<vmem_shared>>)
      tpu.yield
    }) : () -> ()
    %add3A_11 = arith.constant 384 : i32
    %add3A_12 = arith.addi %mul3A_5, %add3A_11 : i32
    "tpu.region"() ({
      %run_scoped3A = tpu.sem_alloc : memref<!tpu.dma_semaphore, #tpu.memory_space<semaphore_mem>>
      %dma_start3A = arith.constant 0 : i32
      %dma_start3A_55 = tpu.memref_slice %arg15[%add3A_12, %dma_start3A] : memref<10112x128xf32, #tpu.memory_space<vmem_shared>> -> memref<128x128xf32, #tpu.memory_space<vmem_shared>>
      %dma_start3A_56 = arith.constant 0 : i32
      %dma_start3A_57 = tpu.memref_slice %arg15[%add3A_12, %dma_start3A_56] : memref<10112x128xf32, #tpu.memory_space<vmem_shared>> -> memref<128x128xf32, #tpu.memory_space<vmem_shared>>
      tpu.enqueue_dma source(%arg8 : memref<128x128xf32, #tpu.memory_space<vmem>>) target(%dma_start3A_57 : memref<128x128xf32, #tpu.memory_space<vmem_shared>>) target_semaphore(%run_scoped3A : memref<!tpu.dma_semaphore, #tpu.memory_space<semaphore_mem>>)
      %dma_wait3A = arith.constant 0 : i32
      %dma_wait3A_58 = tpu.memref_slice %arg15[%add3A_12, %dma_wait3A] : memref<10112x128xf32, #tpu.memory_space<vmem_shared>> -> memref<128x128xf32, #tpu.memory_space<vmem_shared>>
      %dma_wait3A_59 = arith.constant 0 : i32
      %dma_wait3A_60 = tpu.memref_slice %arg15[%add3A_12, %dma_wait3A_59] : memref<10112x128xf32, #tpu.memory_space<vmem_shared>> -> memref<128x128xf32, #tpu.memory_space<vmem_shared>>
      tpu.wait_dma2 semaphore(%run_scoped3A : memref<!tpu.dma_semaphore, #tpu.memory_space<semaphore_mem>>) src(%arg8 : memref<128x128xf32, #tpu.memory_space<vmem>>) dst(%dma_wait3A_60 : memref<128x128xf32, #tpu.memory_space<vmem_shared>>)
      tpu.yield
    }) : () -> ()
    %add3A_13 = arith.constant 632 : i32
    %add3A_14 = arith.addi %mul3A_5, %add3A_13 : i32
    %sub3A = arith.constant 120 : i32
    %sub3A_15 = arith.subi %add3A_14, %sub3A : i32
    "tpu.region"() ({
      %run_scoped3A = tpu.sem_alloc : memref<!tpu.dma_semaphore, #tpu.memory_space<semaphore_mem>>
      %dma_start3A = arith.constant 0 : i32
      %dma_start3A_55 = arith.constant 0 : i32
      %dma_start3A_56 = tpu.memref_slice %arg8[%dma_start3A, %dma_start3A_55] : memref<128x128xf32, #tpu.memory_space<vmem>> -> memref<120x128xf32, #tpu.memory_space<vmem>>
      %dma_start3A_57 = arith.constant 0 : i32
      %dma_start3A_58 = tpu.memref_slice %arg15[%sub3A_15, %dma_start3A_57] : memref<10112x128xf32, #tpu.memory_space<vmem_shared>> -> memref<120x128xf32, #tpu.memory_space<vmem_shared>>
      %dma_start3A_59 = arith.constant 0 : i32
      %dma_start3A_60 = tpu.memref_slice %arg15[%sub3A_15, %dma_start3A_59] : memref<10112x128xf32, #tpu.memory_space<vmem_shared>> -> memref<120x128xf32, #tpu.memory_space<vmem_shared>>
      %dma_start3A_61 = arith.constant 0 : i32
      %dma_start3A_62 = arith.constant 0 : i32
      %dma_start3A_63 = tpu.memref_slice %arg8[%dma_start3A_61, %dma_start3A_62] : memref<128x128xf32, #tpu.memory_space<vmem>> -> memref<120x128xf32, #tpu.memory_space<vmem>>
      tpu.enqueue_dma source(%dma_start3A_63 : memref<120x128xf32, #tpu.memory_space<vmem>>) target(%dma_start3A_60 : memref<120x128xf32, #tpu.memory_space<vmem_shared>>) target_semaphore(%run_scoped3A : memref<!tpu.dma_semaphore, #tpu.memory_space<semaphore_mem>>)
      %dma_wait3A = arith.constant 0 : i32
      %dma_wait3A_64 = arith.constant 0 : i32
      %dma_wait3A_65 = tpu.memref_slice %arg8[%dma_wait3A, %dma_wait3A_64] : memref<128x128xf32, #tpu.memory_space<vmem>> -> memref<120x128xf32, #tpu.memory_space<vmem>>
      %dma_wait3A_66 = arith.constant 0 : i32
      %dma_wait3A_67 = tpu.memref_slice %arg15[%sub3A_15, %dma_wait3A_66] : memref<10112x128xf32, #tpu.memory_space<vmem_shared>> -> memref<120x128xf32, #tpu.memory_space<vmem_shared>>
      %dma_wait3A_68 = arith.constant 0 : i32
      %dma_wait3A_69 = tpu.memref_slice %arg15[%sub3A_15, %dma_wait3A_68] : memref<10112x128xf32, #tpu.memory_space<vmem_shared>> -> memref<120x128xf32, #tpu.memory_space<vmem_shared>>
      %dma_wait3A_70 = arith.constant 0 : i32
      %dma_wait3A_71 = arith.constant 0 : i32
      %dma_wait3A_72 = tpu.memref_slice %arg8[%dma_wait3A_70, %dma_wait3A_71] : memref<128x128xf32, #tpu.memory_space<vmem>> -> memref<120x128xf32, #tpu.memory_space<vmem>>
      tpu.wait_dma2 semaphore(%run_scoped3A : memref<!tpu.dma_semaphore, #tpu.memory_space<semaphore_mem>>) src(%dma_wait3A_72 : memref<120x128xf32, #tpu.memory_space<vmem>>) dst(%dma_wait3A_69 : memref<120x128xf32, #tpu.memory_space<vmem_shared>>)
      tpu.yield
    }) : () -> ()
    %eq3A = arith.constant 0 : i32
    %eq3A_16 = arith.cmpi eq, %arg0, %eq3A : i32
    %jit3A = arith.constant 120 : i32
    %jit3A_17 = arith.constant 40 : i32
    %select_n3A = arith.select %eq3A_16, %jit3A, %jit3A_17 : i32
    %eq3A_18 = arith.constant 0 : i32
    %eq3A_19 = arith.cmpi eq, %arg0, %eq3A_18 : i32
    %jit3A_20 = arith.constant 15 : i32
    %jit3A_21 = arith.constant 5 : i32
    %select_n3A_22 = arith.select %eq3A_19, %jit3A_20, %jit3A_21 : i32
    %eq3A_23 = arith.constant 0 : i32
    %eq3A_24 = arith.cmpi eq, %arg0, %eq3A_23 : i32
    %mul3A_25 = arith.constant 15 : i32
    %mul3A_26 = arith.muli %arg1, %mul3A_25 : i32
    %mul3A_27 = arith.constant 5 : i32
    %mul3A_28 = arith.muli %arg1, %mul3A_27 : i32
    %add3A_29 = arith.constant 240 : i32
    %add3A_30 = arith.addi %add3A_29, %mul3A_28 : i32
    %select_n3A_31 = arith.select %eq3A_24, %mul3A_26, %add3A_30 : i32
    %min3A = arith.constant 319 : i32
    %min3A_32 = arith.minsi %select_n3A_31, %min3A : i32
    %gt3A = arith.constant 0 : i32
    %gt3A_33 = arith.cmpi sgt, %select_n3A, %gt3A : i32
    %convert_element_type3A = arith.extui %gt3A_33 : i1 to i32
    %cond3A = arith.constant 0 : i32
    %cond3A_34 = arith.cmpi ne, %convert_element_type3A, %cond3A : i32
    scf.if %cond3A_34 {
      %run_scoped3A = arith.constant 0 : i32
      "tpu.region"() ({
        %run_scoped3A_56 = tpu.sem_alloc : memref<!tpu.dma_semaphore, #tpu.memory_space<semaphore_mem>>
        %dma_start3A = arith.constant 0 : i32
        %dma_start3A_57 = arith.constant 0 : i32
        %dma_start3A_58 = tpu.memref_slice %arg6[%run_scoped3A, %dma_start3A, %dma_start3A_57] : memref<2x8x128xi32, #tpu.memory_space<vmem>> -> memref<1x8x128xi32, #tpu.memory_space<vmem>>
        %dma_start3A_59 = tpu.memref_squeeze %dma_start3A_58 : memref<1x8x128xi32, #tpu.memory_space<vmem>> -> memref<8x128xi32, #tpu.memory_space<vmem>>
        %dma_start3A_60 = arith.constant 0 : i32
        %dma_start3A_61 = arith.constant 0 : i32
        %dma_start3A_62 = tpu.memref_slice %arg3[%min3A_32, %dma_start3A_60, %dma_start3A_61] : memref<320x8x128xi32, #tpu.memory_space<hbm>> -> memref<1x8x128xi32, #tpu.memory_space<hbm>>
        %dma_start3A_63 = tpu.memref_squeeze %dma_start3A_62 : memref<1x8x128xi32, #tpu.memory_space<hbm>> -> memref<8x128xi32, #tpu.memory_space<hbm>>
        %dma_start3A_64 = arith.constant 0 : i32
        %dma_start3A_65 = arith.constant 0 : i32
        %dma_start3A_66 = tpu.memref_slice %arg6[%run_scoped3A, %dma_start3A_64, %dma_start3A_65] : memref<2x8x128xi32, #tpu.memory_space<vmem>> -> memref<1x8x128xi32, #tpu.memory_space<vmem>>
        %dma_start3A_67 = tpu.memref_squeeze %dma_start3A_66 : memref<1x8x128xi32, #tpu.memory_space<vmem>> -> memref<8x128xi32, #tpu.memory_space<vmem>>
        %dma_start3A_68 = arith.constant 0 : i32
        %dma_start3A_69 = arith.constant 0 : i32
        %dma_start3A_70 = tpu.memref_slice %arg3[%min3A_32, %dma_start3A_68, %dma_start3A_69] : memref<320x8x128xi32, #tpu.memory_space<hbm>> -> memref<1x8x128xi32, #tpu.memory_space<hbm>>
        %dma_start3A_71 = tpu.memref_squeeze %dma_start3A_70 : memref<1x8x128xi32, #tpu.memory_space<hbm>> -> memref<8x128xi32, #tpu.memory_space<hbm>>
        tpu.enqueue_dma source(%dma_start3A_71 : memref<8x128xi32, #tpu.memory_space<hbm>>) target(%dma_start3A_67 : memref<8x128xi32, #tpu.memory_space<vmem>>) target_semaphore(%run_scoped3A_56 : memref<!tpu.dma_semaphore, #tpu.memory_space<semaphore_mem>>)
        %dma_wait3A = arith.constant 0 : i32
        %dma_wait3A_72 = arith.constant 0 : i32
        %dma_wait3A_73 = tpu.memref_slice %arg6[%run_scoped3A, %dma_wait3A, %dma_wait3A_72] : memref<2x8x128xi32, #tpu.memory_space<vmem>> -> memref<1x8x128xi32, #tpu.memory_space<vmem>>
        %dma_wait3A_74 = tpu.memref_squeeze %dma_wait3A_73 : memref<1x8x128xi32, #tpu.memory_space<vmem>> -> memref<8x128xi32, #tpu.memory_space<vmem>>
        %dma_wait3A_75 = arith.constant 0 : i32
        %dma_wait3A_76 = arith.constant 0 : i32
        %dma_wait3A_77 = tpu.memref_slice %arg3[%min3A_32, %dma_wait3A_75, %dma_wait3A_76] : memref<320x8x128xi32, #tpu.memory_space<hbm>> -> memref<1x8x128xi32, #tpu.memory_space<hbm>>
        %dma_wait3A_78 = tpu.memref_squeeze %dma_wait3A_77 : memref<1x8x128xi32, #tpu.memory_space<hbm>> -> memref<8x128xi32, #tpu.memory_space<hbm>>
        %dma_wait3A_79 = arith.constant 0 : i32
        %dma_wait3A_80 = arith.constant 0 : i32
        %dma_wait3A_81 = tpu.memref_slice %arg6[%run_scoped3A, %dma_wait3A_79, %dma_wait3A_80] : memref<2x8x128xi32, #tpu.memory_space<vmem>> -> memref<1x8x128xi32, #tpu.memory_space<vmem>>
        %dma_wait3A_82 = tpu.memref_squeeze %dma_wait3A_81 : memref<1x8x128xi32, #tpu.memory_space<vmem>> -> memref<8x128xi32, #tpu.memory_space<vmem>>
        %dma_wait3A_83 = arith.constant 0 : i32
        %dma_wait3A_84 = arith.constant 0 : i32
        %dma_wait3A_85 = tpu.memref_slice %arg3[%min3A_32, %dma_wait3A_83, %dma_wait3A_84] : memref<320x8x128xi32, #tpu.memory_space<hbm>> -> memref<1x8x128xi32, #tpu.memory_space<hbm>>
        %dma_wait3A_86 = tpu.memref_squeeze %dma_wait3A_85 : memref<1x8x128xi32, #tpu.memory_space<hbm>> -> memref<8x128xi32, #tpu.memory_space<hbm>>
        tpu.wait_dma2 semaphore(%run_scoped3A_56 : memref<!tpu.dma_semaphore, #tpu.memory_space<semaphore_mem>>) src(%dma_wait3A_86 : memref<8x128xi32, #tpu.memory_space<hbm>>) dst(%dma_wait3A_82 : memref<8x128xi32, #tpu.memory_space<vmem>>)
        tpu.yield
      }) : () -> ()
      %run_scoped3A_55 = arith.constant 0 : i32
      "tpu.region"() ({
        %run_scoped3A_56 = tpu.sem_alloc : memref<!tpu.dma_semaphore, #tpu.memory_space<semaphore_mem>>
        %dma_start3A = arith.constant 0 : i32
        %dma_start3A_57 = arith.constant 0 : i32
        %dma_start3A_58 = tpu.memref_slice %arg7[%run_scoped3A_55, %dma_start3A, %dma_start3A_57] : memref<2x8x128xi32, #tpu.memory_space<vmem>> -> memref<1x8x128xi32, #tpu.memory_space<vmem>>
        %dma_start3A_59 = tpu.memref_squeeze %dma_start3A_58 : memref<1x8x128xi32, #tpu.memory_space<vmem>> -> memref<8x128xi32, #tpu.memory_space<vmem>>
        %dma_start3A_60 = arith.constant 0 : i32
        %dma_start3A_61 = arith.constant 0 : i32
        %dma_start3A_62 = tpu.memref_slice %arg4[%min3A_32, %dma_start3A_60, %dma_start3A_61] : memref<320x8x128xi32, #tpu.memory_space<hbm>> -> memref<1x8x128xi32, #tpu.memory_space<hbm>>
        %dma_start3A_63 = tpu.memref_squeeze %dma_start3A_62 : memref<1x8x128xi32, #tpu.memory_space<hbm>> -> memref<8x128xi32, #tpu.memory_space<hbm>>
        %dma_start3A_64 = arith.constant 0 : i32
        %dma_start3A_65 = arith.constant 0 : i32
        %dma_start3A_66 = tpu.memref_slice %arg7[%run_scoped3A_55, %dma_start3A_64, %dma_start3A_65] : memref<2x8x128xi32, #tpu.memory_space<vmem>> -> memref<1x8x128xi32, #tpu.memory_space<vmem>>
        %dma_start3A_67 = tpu.memref_squeeze %dma_start3A_66 : memref<1x8x128xi32, #tpu.memory_space<vmem>> -> memref<8x128xi32, #tpu.memory_space<vmem>>
        %dma_start3A_68 = arith.constant 0 : i32
        %dma_start3A_69 = arith.constant 0 : i32
        %dma_start3A_70 = tpu.memref_slice %arg4[%min3A_32, %dma_start3A_68, %dma_start3A_69] : memref<320x8x128xi32, #tpu.memory_space<hbm>> -> memref<1x8x128xi32, #tpu.memory_space<hbm>>
        %dma_start3A_71 = tpu.memref_squeeze %dma_start3A_70 : memref<1x8x128xi32, #tpu.memory_space<hbm>> -> memref<8x128xi32, #tpu.memory_space<hbm>>
        tpu.enqueue_dma source(%dma_start3A_71 : memref<8x128xi32, #tpu.memory_space<hbm>>) target(%dma_start3A_67 : memref<8x128xi32, #tpu.memory_space<vmem>>) target_semaphore(%run_scoped3A_56 : memref<!tpu.dma_semaphore, #tpu.memory_space<semaphore_mem>>)
        %dma_wait3A = arith.constant 0 : i32
        %dma_wait3A_72 = arith.constant 0 : i32
        %dma_wait3A_73 = tpu.memref_slice %arg7[%run_scoped3A_55, %dma_wait3A, %dma_wait3A_72] : memref<2x8x128xi32, #tpu.memory_space<vmem>> -> memref<1x8x128xi32, #tpu.memory_space<vmem>>
        %dma_wait3A_74 = tpu.memref_squeeze %dma_wait3A_73 : memref<1x8x128xi32, #tpu.memory_space<vmem>> -> memref<8x128xi32, #tpu.memory_space<vmem>>
        %dma_wait3A_75 = arith.constant 0 : i32
        %dma_wait3A_76 = arith.constant 0 : i32
        %dma_wait3A_77 = tpu.memref_slice %arg4[%min3A_32, %dma_wait3A_75, %dma_wait3A_76] : memref<320x8x128xi32, #tpu.memory_space<hbm>> -> memref<1x8x128xi32, #tpu.memory_space<hbm>>
        %dma_wait3A_78 = tpu.memref_squeeze %dma_wait3A_77 : memref<1x8x128xi32, #tpu.memory_space<hbm>> -> memref<8x128xi32, #tpu.memory_space<hbm>>
        %dma_wait3A_79 = arith.constant 0 : i32
        %dma_wait3A_80 = arith.constant 0 : i32
        %dma_wait3A_81 = tpu.memref_slice %arg7[%run_scoped3A_55, %dma_wait3A_79, %dma_wait3A_80] : memref<2x8x128xi32, #tpu.memory_space<vmem>> -> memref<1x8x128xi32, #tpu.memory_space<vmem>>
        %dma_wait3A_82 = tpu.memref_squeeze %dma_wait3A_81 : memref<1x8x128xi32, #tpu.memory_space<vmem>> -> memref<8x128xi32, #tpu.memory_space<vmem>>
        %dma_wait3A_83 = arith.constant 0 : i32
        %dma_wait3A_84 = arith.constant 0 : i32
        %dma_wait3A_85 = tpu.memref_slice %arg4[%min3A_32, %dma_wait3A_83, %dma_wait3A_84] : memref<320x8x128xi32, #tpu.memory_space<hbm>> -> memref<1x8x128xi32, #tpu.memory_space<hbm>>
        %dma_wait3A_86 = tpu.memref_squeeze %dma_wait3A_85 : memref<1x8x128xi32, #tpu.memory_space<hbm>> -> memref<8x128xi32, #tpu.memory_space<hbm>>
        tpu.wait_dma2 semaphore(%run_scoped3A_56 : memref<!tpu.dma_semaphore, #tpu.memory_space<semaphore_mem>>) src(%dma_wait3A_86 : memref<8x128xi32, #tpu.memory_space<hbm>>) dst(%dma_wait3A_82 : memref<8x128xi32, #tpu.memory_space<vmem>>)
        tpu.yield
      }) : () -> ()
    } else {
    }
    %barrier3A = arith.constant 0 : index
    tpu.barrier barrier_id(%barrier3A)
    %gt3A_35 = arith.constant 0 : i32
    %gt3A_36 = arith.cmpi sgt, %select_n3A, %gt3A_35 : i32
    %convert_element_type3A_37 = arith.extui %gt3A_36 : i1 to i32
    %cond3A_38 = arith.constant 0 : i32
    %cond3A_39 = arith.cmpi ne, %convert_element_type3A_37, %cond3A_38 : i32
    scf.if %cond3A_39 {
      %dma_start3A = arith.constant 0 : i32
      %dma_start3A_55 = arith.constant 0 : i32
      %dma_start3A_56 = arith.constant 0 : i32
      %dma_start3A_57 = tpu.memref_slice %arg6[%dma_start3A, %dma_start3A_55, %dma_start3A_56] : memref<2x8x128xi32, #tpu.memory_space<vmem>> -> memref<1x1x128xi32, #tpu.memory_space<vmem>>
      %dma_start3A_58 = tpu.memref_squeeze %dma_start3A_57 : memref<1x1x128xi32, #tpu.memory_space<vmem>> -> memref<128xi32, #tpu.memory_space<vmem>>
      %dma_start3A_59 = arith.constant 0 : i32
      %dma_start3A_60 = arith.constant 0 : i32
      %dma_start3A_61 = tpu.memref_slice %arg2[%dma_start3A_59, %dma_start3A_60] : memref<10000x128xf32, #tpu.memory_space<hbm>> -> memref<10000x128xf32, #tpu.memory_space<hbm>>
      tpu.enqueue_indirect_dma source(%dma_start3A_61 : memref<10000x128xf32, #tpu.memory_space<hbm>>) target(%arg8 : memref<128x128xf32, #tpu.memory_space<vmem>>) offsets(%dma_start3A_58 : memref<128xi32, #tpu.memory_space<vmem>>) semaphore(%arg10 : memref<!tpu.dma_semaphore, #tpu.memory_space<semaphore_mem>>)
    } else {
    }
    %while3A = arith.constant 0 : i32
    %while3A_40 = arith.constant 0 : i32
    %while3A_41 = arith.subi %select_n3A_22, %while3A_40 : i32
    %while3A_42 = arith.addi %while3A_40, %while3A_41 : i32
    %while3A_43 = arith.constant 1 : i32
    %while3A_44 = arith.divsi %while3A_41, %while3A_43 : i32
    %while3A_45 = arith.muli %while3A_44, %while3A_43 : i32
    %while3A_46 = arith.addi %while3A_40, %while3A_45 : i32
    %while3A_47 = arith.constant 1 : i32
    scf.for %while3A_55 = %while3A_40 to %while3A_46 step %while3A_47  : i32 {
      %rem3A = arith.constant 2 : i32
      %rem3A_56 = arith.remsi %while3A_55, %rem3A : i32
      %add3A_57 = arith.constant 1 : i32
      %add3A_58 = arith.addi %while3A_55, %add3A_57 : i32
      %rem3A_59 = arith.constant 2 : i32
      %rem3A_60 = arith.remsi %add3A_58, %rem3A_59 : i32
      %mul3A_61 = arith.constant 8 : i32
      %mul3A_62 = arith.muli %while3A_55, %mul3A_61 : i32
      %add3A_63 = arith.constant 0 : i32
      %add3A_64 = arith.addi %mul3A_62, %add3A_63 : i32
      %ge3A = arith.constant 1 : i32
      %ge3A_65 = arith.cmpi sge, %add3A_64, %ge3A : i32
      %convert_element_type3A_66 = arith.extui %ge3A_65 : i1 to i32
      %cond3A_67 = arith.constant 0 : i32
      %cond3A_68 = arith.cmpi ne, %convert_element_type3A_66, %cond3A_67 : i32
      scf.if %cond3A_68 {
        %dma_wait3A_293 = arith.constant 0 : i32
        %dma_wait3A_294 = arith.constant 0 : i32
        %dma_wait3A_295 = arith.constant 0 : i32
        %dma_wait3A_296 = tpu.memref_slice %arg7[%dma_wait3A_293, %dma_wait3A_294, %dma_wait3A_295] : memref<2x8x128xi32, #tpu.memory_space<vmem>> -> memref<1x1x128xi32, #tpu.memory_space<vmem>>
        %dma_wait3A_297 = tpu.memref_squeeze %dma_wait3A_296 : memref<1x1x128xi32, #tpu.memory_space<vmem>> -> memref<128xi32, #tpu.memory_space<vmem>>
        %dma_wait3A_298 = arith.constant 0 : i32
        %dma_wait3A_299 = arith.constant 0 : i32
        %dma_wait3A_300 = tpu.memref_slice %arg15[%dma_wait3A_298, %dma_wait3A_299] : memref<10112x128xf32, #tpu.memory_space<vmem_shared>> -> memref<10112x128xf32, #tpu.memory_space<vmem_shared>>
        tpu.wait_indirect_dma semaphore(%arg13 : memref<!tpu.dma_semaphore, #tpu.memory_space<semaphore_mem>>) src(%arg9 : memref<128x128xf32, #tpu.memory_space<vmem>>) dst(%dma_wait3A_300 : memref<10112x128xf32, #tpu.memory_space<vmem_shared>>)
      } else {
      }
      %add3A_69 = arith.constant 1 : i32
      %add3A_70 = arith.addi %add3A_64, %add3A_69 : i32
      %lt3A = arith.cmpi slt, %add3A_70, %select_n3A : i32
      %convert_element_type3A_71 = arith.extui %lt3A : i1 to i32
      %cond3A_72 = arith.constant 0 : i32
      %cond3A_73 = arith.cmpi ne, %convert_element_type3A_71, %cond3A_72 : i32
      scf.if %cond3A_73 {
        %dma_start3A_293 = arith.constant 1 : i32
        %dma_start3A_294 = arith.constant 0 : i32
        %dma_start3A_295 = tpu.memref_slice %arg6[%rem3A_56, %dma_start3A_293, %dma_start3A_294] : memref<2x8x128xi32, #tpu.memory_space<vmem>> -> memref<1x1x128xi32, #tpu.memory_space<vmem>>
        %dma_start3A_296 = tpu.memref_squeeze %dma_start3A_295 : memref<1x1x128xi32, #tpu.memory_space<vmem>> -> memref<128xi32, #tpu.memory_space<vmem>>
        %dma_start3A_297 = arith.constant 0 : i32
        %dma_start3A_298 = arith.constant 0 : i32
        %dma_start3A_299 = tpu.memref_slice %arg2[%dma_start3A_297, %dma_start3A_298] : memref<10000x128xf32, #tpu.memory_space<hbm>> -> memref<10000x128xf32, #tpu.memory_space<hbm>>
        tpu.enqueue_indirect_dma source(%dma_start3A_299 : memref<10000x128xf32, #tpu.memory_space<hbm>>) target(%arg9 : memref<128x128xf32, #tpu.memory_space<vmem>>) offsets(%dma_start3A_296 : memref<128xi32, #tpu.memory_space<vmem>>) semaphore(%arg11 : memref<!tpu.dma_semaphore, #tpu.memory_space<semaphore_mem>>)
      } else {
      }
      %dma_wait3A = arith.constant 0 : i32
      %dma_wait3A_74 = arith.constant 0 : i32
      %dma_wait3A_75 = tpu.memref_slice %arg2[%dma_wait3A, %dma_wait3A_74] : memref<10000x128xf32, #tpu.memory_space<hbm>> -> memref<128x128xf32, #tpu.memory_space<hbm>>
      %dma_wait3A_76 = arith.constant 0 : i32
      %dma_wait3A_77 = arith.constant 0 : i32
      %dma_wait3A_78 = tpu.memref_slice %arg2[%dma_wait3A_76, %dma_wait3A_77] : memref<10000x128xf32, #tpu.memory_space<hbm>> -> memref<128x128xf32, #tpu.memory_space<hbm>>
      tpu.wait_dma2 semaphore(%arg10 : memref<!tpu.dma_semaphore, #tpu.memory_space<semaphore_mem>>) src(%dma_wait3A_78 : memref<128x128xf32, #tpu.memory_space<hbm>>) dst(%arg8 : memref<128x128xf32, #tpu.memory_space<vmem>>)
      %dma_start3A = arith.constant 0 : i32
      %dma_start3A_79 = arith.constant 0 : i32
      %dma_start3A_80 = tpu.memref_slice %arg7[%rem3A_56, %dma_start3A, %dma_start3A_79] : memref<2x8x128xi32, #tpu.memory_space<vmem>> -> memref<1x1x128xi32, #tpu.memory_space<vmem>>
      %dma_start3A_81 = tpu.memref_squeeze %dma_start3A_80 : memref<1x1x128xi32, #tpu.memory_space<vmem>> -> memref<128xi32, #tpu.memory_space<vmem>>
      %dma_start3A_82 = arith.constant 0 : i32
      %dma_start3A_83 = arith.constant 0 : i32
      %dma_start3A_84 = tpu.memref_slice %arg15[%dma_start3A_82, %dma_start3A_83] : memref<10112x128xf32, #tpu.memory_space<vmem_shared>> -> memref<10112x128xf32, #tpu.memory_space<vmem_shared>>
      tpu.enqueue_indirect_dma source(%arg8 : memref<128x128xf32, #tpu.memory_space<vmem>>) target(%dma_start3A_84 : memref<10112x128xf32, #tpu.memory_space<vmem_shared>>) offsets(%dma_start3A_81 : memref<128xi32, #tpu.memory_space<vmem>>) semaphore(%arg12 : memref<!tpu.dma_semaphore, #tpu.memory_space<semaphore_mem>>) {add = true}
      %mul3A_85 = arith.constant 8 : i32
      %mul3A_86 = arith.muli %while3A_55, %mul3A_85 : i32
      %add3A_87 = arith.constant 1 : i32
      %add3A_88 = arith.addi %mul3A_86, %add3A_87 : i32
      %ge3A_89 = arith.constant 1 : i32
      %ge3A_90 = arith.cmpi sge, %add3A_88, %ge3A_89 : i32
      %convert_element_type3A_91 = arith.extui %ge3A_90 : i1 to i32
      %cond3A_92 = arith.constant 0 : i32
      %cond3A_93 = arith.cmpi ne, %convert_element_type3A_91, %cond3A_92 : i32
      scf.if %cond3A_93 {
        %dma_wait3A_293 = arith.constant 0 : i32
        %dma_wait3A_294 = arith.constant 0 : i32
        %dma_wait3A_295 = arith.constant 0 : i32
        %dma_wait3A_296 = tpu.memref_slice %arg7[%dma_wait3A_293, %dma_wait3A_294, %dma_wait3A_295] : memref<2x8x128xi32, #tpu.memory_space<vmem>> -> memref<1x1x128xi32, #tpu.memory_space<vmem>>
        %dma_wait3A_297 = tpu.memref_squeeze %dma_wait3A_296 : memref<1x1x128xi32, #tpu.memory_space<vmem>> -> memref<128xi32, #tpu.memory_space<vmem>>
        %dma_wait3A_298 = arith.constant 0 : i32
        %dma_wait3A_299 = arith.constant 0 : i32
        %dma_wait3A_300 = tpu.memref_slice %arg15[%dma_wait3A_298, %dma_wait3A_299] : memref<10112x128xf32, #tpu.memory_space<vmem_shared>> -> memref<10112x128xf32, #tpu.memory_space<vmem_shared>>
        tpu.wait_indirect_dma semaphore(%arg12 : memref<!tpu.dma_semaphore, #tpu.memory_space<semaphore_mem>>) src(%arg8 : memref<128x128xf32, #tpu.memory_space<vmem>>) dst(%dma_wait3A_300 : memref<10112x128xf32, #tpu.memory_space<vmem_shared>>)
      } else {
      }
      %add3A_94 = arith.constant 1 : i32
      %add3A_95 = arith.addi %while3A_55, %add3A_94 : i32
      %lt3A_96 = arith.cmpi slt, %add3A_95, %select_n3A_22 : i32
      %convert_element_type3A_97 = arith.extui %lt3A_96 : i1 to i32
      %cond3A_98 = arith.constant 0 : i32
      %cond3A_99 = arith.cmpi ne, %convert_element_type3A_97, %cond3A_98 : i32
      scf.if %cond3A_99 {
        %add3A_293 = arith.addi %min3A_32, %while3A_55 : i32
        %add3A_294 = arith.constant 1 : i32
        %add3A_295 = arith.addi %add3A_293, %add3A_294 : i32
        %dma_start3A_296 = arith.constant 0 : i32
        %dma_start3A_297 = arith.constant 0 : i32
        %dma_start3A_298 = tpu.memref_slice %arg6[%rem3A_60, %dma_start3A_296, %dma_start3A_297] : memref<2x8x128xi32, #tpu.memory_space<vmem>> -> memref<1x8x128xi32, #tpu.memory_space<vmem>>
        %dma_start3A_299 = tpu.memref_squeeze %dma_start3A_298 : memref<1x8x128xi32, #tpu.memory_space<vmem>> -> memref<8x128xi32, #tpu.memory_space<vmem>>
        %dma_start3A_300 = arith.constant 0 : i32
        %dma_start3A_301 = arith.constant 0 : i32
        %dma_start3A_302 = tpu.memref_slice %arg3[%add3A_295, %dma_start3A_300, %dma_start3A_301] : memref<320x8x128xi32, #tpu.memory_space<hbm>> -> memref<1x8x128xi32, #tpu.memory_space<hbm>>
        %dma_start3A_303 = tpu.memref_squeeze %dma_start3A_302 : memref<1x8x128xi32, #tpu.memory_space<hbm>> -> memref<8x128xi32, #tpu.memory_space<hbm>>
        %dma_start3A_304 = arith.constant 0 : i32
        %dma_start3A_305 = arith.constant 0 : i32
        %dma_start3A_306 = tpu.memref_slice %arg6[%rem3A_60, %dma_start3A_304, %dma_start3A_305] : memref<2x8x128xi32, #tpu.memory_space<vmem>> -> memref<1x8x128xi32, #tpu.memory_space<vmem>>
        %dma_start3A_307 = tpu.memref_squeeze %dma_start3A_306 : memref<1x8x128xi32, #tpu.memory_space<vmem>> -> memref<8x128xi32, #tpu.memory_space<vmem>>
        %dma_start3A_308 = arith.constant 0 : i32
        %dma_start3A_309 = arith.constant 0 : i32
        %dma_start3A_310 = tpu.memref_slice %arg3[%add3A_295, %dma_start3A_308, %dma_start3A_309] : memref<320x8x128xi32, #tpu.memory_space<hbm>> -> memref<1x8x128xi32, #tpu.memory_space<hbm>>
        %dma_start3A_311 = tpu.memref_squeeze %dma_start3A_310 : memref<1x8x128xi32, #tpu.memory_space<hbm>> -> memref<8x128xi32, #tpu.memory_space<hbm>>
        tpu.enqueue_dma source(%dma_start3A_311 : memref<8x128xi32, #tpu.memory_space<hbm>>) target(%dma_start3A_307 : memref<8x128xi32, #tpu.memory_space<vmem>>) target_semaphore(%arg14 : memref<!tpu.dma_semaphore, #tpu.memory_space<semaphore_mem>>)
        %add3A_312 = arith.addi %min3A_32, %while3A_55 : i32
        %add3A_313 = arith.constant 1 : i32
        %add3A_314 = arith.addi %add3A_312, %add3A_313 : i32
        %dma_start3A_315 = arith.constant 0 : i32
        %dma_start3A_316 = arith.constant 0 : i32
        %dma_start3A_317 = tpu.memref_slice %arg7[%rem3A_60, %dma_start3A_315, %dma_start3A_316] : memref<2x8x128xi32, #tpu.memory_space<vmem>> -> memref<1x8x128xi32, #tpu.memory_space<vmem>>
        %dma_start3A_318 = tpu.memref_squeeze %dma_start3A_317 : memref<1x8x128xi32, #tpu.memory_space<vmem>> -> memref<8x128xi32, #tpu.memory_space<vmem>>
        %dma_start3A_319 = arith.constant 0 : i32
        %dma_start3A_320 = arith.constant 0 : i32
        %dma_start3A_321 = tpu.memref_slice %arg4[%add3A_314, %dma_start3A_319, %dma_start3A_320] : memref<320x8x128xi32, #tpu.memory_space<hbm>> -> memref<1x8x128xi32, #tpu.memory_space<hbm>>
        %dma_start3A_322 = tpu.memref_squeeze %dma_start3A_321 : memref<1x8x128xi32, #tpu.memory_space<hbm>> -> memref<8x128xi32, #tpu.memory_space<hbm>>
        %dma_start3A_323 = arith.constant 0 : i32
        %dma_start3A_324 = arith.constant 0 : i32
        %dma_start3A_325 = tpu.memref_slice %arg7[%rem3A_60, %dma_start3A_323, %dma_start3A_324] : memref<2x8x128xi32, #tpu.memory_space<vmem>> -> memref<1x8x128xi32, #tpu.memory_space<vmem>>
        %dma_start3A_326 = tpu.memref_squeeze %dma_start3A_325 : memref<1x8x128xi32, #tpu.memory_space<vmem>> -> memref<8x128xi32, #tpu.memory_space<vmem>>
        %dma_start3A_327 = arith.constant 0 : i32
        %dma_start3A_328 = arith.constant 0 : i32
        %dma_start3A_329 = tpu.memref_slice %arg4[%add3A_314, %dma_start3A_327, %dma_start3A_328] : memref<320x8x128xi32, #tpu.memory_space<hbm>> -> memref<1x8x128xi32, #tpu.memory_space<hbm>>
        %dma_start3A_330 = tpu.memref_squeeze %dma_start3A_329 : memref<1x8x128xi32, #tpu.memory_space<hbm>> -> memref<8x128xi32, #tpu.memory_space<hbm>>
        tpu.enqueue_dma source(%dma_start3A_330 : memref<8x128xi32, #tpu.memory_space<hbm>>) target(%dma_start3A_326 : memref<8x128xi32, #tpu.memory_space<vmem>>) target_semaphore(%arg14 : memref<!tpu.dma_semaphore, #tpu.memory_space<semaphore_mem>>)
      } else {
      }
      %add3A_100 = arith.constant 1 : i32
      %add3A_101 = arith.addi %add3A_88, %add3A_100 : i32
      %lt3A_102 = arith.cmpi slt, %add3A_101, %select_n3A : i32
      %convert_element_type3A_103 = arith.extui %lt3A_102 : i1 to i32
      %cond3A_104 = arith.constant 0 : i32
      %cond3A_105 = arith.cmpi ne, %convert_element_type3A_103, %cond3A_104 : i32
      scf.if %cond3A_105 {
        %dma_start3A_293 = arith.constant 2 : i32
        %dma_start3A_294 = arith.constant 0 : i32
        %dma_start3A_295 = tpu.memref_slice %arg6[%rem3A_56, %dma_start3A_293, %dma_start3A_294] : memref<2x8x128xi32, #tpu.memory_space<vmem>> -> memref<1x1x128xi32, #tpu.memory_space<vmem>>
        %dma_start3A_296 = tpu.memref_squeeze %dma_start3A_295 : memref<1x1x128xi32, #tpu.memory_space<vmem>> -> memref<128xi32, #tpu.memory_space<vmem>>
        %dma_start3A_297 = arith.constant 0 : i32
        %dma_start3A_298 = arith.constant 0 : i32
        %dma_start3A_299 = tpu.memref_slice %arg2[%dma_start3A_297, %dma_start3A_298] : memref<10000x128xf32, #tpu.memory_space<hbm>> -> memref<10000x128xf32, #tpu.memory_space<hbm>>
        tpu.enqueue_indirect_dma source(%dma_start3A_299 : memref<10000x128xf32, #tpu.memory_space<hbm>>) target(%arg8 : memref<128x128xf32, #tpu.memory_space<vmem>>) offsets(%dma_start3A_296 : memref<128xi32, #tpu.memory_space<vmem>>) semaphore(%arg10 : memref<!tpu.dma_semaphore, #tpu.memory_space<semaphore_mem>>)
      } else {
      }
      %dma_wait3A_106 = arith.constant 0 : i32
      %dma_wait3A_107 = arith.constant 0 : i32
      %dma_wait3A_108 = tpu.memref_slice %arg2[%dma_wait3A_106, %dma_wait3A_107] : memref<10000x128xf32, #tpu.memory_space<hbm>> -> memref<128x128xf32, #tpu.memory_space<hbm>>
      %dma_wait3A_109 = arith.constant 0 : i32
      %dma_wait3A_110 = arith.constant 0 : i32
      %dma_wait3A_111 = tpu.memref_slice %arg2[%dma_wait3A_109, %dma_wait3A_110] : memref<10000x128xf32, #tpu.memory_space<hbm>> -> memref<128x128xf32, #tpu.memory_space<hbm>>
      tpu.wait_dma2 semaphore(%arg11 : memref<!tpu.dma_semaphore, #tpu.memory_space<semaphore_mem>>) src(%dma_wait3A_111 : memref<128x128xf32, #tpu.memory_space<hbm>>) dst(%arg9 : memref<128x128xf32, #tpu.memory_space<vmem>>)
      %dma_start3A_112 = arith.constant 1 : i32
      %dma_start3A_113 = arith.constant 0 : i32
      %dma_start3A_114 = tpu.memref_slice %arg7[%rem3A_56, %dma_start3A_112, %dma_start3A_113] : memref<2x8x128xi32, #tpu.memory_space<vmem>> -> memref<1x1x128xi32, #tpu.memory_space<vmem>>
      %dma_start3A_115 = tpu.memref_squeeze %dma_start3A_114 : memref<1x1x128xi32, #tpu.memory_space<vmem>> -> memref<128xi32, #tpu.memory_space<vmem>>
      %dma_start3A_116 = arith.constant 0 : i32
      %dma_start3A_117 = arith.constant 0 : i32
      %dma_start3A_118 = tpu.memref_slice %arg15[%dma_start3A_116, %dma_start3A_117] : memref<10112x128xf32, #tpu.memory_space<vmem_shared>> -> memref<10112x128xf32, #tpu.memory_space<vmem_shared>>
      tpu.enqueue_indirect_dma source(%arg9 : memref<128x128xf32, #tpu.memory_space<vmem>>) target(%dma_start3A_118 : memref<10112x128xf32, #tpu.memory_space<vmem_shared>>) offsets(%dma_start3A_115 : memref<128xi32, #tpu.memory_space<vmem>>) semaphore(%arg13 : memref<!tpu.dma_semaphore, #tpu.memory_space<semaphore_mem>>) {add = true}
      %mul3A_119 = arith.constant 8 : i32
      %mul3A_120 = arith.muli %while3A_55, %mul3A_119 : i32
      %add3A_121 = arith.constant 2 : i32
      %add3A_122 = arith.addi %mul3A_120, %add3A_121 : i32
      %ge3A_123 = arith.constant 1 : i32
      %ge3A_124 = arith.cmpi sge, %add3A_122, %ge3A_123 : i32
      %convert_element_type3A_125 = arith.extui %ge3A_124 : i1 to i32
      %cond3A_126 = arith.constant 0 : i32
      %cond3A_127 = arith.cmpi ne, %convert_element_type3A_125, %cond3A_126 : i32
      scf.if %cond3A_127 {
        %dma_wait3A_293 = arith.constant 0 : i32
        %dma_wait3A_294 = arith.constant 0 : i32
        %dma_wait3A_295 = arith.constant 0 : i32
        %dma_wait3A_296 = tpu.memref_slice %arg7[%dma_wait3A_293, %dma_wait3A_294, %dma_wait3A_295] : memref<2x8x128xi32, #tpu.memory_space<vmem>> -> memref<1x1x128xi32, #tpu.memory_space<vmem>>
        %dma_wait3A_297 = tpu.memref_squeeze %dma_wait3A_296 : memref<1x1x128xi32, #tpu.memory_space<vmem>> -> memref<128xi32, #tpu.memory_space<vmem>>
        %dma_wait3A_298 = arith.constant 0 : i32
        %dma_wait3A_299 = arith.constant 0 : i32
        %dma_wait3A_300 = tpu.memref_slice %arg15[%dma_wait3A_298, %dma_wait3A_299] : memref<10112x128xf32, #tpu.memory_space<vmem_shared>> -> memref<10112x128xf32, #tpu.memory_space<vmem_shared>>
        tpu.wait_indirect_dma semaphore(%arg13 : memref<!tpu.dma_semaphore, #tpu.memory_space<semaphore_mem>>) src(%arg9 : memref<128x128xf32, #tpu.memory_space<vmem>>) dst(%dma_wait3A_300 : memref<10112x128xf32, #tpu.memory_space<vmem_shared>>)
      } else {
      }
      %add3A_128 = arith.constant 1 : i32
      %add3A_129 = arith.addi %add3A_122, %add3A_128 : i32
      %lt3A_130 = arith.cmpi slt, %add3A_129, %select_n3A : i32
      %convert_element_type3A_131 = arith.extui %lt3A_130 : i1 to i32
      %cond3A_132 = arith.constant 0 : i32
      %cond3A_133 = arith.cmpi ne, %convert_element_type3A_131, %cond3A_132 : i32
      scf.if %cond3A_133 {
        %dma_start3A_293 = arith.constant 3 : i32
        %dma_start3A_294 = arith.constant 0 : i32
        %dma_start3A_295 = tpu.memref_slice %arg6[%rem3A_56, %dma_start3A_293, %dma_start3A_294] : memref<2x8x128xi32, #tpu.memory_space<vmem>> -> memref<1x1x128xi32, #tpu.memory_space<vmem>>
        %dma_start3A_296 = tpu.memref_squeeze %dma_start3A_295 : memref<1x1x128xi32, #tpu.memory_space<vmem>> -> memref<128xi32, #tpu.memory_space<vmem>>
        %dma_start3A_297 = arith.constant 0 : i32
        %dma_start3A_298 = arith.constant 0 : i32
        %dma_start3A_299 = tpu.memref_slice %arg2[%dma_start3A_297, %dma_start3A_298] : memref<10000x128xf32, #tpu.memory_space<hbm>> -> memref<10000x128xf32, #tpu.memory_space<hbm>>
        tpu.enqueue_indirect_dma source(%dma_start3A_299 : memref<10000x128xf32, #tpu.memory_space<hbm>>) target(%arg9 : memref<128x128xf32, #tpu.memory_space<vmem>>) offsets(%dma_start3A_296 : memref<128xi32, #tpu.memory_space<vmem>>) semaphore(%arg11 : memref<!tpu.dma_semaphore, #tpu.memory_space<semaphore_mem>>)
      } else {
      }
      %dma_wait3A_134 = arith.constant 0 : i32
      %dma_wait3A_135 = arith.constant 0 : i32
      %dma_wait3A_136 = tpu.memref_slice %arg2[%dma_wait3A_134, %dma_wait3A_135] : memref<10000x128xf32, #tpu.memory_space<hbm>> -> memref<128x128xf32, #tpu.memory_space<hbm>>
      %dma_wait3A_137 = arith.constant 0 : i32
      %dma_wait3A_138 = arith.constant 0 : i32
      %dma_wait3A_139 = tpu.memref_slice %arg2[%dma_wait3A_137, %dma_wait3A_138] : memref<10000x128xf32, #tpu.memory_space<hbm>> -> memref<128x128xf32, #tpu.memory_space<hbm>>
      tpu.wait_dma2 semaphore(%arg10 : memref<!tpu.dma_semaphore, #tpu.memory_space<semaphore_mem>>) src(%dma_wait3A_139 : memref<128x128xf32, #tpu.memory_space<hbm>>) dst(%arg8 : memref<128x128xf32, #tpu.memory_space<vmem>>)
      %dma_start3A_140 = arith.constant 2 : i32
      %dma_start3A_141 = arith.constant 0 : i32
      %dma_start3A_142 = tpu.memref_slice %arg7[%rem3A_56, %dma_start3A_140, %dma_start3A_141] : memref<2x8x128xi32, #tpu.memory_space<vmem>> -> memref<1x1x128xi32, #tpu.memory_space<vmem>>
      %dma_start3A_143 = tpu.memref_squeeze %dma_start3A_142 : memref<1x1x128xi32, #tpu.memory_space<vmem>> -> memref<128xi32, #tpu.memory_space<vmem>>
      %dma_start3A_144 = arith.constant 0 : i32
      %dma_start3A_145 = arith.constant 0 : i32
      %dma_start3A_146 = tpu.memref_slice %arg15[%dma_start3A_144, %dma_start3A_145] : memref<10112x128xf32, #tpu.memory_space<vmem_shared>> -> memref<10112x128xf32, #tpu.memory_space<vmem_shared>>
      tpu.enqueue_indirect_dma source(%arg8 : memref<128x128xf32, #tpu.memory_space<vmem>>) target(%dma_start3A_146 : memref<10112x128xf32, #tpu.memory_space<vmem_shared>>) offsets(%dma_start3A_143 : memref<128xi32, #tpu.memory_space<vmem>>) semaphore(%arg12 : memref<!tpu.dma_semaphore, #tpu.memory_space<semaphore_mem>>) {add = true}
      %mul3A_147 = arith.constant 8 : i32
      %mul3A_148 = arith.muli %while3A_55, %mul3A_147 : i32
      %add3A_149 = arith.constant 3 : i32
      %add3A_150 = arith.addi %mul3A_148, %add3A_149 : i32
      %ge3A_151 = arith.constant 1 : i32
      %ge3A_152 = arith.cmpi sge, %add3A_150, %ge3A_151 : i32
      %convert_element_type3A_153 = arith.extui %ge3A_152 : i1 to i32
      %cond3A_154 = arith.constant 0 : i32
      %cond3A_155 = arith.cmpi ne, %convert_element_type3A_153, %cond3A_154 : i32
      scf.if %cond3A_155 {
        %dma_wait3A_293 = arith.constant 0 : i32
        %dma_wait3A_294 = arith.constant 0 : i32
        %dma_wait3A_295 = arith.constant 0 : i32
        %dma_wait3A_296 = tpu.memref_slice %arg7[%dma_wait3A_293, %dma_wait3A_294, %dma_wait3A_295] : memref<2x8x128xi32, #tpu.memory_space<vmem>> -> memref<1x1x128xi32, #tpu.memory_space<vmem>>
        %dma_wait3A_297 = tpu.memref_squeeze %dma_wait3A_296 : memref<1x1x128xi32, #tpu.memory_space<vmem>> -> memref<128xi32, #tpu.memory_space<vmem>>
        %dma_wait3A_298 = arith.constant 0 : i32
        %dma_wait3A_299 = arith.constant 0 : i32
        %dma_wait3A_300 = tpu.memref_slice %arg15[%dma_wait3A_298, %dma_wait3A_299] : memref<10112x128xf32, #tpu.memory_space<vmem_shared>> -> memref<10112x128xf32, #tpu.memory_space<vmem_shared>>
        tpu.wait_indirect_dma semaphore(%arg12 : memref<!tpu.dma_semaphore, #tpu.memory_space<semaphore_mem>>) src(%arg8 : memref<128x128xf32, #tpu.memory_space<vmem>>) dst(%dma_wait3A_300 : memref<10112x128xf32, #tpu.memory_space<vmem_shared>>)
      } else {
      }
      %add3A_156 = arith.constant 1 : i32
      %add3A_157 = arith.addi %add3A_150, %add3A_156 : i32
      %lt3A_158 = arith.cmpi slt, %add3A_157, %select_n3A : i32
      %convert_element_type3A_159 = arith.extui %lt3A_158 : i1 to i32
      %cond3A_160 = arith.constant 0 : i32
      %cond3A_161 = arith.cmpi ne, %convert_element_type3A_159, %cond3A_160 : i32
      scf.if %cond3A_161 {
        %dma_start3A_293 = arith.constant 4 : i32
        %dma_start3A_294 = arith.constant 0 : i32
        %dma_start3A_295 = tpu.memref_slice %arg6[%rem3A_56, %dma_start3A_293, %dma_start3A_294] : memref<2x8x128xi32, #tpu.memory_space<vmem>> -> memref<1x1x128xi32, #tpu.memory_space<vmem>>
        %dma_start3A_296 = tpu.memref_squeeze %dma_start3A_295 : memref<1x1x128xi32, #tpu.memory_space<vmem>> -> memref<128xi32, #tpu.memory_space<vmem>>
        %dma_start3A_297 = arith.constant 0 : i32
        %dma_start3A_298 = arith.constant 0 : i32
        %dma_start3A_299 = tpu.memref_slice %arg2[%dma_start3A_297, %dma_start3A_298] : memref<10000x128xf32, #tpu.memory_space<hbm>> -> memref<10000x128xf32, #tpu.memory_space<hbm>>
        tpu.enqueue_indirect_dma source(%dma_start3A_299 : memref<10000x128xf32, #tpu.memory_space<hbm>>) target(%arg8 : memref<128x128xf32, #tpu.memory_space<vmem>>) offsets(%dma_start3A_296 : memref<128xi32, #tpu.memory_space<vmem>>) semaphore(%arg10 : memref<!tpu.dma_semaphore, #tpu.memory_space<semaphore_mem>>)
      } else {
      }
      %dma_wait3A_162 = arith.constant 0 : i32
      %dma_wait3A_163 = arith.constant 0 : i32
      %dma_wait3A_164 = tpu.memref_slice %arg2[%dma_wait3A_162, %dma_wait3A_163] : memref<10000x128xf32, #tpu.memory_space<hbm>> -> memref<128x128xf32, #tpu.memory_space<hbm>>
      %dma_wait3A_165 = arith.constant 0 : i32
      %dma_wait3A_166 = arith.constant 0 : i32
      %dma_wait3A_167 = tpu.memref_slice %arg2[%dma_wait3A_165, %dma_wait3A_166] : memref<10000x128xf32, #tpu.memory_space<hbm>> -> memref<128x128xf32, #tpu.memory_space<hbm>>
      tpu.wait_dma2 semaphore(%arg11 : memref<!tpu.dma_semaphore, #tpu.memory_space<semaphore_mem>>) src(%dma_wait3A_167 : memref<128x128xf32, #tpu.memory_space<hbm>>) dst(%arg9 : memref<128x128xf32, #tpu.memory_space<vmem>>)
      %dma_start3A_168 = arith.constant 3 : i32
      %dma_start3A_169 = arith.constant 0 : i32
      %dma_start3A_170 = tpu.memref_slice %arg7[%rem3A_56, %dma_start3A_168, %dma_start3A_169] : memref<2x8x128xi32, #tpu.memory_space<vmem>> -> memref<1x1x128xi32, #tpu.memory_space<vmem>>
      %dma_start3A_171 = tpu.memref_squeeze %dma_start3A_170 : memref<1x1x128xi32, #tpu.memory_space<vmem>> -> memref<128xi32, #tpu.memory_space<vmem>>
      %dma_start3A_172 = arith.constant 0 : i32
      %dma_start3A_173 = arith.constant 0 : i32
      %dma_start3A_174 = tpu.memref_slice %arg15[%dma_start3A_172, %dma_start3A_173] : memref<10112x128xf32, #tpu.memory_space<vmem_shared>> -> memref<10112x128xf32, #tpu.memory_space<vmem_shared>>
      tpu.enqueue_indirect_dma source(%arg9 : memref<128x128xf32, #tpu.memory_space<vmem>>) target(%dma_start3A_174 : memref<10112x128xf32, #tpu.memory_space<vmem_shared>>) offsets(%dma_start3A_171 : memref<128xi32, #tpu.memory_space<vmem>>) semaphore(%arg13 : memref<!tpu.dma_semaphore, #tpu.memory_space<semaphore_mem>>) {add = true}
      %mul3A_175 = arith.constant 8 : i32
      %mul3A_176 = arith.muli %while3A_55, %mul3A_175 : i32
      %add3A_177 = arith.constant 4 : i32
      %add3A_178 = arith.addi %mul3A_176, %add3A_177 : i32
      %ge3A_179 = arith.constant 1 : i32
      %ge3A_180 = arith.cmpi sge, %add3A_178, %ge3A_179 : i32
      %convert_element_type3A_181 = arith.extui %ge3A_180 : i1 to i32
      %cond3A_182 = arith.constant 0 : i32
      %cond3A_183 = arith.cmpi ne, %convert_element_type3A_181, %cond3A_182 : i32
      scf.if %cond3A_183 {
        %dma_wait3A_293 = arith.constant 0 : i32
        %dma_wait3A_294 = arith.constant 0 : i32
        %dma_wait3A_295 = arith.constant 0 : i32
        %dma_wait3A_296 = tpu.memref_slice %arg7[%dma_wait3A_293, %dma_wait3A_294, %dma_wait3A_295] : memref<2x8x128xi32, #tpu.memory_space<vmem>> -> memref<1x1x128xi32, #tpu.memory_space<vmem>>
        %dma_wait3A_297 = tpu.memref_squeeze %dma_wait3A_296 : memref<1x1x128xi32, #tpu.memory_space<vmem>> -> memref<128xi32, #tpu.memory_space<vmem>>
        %dma_wait3A_298 = arith.constant 0 : i32
        %dma_wait3A_299 = arith.constant 0 : i32
        %dma_wait3A_300 = tpu.memref_slice %arg15[%dma_wait3A_298, %dma_wait3A_299] : memref<10112x128xf32, #tpu.memory_space<vmem_shared>> -> memref<10112x128xf32, #tpu.memory_space<vmem_shared>>
        tpu.wait_indirect_dma semaphore(%arg13 : memref<!tpu.dma_semaphore, #tpu.memory_space<semaphore_mem>>) src(%arg9 : memref<128x128xf32, #tpu.memory_space<vmem>>) dst(%dma_wait3A_300 : memref<10112x128xf32, #tpu.memory_space<vmem_shared>>)
      } else {
      }
      %add3A_184 = arith.constant 1 : i32
      %add3A_185 = arith.addi %add3A_178, %add3A_184 : i32
      %lt3A_186 = arith.cmpi slt, %add3A_185, %select_n3A : i32
      %convert_element_type3A_187 = arith.extui %lt3A_186 : i1 to i32
      %cond3A_188 = arith.constant 0 : i32
      %cond3A_189 = arith.cmpi ne, %convert_element_type3A_187, %cond3A_188 : i32
      scf.if %cond3A_189 {
        %dma_start3A_293 = arith.constant 5 : i32
        %dma_start3A_294 = arith.constant 0 : i32
        %dma_start3A_295 = tpu.memref_slice %arg6[%rem3A_56, %dma_start3A_293, %dma_start3A_294] : memref<2x8x128xi32, #tpu.memory_space<vmem>> -> memref<1x1x128xi32, #tpu.memory_space<vmem>>
        %dma_start3A_296 = tpu.memref_squeeze %dma_start3A_295 : memref<1x1x128xi32, #tpu.memory_space<vmem>> -> memref<128xi32, #tpu.memory_space<vmem>>
        %dma_start3A_297 = arith.constant 0 : i32
        %dma_start3A_298 = arith.constant 0 : i32
        %dma_start3A_299 = tpu.memref_slice %arg2[%dma_start3A_297, %dma_start3A_298] : memref<10000x128xf32, #tpu.memory_space<hbm>> -> memref<10000x128xf32, #tpu.memory_space<hbm>>
        tpu.enqueue_indirect_dma source(%dma_start3A_299 : memref<10000x128xf32, #tpu.memory_space<hbm>>) target(%arg9 : memref<128x128xf32, #tpu.memory_space<vmem>>) offsets(%dma_start3A_296 : memref<128xi32, #tpu.memory_space<vmem>>) semaphore(%arg11 : memref<!tpu.dma_semaphore, #tpu.memory_space<semaphore_mem>>)
      } else {
      }
      %dma_wait3A_190 = arith.constant 0 : i32
      %dma_wait3A_191 = arith.constant 0 : i32
      %dma_wait3A_192 = tpu.memref_slice %arg2[%dma_wait3A_190, %dma_wait3A_191] : memref<10000x128xf32, #tpu.memory_space<hbm>> -> memref<128x128xf32, #tpu.memory_space<hbm>>
      %dma_wait3A_193 = arith.constant 0 : i32
      %dma_wait3A_194 = arith.constant 0 : i32
      %dma_wait3A_195 = tpu.memref_slice %arg2[%dma_wait3A_193, %dma_wait3A_194] : memref<10000x128xf32, #tpu.memory_space<hbm>> -> memref<128x128xf32, #tpu.memory_space<hbm>>
      tpu.wait_dma2 semaphore(%arg10 : memref<!tpu.dma_semaphore, #tpu.memory_space<semaphore_mem>>) src(%dma_wait3A_195 : memref<128x128xf32, #tpu.memory_space<hbm>>) dst(%arg8 : memref<128x128xf32, #tpu.memory_space<vmem>>)
      %dma_start3A_196 = arith.constant 4 : i32
      %dma_start3A_197 = arith.constant 0 : i32
      %dma_start3A_198 = tpu.memref_slice %arg7[%rem3A_56, %dma_start3A_196, %dma_start3A_197] : memref<2x8x128xi32, #tpu.memory_space<vmem>> -> memref<1x1x128xi32, #tpu.memory_space<vmem>>
      %dma_start3A_199 = tpu.memref_squeeze %dma_start3A_198 : memref<1x1x128xi32, #tpu.memory_space<vmem>> -> memref<128xi32, #tpu.memory_space<vmem>>
      %dma_start3A_200 = arith.constant 0 : i32
      %dma_start3A_201 = arith.constant 0 : i32
      %dma_start3A_202 = tpu.memref_slice %arg15[%dma_start3A_200, %dma_start3A_201] : memref<10112x128xf32, #tpu.memory_space<vmem_shared>> -> memref<10112x128xf32, #tpu.memory_space<vmem_shared>>
      tpu.enqueue_indirect_dma source(%arg8 : memref<128x128xf32, #tpu.memory_space<vmem>>) target(%dma_start3A_202 : memref<10112x128xf32, #tpu.memory_space<vmem_shared>>) offsets(%dma_start3A_199 : memref<128xi32, #tpu.memory_space<vmem>>) semaphore(%arg12 : memref<!tpu.dma_semaphore, #tpu.memory_space<semaphore_mem>>) {add = true}
      %mul3A_203 = arith.constant 8 : i32
      %mul3A_204 = arith.muli %while3A_55, %mul3A_203 : i32
      %add3A_205 = arith.constant 5 : i32
      %add3A_206 = arith.addi %mul3A_204, %add3A_205 : i32
      %ge3A_207 = arith.constant 1 : i32
      %ge3A_208 = arith.cmpi sge, %add3A_206, %ge3A_207 : i32
      %convert_element_type3A_209 = arith.extui %ge3A_208 : i1 to i32
      %cond3A_210 = arith.constant 0 : i32
      %cond3A_211 = arith.cmpi ne, %convert_element_type3A_209, %cond3A_210 : i32
      scf.if %cond3A_211 {
        %dma_wait3A_293 = arith.constant 0 : i32
        %dma_wait3A_294 = arith.constant 0 : i32
        %dma_wait3A_295 = arith.constant 0 : i32
        %dma_wait3A_296 = tpu.memref_slice %arg7[%dma_wait3A_293, %dma_wait3A_294, %dma_wait3A_295] : memref<2x8x128xi32, #tpu.memory_space<vmem>> -> memref<1x1x128xi32, #tpu.memory_space<vmem>>
        %dma_wait3A_297 = tpu.memref_squeeze %dma_wait3A_296 : memref<1x1x128xi32, #tpu.memory_space<vmem>> -> memref<128xi32, #tpu.memory_space<vmem>>
        %dma_wait3A_298 = arith.constant 0 : i32
        %dma_wait3A_299 = arith.constant 0 : i32
        %dma_wait3A_300 = tpu.memref_slice %arg15[%dma_wait3A_298, %dma_wait3A_299] : memref<10112x128xf32, #tpu.memory_space<vmem_shared>> -> memref<10112x128xf32, #tpu.memory_space<vmem_shared>>
        tpu.wait_indirect_dma semaphore(%arg12 : memref<!tpu.dma_semaphore, #tpu.memory_space<semaphore_mem>>) src(%arg8 : memref<128x128xf32, #tpu.memory_space<vmem>>) dst(%dma_wait3A_300 : memref<10112x128xf32, #tpu.memory_space<vmem_shared>>)
      } else {
      }
      %add3A_212 = arith.constant 1 : i32
      %add3A_213 = arith.addi %add3A_206, %add3A_212 : i32
      %lt3A_214 = arith.cmpi slt, %add3A_213, %select_n3A : i32
      %convert_element_type3A_215 = arith.extui %lt3A_214 : i1 to i32
      %cond3A_216 = arith.constant 0 : i32
      %cond3A_217 = arith.cmpi ne, %convert_element_type3A_215, %cond3A_216 : i32
      scf.if %cond3A_217 {
        %dma_start3A_293 = arith.constant 6 : i32
        %dma_start3A_294 = arith.constant 0 : i32
        %dma_start3A_295 = tpu.memref_slice %arg6[%rem3A_56, %dma_start3A_293, %dma_start3A_294] : memref<2x8x128xi32, #tpu.memory_space<vmem>> -> memref<1x1x128xi32, #tpu.memory_space<vmem>>
        %dma_start3A_296 = tpu.memref_squeeze %dma_start3A_295 : memref<1x1x128xi32, #tpu.memory_space<vmem>> -> memref<128xi32, #tpu.memory_space<vmem>>
        %dma_start3A_297 = arith.constant 0 : i32
        %dma_start3A_298 = arith.constant 0 : i32
        %dma_start3A_299 = tpu.memref_slice %arg2[%dma_start3A_297, %dma_start3A_298] : memref<10000x128xf32, #tpu.memory_space<hbm>> -> memref<10000x128xf32, #tpu.memory_space<hbm>>
        tpu.enqueue_indirect_dma source(%dma_start3A_299 : memref<10000x128xf32, #tpu.memory_space<hbm>>) target(%arg8 : memref<128x128xf32, #tpu.memory_space<vmem>>) offsets(%dma_start3A_296 : memref<128xi32, #tpu.memory_space<vmem>>) semaphore(%arg10 : memref<!tpu.dma_semaphore, #tpu.memory_space<semaphore_mem>>)
      } else {
      }
      %dma_wait3A_218 = arith.constant 0 : i32
      %dma_wait3A_219 = arith.constant 0 : i32
      %dma_wait3A_220 = tpu.memref_slice %arg2[%dma_wait3A_218, %dma_wait3A_219] : memref<10000x128xf32, #tpu.memory_space<hbm>> -> memref<128x128xf32, #tpu.memory_space<hbm>>
      %dma_wait3A_221 = arith.constant 0 : i32
      %dma_wait3A_222 = arith.constant 0 : i32
      %dma_wait3A_223 = tpu.memref_slice %arg2[%dma_wait3A_221, %dma_wait3A_222] : memref<10000x128xf32, #tpu.memory_space<hbm>> -> memref<128x128xf32, #tpu.memory_space<hbm>>
      tpu.wait_dma2 semaphore(%arg11 : memref<!tpu.dma_semaphore, #tpu.memory_space<semaphore_mem>>) src(%dma_wait3A_223 : memref<128x128xf32, #tpu.memory_space<hbm>>) dst(%arg9 : memref<128x128xf32, #tpu.memory_space<vmem>>)
      %dma_start3A_224 = arith.constant 5 : i32
      %dma_start3A_225 = arith.constant 0 : i32
      %dma_start3A_226 = tpu.memref_slice %arg7[%rem3A_56, %dma_start3A_224, %dma_start3A_225] : memref<2x8x128xi32, #tpu.memory_space<vmem>> -> memref<1x1x128xi32, #tpu.memory_space<vmem>>
      %dma_start3A_227 = tpu.memref_squeeze %dma_start3A_226 : memref<1x1x128xi32, #tpu.memory_space<vmem>> -> memref<128xi32, #tpu.memory_space<vmem>>
      %dma_start3A_228 = arith.constant 0 : i32
      %dma_start3A_229 = arith.constant 0 : i32
      %dma_start3A_230 = tpu.memref_slice %arg15[%dma_start3A_228, %dma_start3A_229] : memref<10112x128xf32, #tpu.memory_space<vmem_shared>> -> memref<10112x128xf32, #tpu.memory_space<vmem_shared>>
      tpu.enqueue_indirect_dma source(%arg9 : memref<128x128xf32, #tpu.memory_space<vmem>>) target(%dma_start3A_230 : memref<10112x128xf32, #tpu.memory_space<vmem_shared>>) offsets(%dma_start3A_227 : memref<128xi32, #tpu.memory_space<vmem>>) semaphore(%arg13 : memref<!tpu.dma_semaphore, #tpu.memory_space<semaphore_mem>>) {add = true}
      %mul3A_231 = arith.constant 8 : i32
      %mul3A_232 = arith.muli %while3A_55, %mul3A_231 : i32
      %add3A_233 = arith.constant 6 : i32
      %add3A_234 = arith.addi %mul3A_232, %add3A_233 : i32
      %ge3A_235 = arith.constant 1 : i32
      %ge3A_236 = arith.cmpi sge, %add3A_234, %ge3A_235 : i32
      %convert_element_type3A_237 = arith.extui %ge3A_236 : i1 to i32
      %cond3A_238 = arith.constant 0 : i32
      %cond3A_239 = arith.cmpi ne, %convert_element_type3A_237, %cond3A_238 : i32
      scf.if %cond3A_239 {
        %dma_wait3A_293 = arith.constant 0 : i32
        %dma_wait3A_294 = arith.constant 0 : i32
        %dma_wait3A_295 = arith.constant 0 : i32
        %dma_wait3A_296 = tpu.memref_slice %arg7[%dma_wait3A_293, %dma_wait3A_294, %dma_wait3A_295] : memref<2x8x128xi32, #tpu.memory_space<vmem>> -> memref<1x1x128xi32, #tpu.memory_space<vmem>>
        %dma_wait3A_297 = tpu.memref_squeeze %dma_wait3A_296 : memref<1x1x128xi32, #tpu.memory_space<vmem>> -> memref<128xi32, #tpu.memory_space<vmem>>
        %dma_wait3A_298 = arith.constant 0 : i32
        %dma_wait3A_299 = arith.constant 0 : i32
        %dma_wait3A_300 = tpu.memref_slice %arg15[%dma_wait3A_298, %dma_wait3A_299] : memref<10112x128xf32, #tpu.memory_space<vmem_shared>> -> memref<10112x128xf32, #tpu.memory_space<vmem_shared>>
        tpu.wait_indirect_dma semaphore(%arg13 : memref<!tpu.dma_semaphore, #tpu.memory_space<semaphore_mem>>) src(%arg9 : memref<128x128xf32, #tpu.memory_space<vmem>>) dst(%dma_wait3A_300 : memref<10112x128xf32, #tpu.memory_space<vmem_shared>>)
      } else {
      }
      %add3A_240 = arith.constant 1 : i32
      %add3A_241 = arith.addi %while3A_55, %add3A_240 : i32
      %lt3A_242 = arith.cmpi slt, %add3A_241, %select_n3A_22 : i32
      %convert_element_type3A_243 = arith.extui %lt3A_242 : i1 to i32
      %cond3A_244 = arith.constant 0 : i32
      %cond3A_245 = arith.cmpi ne, %convert_element_type3A_243, %cond3A_244 : i32
      scf.if %cond3A_245 {
        %dma_wait3A_293 = arith.constant 0 : i32
        %dma_wait3A_294 = arith.constant 0 : i32
        %dma_wait3A_295 = arith.constant 0 : i32
        %dma_wait3A_296 = arith.constant 0 : i32
        %dma_wait3A_297 = tpu.memref_slice %arg6[%dma_wait3A_294, %dma_wait3A_295, %dma_wait3A_296] : memref<2x8x128xi32, #tpu.memory_space<vmem>> -> memref<1x8x128xi32, #tpu.memory_space<vmem>>
        %dma_wait3A_298 = tpu.memref_squeeze %dma_wait3A_297 : memref<1x8x128xi32, #tpu.memory_space<vmem>> -> memref<8x128xi32, #tpu.memory_space<vmem>>
        %dma_wait3A_299 = arith.constant 0 : i32
        %dma_wait3A_300 = arith.constant 0 : i32
        %dma_wait3A_301 = tpu.memref_slice %arg3[%dma_wait3A_293, %dma_wait3A_299, %dma_wait3A_300] : memref<320x8x128xi32, #tpu.memory_space<hbm>> -> memref<1x8x128xi32, #tpu.memory_space<hbm>>
        %dma_wait3A_302 = tpu.memref_squeeze %dma_wait3A_301 : memref<1x8x128xi32, #tpu.memory_space<hbm>> -> memref<8x128xi32, #tpu.memory_space<hbm>>
        %dma_wait3A_303 = arith.constant 0 : i32
        %dma_wait3A_304 = arith.constant 0 : i32
        %dma_wait3A_305 = tpu.memref_slice %arg6[%dma_wait3A_294, %dma_wait3A_303, %dma_wait3A_304] : memref<2x8x128xi32, #tpu.memory_space<vmem>> -> memref<1x8x128xi32, #tpu.memory_space<vmem>>
        %dma_wait3A_306 = tpu.memref_squeeze %dma_wait3A_305 : memref<1x8x128xi32, #tpu.memory_space<vmem>> -> memref<8x128xi32, #tpu.memory_space<vmem>>
        %dma_wait3A_307 = arith.constant 0 : i32
        %dma_wait3A_308 = arith.constant 0 : i32
        %dma_wait3A_309 = tpu.memref_slice %arg3[%dma_wait3A_293, %dma_wait3A_307, %dma_wait3A_308] : memref<320x8x128xi32, #tpu.memory_space<hbm>> -> memref<1x8x128xi32, #tpu.memory_space<hbm>>
        %dma_wait3A_310 = tpu.memref_squeeze %dma_wait3A_309 : memref<1x8x128xi32, #tpu.memory_space<hbm>> -> memref<8x128xi32, #tpu.memory_space<hbm>>
        tpu.wait_dma2 semaphore(%arg14 : memref<!tpu.dma_semaphore, #tpu.memory_space<semaphore_mem>>) src(%dma_wait3A_310 : memref<8x128xi32, #tpu.memory_space<hbm>>) dst(%dma_wait3A_306 : memref<8x128xi32, #tpu.memory_space<vmem>>)
        %dma_wait3A_311 = arith.constant 0 : i32
        %dma_wait3A_312 = arith.constant 0 : i32
        %dma_wait3A_313 = arith.constant 0 : i32
        %dma_wait3A_314 = arith.constant 0 : i32
        %dma_wait3A_315 = tpu.memref_slice %arg7[%dma_wait3A_312, %dma_wait3A_313, %dma_wait3A_314] : memref<2x8x128xi32, #tpu.memory_space<vmem>> -> memref<1x8x128xi32, #tpu.memory_space<vmem>>
        %dma_wait3A_316 = tpu.memref_squeeze %dma_wait3A_315 : memref<1x8x128xi32, #tpu.memory_space<vmem>> -> memref<8x128xi32, #tpu.memory_space<vmem>>
        %dma_wait3A_317 = arith.constant 0 : i32
        %dma_wait3A_318 = arith.constant 0 : i32
        %dma_wait3A_319 = tpu.memref_slice %arg4[%dma_wait3A_311, %dma_wait3A_317, %dma_wait3A_318] : memref<320x8x128xi32, #tpu.memory_space<hbm>> -> memref<1x8x128xi32, #tpu.memory_space<hbm>>
        %dma_wait3A_320 = tpu.memref_squeeze %dma_wait3A_319 : memref<1x8x128xi32, #tpu.memory_space<hbm>> -> memref<8x128xi32, #tpu.memory_space<hbm>>
        %dma_wait3A_321 = arith.constant 0 : i32
        %dma_wait3A_322 = arith.constant 0 : i32
        %dma_wait3A_323 = tpu.memref_slice %arg7[%dma_wait3A_312, %dma_wait3A_321, %dma_wait3A_322] : memref<2x8x128xi32, #tpu.memory_space<vmem>> -> memref<1x8x128xi32, #tpu.memory_space<vmem>>
        %dma_wait3A_324 = tpu.memref_squeeze %dma_wait3A_323 : memref<1x8x128xi32, #tpu.memory_space<vmem>> -> memref<8x128xi32, #tpu.memory_space<vmem>>
        %dma_wait3A_325 = arith.constant 0 : i32
        %dma_wait3A_326 = arith.constant 0 : i32
        %dma_wait3A_327 = tpu.memref_slice %arg4[%dma_wait3A_311, %dma_wait3A_325, %dma_wait3A_326] : memref<320x8x128xi32, #tpu.memory_space<hbm>> -> memref<1x8x128xi32, #tpu.memory_space<hbm>>
        %dma_wait3A_328 = tpu.memref_squeeze %dma_wait3A_327 : memref<1x8x128xi32, #tpu.memory_space<hbm>> -> memref<8x128xi32, #tpu.memory_space<hbm>>
        tpu.wait_dma2 semaphore(%arg14 : memref<!tpu.dma_semaphore, #tpu.memory_space<semaphore_mem>>) src(%dma_wait3A_328 : memref<8x128xi32, #tpu.memory_space<hbm>>) dst(%dma_wait3A_324 : memref<8x128xi32, #tpu.memory_space<vmem>>)
      } else {
      }
      %add3A_246 = arith.constant 1 : i32
      %add3A_247 = arith.addi %add3A_234, %add3A_246 : i32
      %lt3A_248 = arith.cmpi slt, %add3A_247, %select_n3A : i32
      %convert_element_type3A_249 = arith.extui %lt3A_248 : i1 to i32
      %cond3A_250 = arith.constant 0 : i32
      %cond3A_251 = arith.cmpi ne, %convert_element_type3A_249, %cond3A_250 : i32
      scf.if %cond3A_251 {
        %dma_start3A_293 = arith.constant 7 : i32
        %dma_start3A_294 = arith.constant 0 : i32
        %dma_start3A_295 = tpu.memref_slice %arg6[%rem3A_56, %dma_start3A_293, %dma_start3A_294] : memref<2x8x128xi32, #tpu.memory_space<vmem>> -> memref<1x1x128xi32, #tpu.memory_space<vmem>>
        %dma_start3A_296 = tpu.memref_squeeze %dma_start3A_295 : memref<1x1x128xi32, #tpu.memory_space<vmem>> -> memref<128xi32, #tpu.memory_space<vmem>>
        %dma_start3A_297 = arith.constant 0 : i32
        %dma_start3A_298 = arith.constant 0 : i32
        %dma_start3A_299 = tpu.memref_slice %arg2[%dma_start3A_297, %dma_start3A_298] : memref<10000x128xf32, #tpu.memory_space<hbm>> -> memref<10000x128xf32, #tpu.memory_space<hbm>>
        tpu.enqueue_indirect_dma source(%dma_start3A_299 : memref<10000x128xf32, #tpu.memory_space<hbm>>) target(%arg9 : memref<128x128xf32, #tpu.memory_space<vmem>>) offsets(%dma_start3A_296 : memref<128xi32, #tpu.memory_space<vmem>>) semaphore(%arg11 : memref<!tpu.dma_semaphore, #tpu.memory_space<semaphore_mem>>)
      } else {
      }
      %dma_wait3A_252 = arith.constant 0 : i32
      %dma_wait3A_253 = arith.constant 0 : i32
      %dma_wait3A_254 = tpu.memref_slice %arg2[%dma_wait3A_252, %dma_wait3A_253] : memref<10000x128xf32, #tpu.memory_space<hbm>> -> memref<128x128xf32, #tpu.memory_space<hbm>>
      %dma_wait3A_255 = arith.constant 0 : i32
      %dma_wait3A_256 = arith.constant 0 : i32
      %dma_wait3A_257 = tpu.memref_slice %arg2[%dma_wait3A_255, %dma_wait3A_256] : memref<10000x128xf32, #tpu.memory_space<hbm>> -> memref<128x128xf32, #tpu.memory_space<hbm>>
      tpu.wait_dma2 semaphore(%arg10 : memref<!tpu.dma_semaphore, #tpu.memory_space<semaphore_mem>>) src(%dma_wait3A_257 : memref<128x128xf32, #tpu.memory_space<hbm>>) dst(%arg8 : memref<128x128xf32, #tpu.memory_space<vmem>>)
      %dma_start3A_258 = arith.constant 6 : i32
      %dma_start3A_259 = arith.constant 0 : i32
      %dma_start3A_260 = tpu.memref_slice %arg7[%rem3A_56, %dma_start3A_258, %dma_start3A_259] : memref<2x8x128xi32, #tpu.memory_space<vmem>> -> memref<1x1x128xi32, #tpu.memory_space<vmem>>
      %dma_start3A_261 = tpu.memref_squeeze %dma_start3A_260 : memref<1x1x128xi32, #tpu.memory_space<vmem>> -> memref<128xi32, #tpu.memory_space<vmem>>
      %dma_start3A_262 = arith.constant 0 : i32
      %dma_start3A_263 = arith.constant 0 : i32
      %dma_start3A_264 = tpu.memref_slice %arg15[%dma_start3A_262, %dma_start3A_263] : memref<10112x128xf32, #tpu.memory_space<vmem_shared>> -> memref<10112x128xf32, #tpu.memory_space<vmem_shared>>
      tpu.enqueue_indirect_dma source(%arg8 : memref<128x128xf32, #tpu.memory_space<vmem>>) target(%dma_start3A_264 : memref<10112x128xf32, #tpu.memory_space<vmem_shared>>) offsets(%dma_start3A_261 : memref<128xi32, #tpu.memory_space<vmem>>) semaphore(%arg12 : memref<!tpu.dma_semaphore, #tpu.memory_space<semaphore_mem>>) {add = true}
      %mul3A_265 = arith.constant 8 : i32
      %mul3A_266 = arith.muli %while3A_55, %mul3A_265 : i32
      %add3A_267 = arith.constant 7 : i32
      %add3A_268 = arith.addi %mul3A_266, %add3A_267 : i32
      %ge3A_269 = arith.constant 1 : i32
      %ge3A_270 = arith.cmpi sge, %add3A_268, %ge3A_269 : i32
      %convert_element_type3A_271 = arith.extui %ge3A_270 : i1 to i32
      %cond3A_272 = arith.constant 0 : i32
      %cond3A_273 = arith.cmpi ne, %convert_element_type3A_271, %cond3A_272 : i32
      scf.if %cond3A_273 {
        %dma_wait3A_293 = arith.constant 0 : i32
        %dma_wait3A_294 = arith.constant 0 : i32
        %dma_wait3A_295 = arith.constant 0 : i32
        %dma_wait3A_296 = tpu.memref_slice %arg7[%dma_wait3A_293, %dma_wait3A_294, %dma_wait3A_295] : memref<2x8x128xi32, #tpu.memory_space<vmem>> -> memref<1x1x128xi32, #tpu.memory_space<vmem>>
        %dma_wait3A_297 = tpu.memref_squeeze %dma_wait3A_296 : memref<1x1x128xi32, #tpu.memory_space<vmem>> -> memref<128xi32, #tpu.memory_space<vmem>>
        %dma_wait3A_298 = arith.constant 0 : i32
        %dma_wait3A_299 = arith.constant 0 : i32
        %dma_wait3A_300 = tpu.memref_slice %arg15[%dma_wait3A_298, %dma_wait3A_299] : memref<10112x128xf32, #tpu.memory_space<vmem_shared>> -> memref<10112x128xf32, #tpu.memory_space<vmem_shared>>
        tpu.wait_indirect_dma semaphore(%arg12 : memref<!tpu.dma_semaphore, #tpu.memory_space<semaphore_mem>>) src(%arg8 : memref<128x128xf32, #tpu.memory_space<vmem>>) dst(%dma_wait3A_300 : memref<10112x128xf32, #tpu.memory_space<vmem_shared>>)
      } else {
      }
      %add3A_274 = arith.constant 1 : i32
      %add3A_275 = arith.addi %add3A_268, %add3A_274 : i32
      %lt3A_276 = arith.cmpi slt, %add3A_275, %select_n3A : i32
      %convert_element_type3A_277 = arith.extui %lt3A_276 : i1 to i32
      %cond3A_278 = arith.constant 0 : i32
      %cond3A_279 = arith.cmpi ne, %convert_element_type3A_277, %cond3A_278 : i32
      scf.if %cond3A_279 {
        %dma_start3A_293 = arith.constant 0 : i32
        %dma_start3A_294 = arith.constant 0 : i32
        %dma_start3A_295 = tpu.memref_slice %arg6[%rem3A_60, %dma_start3A_293, %dma_start3A_294] : memref<2x8x128xi32, #tpu.memory_space<vmem>> -> memref<1x1x128xi32, #tpu.memory_space<vmem>>
        %dma_start3A_296 = tpu.memref_squeeze %dma_start3A_295 : memref<1x1x128xi32, #tpu.memory_space<vmem>> -> memref<128xi32, #tpu.memory_space<vmem>>
        %dma_start3A_297 = arith.constant 0 : i32
        %dma_start3A_298 = arith.constant 0 : i32
        %dma_start3A_299 = tpu.memref_slice %arg2[%dma_start3A_297, %dma_start3A_298] : memref<10000x128xf32, #tpu.memory_space<hbm>> -> memref<10000x128xf32, #tpu.memory_space<hbm>>
        tpu.enqueue_indirect_dma source(%dma_start3A_299 : memref<10000x128xf32, #tpu.memory_space<hbm>>) target(%arg8 : memref<128x128xf32, #tpu.memory_space<vmem>>) offsets(%dma_start3A_296 : memref<128xi32, #tpu.memory_space<vmem>>) semaphore(%arg10 : memref<!tpu.dma_semaphore, #tpu.memory_space<semaphore_mem>>)
      } else {
      }
      %dma_wait3A_280 = arith.constant 0 : i32
      %dma_wait3A_281 = arith.constant 0 : i32
      %dma_wait3A_282 = tpu.memref_slice %arg2[%dma_wait3A_280, %dma_wait3A_281] : memref<10000x128xf32, #tpu.memory_space<hbm>> -> memref<128x128xf32, #tpu.memory_space<hbm>>
      %dma_wait3A_283 = arith.constant 0 : i32
      %dma_wait3A_284 = arith.constant 0 : i32
      %dma_wait3A_285 = tpu.memref_slice %arg2[%dma_wait3A_283, %dma_wait3A_284] : memref<10000x128xf32, #tpu.memory_space<hbm>> -> memref<128x128xf32, #tpu.memory_space<hbm>>
      tpu.wait_dma2 semaphore(%arg11 : memref<!tpu.dma_semaphore, #tpu.memory_space<semaphore_mem>>) src(%dma_wait3A_285 : memref<128x128xf32, #tpu.memory_space<hbm>>) dst(%arg9 : memref<128x128xf32, #tpu.memory_space<vmem>>)
      %dma_start3A_286 = arith.constant 7 : i32
      %dma_start3A_287 = arith.constant 0 : i32
      %dma_start3A_288 = tpu.memref_slice %arg7[%rem3A_56, %dma_start3A_286, %dma_start3A_287] : memref<2x8x128xi32, #tpu.memory_space<vmem>> -> memref<1x1x128xi32, #tpu.memory_space<vmem>>
      %dma_start3A_289 = tpu.memref_squeeze %dma_start3A_288 : memref<1x1x128xi32, #tpu.memory_space<vmem>> -> memref<128xi32, #tpu.memory_space<vmem>>
      %dma_start3A_290 = arith.constant 0 : i32
      %dma_start3A_291 = arith.constant 0 : i32
      %dma_start3A_292 = tpu.memref_slice %arg15[%dma_start3A_290, %dma_start3A_291] : memref<10112x128xf32, #tpu.memory_space<vmem_shared>> -> memref<10112x128xf32, #tpu.memory_space<vmem_shared>>
      tpu.enqueue_indirect_dma source(%arg9 : memref<128x128xf32, #tpu.memory_space<vmem>>) target(%dma_start3A_292 : memref<10112x128xf32, #tpu.memory_space<vmem_shared>>) offsets(%dma_start3A_289 : memref<128xi32, #tpu.memory_space<vmem>>) semaphore(%arg13 : memref<!tpu.dma_semaphore, #tpu.memory_space<semaphore_mem>>) {add = true}
    }
    %while3A_48 = arith.constant 1 : i32
    scf.for %while3A_55 = %while3A_46 to %while3A_42 step %while3A_48  : i32 {
      %rem3A = arith.constant 2 : i32
      %rem3A_56 = arith.remsi %while3A_55, %rem3A : i32
      %add3A_57 = arith.constant 1 : i32
      %add3A_58 = arith.addi %while3A_55, %add3A_57 : i32
      %rem3A_59 = arith.constant 2 : i32
      %rem3A_60 = arith.remsi %add3A_58, %rem3A_59 : i32
      %mul3A_61 = arith.constant 8 : i32
      %mul3A_62 = arith.muli %while3A_55, %mul3A_61 : i32
      %add3A_63 = arith.constant 0 : i32
      %add3A_64 = arith.addi %mul3A_62, %add3A_63 : i32
      %ge3A = arith.constant 1 : i32
      %ge3A_65 = arith.cmpi sge, %add3A_64, %ge3A : i32
      %convert_element_type3A_66 = arith.extui %ge3A_65 : i1 to i32
      %cond3A_67 = arith.constant 0 : i32
      %cond3A_68 = arith.cmpi ne, %convert_element_type3A_66, %cond3A_67 : i32
      scf.if %cond3A_68 {
        %dma_wait3A_293 = arith.constant 0 : i32
        %dma_wait3A_294 = arith.constant 0 : i32
        %dma_wait3A_295 = arith.constant 0 : i32
        %dma_wait3A_296 = tpu.memref_slice %arg7[%dma_wait3A_293, %dma_wait3A_294, %dma_wait3A_295] : memref<2x8x128xi32, #tpu.memory_space<vmem>> -> memref<1x1x128xi32, #tpu.memory_space<vmem>>
        %dma_wait3A_297 = tpu.memref_squeeze %dma_wait3A_296 : memref<1x1x128xi32, #tpu.memory_space<vmem>> -> memref<128xi32, #tpu.memory_space<vmem>>
        %dma_wait3A_298 = arith.constant 0 : i32
        %dma_wait3A_299 = arith.constant 0 : i32
        %dma_wait3A_300 = tpu.memref_slice %arg15[%dma_wait3A_298, %dma_wait3A_299] : memref<10112x128xf32, #tpu.memory_space<vmem_shared>> -> memref<10112x128xf32, #tpu.memory_space<vmem_shared>>
        tpu.wait_indirect_dma semaphore(%arg13 : memref<!tpu.dma_semaphore, #tpu.memory_space<semaphore_mem>>) src(%arg9 : memref<128x128xf32, #tpu.memory_space<vmem>>) dst(%dma_wait3A_300 : memref<10112x128xf32, #tpu.memory_space<vmem_shared>>)
      } else {
      }
      %add3A_69 = arith.constant 1 : i32
      %add3A_70 = arith.addi %add3A_64, %add3A_69 : i32
      %lt3A = arith.cmpi slt, %add3A_70, %select_n3A : i32
      %convert_element_type3A_71 = arith.extui %lt3A : i1 to i32
      %cond3A_72 = arith.constant 0 : i32
      %cond3A_73 = arith.cmpi ne, %convert_element_type3A_71, %cond3A_72 : i32
      scf.if %cond3A_73 {
        %dma_start3A_293 = arith.constant 1 : i32
        %dma_start3A_294 = arith.constant 0 : i32
        %dma_start3A_295 = tpu.memref_slice %arg6[%rem3A_56, %dma_start3A_293, %dma_start3A_294] : memref<2x8x128xi32, #tpu.memory_space<vmem>> -> memref<1x1x128xi32, #tpu.memory_space<vmem>>
        %dma_start3A_296 = tpu.memref_squeeze %dma_start3A_295 : memref<1x1x128xi32, #tpu.memory_space<vmem>> -> memref<128xi32, #tpu.memory_space<vmem>>
        %dma_start3A_297 = arith.constant 0 : i32
        %dma_start3A_298 = arith.constant 0 : i32
        %dma_start3A_299 = tpu.memref_slice %arg2[%dma_start3A_297, %dma_start3A_298] : memref<10000x128xf32, #tpu.memory_space<hbm>> -> memref<10000x128xf32, #tpu.memory_space<hbm>>
        tpu.enqueue_indirect_dma source(%dma_start3A_299 : memref<10000x128xf32, #tpu.memory_space<hbm>>) target(%arg9 : memref<128x128xf32, #tpu.memory_space<vmem>>) offsets(%dma_start3A_296 : memref<128xi32, #tpu.memory_space<vmem>>) semaphore(%arg11 : memref<!tpu.dma_semaphore, #tpu.memory_space<semaphore_mem>>)
      } else {
      }
      %dma_wait3A = arith.constant 0 : i32
      %dma_wait3A_74 = arith.constant 0 : i32
      %dma_wait3A_75 = tpu.memref_slice %arg2[%dma_wait3A, %dma_wait3A_74] : memref<10000x128xf32, #tpu.memory_space<hbm>> -> memref<128x128xf32, #tpu.memory_space<hbm>>
      %dma_wait3A_76 = arith.constant 0 : i32
      %dma_wait3A_77 = arith.constant 0 : i32
      %dma_wait3A_78 = tpu.memref_slice %arg2[%dma_wait3A_76, %dma_wait3A_77] : memref<10000x128xf32, #tpu.memory_space<hbm>> -> memref<128x128xf32, #tpu.memory_space<hbm>>
      tpu.wait_dma2 semaphore(%arg10 : memref<!tpu.dma_semaphore, #tpu.memory_space<semaphore_mem>>) src(%dma_wait3A_78 : memref<128x128xf32, #tpu.memory_space<hbm>>) dst(%arg8 : memref<128x128xf32, #tpu.memory_space<vmem>>)
      %dma_start3A = arith.constant 0 : i32
      %dma_start3A_79 = arith.constant 0 : i32
      %dma_start3A_80 = tpu.memref_slice %arg7[%rem3A_56, %dma_start3A, %dma_start3A_79] : memref<2x8x128xi32, #tpu.memory_space<vmem>> -> memref<1x1x128xi32, #tpu.memory_space<vmem>>
      %dma_start3A_81 = tpu.memref_squeeze %dma_start3A_80 : memref<1x1x128xi32, #tpu.memory_space<vmem>> -> memref<128xi32, #tpu.memory_space<vmem>>
      %dma_start3A_82 = arith.constant 0 : i32
      %dma_start3A_83 = arith.constant 0 : i32
      %dma_start3A_84 = tpu.memref_slice %arg15[%dma_start3A_82, %dma_start3A_83] : memref<10112x128xf32, #tpu.memory_space<vmem_shared>> -> memref<10112x128xf32, #tpu.memory_space<vmem_shared>>
      tpu.enqueue_indirect_dma source(%arg8 : memref<128x128xf32, #tpu.memory_space<vmem>>) target(%dma_start3A_84 : memref<10112x128xf32, #tpu.memory_space<vmem_shared>>) offsets(%dma_start3A_81 : memref<128xi32, #tpu.memory_space<vmem>>) semaphore(%arg12 : memref<!tpu.dma_semaphore, #tpu.memory_space<semaphore_mem>>) {add = true}
      %mul3A_85 = arith.constant 8 : i32
      %mul3A_86 = arith.muli %while3A_55, %mul3A_85 : i32
      %add3A_87 = arith.constant 1 : i32
      %add3A_88 = arith.addi %mul3A_86, %add3A_87 : i32
      %ge3A_89 = arith.constant 1 : i32
      %ge3A_90 = arith.cmpi sge, %add3A_88, %ge3A_89 : i32
      %convert_element_type3A_91 = arith.extui %ge3A_90 : i1 to i32
      %cond3A_92 = arith.constant 0 : i32
      %cond3A_93 = arith.cmpi ne, %convert_element_type3A_91, %cond3A_92 : i32
      scf.if %cond3A_93 {
        %dma_wait3A_293 = arith.constant 0 : i32
        %dma_wait3A_294 = arith.constant 0 : i32
        %dma_wait3A_295 = arith.constant 0 : i32
        %dma_wait3A_296 = tpu.memref_slice %arg7[%dma_wait3A_293, %dma_wait3A_294, %dma_wait3A_295] : memref<2x8x128xi32, #tpu.memory_space<vmem>> -> memref<1x1x128xi32, #tpu.memory_space<vmem>>
        %dma_wait3A_297 = tpu.memref_squeeze %dma_wait3A_296 : memref<1x1x128xi32, #tpu.memory_space<vmem>> -> memref<128xi32, #tpu.memory_space<vmem>>
        %dma_wait3A_298 = arith.constant 0 : i32
        %dma_wait3A_299 = arith.constant 0 : i32
        %dma_wait3A_300 = tpu.memref_slice %arg15[%dma_wait3A_298, %dma_wait3A_299] : memref<10112x128xf32, #tpu.memory_space<vmem_shared>> -> memref<10112x128xf32, #tpu.memory_space<vmem_shared>>
        tpu.wait_indirect_dma semaphore(%arg12 : memref<!tpu.dma_semaphore, #tpu.memory_space<semaphore_mem>>) src(%arg8 : memref<128x128xf32, #tpu.memory_space<vmem>>) dst(%dma_wait3A_300 : memref<10112x128xf32, #tpu.memory_space<vmem_shared>>)
      } else {
      }
      %add3A_94 = arith.constant 1 : i32
      %add3A_95 = arith.addi %while3A_55, %add3A_94 : i32
      %lt3A_96 = arith.cmpi slt, %add3A_95, %select_n3A_22 : i32
      %convert_element_type3A_97 = arith.extui %lt3A_96 : i1 to i32
      %cond3A_98 = arith.constant 0 : i32
      %cond3A_99 = arith.cmpi ne, %convert_element_type3A_97, %cond3A_98 : i32
      scf.if %cond3A_99 {
        %add3A_293 = arith.addi %min3A_32, %while3A_55 : i32
        %add3A_294 = arith.constant 1 : i32
        %add3A_295 = arith.addi %add3A_293, %add3A_294 : i32
        %dma_start3A_296 = arith.constant 0 : i32
        %dma_start3A_297 = arith.constant 0 : i32
        %dma_start3A_298 = tpu.memref_slice %arg6[%rem3A_60, %dma_start3A_296, %dma_start3A_297] : memref<2x8x128xi32, #tpu.memory_space<vmem>> -> memref<1x8x128xi32, #tpu.memory_space<vmem>>
        %dma_start3A_299 = tpu.memref_squeeze %dma_start3A_298 : memref<1x8x128xi32, #tpu.memory_space<vmem>> -> memref<8x128xi32, #tpu.memory_space<vmem>>
        %dma_start3A_300 = arith.constant 0 : i32
        %dma_start3A_301 = arith.constant 0 : i32
        %dma_start3A_302 = tpu.memref_slice %arg3[%add3A_295, %dma_start3A_300, %dma_start3A_301] : memref<320x8x128xi32, #tpu.memory_space<hbm>> -> memref<1x8x128xi32, #tpu.memory_space<hbm>>
        %dma_start3A_303 = tpu.memref_squeeze %dma_start3A_302 : memref<1x8x128xi32, #tpu.memory_space<hbm>> -> memref<8x128xi32, #tpu.memory_space<hbm>>
        %dma_start3A_304 = arith.constant 0 : i32
        %dma_start3A_305 = arith.constant 0 : i32
        %dma_start3A_306 = tpu.memref_slice %arg6[%rem3A_60, %dma_start3A_304, %dma_start3A_305] : memref<2x8x128xi32, #tpu.memory_space<vmem>> -> memref<1x8x128xi32, #tpu.memory_space<vmem>>
        %dma_start3A_307 = tpu.memref_squeeze %dma_start3A_306 : memref<1x8x128xi32, #tpu.memory_space<vmem>> -> memref<8x128xi32, #tpu.memory_space<vmem>>
        %dma_start3A_308 = arith.constant 0 : i32
        %dma_start3A_309 = arith.constant 0 : i32
        %dma_start3A_310 = tpu.memref_slice %arg3[%add3A_295, %dma_start3A_308, %dma_start3A_309] : memref<320x8x128xi32, #tpu.memory_space<hbm>> -> memref<1x8x128xi32, #tpu.memory_space<hbm>>
        %dma_start3A_311 = tpu.memref_squeeze %dma_start3A_310 : memref<1x8x128xi32, #tpu.memory_space<hbm>> -> memref<8x128xi32, #tpu.memory_space<hbm>>
        tpu.enqueue_dma source(%dma_start3A_311 : memref<8x128xi32, #tpu.memory_space<hbm>>) target(%dma_start3A_307 : memref<8x128xi32, #tpu.memory_space<vmem>>) target_semaphore(%arg14 : memref<!tpu.dma_semaphore, #tpu.memory_space<semaphore_mem>>)
        %add3A_312 = arith.addi %min3A_32, %while3A_55 : i32
        %add3A_313 = arith.constant 1 : i32
        %add3A_314 = arith.addi %add3A_312, %add3A_313 : i32
        %dma_start3A_315 = arith.constant 0 : i32
        %dma_start3A_316 = arith.constant 0 : i32
        %dma_start3A_317 = tpu.memref_slice %arg7[%rem3A_60, %dma_start3A_315, %dma_start3A_316] : memref<2x8x128xi32, #tpu.memory_space<vmem>> -> memref<1x8x128xi32, #tpu.memory_space<vmem>>
        %dma_start3A_318 = tpu.memref_squeeze %dma_start3A_317 : memref<1x8x128xi32, #tpu.memory_space<vmem>> -> memref<8x128xi32, #tpu.memory_space<vmem>>
        %dma_start3A_319 = arith.constant 0 : i32
        %dma_start3A_320 = arith.constant 0 : i32
        %dma_start3A_321 = tpu.memref_slice %arg4[%add3A_314, %dma_start3A_319, %dma_start3A_320] : memref<320x8x128xi32, #tpu.memory_space<hbm>> -> memref<1x8x128xi32, #tpu.memory_space<hbm>>
        %dma_start3A_322 = tpu.memref_squeeze %dma_start3A_321 : memref<1x8x128xi32, #tpu.memory_space<hbm>> -> memref<8x128xi32, #tpu.memory_space<hbm>>
        %dma_start3A_323 = arith.constant 0 : i32
        %dma_start3A_324 = arith.constant 0 : i32
        %dma_start3A_325 = tpu.memref_slice %arg7[%rem3A_60, %dma_start3A_323, %dma_start3A_324] : memref<2x8x128xi32, #tpu.memory_space<vmem>> -> memref<1x8x128xi32, #tpu.memory_space<vmem>>
        %dma_start3A_326 = tpu.memref_squeeze %dma_start3A_325 : memref<1x8x128xi32, #tpu.memory_space<vmem>> -> memref<8x128xi32, #tpu.memory_space<vmem>>
        %dma_start3A_327 = arith.constant 0 : i32
        %dma_start3A_328 = arith.constant 0 : i32
        %dma_start3A_329 = tpu.memref_slice %arg4[%add3A_314, %dma_start3A_327, %dma_start3A_328] : memref<320x8x128xi32, #tpu.memory_space<hbm>> -> memref<1x8x128xi32, #tpu.memory_space<hbm>>
        %dma_start3A_330 = tpu.memref_squeeze %dma_start3A_329 : memref<1x8x128xi32, #tpu.memory_space<hbm>> -> memref<8x128xi32, #tpu.memory_space<hbm>>
        tpu.enqueue_dma source(%dma_start3A_330 : memref<8x128xi32, #tpu.memory_space<hbm>>) target(%dma_start3A_326 : memref<8x128xi32, #tpu.memory_space<vmem>>) target_semaphore(%arg14 : memref<!tpu.dma_semaphore, #tpu.memory_space<semaphore_mem>>)
      } else {
      }
      %add3A_100 = arith.constant 1 : i32
      %add3A_101 = arith.addi %add3A_88, %add3A_100 : i32
      %lt3A_102 = arith.cmpi slt, %add3A_101, %select_n3A : i32
      %convert_element_type3A_103 = arith.extui %lt3A_102 : i1 to i32
      %cond3A_104 = arith.constant 0 : i32
      %cond3A_105 = arith.cmpi ne, %convert_element_type3A_103, %cond3A_104 : i32
      scf.if %cond3A_105 {
        %dma_start3A_293 = arith.constant 2 : i32
        %dma_start3A_294 = arith.constant 0 : i32
        %dma_start3A_295 = tpu.memref_slice %arg6[%rem3A_56, %dma_start3A_293, %dma_start3A_294] : memref<2x8x128xi32, #tpu.memory_space<vmem>> -> memref<1x1x128xi32, #tpu.memory_space<vmem>>
        %dma_start3A_296 = tpu.memref_squeeze %dma_start3A_295 : memref<1x1x128xi32, #tpu.memory_space<vmem>> -> memref<128xi32, #tpu.memory_space<vmem>>
        %dma_start3A_297 = arith.constant 0 : i32
        %dma_start3A_298 = arith.constant 0 : i32
        %dma_start3A_299 = tpu.memref_slice %arg2[%dma_start3A_297, %dma_start3A_298] : memref<10000x128xf32, #tpu.memory_space<hbm>> -> memref<10000x128xf32, #tpu.memory_space<hbm>>
        tpu.enqueue_indirect_dma source(%dma_start3A_299 : memref<10000x128xf32, #tpu.memory_space<hbm>>) target(%arg8 : memref<128x128xf32, #tpu.memory_space<vmem>>) offsets(%dma_start3A_296 : memref<128xi32, #tpu.memory_space<vmem>>) semaphore(%arg10 : memref<!tpu.dma_semaphore, #tpu.memory_space<semaphore_mem>>)
      } else {
      }
      %dma_wait3A_106 = arith.constant 0 : i32
      %dma_wait3A_107 = arith.constant 0 : i32
      %dma_wait3A_108 = tpu.memref_slice %arg2[%dma_wait3A_106, %dma_wait3A_107] : memref<10000x128xf32, #tpu.memory_space<hbm>> -> memref<128x128xf32, #tpu.memory_space<hbm>>
      %dma_wait3A_109 = arith.constant 0 : i32
      %dma_wait3A_110 = arith.constant 0 : i32
      %dma_wait3A_111 = tpu.memref_slice %arg2[%dma_wait3A_109, %dma_wait3A_110] : memref<10000x128xf32, #tpu.memory_space<hbm>> -> memref<128x128xf32, #tpu.memory_space<hbm>>
      tpu.wait_dma2 semaphore(%arg11 : memref<!tpu.dma_semaphore, #tpu.memory_space<semaphore_mem>>) src(%dma_wait3A_111 : memref<128x128xf32, #tpu.memory_space<hbm>>) dst(%arg9 : memref<128x128xf32, #tpu.memory_space<vmem>>)
      %dma_start3A_112 = arith.constant 1 : i32
      %dma_start3A_113 = arith.constant 0 : i32
      %dma_start3A_114 = tpu.memref_slice %arg7[%rem3A_56, %dma_start3A_112, %dma_start3A_113] : memref<2x8x128xi32, #tpu.memory_space<vmem>> -> memref<1x1x128xi32, #tpu.memory_space<vmem>>
      %dma_start3A_115 = tpu.memref_squeeze %dma_start3A_114 : memref<1x1x128xi32, #tpu.memory_space<vmem>> -> memref<128xi32, #tpu.memory_space<vmem>>
      %dma_start3A_116 = arith.constant 0 : i32
      %dma_start3A_117 = arith.constant 0 : i32
      %dma_start3A_118 = tpu.memref_slice %arg15[%dma_start3A_116, %dma_start3A_117] : memref<10112x128xf32, #tpu.memory_space<vmem_shared>> -> memref<10112x128xf32, #tpu.memory_space<vmem_shared>>
      tpu.enqueue_indirect_dma source(%arg9 : memref<128x128xf32, #tpu.memory_space<vmem>>) target(%dma_start3A_118 : memref<10112x128xf32, #tpu.memory_space<vmem_shared>>) offsets(%dma_start3A_115 : memref<128xi32, #tpu.memory_space<vmem>>) semaphore(%arg13 : memref<!tpu.dma_semaphore, #tpu.memory_space<semaphore_mem>>) {add = true}
      %mul3A_119 = arith.constant 8 : i32
      %mul3A_120 = arith.muli %while3A_55, %mul3A_119 : i32
      %add3A_121 = arith.constant 2 : i32
      %add3A_122 = arith.addi %mul3A_120, %add3A_121 : i32
      %ge3A_123 = arith.constant 1 : i32
      %ge3A_124 = arith.cmpi sge, %add3A_122, %ge3A_123 : i32
      %convert_element_type3A_125 = arith.extui %ge3A_124 : i1 to i32
      %cond3A_126 = arith.constant 0 : i32
      %cond3A_127 = arith.cmpi ne, %convert_element_type3A_125, %cond3A_126 : i32
      scf.if %cond3A_127 {
        %dma_wait3A_293 = arith.constant 0 : i32
        %dma_wait3A_294 = arith.constant 0 : i32
        %dma_wait3A_295 = arith.constant 0 : i32
        %dma_wait3A_296 = tpu.memref_slice %arg7[%dma_wait3A_293, %dma_wait3A_294, %dma_wait3A_295] : memref<2x8x128xi32, #tpu.memory_space<vmem>> -> memref<1x1x128xi32, #tpu.memory_space<vmem>>
        %dma_wait3A_297 = tpu.memref_squeeze %dma_wait3A_296 : memref<1x1x128xi32, #tpu.memory_space<vmem>> -> memref<128xi32, #tpu.memory_space<vmem>>
        %dma_wait3A_298 = arith.constant 0 : i32
        %dma_wait3A_299 = arith.constant 0 : i32
        %dma_wait3A_300 = tpu.memref_slice %arg15[%dma_wait3A_298, %dma_wait3A_299] : memref<10112x128xf32, #tpu.memory_space<vmem_shared>> -> memref<10112x128xf32, #tpu.memory_space<vmem_shared>>
        tpu.wait_indirect_dma semaphore(%arg13 : memref<!tpu.dma_semaphore, #tpu.memory_space<semaphore_mem>>) src(%arg9 : memref<128x128xf32, #tpu.memory_space<vmem>>) dst(%dma_wait3A_300 : memref<10112x128xf32, #tpu.memory_space<vmem_shared>>)
      } else {
      }
      %add3A_128 = arith.constant 1 : i32
      %add3A_129 = arith.addi %add3A_122, %add3A_128 : i32
      %lt3A_130 = arith.cmpi slt, %add3A_129, %select_n3A : i32
      %convert_element_type3A_131 = arith.extui %lt3A_130 : i1 to i32
      %cond3A_132 = arith.constant 0 : i32
      %cond3A_133 = arith.cmpi ne, %convert_element_type3A_131, %cond3A_132 : i32
      scf.if %cond3A_133 {
        %dma_start3A_293 = arith.constant 3 : i32
        %dma_start3A_294 = arith.constant 0 : i32
        %dma_start3A_295 = tpu.memref_slice %arg6[%rem3A_56, %dma_start3A_293, %dma_start3A_294] : memref<2x8x128xi32, #tpu.memory_space<vmem>> -> memref<1x1x128xi32, #tpu.memory_space<vmem>>
        %dma_start3A_296 = tpu.memref_squeeze %dma_start3A_295 : memref<1x1x128xi32, #tpu.memory_space<vmem>> -> memref<128xi32, #tpu.memory_space<vmem>>
        %dma_start3A_297 = arith.constant 0 : i32
        %dma_start3A_298 = arith.constant 0 : i32
        %dma_start3A_299 = tpu.memref_slice %arg2[%dma_start3A_297, %dma_start3A_298] : memref<10000x128xf32, #tpu.memory_space<hbm>> -> memref<10000x128xf32, #tpu.memory_space<hbm>>
        tpu.enqueue_indirect_dma source(%dma_start3A_299 : memref<10000x128xf32, #tpu.memory_space<hbm>>) target(%arg9 : memref<128x128xf32, #tpu.memory_space<vmem>>) offsets(%dma_start3A_296 : memref<128xi32, #tpu.memory_space<vmem>>) semaphore(%arg11 : memref<!tpu.dma_semaphore, #tpu.memory_space<semaphore_mem>>)
      } else {
      }
      %dma_wait3A_134 = arith.constant 0 : i32
      %dma_wait3A_135 = arith.constant 0 : i32
      %dma_wait3A_136 = tpu.memref_slice %arg2[%dma_wait3A_134, %dma_wait3A_135] : memref<10000x128xf32, #tpu.memory_space<hbm>> -> memref<128x128xf32, #tpu.memory_space<hbm>>
      %dma_wait3A_137 = arith.constant 0 : i32
      %dma_wait3A_138 = arith.constant 0 : i32
      %dma_wait3A_139 = tpu.memref_slice %arg2[%dma_wait3A_137, %dma_wait3A_138] : memref<10000x128xf32, #tpu.memory_space<hbm>> -> memref<128x128xf32, #tpu.memory_space<hbm>>
      tpu.wait_dma2 semaphore(%arg10 : memref<!tpu.dma_semaphore, #tpu.memory_space<semaphore_mem>>) src(%dma_wait3A_139 : memref<128x128xf32, #tpu.memory_space<hbm>>) dst(%arg8 : memref<128x128xf32, #tpu.memory_space<vmem>>)
      %dma_start3A_140 = arith.constant 2 : i32
      %dma_start3A_141 = arith.constant 0 : i32
      %dma_start3A_142 = tpu.memref_slice %arg7[%rem3A_56, %dma_start3A_140, %dma_start3A_141] : memref<2x8x128xi32, #tpu.memory_space<vmem>> -> memref<1x1x128xi32, #tpu.memory_space<vmem>>
      %dma_start3A_143 = tpu.memref_squeeze %dma_start3A_142 : memref<1x1x128xi32, #tpu.memory_space<vmem>> -> memref<128xi32, #tpu.memory_space<vmem>>
      %dma_start3A_144 = arith.constant 0 : i32
      %dma_start3A_145 = arith.constant 0 : i32
      %dma_start3A_146 = tpu.memref_slice %arg15[%dma_start3A_144, %dma_start3A_145] : memref<10112x128xf32, #tpu.memory_space<vmem_shared>> -> memref<10112x128xf32, #tpu.memory_space<vmem_shared>>
      tpu.enqueue_indirect_dma source(%arg8 : memref<128x128xf32, #tpu.memory_space<vmem>>) target(%dma_start3A_146 : memref<10112x128xf32, #tpu.memory_space<vmem_shared>>) offsets(%dma_start3A_143 : memref<128xi32, #tpu.memory_space<vmem>>) semaphore(%arg12 : memref<!tpu.dma_semaphore, #tpu.memory_space<semaphore_mem>>) {add = true}
      %mul3A_147 = arith.constant 8 : i32
      %mul3A_148 = arith.muli %while3A_55, %mul3A_147 : i32
      %add3A_149 = arith.constant 3 : i32
      %add3A_150 = arith.addi %mul3A_148, %add3A_149 : i32
      %ge3A_151 = arith.constant 1 : i32
      %ge3A_152 = arith.cmpi sge, %add3A_150, %ge3A_151 : i32
      %convert_element_type3A_153 = arith.extui %ge3A_152 : i1 to i32
      %cond3A_154 = arith.constant 0 : i32
      %cond3A_155 = arith.cmpi ne, %convert_element_type3A_153, %cond3A_154 : i32
      scf.if %cond3A_155 {
        %dma_wait3A_293 = arith.constant 0 : i32
        %dma_wait3A_294 = arith.constant 0 : i32
        %dma_wait3A_295 = arith.constant 0 : i32
        %dma_wait3A_296 = tpu.memref_slice %arg7[%dma_wait3A_293, %dma_wait3A_294, %dma_wait3A_295] : memref<2x8x128xi32, #tpu.memory_space<vmem>> -> memref<1x1x128xi32, #tpu.memory_space<vmem>>
        %dma_wait3A_297 = tpu.memref_squeeze %dma_wait3A_296 : memref<1x1x128xi32, #tpu.memory_space<vmem>> -> memref<128xi32, #tpu.memory_space<vmem>>
        %dma_wait3A_298 = arith.constant 0 : i32
        %dma_wait3A_299 = arith.constant 0 : i32
        %dma_wait3A_300 = tpu.memref_slice %arg15[%dma_wait3A_298, %dma_wait3A_299] : memref<10112x128xf32, #tpu.memory_space<vmem_shared>> -> memref<10112x128xf32, #tpu.memory_space<vmem_shared>>
        tpu.wait_indirect_dma semaphore(%arg12 : memref<!tpu.dma_semaphore, #tpu.memory_space<semaphore_mem>>) src(%arg8 : memref<128x128xf32, #tpu.memory_space<vmem>>) dst(%dma_wait3A_300 : memref<10112x128xf32, #tpu.memory_space<vmem_shared>>)
      } else {
      }
      %add3A_156 = arith.constant 1 : i32
      %add3A_157 = arith.addi %add3A_150, %add3A_156 : i32
      %lt3A_158 = arith.cmpi slt, %add3A_157, %select_n3A : i32
      %convert_element_type3A_159 = arith.extui %lt3A_158 : i1 to i32
      %cond3A_160 = arith.constant 0 : i32
      %cond3A_161 = arith.cmpi ne, %convert_element_type3A_159, %cond3A_160 : i32
      scf.if %cond3A_161 {
        %dma_start3A_293 = arith.constant 4 : i32
        %dma_start3A_294 = arith.constant 0 : i32
        %dma_start3A_295 = tpu.memref_slice %arg6[%rem3A_56, %dma_start3A_293, %dma_start3A_294] : memref<2x8x128xi32, #tpu.memory_space<vmem>> -> memref<1x1x128xi32, #tpu.memory_space<vmem>>
        %dma_start3A_296 = tpu.memref_squeeze %dma_start3A_295 : memref<1x1x128xi32, #tpu.memory_space<vmem>> -> memref<128xi32, #tpu.memory_space<vmem>>
        %dma_start3A_297 = arith.constant 0 : i32
        %dma_start3A_298 = arith.constant 0 : i32
        %dma_start3A_299 = tpu.memref_slice %arg2[%dma_start3A_297, %dma_start3A_298] : memref<10000x128xf32, #tpu.memory_space<hbm>> -> memref<10000x128xf32, #tpu.memory_space<hbm>>
        tpu.enqueue_indirect_dma source(%dma_start3A_299 : memref<10000x128xf32, #tpu.memory_space<hbm>>) target(%arg8 : memref<128x128xf32, #tpu.memory_space<vmem>>) offsets(%dma_start3A_296 : memref<128xi32, #tpu.memory_space<vmem>>) semaphore(%arg10 : memref<!tpu.dma_semaphore, #tpu.memory_space<semaphore_mem>>)
      } else {
      }
      %dma_wait3A_162 = arith.constant 0 : i32
      %dma_wait3A_163 = arith.constant 0 : i32
      %dma_wait3A_164 = tpu.memref_slice %arg2[%dma_wait3A_162, %dma_wait3A_163] : memref<10000x128xf32, #tpu.memory_space<hbm>> -> memref<128x128xf32, #tpu.memory_space<hbm>>
      %dma_wait3A_165 = arith.constant 0 : i32
      %dma_wait3A_166 = arith.constant 0 : i32
      %dma_wait3A_167 = tpu.memref_slice %arg2[%dma_wait3A_165, %dma_wait3A_166] : memref<10000x128xf32, #tpu.memory_space<hbm>> -> memref<128x128xf32, #tpu.memory_space<hbm>>
      tpu.wait_dma2 semaphore(%arg11 : memref<!tpu.dma_semaphore, #tpu.memory_space<semaphore_mem>>) src(%dma_wait3A_167 : memref<128x128xf32, #tpu.memory_space<hbm>>) dst(%arg9 : memref<128x128xf32, #tpu.memory_space<vmem>>)
      %dma_start3A_168 = arith.constant 3 : i32
      %dma_start3A_169 = arith.constant 0 : i32
      %dma_start3A_170 = tpu.memref_slice %arg7[%rem3A_56, %dma_start3A_168, %dma_start3A_169] : memref<2x8x128xi32, #tpu.memory_space<vmem>> -> memref<1x1x128xi32, #tpu.memory_space<vmem>>
      %dma_start3A_171 = tpu.memref_squeeze %dma_start3A_170 : memref<1x1x128xi32, #tpu.memory_space<vmem>> -> memref<128xi32, #tpu.memory_space<vmem>>
      %dma_start3A_172 = arith.constant 0 : i32
      %dma_start3A_173 = arith.constant 0 : i32
      %dma_start3A_174 = tpu.memref_slice %arg15[%dma_start3A_172, %dma_start3A_173] : memref<10112x128xf32, #tpu.memory_space<vmem_shared>> -> memref<10112x128xf32, #tpu.memory_space<vmem_shared>>
      tpu.enqueue_indirect_dma source(%arg9 : memref<128x128xf32, #tpu.memory_space<vmem>>) target(%dma_start3A_174 : memref<10112x128xf32, #tpu.memory_space<vmem_shared>>) offsets(%dma_start3A_171 : memref<128xi32, #tpu.memory_space<vmem>>) semaphore(%arg13 : memref<!tpu.dma_semaphore, #tpu.memory_space<semaphore_mem>>) {add = true}
      %mul3A_175 = arith.constant 8 : i32
      %mul3A_176 = arith.muli %while3A_55, %mul3A_175 : i32
      %add3A_177 = arith.constant 4 : i32
      %add3A_178 = arith.addi %mul3A_176, %add3A_177 : i32
      %ge3A_179 = arith.constant 1 : i32
      %ge3A_180 = arith.cmpi sge, %add3A_178, %ge3A_179 : i32
      %convert_element_type3A_181 = arith.extui %ge3A_180 : i1 to i32
      %cond3A_182 = arith.constant 0 : i32
      %cond3A_183 = arith.cmpi ne, %convert_element_type3A_181, %cond3A_182 : i32
      scf.if %cond3A_183 {
        %dma_wait3A_293 = arith.constant 0 : i32
        %dma_wait3A_294 = arith.constant 0 : i32
        %dma_wait3A_295 = arith.constant 0 : i32
        %dma_wait3A_296 = tpu.memref_slice %arg7[%dma_wait3A_293, %dma_wait3A_294, %dma_wait3A_295] : memref<2x8x128xi32, #tpu.memory_space<vmem>> -> memref<1x1x128xi32, #tpu.memory_space<vmem>>
        %dma_wait3A_297 = tpu.memref_squeeze %dma_wait3A_296 : memref<1x1x128xi32, #tpu.memory_space<vmem>> -> memref<128xi32, #tpu.memory_space<vmem>>
        %dma_wait3A_298 = arith.constant 0 : i32
        %dma_wait3A_299 = arith.constant 0 : i32
        %dma_wait3A_300 = tpu.memref_slice %arg15[%dma_wait3A_298, %dma_wait3A_299] : memref<10112x128xf32, #tpu.memory_space<vmem_shared>> -> memref<10112x128xf32, #tpu.memory_space<vmem_shared>>
        tpu.wait_indirect_dma semaphore(%arg13 : memref<!tpu.dma_semaphore, #tpu.memory_space<semaphore_mem>>) src(%arg9 : memref<128x128xf32, #tpu.memory_space<vmem>>) dst(%dma_wait3A_300 : memref<10112x128xf32, #tpu.memory_space<vmem_shared>>)
      } else {
      }
      %add3A_184 = arith.constant 1 : i32
      %add3A_185 = arith.addi %add3A_178, %add3A_184 : i32
      %lt3A_186 = arith.cmpi slt, %add3A_185, %select_n3A : i32
      %convert_element_type3A_187 = arith.extui %lt3A_186 : i1 to i32
      %cond3A_188 = arith.constant 0 : i32
      %cond3A_189 = arith.cmpi ne, %convert_element_type3A_187, %cond3A_188 : i32
      scf.if %cond3A_189 {
        %dma_start3A_293 = arith.constant 5 : i32
        %dma_start3A_294 = arith.constant 0 : i32
        %dma_start3A_295 = tpu.memref_slice %arg6[%rem3A_56, %dma_start3A_293, %dma_start3A_294] : memref<2x8x128xi32, #tpu.memory_space<vmem>> -> memref<1x1x128xi32, #tpu.memory_space<vmem>>
        %dma_start3A_296 = tpu.memref_squeeze %dma_start3A_295 : memref<1x1x128xi32, #tpu.memory_space<vmem>> -> memref<128xi32, #tpu.memory_space<vmem>>
        %dma_start3A_297 = arith.constant 0 : i32
        %dma_start3A_298 = arith.constant 0 : i32
        %dma_start3A_299 = tpu.memref_slice %arg2[%dma_start3A_297, %dma_start3A_298] : memref<10000x128xf32, #tpu.memory_space<hbm>> -> memref<10000x128xf32, #tpu.memory_space<hbm>>
        tpu.enqueue_indirect_dma source(%dma_start3A_299 : memref<10000x128xf32, #tpu.memory_space<hbm>>) target(%arg9 : memref<128x128xf32, #tpu.memory_space<vmem>>) offsets(%dma_start3A_296 : memref<128xi32, #tpu.memory_space<vmem>>) semaphore(%arg11 : memref<!tpu.dma_semaphore, #tpu.memory_space<semaphore_mem>>)
      } else {
      }
      %dma_wait3A_190 = arith.constant 0 : i32
      %dma_wait3A_191 = arith.constant 0 : i32
      %dma_wait3A_192 = tpu.memref_slice %arg2[%dma_wait3A_190, %dma_wait3A_191] : memref<10000x128xf32, #tpu.memory_space<hbm>> -> memref<128x128xf32, #tpu.memory_space<hbm>>
      %dma_wait3A_193 = arith.constant 0 : i32
      %dma_wait3A_194 = arith.constant 0 : i32
      %dma_wait3A_195 = tpu.memref_slice %arg2[%dma_wait3A_193, %dma_wait3A_194] : memref<10000x128xf32, #tpu.memory_space<hbm>> -> memref<128x128xf32, #tpu.memory_space<hbm>>
      tpu.wait_dma2 semaphore(%arg10 : memref<!tpu.dma_semaphore, #tpu.memory_space<semaphore_mem>>) src(%dma_wait3A_195 : memref<128x128xf32, #tpu.memory_space<hbm>>) dst(%arg8 : memref<128x128xf32, #tpu.memory_space<vmem>>)
      %dma_start3A_196 = arith.constant 4 : i32
      %dma_start3A_197 = arith.constant 0 : i32
      %dma_start3A_198 = tpu.memref_slice %arg7[%rem3A_56, %dma_start3A_196, %dma_start3A_197] : memref<2x8x128xi32, #tpu.memory_space<vmem>> -> memref<1x1x128xi32, #tpu.memory_space<vmem>>
      %dma_start3A_199 = tpu.memref_squeeze %dma_start3A_198 : memref<1x1x128xi32, #tpu.memory_space<vmem>> -> memref<128xi32, #tpu.memory_space<vmem>>
      %dma_start3A_200 = arith.constant 0 : i32
      %dma_start3A_201 = arith.constant 0 : i32
      %dma_start3A_202 = tpu.memref_slice %arg15[%dma_start3A_200, %dma_start3A_201] : memref<10112x128xf32, #tpu.memory_space<vmem_shared>> -> memref<10112x128xf32, #tpu.memory_space<vmem_shared>>
      tpu.enqueue_indirect_dma source(%arg8 : memref<128x128xf32, #tpu.memory_space<vmem>>) target(%dma_start3A_202 : memref<10112x128xf32, #tpu.memory_space<vmem_shared>>) offsets(%dma_start3A_199 : memref<128xi32, #tpu.memory_space<vmem>>) semaphore(%arg12 : memref<!tpu.dma_semaphore, #tpu.memory_space<semaphore_mem>>) {add = true}
      %mul3A_203 = arith.constant 8 : i32
      %mul3A_204 = arith.muli %while3A_55, %mul3A_203 : i32
      %add3A_205 = arith.constant 5 : i32
      %add3A_206 = arith.addi %mul3A_204, %add3A_205 : i32
      %ge3A_207 = arith.constant 1 : i32
      %ge3A_208 = arith.cmpi sge, %add3A_206, %ge3A_207 : i32
      %convert_element_type3A_209 = arith.extui %ge3A_208 : i1 to i32
      %cond3A_210 = arith.constant 0 : i32
      %cond3A_211 = arith.cmpi ne, %convert_element_type3A_209, %cond3A_210 : i32
      scf.if %cond3A_211 {
        %dma_wait3A_293 = arith.constant 0 : i32
        %dma_wait3A_294 = arith.constant 0 : i32
        %dma_wait3A_295 = arith.constant 0 : i32
        %dma_wait3A_296 = tpu.memref_slice %arg7[%dma_wait3A_293, %dma_wait3A_294, %dma_wait3A_295] : memref<2x8x128xi32, #tpu.memory_space<vmem>> -> memref<1x1x128xi32, #tpu.memory_space<vmem>>
        %dma_wait3A_297 = tpu.memref_squeeze %dma_wait3A_296 : memref<1x1x128xi32, #tpu.memory_space<vmem>> -> memref<128xi32, #tpu.memory_space<vmem>>
        %dma_wait3A_298 = arith.constant 0 : i32
        %dma_wait3A_299 = arith.constant 0 : i32
        %dma_wait3A_300 = tpu.memref_slice %arg15[%dma_wait3A_298, %dma_wait3A_299] : memref<10112x128xf32, #tpu.memory_space<vmem_shared>> -> memref<10112x128xf32, #tpu.memory_space<vmem_shared>>
        tpu.wait_indirect_dma semaphore(%arg12 : memref<!tpu.dma_semaphore, #tpu.memory_space<semaphore_mem>>) src(%arg8 : memref<128x128xf32, #tpu.memory_space<vmem>>) dst(%dma_wait3A_300 : memref<10112x128xf32, #tpu.memory_space<vmem_shared>>)
      } else {
      }
      %add3A_212 = arith.constant 1 : i32
      %add3A_213 = arith.addi %add3A_206, %add3A_212 : i32
      %lt3A_214 = arith.cmpi slt, %add3A_213, %select_n3A : i32
      %convert_element_type3A_215 = arith.extui %lt3A_214 : i1 to i32
      %cond3A_216 = arith.constant 0 : i32
      %cond3A_217 = arith.cmpi ne, %convert_element_type3A_215, %cond3A_216 : i32
      scf.if %cond3A_217 {
        %dma_start3A_293 = arith.constant 6 : i32
        %dma_start3A_294 = arith.constant 0 : i32
        %dma_start3A_295 = tpu.memref_slice %arg6[%rem3A_56, %dma_start3A_293, %dma_start3A_294] : memref<2x8x128xi32, #tpu.memory_space<vmem>> -> memref<1x1x128xi32, #tpu.memory_space<vmem>>
        %dma_start3A_296 = tpu.memref_squeeze %dma_start3A_295 : memref<1x1x128xi32, #tpu.memory_space<vmem>> -> memref<128xi32, #tpu.memory_space<vmem>>
        %dma_start3A_297 = arith.constant 0 : i32
        %dma_start3A_298 = arith.constant 0 : i32
        %dma_start3A_299 = tpu.memref_slice %arg2[%dma_start3A_297, %dma_start3A_298] : memref<10000x128xf32, #tpu.memory_space<hbm>> -> memref<10000x128xf32, #tpu.memory_space<hbm>>
        tpu.enqueue_indirect_dma source(%dma_start3A_299 : memref<10000x128xf32, #tpu.memory_space<hbm>>) target(%arg8 : memref<128x128xf32, #tpu.memory_space<vmem>>) offsets(%dma_start3A_296 : memref<128xi32, #tpu.memory_space<vmem>>) semaphore(%arg10 : memref<!tpu.dma_semaphore, #tpu.memory_space<semaphore_mem>>)
      } else {
      }
      %dma_wait3A_218 = arith.constant 0 : i32
      %dma_wait3A_219 = arith.constant 0 : i32
      %dma_wait3A_220 = tpu.memref_slice %arg2[%dma_wait3A_218, %dma_wait3A_219] : memref<10000x128xf32, #tpu.memory_space<hbm>> -> memref<128x128xf32, #tpu.memory_space<hbm>>
      %dma_wait3A_221 = arith.constant 0 : i32
      %dma_wait3A_222 = arith.constant 0 : i32
      %dma_wait3A_223 = tpu.memref_slice %arg2[%dma_wait3A_221, %dma_wait3A_222] : memref<10000x128xf32, #tpu.memory_space<hbm>> -> memref<128x128xf32, #tpu.memory_space<hbm>>
      tpu.wait_dma2 semaphore(%arg11 : memref<!tpu.dma_semaphore, #tpu.memory_space<semaphore_mem>>) src(%dma_wait3A_223 : memref<128x128xf32, #tpu.memory_space<hbm>>) dst(%arg9 : memref<128x128xf32, #tpu.memory_space<vmem>>)
      %dma_start3A_224 = arith.constant 5 : i32
      %dma_start3A_225 = arith.constant 0 : i32
      %dma_start3A_226 = tpu.memref_slice %arg7[%rem3A_56, %dma_start3A_224, %dma_start3A_225] : memref<2x8x128xi32, #tpu.memory_space<vmem>> -> memref<1x1x128xi32, #tpu.memory_space<vmem>>
      %dma_start3A_227 = tpu.memref_squeeze %dma_start3A_226 : memref<1x1x128xi32, #tpu.memory_space<vmem>> -> memref<128xi32, #tpu.memory_space<vmem>>
      %dma_start3A_228 = arith.constant 0 : i32
      %dma_start3A_229 = arith.constant 0 : i32
      %dma_start3A_230 = tpu.memref_slice %arg15[%dma_start3A_228, %dma_start3A_229] : memref<10112x128xf32, #tpu.memory_space<vmem_shared>> -> memref<10112x128xf32, #tpu.memory_space<vmem_shared>>
      tpu.enqueue_indirect_dma source(%arg9 : memref<128x128xf32, #tpu.memory_space<vmem>>) target(%dma_start3A_230 : memref<10112x128xf32, #tpu.memory_space<vmem_shared>>) offsets(%dma_start3A_227 : memref<128xi32, #tpu.memory_space<vmem>>) semaphore(%arg13 : memref<!tpu.dma_semaphore, #tpu.memory_space<semaphore_mem>>) {add = true}
      %mul3A_231 = arith.constant 8 : i32
      %mul3A_232 = arith.muli %while3A_55, %mul3A_231 : i32
      %add3A_233 = arith.constant 6 : i32
      %add3A_234 = arith.addi %mul3A_232, %add3A_233 : i32
      %ge3A_235 = arith.constant 1 : i32
      %ge3A_236 = arith.cmpi sge, %add3A_234, %ge3A_235 : i32
      %convert_element_type3A_237 = arith.extui %ge3A_236 : i1 to i32
      %cond3A_238 = arith.constant 0 : i32
      %cond3A_239 = arith.cmpi ne, %convert_element_type3A_237, %cond3A_238 : i32
      scf.if %cond3A_239 {
        %dma_wait3A_293 = arith.constant 0 : i32
        %dma_wait3A_294 = arith.constant 0 : i32
        %dma_wait3A_295 = arith.constant 0 : i32
        %dma_wait3A_296 = tpu.memref_slice %arg7[%dma_wait3A_293, %dma_wait3A_294, %dma_wait3A_295] : memref<2x8x128xi32, #tpu.memory_space<vmem>> -> memref<1x1x128xi32, #tpu.memory_space<vmem>>
        %dma_wait3A_297 = tpu.memref_squeeze %dma_wait3A_296 : memref<1x1x128xi32, #tpu.memory_space<vmem>> -> memref<128xi32, #tpu.memory_space<vmem>>
        %dma_wait3A_298 = arith.constant 0 : i32
        %dma_wait3A_299 = arith.constant 0 : i32
        %dma_wait3A_300 = tpu.memref_slice %arg15[%dma_wait3A_298, %dma_wait3A_299] : memref<10112x128xf32, #tpu.memory_space<vmem_shared>> -> memref<10112x128xf32, #tpu.memory_space<vmem_shared>>
        tpu.wait_indirect_dma semaphore(%arg13 : memref<!tpu.dma_semaphore, #tpu.memory_space<semaphore_mem>>) src(%arg9 : memref<128x128xf32, #tpu.memory_space<vmem>>) dst(%dma_wait3A_300 : memref<10112x128xf32, #tpu.memory_space<vmem_shared>>)
      } else {
      }
      %add3A_240 = arith.constant 1 : i32
      %add3A_241 = arith.addi %while3A_55, %add3A_240 : i32
      %lt3A_242 = arith.cmpi slt, %add3A_241, %select_n3A_22 : i32
      %convert_element_type3A_243 = arith.extui %lt3A_242 : i1 to i32
      %cond3A_244 = arith.constant 0 : i32
      %cond3A_245 = arith.cmpi ne, %convert_element_type3A_243, %cond3A_244 : i32
      scf.if %cond3A_245 {
        %dma_wait3A_293 = arith.constant 0 : i32
        %dma_wait3A_294 = arith.constant 0 : i32
        %dma_wait3A_295 = arith.constant 0 : i32
        %dma_wait3A_296 = arith.constant 0 : i32
        %dma_wait3A_297 = tpu.memref_slice %arg6[%dma_wait3A_294, %dma_wait3A_295, %dma_wait3A_296] : memref<2x8x128xi32, #tpu.memory_space<vmem>> -> memref<1x8x128xi32, #tpu.memory_space<vmem>>
        %dma_wait3A_298 = tpu.memref_squeeze %dma_wait3A_297 : memref<1x8x128xi32, #tpu.memory_space<vmem>> -> memref<8x128xi32, #tpu.memory_space<vmem>>
        %dma_wait3A_299 = arith.constant 0 : i32
        %dma_wait3A_300 = arith.constant 0 : i32
        %dma_wait3A_301 = tpu.memref_slice %arg3[%dma_wait3A_293, %dma_wait3A_299, %dma_wait3A_300] : memref<320x8x128xi32, #tpu.memory_space<hbm>> -> memref<1x8x128xi32, #tpu.memory_space<hbm>>
        %dma_wait3A_302 = tpu.memref_squeeze %dma_wait3A_301 : memref<1x8x128xi32, #tpu.memory_space<hbm>> -> memref<8x128xi32, #tpu.memory_space<hbm>>
        %dma_wait3A_303 = arith.constant 0 : i32
        %dma_wait3A_304 = arith.constant 0 : i32
        %dma_wait3A_305 = tpu.memref_slice %arg6[%dma_wait3A_294, %dma_wait3A_303, %dma_wait3A_304] : memref<2x8x128xi32, #tpu.memory_space<vmem>> -> memref<1x8x128xi32, #tpu.memory_space<vmem>>
        %dma_wait3A_306 = tpu.memref_squeeze %dma_wait3A_305 : memref<1x8x128xi32, #tpu.memory_space<vmem>> -> memref<8x128xi32, #tpu.memory_space<vmem>>
        %dma_wait3A_307 = arith.constant 0 : i32
        %dma_wait3A_308 = arith.constant 0 : i32
        %dma_wait3A_309 = tpu.memref_slice %arg3[%dma_wait3A_293, %dma_wait3A_307, %dma_wait3A_308] : memref<320x8x128xi32, #tpu.memory_space<hbm>> -> memref<1x8x128xi32, #tpu.memory_space<hbm>>
        %dma_wait3A_310 = tpu.memref_squeeze %dma_wait3A_309 : memref<1x8x128xi32, #tpu.memory_space<hbm>> -> memref<8x128xi32, #tpu.memory_space<hbm>>
        tpu.wait_dma2 semaphore(%arg14 : memref<!tpu.dma_semaphore, #tpu.memory_space<semaphore_mem>>) src(%dma_wait3A_310 : memref<8x128xi32, #tpu.memory_space<hbm>>) dst(%dma_wait3A_306 : memref<8x128xi32, #tpu.memory_space<vmem>>)
        %dma_wait3A_311 = arith.constant 0 : i32
        %dma_wait3A_312 = arith.constant 0 : i32
        %dma_wait3A_313 = arith.constant 0 : i32
        %dma_wait3A_314 = arith.constant 0 : i32
        %dma_wait3A_315 = tpu.memref_slice %arg7[%dma_wait3A_312, %dma_wait3A_313, %dma_wait3A_314] : memref<2x8x128xi32, #tpu.memory_space<vmem>> -> memref<1x8x128xi32, #tpu.memory_space<vmem>>
        %dma_wait3A_316 = tpu.memref_squeeze %dma_wait3A_315 : memref<1x8x128xi32, #tpu.memory_space<vmem>> -> memref<8x128xi32, #tpu.memory_space<vmem>>
        %dma_wait3A_317 = arith.constant 0 : i32
        %dma_wait3A_318 = arith.constant 0 : i32
        %dma_wait3A_319 = tpu.memref_slice %arg4[%dma_wait3A_311, %dma_wait3A_317, %dma_wait3A_318] : memref<320x8x128xi32, #tpu.memory_space<hbm>> -> memref<1x8x128xi32, #tpu.memory_space<hbm>>
        %dma_wait3A_320 = tpu.memref_squeeze %dma_wait3A_319 : memref<1x8x128xi32, #tpu.memory_space<hbm>> -> memref<8x128xi32, #tpu.memory_space<hbm>>
        %dma_wait3A_321 = arith.constant 0 : i32
        %dma_wait3A_322 = arith.constant 0 : i32
        %dma_wait3A_323 = tpu.memref_slice %arg7[%dma_wait3A_312, %dma_wait3A_321, %dma_wait3A_322] : memref<2x8x128xi32, #tpu.memory_space<vmem>> -> memref<1x8x128xi32, #tpu.memory_space<vmem>>
        %dma_wait3A_324 = tpu.memref_squeeze %dma_wait3A_323 : memref<1x8x128xi32, #tpu.memory_space<vmem>> -> memref<8x128xi32, #tpu.memory_space<vmem>>
        %dma_wait3A_325 = arith.constant 0 : i32
        %dma_wait3A_326 = arith.constant 0 : i32
        %dma_wait3A_327 = tpu.memref_slice %arg4[%dma_wait3A_311, %dma_wait3A_325, %dma_wait3A_326] : memref<320x8x128xi32, #tpu.memory_space<hbm>> -> memref<1x8x128xi32, #tpu.memory_space<hbm>>
        %dma_wait3A_328 = tpu.memref_squeeze %dma_wait3A_327 : memref<1x8x128xi32, #tpu.memory_space<hbm>> -> memref<8x128xi32, #tpu.memory_space<hbm>>
        tpu.wait_dma2 semaphore(%arg14 : memref<!tpu.dma_semaphore, #tpu.memory_space<semaphore_mem>>) src(%dma_wait3A_328 : memref<8x128xi32, #tpu.memory_space<hbm>>) dst(%dma_wait3A_324 : memref<8x128xi32, #tpu.memory_space<vmem>>)
      } else {
      }
      %add3A_246 = arith.constant 1 : i32
      %add3A_247 = arith.addi %add3A_234, %add3A_246 : i32
      %lt3A_248 = arith.cmpi slt, %add3A_247, %select_n3A : i32
      %convert_element_type3A_249 = arith.extui %lt3A_248 : i1 to i32
      %cond3A_250 = arith.constant 0 : i32
      %cond3A_251 = arith.cmpi ne, %convert_element_type3A_249, %cond3A_250 : i32
      scf.if %cond3A_251 {
        %dma_start3A_293 = arith.constant 7 : i32
        %dma_start3A_294 = arith.constant 0 : i32
        %dma_start3A_295 = tpu.memref_slice %arg6[%rem3A_56, %dma_start3A_293, %dma_start3A_294] : memref<2x8x128xi32, #tpu.memory_space<vmem>> -> memref<1x1x128xi32, #tpu.memory_space<vmem>>
        %dma_start3A_296 = tpu.memref_squeeze %dma_start3A_295 : memref<1x1x128xi32, #tpu.memory_space<vmem>> -> memref<128xi32, #tpu.memory_space<vmem>>
        %dma_start3A_297 = arith.constant 0 : i32
        %dma_start3A_298 = arith.constant 0 : i32
        %dma_start3A_299 = tpu.memref_slice %arg2[%dma_start3A_297, %dma_start3A_298] : memref<10000x128xf32, #tpu.memory_space<hbm>> -> memref<10000x128xf32, #tpu.memory_space<hbm>>
        tpu.enqueue_indirect_dma source(%dma_start3A_299 : memref<10000x128xf32, #tpu.memory_space<hbm>>) target(%arg9 : memref<128x128xf32, #tpu.memory_space<vmem>>) offsets(%dma_start3A_296 : memref<128xi32, #tpu.memory_space<vmem>>) semaphore(%arg11 : memref<!tpu.dma_semaphore, #tpu.memory_space<semaphore_mem>>)
      } else {
      }
      %dma_wait3A_252 = arith.constant 0 : i32
      %dma_wait3A_253 = arith.constant 0 : i32
      %dma_wait3A_254 = tpu.memref_slice %arg2[%dma_wait3A_252, %dma_wait3A_253] : memref<10000x128xf32, #tpu.memory_space<hbm>> -> memref<128x128xf32, #tpu.memory_space<hbm>>
      %dma_wait3A_255 = arith.constant 0 : i32
      %dma_wait3A_256 = arith.constant 0 : i32
      %dma_wait3A_257 = tpu.memref_slice %arg2[%dma_wait3A_255, %dma_wait3A_256] : memref<10000x128xf32, #tpu.memory_space<hbm>> -> memref<128x128xf32, #tpu.memory_space<hbm>>
      tpu.wait_dma2 semaphore(%arg10 : memref<!tpu.dma_semaphore, #tpu.memory_space<semaphore_mem>>) src(%dma_wait3A_257 : memref<128x128xf32, #tpu.memory_space<hbm>>) dst(%arg8 : memref<128x128xf32, #tpu.memory_space<vmem>>)
      %dma_start3A_258 = arith.constant 6 : i32
      %dma_start3A_259 = arith.constant 0 : i32
      %dma_start3A_260 = tpu.memref_slice %arg7[%rem3A_56, %dma_start3A_258, %dma_start3A_259] : memref<2x8x128xi32, #tpu.memory_space<vmem>> -> memref<1x1x128xi32, #tpu.memory_space<vmem>>
      %dma_start3A_261 = tpu.memref_squeeze %dma_start3A_260 : memref<1x1x128xi32, #tpu.memory_space<vmem>> -> memref<128xi32, #tpu.memory_space<vmem>>
      %dma_start3A_262 = arith.constant 0 : i32
      %dma_start3A_263 = arith.constant 0 : i32
      %dma_start3A_264 = tpu.memref_slice %arg15[%dma_start3A_262, %dma_start3A_263] : memref<10112x128xf32, #tpu.memory_space<vmem_shared>> -> memref<10112x128xf32, #tpu.memory_space<vmem_shared>>
      tpu.enqueue_indirect_dma source(%arg8 : memref<128x128xf32, #tpu.memory_space<vmem>>) target(%dma_start3A_264 : memref<10112x128xf32, #tpu.memory_space<vmem_shared>>) offsets(%dma_start3A_261 : memref<128xi32, #tpu.memory_space<vmem>>) semaphore(%arg12 : memref<!tpu.dma_semaphore, #tpu.memory_space<semaphore_mem>>) {add = true}
      %mul3A_265 = arith.constant 8 : i32
      %mul3A_266 = arith.muli %while3A_55, %mul3A_265 : i32
      %add3A_267 = arith.constant 7 : i32
      %add3A_268 = arith.addi %mul3A_266, %add3A_267 : i32
      %ge3A_269 = arith.constant 1 : i32
      %ge3A_270 = arith.cmpi sge, %add3A_268, %ge3A_269 : i32
      %convert_element_type3A_271 = arith.extui %ge3A_270 : i1 to i32
      %cond3A_272 = arith.constant 0 : i32
      %cond3A_273 = arith.cmpi ne, %convert_element_type3A_271, %cond3A_272 : i32
      scf.if %cond3A_273 {
        %dma_wait3A_293 = arith.constant 0 : i32
        %dma_wait3A_294 = arith.constant 0 : i32
        %dma_wait3A_295 = arith.constant 0 : i32
        %dma_wait3A_296 = tpu.memref_slice %arg7[%dma_wait3A_293, %dma_wait3A_294, %dma_wait3A_295] : memref<2x8x128xi32, #tpu.memory_space<vmem>> -> memref<1x1x128xi32, #tpu.memory_space<vmem>>
        %dma_wait3A_297 = tpu.memref_squeeze %dma_wait3A_296 : memref<1x1x128xi32, #tpu.memory_space<vmem>> -> memref<128xi32, #tpu.memory_space<vmem>>
        %dma_wait3A_298 = arith.constant 0 : i32
        %dma_wait3A_299 = arith.constant 0 : i32
        %dma_wait3A_300 = tpu.memref_slice %arg15[%dma_wait3A_298, %dma_wait3A_299] : memref<10112x128xf32, #tpu.memory_space<vmem_shared>> -> memref<10112x128xf32, #tpu.memory_space<vmem_shared>>
        tpu.wait_indirect_dma semaphore(%arg12 : memref<!tpu.dma_semaphore, #tpu.memory_space<semaphore_mem>>) src(%arg8 : memref<128x128xf32, #tpu.memory_space<vmem>>) dst(%dma_wait3A_300 : memref<10112x128xf32, #tpu.memory_space<vmem_shared>>)
      } else {
      }
      %add3A_274 = arith.constant 1 : i32
      %add3A_275 = arith.addi %add3A_268, %add3A_274 : i32
      %lt3A_276 = arith.cmpi slt, %add3A_275, %select_n3A : i32
      %convert_element_type3A_277 = arith.extui %lt3A_276 : i1 to i32
      %cond3A_278 = arith.constant 0 : i32
      %cond3A_279 = arith.cmpi ne, %convert_element_type3A_277, %cond3A_278 : i32
      scf.if %cond3A_279 {
        %dma_start3A_293 = arith.constant 0 : i32
        %dma_start3A_294 = arith.constant 0 : i32
        %dma_start3A_295 = tpu.memref_slice %arg6[%rem3A_60, %dma_start3A_293, %dma_start3A_294] : memref<2x8x128xi32, #tpu.memory_space<vmem>> -> memref<1x1x128xi32, #tpu.memory_space<vmem>>
        %dma_start3A_296 = tpu.memref_squeeze %dma_start3A_295 : memref<1x1x128xi32, #tpu.memory_space<vmem>> -> memref<128xi32, #tpu.memory_space<vmem>>
        %dma_start3A_297 = arith.constant 0 : i32
        %dma_start3A_298 = arith.constant 0 : i32
        %dma_start3A_299 = tpu.memref_slice %arg2[%dma_start3A_297, %dma_start3A_298] : memref<10000x128xf32, #tpu.memory_space<hbm>> -> memref<10000x128xf32, #tpu.memory_space<hbm>>
        tpu.enqueue_indirect_dma source(%dma_start3A_299 : memref<10000x128xf32, #tpu.memory_space<hbm>>) target(%arg8 : memref<128x128xf32, #tpu.memory_space<vmem>>) offsets(%dma_start3A_296 : memref<128xi32, #tpu.memory_space<vmem>>) semaphore(%arg10 : memref<!tpu.dma_semaphore, #tpu.memory_space<semaphore_mem>>)
      } else {
      }
      %dma_wait3A_280 = arith.constant 0 : i32
      %dma_wait3A_281 = arith.constant 0 : i32
      %dma_wait3A_282 = tpu.memref_slice %arg2[%dma_wait3A_280, %dma_wait3A_281] : memref<10000x128xf32, #tpu.memory_space<hbm>> -> memref<128x128xf32, #tpu.memory_space<hbm>>
      %dma_wait3A_283 = arith.constant 0 : i32
      %dma_wait3A_284 = arith.constant 0 : i32
      %dma_wait3A_285 = tpu.memref_slice %arg2[%dma_wait3A_283, %dma_wait3A_284] : memref<10000x128xf32, #tpu.memory_space<hbm>> -> memref<128x128xf32, #tpu.memory_space<hbm>>
      tpu.wait_dma2 semaphore(%arg11 : memref<!tpu.dma_semaphore, #tpu.memory_space<semaphore_mem>>) src(%dma_wait3A_285 : memref<128x128xf32, #tpu.memory_space<hbm>>) dst(%arg9 : memref<128x128xf32, #tpu.memory_space<vmem>>)
      %dma_start3A_286 = arith.constant 7 : i32
      %dma_start3A_287 = arith.constant 0 : i32
      %dma_start3A_288 = tpu.memref_slice %arg7[%rem3A_56, %dma_start3A_286, %dma_start3A_287] : memref<2x8x128xi32, #tpu.memory_space<vmem>> -> memref<1x1x128xi32, #tpu.memory_space<vmem>>
      %dma_start3A_289 = tpu.memref_squeeze %dma_start3A_288 : memref<1x1x128xi32, #tpu.memory_space<vmem>> -> memref<128xi32, #tpu.memory_space<vmem>>
      %dma_start3A_290 = arith.constant 0 : i32
      %dma_start3A_291 = arith.constant 0 : i32
      %dma_start3A_292 = tpu.memref_slice %arg15[%dma_start3A_290, %dma_start3A_291] : memref<10112x128xf32, #tpu.memory_space<vmem_shared>> -> memref<10112x128xf32, #tpu.memory_space<vmem_shared>>
      tpu.enqueue_indirect_dma source(%arg9 : memref<128x128xf32, #tpu.memory_space<vmem>>) target(%dma_start3A_292 : memref<10112x128xf32, #tpu.memory_space<vmem_shared>>) offsets(%dma_start3A_289 : memref<128xi32, #tpu.memory_space<vmem>>) semaphore(%arg13 : memref<!tpu.dma_semaphore, #tpu.memory_space<semaphore_mem>>) {add = true}
    }
    %gt3A_49 = arith.constant 0 : i32
    %gt3A_50 = arith.cmpi sgt, %select_n3A, %gt3A_49 : i32
    %convert_element_type3A_51 = arith.extui %gt3A_50 : i1 to i32
    %cond3A_52 = arith.constant 0 : i32
    %cond3A_53 = arith.cmpi ne, %convert_element_type3A_51, %cond3A_52 : i32
    scf.if %cond3A_53 {
      %dma_wait3A = arith.constant 0 : i32
      %dma_wait3A_55 = arith.constant 0 : i32
      %dma_wait3A_56 = arith.constant 0 : i32
      %dma_wait3A_57 = tpu.memref_slice %arg7[%dma_wait3A, %dma_wait3A_55, %dma_wait3A_56] : memref<2x8x128xi32, #tpu.memory_space<vmem>> -> memref<1x1x128xi32, #tpu.memory_space<vmem>>
      %dma_wait3A_58 = tpu.memref_squeeze %dma_wait3A_57 : memref<1x1x128xi32, #tpu.memory_space<vmem>> -> memref<128xi32, #tpu.memory_space<vmem>>
      %dma_wait3A_59 = arith.constant 0 : i32
      %dma_wait3A_60 = arith.constant 0 : i32
      %dma_wait3A_61 = tpu.memref_slice %arg15[%dma_wait3A_59, %dma_wait3A_60] : memref<10112x128xf32, #tpu.memory_space<vmem_shared>> -> memref<10112x128xf32, #tpu.memory_space<vmem_shared>>
      tpu.wait_indirect_dma semaphore(%arg13 : memref<!tpu.dma_semaphore, #tpu.memory_space<semaphore_mem>>) src(%arg9 : memref<128x128xf32, #tpu.memory_space<vmem>>) dst(%dma_wait3A_61 : memref<10112x128xf32, #tpu.memory_space<vmem_shared>>)
    } else {
    }
    %barrier3A_54 = arith.constant 0 : index
    tpu.barrier barrier_id(%barrier3A_54)
    "tpu.region"() ({
      %run_scoped3A = tpu.sem_alloc : memref<!tpu.dma_semaphore, #tpu.memory_space<semaphore_mem>>
      %dma_start3A = arith.constant 0 : i32
      %dma_start3A_55 = tpu.memref_slice %arg5[%arg0, %mul3A_5, %dma_start3A] : memref<2x10112x128xf32, #tpu.memory_space<hbm>> -> memref<1x632x128xf32, #tpu.memory_space<hbm>>
      %dma_start3A_56 = tpu.memref_squeeze %dma_start3A_55 : memref<1x632x128xf32, #tpu.memory_space<hbm>> -> memref<632x128xf32, #tpu.memory_space<hbm>>
      %dma_start3A_57 = arith.constant 0 : i32
      %dma_start3A_58 = tpu.memref_slice %arg15[%mul3A_5, %dma_start3A_57] : memref<10112x128xf32, #tpu.memory_space<vmem_shared>> -> memref<632x128xf32, #tpu.memory_space<vmem_shared>>
      tpu.enqueue_dma source(%dma_start3A_58 : memref<632x128xf32, #tpu.memory_space<vmem_shared>>) target(%dma_start3A_56 : memref<632x128xf32, #tpu.memory_space<hbm>>) target_semaphore(%run_scoped3A : memref<!tpu.dma_semaphore, #tpu.memory_space<semaphore_mem>>)
      %dma_wait3A = arith.constant 0 : i32
      %dma_wait3A_59 = tpu.memref_slice %arg5[%arg0, %mul3A_5, %dma_wait3A] : memref<2x10112x128xf32, #tpu.memory_space<hbm>> -> memref<1x632x128xf32, #tpu.memory_space<hbm>>
      %dma_wait3A_60 = tpu.memref_squeeze %dma_wait3A_59 : memref<1x632x128xf32, #tpu.memory_space<hbm>> -> memref<632x128xf32, #tpu.memory_space<hbm>>
      %dma_wait3A_61 = arith.constant 0 : i32
      %dma_wait3A_62 = tpu.memref_slice %arg15[%mul3A_5, %dma_wait3A_61] : memref<10112x128xf32, #tpu.memory_space<vmem_shared>> -> memref<632x128xf32, #tpu.memory_space<vmem_shared>>
      tpu.wait_dma2 semaphore(%run_scoped3A : memref<!tpu.dma_semaphore, #tpu.memory_space<semaphore_mem>>) src(%dma_wait3A_62 : memref<632x128xf32, #tpu.memory_space<vmem_shared>>) dst(%dma_wait3A_60 : memref<632x128xf32, #tpu.memory_space<hbm>>)
      tpu.yield
    }) : () -> ()
    return
  }
}

#map = affine_map<(d0, d1) -> (0, 0)>
#map1 = affine_map<(d0, d1) -> (0, 0, 0)>
module attributes {stable_mosaic.version = 14 : i64} {
  func.func @_scatter_kernel(%arg0: i32, %arg1: i32, %arg2: memref<10000x128xf32, #tpu.memory_space<hbm>>, %arg3: memref<320x8x128xi32, #tpu.memory_space<hbm>>, %arg4: memref<320x8x128xi32, #tpu.memory_space<hbm>>, %arg5: memref<2x10112x128xf32, #tpu.memory_space<hbm>>, %arg6: memref<2x8x128xi32, #tpu.memory_space<vmem>>, %arg7: memref<2x8x128xi32, #tpu.memory_space<vmem>>, %arg8: memref<128x128xf32, #tpu.memory_space<vmem>>, %arg9: memref<128x128xf32, #tpu.memory_space<vmem>>, %arg10: memref<!tpu.dma_semaphore, #tpu.memory_space<semaphore_mem>>, %arg11: memref<!tpu.dma_semaphore, #tpu.memory_space<semaphore_mem>>, %arg12: memref<!tpu.dma_semaphore, #tpu.memory_space<semaphore_mem>>, %arg13: memref<!tpu.dma_semaphore, #tpu.memory_space<semaphore_mem>>, %arg14: memref<!tpu.dma_semaphore, #tpu.memory_space<semaphore_mem>>, %arg15: memref<10112x128xf32, #tpu.memory_space<vmem_shared>>) attributes {dimension_semantics = [#tpu.dimension_semantics<core_parallel>, #tpu.dimension_semantics<subcore_parallel>], iteration_bounds = array<i64: 2, 16>, scalar_prefetch = 0 : i64, scratch_operands = 10 : i64, tpu.core_type = #tpu.core_type<sc_vector_subcore>, window_params = [{transform_indices = #map}, {transform_indices = #map1}, {transform_indices = #map1}, {transform_indices = #map1}]} {
    %scan3A = arith.constant 0 : i32
    %scan3A_0 = arith.constant 0 : i32
    %scan3A_1 = arith.constant 128 : i32
    %scan3A_2 = arith.addi %scan3A_0, %scan3A_1 : i32
    %scan3A_3 = arith.constant 1 : i32
    scf.for %scan3A_55 = %scan3A_0 to %scan3A_2 step %scan3A_3  : i32 {
      %broadcast_in_dim3A = arith.constant 0.000000e+00 : f32
      %broadcast_in_dim3A_56 = vector.broadcast %broadcast_in_dim3A : f32 to vector<16xf32>
      %swap3A = arith.index_cast %scan3A_55 : i32 to index
      %swap3A_57 = arith.constant 0 : index
      %swap3A_58 = tpu.vector_load %arg8[%swap3A, %swap3A_57] {strides = array<i32>} : memref<128x128xf32, #tpu.memory_space<vmem>>, vector<1x16xf32>,
      %swap3A_59 = vector.shape_cast %swap3A_58 : vector<1x16xf32> to vector<16xf32>
      %swap3A_60 = vector.shape_cast %broadcast_in_dim3A_56 : vector<16xf32> to vector<1x16xf32>
      tpu.vector_store %arg8[%swap3A, %swap3A_57], %swap3A_60 {strides = array<i32>} : memref<128x128xf32, #tpu.memory_space<vmem>>, vector<1x16xf32>,
      %broadcast_in_dim3A_61 = arith.constant 0.000000e+00 : f32
      %broadcast_in_dim3A_62 = vector.broadcast %broadcast_in_dim3A_61 : f32 to vector<16xf32>
      %swap3A_63 = arith.index_cast %scan3A_55 : i32 to index
      %swap3A_64 = arith.constant 16 : index
      %swap3A_65 = tpu.vector_load %arg8[%swap3A_63, %swap3A_64] {strides = array<i32>} : memref<128x128xf32, #tpu.memory_space<vmem>>, vector<1x16xf32>,
      %swap3A_66 = vector.shape_cast %swap3A_65 : vector<1x16xf32> to vector<16xf32>
      %swap3A_67 = vector.shape_cast %broadcast_in_dim3A_62 : vector<16xf32> to vector<1x16xf32>
      tpu.vector_store %arg8[%swap3A_63, %swap3A_64], %swap3A_67 {strides = array<i32>} : memref<128x128xf32, #tpu.memory_space<vmem>>, vector<1x16xf32>,
      %broadcast_in_dim3A_68 = arith.constant 0.000000e+00 : f32
      %broadcast_in_dim3A_69 = vector.broadcast %broadcast_in_dim3A_68 : f32 to vector<16xf32>
      %swap3A_70 = arith.index_cast %scan3A_55 : i32 to index
      %swap3A_71 = arith.constant 32 : index
      %swap3A_72 = tpu.vector_load %arg8[%swap3A_70, %swap3A_71] {strides = array<i32>} : memref<128x128xf32, #tpu.memory_space<vmem>>, vector<1x16xf32>,
      %swap3A_73 = vector.shape_cast %swap3A_72 : vector<1x16xf32> to vector<16xf32>
      %swap3A_74 = vector.shape_cast %broadcast_in_dim3A_69 : vector<16xf32> to vector<1x16xf32>
      tpu.vector_store %arg8[%swap3A_70, %swap3A_71], %swap3A_74 {strides = array<i32>} : memref<128x128xf32, #tpu.memory_space<vmem>>, vector<1x16xf32>,
      %broadcast_in_dim3A_75 = arith.constant 0.000000e+00 : f32
      %broadcast_in_dim3A_76 = vector.broadcast %broadcast_in_dim3A_75 : f32 to vector<16xf32>
      %swap3A_77 = arith.index_cast %scan3A_55 : i32 to index
      %swap3A_78 = arith.constant 48 : index
      %swap3A_79 = tpu.vector_load %arg8[%swap3A_77, %swap3A_78] {strides = array<i32>} : memref<128x128xf32, #tpu.memory_space<vmem>>, vector<1x16xf32>,
      %swap3A_80 = vector.shape_cast %swap3A_79 : vector<1x16xf32> to vector<16xf32>
      %swap3A_81 = vector.shape_cast %broadcast_in_dim3A_76 : vector<16xf32> to vector<1x16xf32>
      tpu.vector_store %arg8[%swap3A_77, %swap3A_78], %swap3A_81 {strides = array<i32>} : memref<128x128xf32, #tpu.memory_space<vmem>>, vector<1x16xf32>,
      %broadcast_in_dim3A_82 = arith.constant 0.000000e+00 : f32
      %broadcast_in_dim3A_83 = vector.broadcast %broadcast_in_dim3A_82 : f32 to vector<16xf32>
      %swap3A_84 = arith.index_cast %scan3A_55 : i32 to index
      %swap3A_85 = arith.constant 64 : index
      %swap3A_86 = tpu.vector_load %arg8[%swap3A_84, %swap3A_85] {strides = array<i32>} : memref<128x128xf32, #tpu.memory_space<vmem>>, vector<1x16xf32>,
      %swap3A_87 = vector.shape_cast %swap3A_86 : vector<1x16xf32> to vector<16xf32>
      %swap3A_88 = vector.shape_cast %broadcast_in_dim3A_83 : vector<16xf32> to vector<1x16xf32>
      tpu.vector_store %arg8[%swap3A_84, %swap3A_85], %swap3A_88 {strides = array<i32>} : memref<128x128xf32, #tpu.memory_space<vmem>>, vector<1x16xf32>,
      %broadcast_in_dim3A_89 = arith.constant 0.000000e+00 : f32
      %broadcast_in_dim3A_90 = vector.broadcast %broadcast_in_dim3A_89 : f32 to vector<16xf32>
      %swap3A_91 = arith.index_cast %scan3A_55 : i32 to index
      %swap3A_92 = arith.constant 80 : index
      %swap3A_93 = tpu.vector_load %arg8[%swap3A_91, %swap3A_92] {strides = array<i32>} : memref<128x128xf32, #tpu.memory_space<vmem>>, vector<1x16xf32>,
      %swap3A_94 = vector.shape_cast %swap3A_93 : vector<1x16xf32> to vector<16xf32>
      %swap3A_95 = vector.shape_cast %broadcast_in_dim3A_90 : vector<16xf32> to vector<1x16xf32>
      tpu.vector_store %arg8[%swap3A_91, %swap3A_92], %swap3A_95 {strides = array<i32>} : memref<128x128xf32, #tpu.memory_space<vmem>>, vector<1x16xf32>,
      %broadcast_in_dim3A_96 = arith.constant 0.000000e+00 : f32
      %broadcast_in_dim3A_97 = vector.broadcast %broadcast_in_dim3A_96 : f32 to vector<16xf32>
      %swap3A_98 = arith.index_cast %scan3A_55 : i32 to index
      %swap3A_99 = arith.constant 96 : index
      %swap3A_100 = tpu.vector_load %arg8[%swap3A_98, %swap3A_99] {strides = array<i32>} : memref<128x128xf32, #tpu.memory_space<vmem>>, vector<1x16xf32>,
      %swap3A_101 = vector.shape_cast %swap3A_100 : vector<1x16xf32> to vector<16xf32>
      %swap3A_102 = vector.shape_cast %broadcast_in_dim3A_97 : vector<16xf32> to vector<1x16xf32>
      tpu.vector_store %arg8[%swap3A_98, %swap3A_99], %swap3A_102 {strides = array<i32>} : memref<128x128xf32, #tpu.memory_space<vmem>>, vector<1x16xf32>,
      %broadcast_in_dim3A_103 = arith.constant 0.000000e+00 : f32
      %broadcast_in_dim3A_104 = vector.broadcast %broadcast_in_dim3A_103 : f32 to vector<16xf32>
      %swap3A_105 = arith.index_cast %scan3A_55 : i32 to index
      %swap3A_106 = arith.constant 112 : index
      %swap3A_107 = tpu.vector_load %arg8[%swap3A_105, %swap3A_106] {strides = array<i32>} : memref<128x128xf32, #tpu.memory_space<vmem>>, vector<1x16xf32>,
      %swap3A_108 = vector.shape_cast %swap3A_107 : vector<1x16xf32> to vector<16xf32>
      %swap3A_109 = vector.shape_cast %broadcast_in_dim3A_104 : vector<16xf32> to vector<1x16xf32>
      tpu.vector_store %arg8[%swap3A_105, %swap3A_106], %swap3A_109 {strides = array<i32>} : memref<128x128xf32, #tpu.memory_space<vmem>>, vector<1x16xf32>,
    }
    %scan3A_4 = arith.constant 128 : i32
    %mul3A = arith.constant 632 : i32
    %mul3A_5 = arith.muli %arg1, %mul3A : i32
    %add3A = arith.constant 0 : i32
    %add3A_6 = arith.addi %mul3A_5, %add3A : i32
    "tpu.region"() ({
      %run_scoped3A = tpu.sem_alloc : memref<!tpu.dma_semaphore, #tpu.memory_space<semaphore_mem>>
      %dma_start3A = arith.constant 0 : i32
      %dma_start3A_55 = tpu.memref_slice %arg15[%add3A_6, %dma_start3A] : memref<10112x128xf32, #tpu.memory_space<vmem_shared>> -> memref<128x128xf32, #tpu.memory_space<vmem_shared>>
      %dma_start3A_56 = arith.constant 0 : i32
      %dma_start3A_57 = tpu.memref_slice %arg15[%add3A_6, %dma_start3A_56] : memref<10112x128xf32, #tpu.memory_space<vmem_shared>> -> memref<128x128xf32, #tpu.memory_space<vmem_shared>>
      tpu.enqueue_dma source(%arg8 : memref<128x128xf32, #tpu.memory_space<vmem>>) target(%dma_start3A_57 : memref<128x128xf32, #tpu.memory_space<vmem_shared>>) target_semaphore(%run_scoped3A : memref<!tpu.dma_semaphore, #tpu.memory_space<semaphore_mem>>)
      %dma_wait3A = arith.constant 0 : i32
      %dma_wait3A_58 = tpu.memref_slice %arg15[%add3A_6, %dma_wait3A] : memref<10112x128xf32, #tpu.memory_space<vmem_shared>> -> memref<128x128xf32, #tpu.memory_space<vmem_shared>>
      %dma_wait3A_59 = arith.constant 0 : i32
      %dma_wait3A_60 = tpu.memref_slice %arg15[%add3A_6, %dma_wait3A_59] : memref<10112x128xf32, #tpu.memory_space<vmem_shared>> -> memref<128x128xf32, #tpu.memory_space<vmem_shared>>
      tpu.wait_dma2 semaphore(%run_scoped3A : memref<!tpu.dma_semaphore, #tpu.memory_space<semaphore_mem>>) src(%arg8 : memref<128x128xf32, #tpu.memory_space<vmem>>) dst(%dma_wait3A_60 : memref<128x128xf32, #tpu.memory_space<vmem_shared>>)
      tpu.yield
    }) : () -> ()
    %add3A_7 = arith.constant 128 : i32
    %add3A_8 = arith.addi %mul3A_5, %add3A_7 : i32
    "tpu.region"() ({
      %run_scoped3A = tpu.sem_alloc : memref<!tpu.dma_semaphore, #tpu.memory_space<semaphore_mem>>
      %dma_start3A = arith.constant 0 : i32
      %dma_start3A_55 = tpu.memref_slice %arg15[%add3A_8, %dma_start3A] : memref<10112x128xf32, #tpu.memory_space<vmem_shared>> -> memref<128x128xf32, #tpu.memory_space<vmem_shared>>
      %dma_start3A_56 = arith.constant 0 : i32
      %dma_start3A_57 = tpu.memref_slice %arg15[%add3A_8, %dma_start3A_56] : memref<10112x128xf32, #tpu.memory_space<vmem_shared>> -> memref<128x128xf32, #tpu.memory_space<vmem_shared>>
      tpu.enqueue_dma source(%arg8 : memref<128x128xf32, #tpu.memory_space<vmem>>) target(%dma_start3A_57 : memref<128x128xf32, #tpu.memory_space<vmem_shared>>) target_semaphore(%run_scoped3A : memref<!tpu.dma_semaphore, #tpu.memory_space<semaphore_mem>>)
      %dma_wait3A = arith.constant 0 : i32
      %dma_wait3A_58 = tpu.memref_slice %arg15[%add3A_8, %dma_wait3A] : memref<10112x128xf32, #tpu.memory_space<vmem_shared>> -> memref<128x128xf32, #tpu.memory_space<vmem_shared>>
      %dma_wait3A_59 = arith.constant 0 : i32
      %dma_wait3A_60 = tpu.memref_slice %arg15[%add3A_8, %dma_wait3A_59] : memref<10112x128xf32, #tpu.memory_space<vmem_shared>> -> memref<128x128xf32, #tpu.memory_space<vmem_shared>>
      tpu.wait_dma2 semaphore(%run_scoped3A : memref<!tpu.dma_semaphore, #tpu.memory_space<semaphore_mem>>) src(%arg8 : memref<128x128xf32, #tpu.memory_space<vmem>>) dst(%dma_wait3A_60 : memref<128x128xf32, #tpu.memory_space<vmem_shared>>)
      tpu.yield
    }) : () -> ()
    %add3A_9 = arith.constant 256 : i32
    %add3A_10 = arith.addi %mul3A_5, %add3A_9 : i32
    "tpu.region"() ({
      %run_scoped3A = tpu.sem_alloc : memref<!tpu.dma_semaphore, #tpu.memory_space<semaphore_mem>>
      %dma_start3A = arith.constant 0 : i32
      %dma_start3A_55 = tpu.memref_slice %arg15[%add3A_10, %dma_start3A] : memref<10112x128xf32, #tpu.memory_space<vmem_shared>> -> memref<128x128xf32, #tpu.memory_space<vmem_shared>>
      %dma_start3A_56 = arith.constant 0 : i32
      %dma_start3A_57 = tpu.memref_slice %arg15[%add3A_10, %dma_start3A_56] : memref<10112x128xf32, #tpu.memory_space<vmem_shared>> -> memref<128x128xf32, #tpu.memory_space<vmem_shared>>
      tpu.enqueue_dma source(%arg8 : memref<128x128xf32, #tpu.memory_space<vmem>>) target(%dma_start3A_57 : memref<128x128xf32, #tpu.memory_space<vmem_shared>>) target_semaphore(%run_scoped3A : memref<!tpu.dma_semaphore, #tpu.memory_space<semaphore_mem>>)
      %dma_wait3A = arith.constant 0 : i32
      %dma_wait3A_58 = tpu.memref_slice %arg15[%add3A_10, %dma_wait3A] : memref<10112x128xf32, #tpu.memory_space<vmem_shared>> -> memref<128x128xf32, #tpu.memory_space<vmem_shared>>
      %dma_wait3A_59 = arith.constant 0 : i32
      %dma_wait3A_60 = tpu.memref_slice %arg15[%add3A_10, %dma_wait3A_59] : memref<10112x128xf32, #tpu.memory_space<vmem_shared>> -> memref<128x128xf32, #tpu.memory_space<vmem_shared>>
      tpu.wait_dma2 semaphore(%run_scoped3A : memref<!tpu.dma_semaphore, #tpu.memory_space<semaphore_mem>>) src(%arg8 : memref<128x128xf32, #tpu.memory_space<vmem>>) dst(%dma_wait3A_60 : memref<128x128xf32, #tpu.memory_space<vmem_shared>>)
      tpu.yield
    }) : () -> ()
    %add3A_11 = arith.constant 384 : i32
    %add3A_12 = arith.addi %mul3A_5, %add3A_11 : i32
    "tpu.region"() ({
      %run_scoped3A = tpu.sem_alloc : memref<!tpu.dma_semaphore, #tpu.memory_space<semaphore_mem>>
      %dma_start3A = arith.constant 0 : i32
      %dma_start3A_55 = tpu.memref_slice %arg15[%add3A_12, %dma_start3A] : memref<10112x128xf32, #tpu.memory_space<vmem_shared>> -> memref<128x128xf32, #tpu.memory_space<vmem_shared>>
      %dma_start3A_56 = arith.constant 0 : i32
      %dma_start3A_57 = tpu.memref_slice %arg15[%add3A_12, %dma_start3A_56] : memref<10112x128xf32, #tpu.memory_space<vmem_shared>> -> memref<128x128xf32, #tpu.memory_space<vmem_shared>>
      tpu.enqueue_dma source(%arg8 : memref<128x128xf32, #tpu.memory_space<vmem>>) target(%dma_start3A_57 : memref<128x128xf32, #tpu.memory_space<vmem_shared>>) target_semaphore(%run_scoped3A : memref<!tpu.dma_semaphore, #tpu.memory_space<semaphore_mem>>)
      %dma_wait3A = arith.constant 0 : i32
      %dma_wait3A_58 = tpu.memref_slice %arg15[%add3A_12, %dma_wait3A] : memref<10112x128xf32, #tpu.memory_space<vmem_shared>> -> memref<128x128xf32, #tpu.memory_space<vmem_shared>>
      %dma_wait3A_59 = arith.constant 0 : i32
      %dma_wait3A_60 = tpu.memref_slice %arg15[%add3A_12, %dma_wait3A_59] : memref<10112x128xf32, #tpu.memory_space<vmem_shared>> -> memref<128x128xf32, #tpu.memory_space<vmem_shared>>
      tpu.wait_dma2 semaphore(%run_scoped3A : memref<!tpu.dma_semaphore, #tpu.memory_space<semaphore_mem>>) src(%arg8 : memref<128x128xf32, #tpu.memory_space<vmem>>) dst(%dma_wait3A_60 : memref<128x128xf32, #tpu.memory_space<vmem_shared>>)
      tpu.yield
    }) : () -> ()
    %add3A_13 = arith.constant 632 : i32
    %add3A_14 = arith.addi %mul3A_5, %add3A_13 : i32
    %sub3A = arith.constant 120 : i32
    %sub3A_15 = arith.subi %add3A_14, %sub3A : i32
    "tpu.region"() ({
      %run_scoped3A = tpu.sem_alloc : memref<!tpu.dma_semaphore, #tpu.memory_space<semaphore_mem>>
      %dma_start3A = arith.constant 0 : i32
      %dma_start3A_55 = arith.constant 0 : i32
      %dma_start3A_56 = tpu.memref_slice %arg8[%dma_start3A, %dma_start3A_55] : memref<128x128xf32, #tpu.memory_space<vmem>> -> memref<120x128xf32, #tpu.memory_space<vmem>>
      %dma_start3A_57 = arith.constant 0 : i32
      %dma_start3A_58 = tpu.memref_slice %arg15[%sub3A_15, %dma_start3A_57] : memref<10112x128xf32, #tpu.memory_space<vmem_shared>> -> memref<120x128xf32, #tpu.memory_space<vmem_shared>>
      %dma_start3A_59 = arith.constant 0 : i32
      %dma_start3A_60 = tpu.memref_slice %arg15[%sub3A_15, %dma_start3A_59] : memref<10112x128xf32, #tpu.memory_space<vmem_shared>> -> memref<120x128xf32, #tpu.memory_space<vmem_shared>>
      %dma_start3A_61 = arith.constant 0 : i32
      %dma_start3A_62 = arith.constant 0 : i32
      %dma_start3A_63 = tpu.memref_slice %arg8[%dma_start3A_61, %dma_start3A_62] : memref<128x128xf32, #tpu.memory_space<vmem>> -> memref<120x128xf32, #tpu.memory_space<vmem>>
      tpu.enqueue_dma source(%dma_start3A_63 : memref<120x128xf32, #tpu.memory_space<vmem>>) target(%dma_start3A_60 : memref<120x128xf32, #tpu.memory_space<vmem_shared>>) target_semaphore(%run_scoped3A : memref<!tpu.dma_semaphore, #tpu.memory_space<semaphore_mem>>)
      %dma_wait3A = arith.constant 0 : i32
      %dma_wait3A_64 = arith.constant 0 : i32
      %dma_wait3A_65 = tpu.memref_slice %arg8[%dma_wait3A, %dma_wait3A_64] : memref<128x128xf32, #tpu.memory_space<vmem>> -> memref<120x128xf32, #tpu.memory_space<vmem>>
      %dma_wait3A_66 = arith.constant 0 : i32
      %dma_wait3A_67 = tpu.memref_slice %arg15[%sub3A_15, %dma_wait3A_66] : memref<10112x128xf32, #tpu.memory_space<vmem_shared>> -> memref<120x128xf32, #tpu.memory_space<vmem_shared>>
      %dma_wait3A_68 = arith.constant 0 : i32
      %dma_wait3A_69 = tpu.memref_slice %arg15[%sub3A_15, %dma_wait3A_68] : memref<10112x128xf32, #tpu.memory_space<vmem_shared>> -> memref<120x128xf32, #tpu.memory_space<vmem_shared>>
      %dma_wait3A_70 = arith.constant 0 : i32
      %dma_wait3A_71 = arith.constant 0 : i32
      %dma_wait3A_72 = tpu.memref_slice %arg8[%dma_wait3A_70, %dma_wait3A_71] : memref<128x128xf32, #tpu.memory_space<vmem>> -> memref<120x128xf32, #tpu.memory_space<vmem>>
      tpu.wait_dma2 semaphore(%run_scoped3A : memref<!tpu.dma_semaphore, #tpu.memory_space<semaphore_mem>>) src(%dma_wait3A_72 : memref<120x128xf32, #tpu.memory_space<vmem>>) dst(%dma_wait3A_69 : memref<120x128xf32, #tpu.memory_space<vmem_shared>>)
      tpu.yield
    }) : () -> ()
    %eq3A = arith.constant 0 : i32
    %eq3A_16 = arith.cmpi eq, %arg0, %eq3A : i32
    %jit3A = arith.constant 120 : i32
    %jit3A_17 = arith.constant 40 : i32
    %select_n3A = arith.select %eq3A_16, %jit3A, %jit3A_17 : i32
    %eq3A_18 = arith.constant 0 : i32
    %eq3A_19 = arith.cmpi eq, %arg0, %eq3A_18 : i32
    %jit3A_20 = arith.constant 15 : i32
    %jit3A_21 = arith.constant 5 : i32
    %select_n3A_22 = arith.select %eq3A_19, %jit3A_20, %jit3A_21 : i32
    %eq3A_23 = arith.constant 0 : i32
    %eq3A_24 = arith.cmpi eq, %arg0, %eq3A_23 : i32
    %mul3A_25 = arith.constant 15 : i32
    %mul3A_26 = arith.muli %arg1, %mul3A_25 : i32
    %mul3A_27 = arith.constant 5 : i32
    %mul3A_28 = arith.muli %arg1, %mul3A_27 : i32
    %add3A_29 = arith.constant 240 : i32
    %add3A_30 = arith.addi %add3A_29, %mul3A_28 : i32
    %select_n3A_31 = arith.select %eq3A_24, %mul3A_26, %add3A_30 : i32
    %min3A = arith.constant 319 : i32
    %min3A_32 = arith.minsi %select_n3A_31, %min3A : i32
    %gt3A = arith.constant 0 : i32
    %gt3A_33 = arith.cmpi sgt, %select_n3A, %gt3A : i32
    %convert_element_type3A = arith.extui %gt3A_33 : i1 to i32
    %cond3A = arith.constant 0 : i32
    %cond3A_34 = arith.cmpi ne, %convert_element_type3A, %cond3A : i32
    scf.if %cond3A_34 {
      %run_scoped3A = arith.constant 0 : i32
      "tpu.region"() ({
        %run_scoped3A_56 = tpu.sem_alloc : memref<!tpu.dma_semaphore, #tpu.memory_space<semaphore_mem>>
        %dma_start3A = arith.constant 0 : i32
        %dma_start3A_57 = arith.constant 0 : i32
        %dma_start3A_58 = tpu.memref_slice %arg6[%run_scoped3A, %dma_start3A, %dma_start3A_57] : memref<2x8x128xi32, #tpu.memory_space<vmem>> -> memref<1x8x128xi32, #tpu.memory_space<vmem>>
        %dma_start3A_59 = tpu.memref_squeeze %dma_start3A_58 : memref<1x8x128xi32, #tpu.memory_space<vmem>> -> memref<8x128xi32, #tpu.memory_space<vmem>>
        %dma_start3A_60 = arith.constant 0 : i32
        %dma_start3A_61 = arith.constant 0 : i32
        %dma_start3A_62 = tpu.memref_slice %arg3[%min3A_32, %dma_start3A_60, %dma_start3A_61] : memref<320x8x128xi32, #tpu.memory_space<hbm>> -> memref<1x8x128xi32, #tpu.memory_space<hbm>>
        %dma_start3A_63 = tpu.memref_squeeze %dma_start3A_62 : memref<1x8x128xi32, #tpu.memory_space<hbm>> -> memref<8x128xi32, #tpu.memory_space<hbm>>
        %dma_start3A_64 = arith.constant 0 : i32
        %dma_start3A_65 = arith.constant 0 : i32
        %dma_start3A_66 = tpu.memref_slice %arg6[%run_scoped3A, %dma_start3A_64, %dma_start3A_65] : memref<2x8x128xi32, #tpu.memory_space<vmem>> -> memref<1x8x128xi32, #tpu.memory_space<vmem>>
        %dma_start3A_67 = tpu.memref_squeeze %dma_start3A_66 : memref<1x8x128xi32, #tpu.memory_space<vmem>> -> memref<8x128xi32, #tpu.memory_space<vmem>>
        %dma_start3A_68 = arith.constant 0 : i32
        %dma_start3A_69 = arith.constant 0 : i32
        %dma_start3A_70 = tpu.memref_slice %arg3[%min3A_32, %dma_start3A_68, %dma_start3A_69] : memref<320x8x128xi32, #tpu.memory_space<hbm>> -> memref<1x8x128xi32, #tpu.memory_space<hbm>>
        %dma_start3A_71 = tpu.memref_squeeze %dma_start3A_70 : memref<1x8x128xi32, #tpu.memory_space<hbm>> -> memref<8x128xi32, #tpu.memory_space<hbm>>
        tpu.enqueue_dma source(%dma_start3A_71 : memref<8x128xi32, #tpu.memory_space<hbm>>) target(%dma_start3A_67 : memref<8x128xi32, #tpu.memory_space<vmem>>) target_semaphore(%run_scoped3A_56 : memref<!tpu.dma_semaphore, #tpu.memory_space<semaphore_mem>>)
        %dma_wait3A = arith.constant 0 : i32
        %dma_wait3A_72 = arith.constant 0 : i32
        %dma_wait3A_73 = tpu.memref_slice %arg6[%run_scoped3A, %dma_wait3A, %dma_wait3A_72] : memref<2x8x128xi32, #tpu.memory_space<vmem>> -> memref<1x8x128xi32, #tpu.memory_space<vmem>>
        %dma_wait3A_74 = tpu.memref_squeeze %dma_wait3A_73 : memref<1x8x128xi32, #tpu.memory_space<vmem>> -> memref<8x128xi32, #tpu.memory_space<vmem>>
        %dma_wait3A_75 = arith.constant 0 : i32
        %dma_wait3A_76 = arith.constant 0 : i32
        %dma_wait3A_77 = tpu.memref_slice %arg3[%min3A_32, %dma_wait3A_75, %dma_wait3A_76] : memref<320x8x128xi32, #tpu.memory_space<hbm>> -> memref<1x8x128xi32, #tpu.memory_space<hbm>>
        %dma_wait3A_78 = tpu.memref_squeeze %dma_wait3A_77 : memref<1x8x128xi32, #tpu.memory_space<hbm>> -> memref<8x128xi32, #tpu.memory_space<hbm>>
        %dma_wait3A_79 = arith.constant 0 : i32
        %dma_wait3A_80 = arith.constant 0 : i32
        %dma_wait3A_81 = tpu.memref_slice %arg6[%run_scoped3A, %dma_wait3A_79, %dma_wait3A_80] : memref<2x8x128xi32, #tpu.memory_space<vmem>> -> memref<1x8x128xi32, #tpu.memory_space<vmem>>
        %dma_wait3A_82 = tpu.memref_squeeze %dma_wait3A_81 : memref<1x8x128xi32, #tpu.memory_space<vmem>> -> memref<8x128xi32, #tpu.memory_space<vmem>>
        %dma_wait3A_83 = arith.constant 0 : i32
        %dma_wait3A_84 = arith.constant 0 : i32
        %dma_wait3A_85 = tpu.memref_slice %arg3[%min3A_32, %dma_wait3A_83, %dma_wait3A_84] : memref<320x8x128xi32, #tpu.memory_space<hbm>> -> memref<1x8x128xi32, #tpu.memory_space<hbm>>
        %dma_wait3A_86 = tpu.memref_squeeze %dma_wait3A_85 : memref<1x8x128xi32, #tpu.memory_space<hbm>> -> memref<8x128xi32, #tpu.memory_space<hbm>>
        tpu.wait_dma2 semaphore(%run_scoped3A_56 : memref<!tpu.dma_semaphore, #tpu.memory_space<semaphore_mem>>) src(%dma_wait3A_86 : memref<8x128xi32, #tpu.memory_space<hbm>>) dst(%dma_wait3A_82 : memref<8x128xi32, #tpu.memory_space<vmem>>)
        tpu.yield
      }) : () -> ()
      %run_scoped3A_55 = arith.constant 0 : i32
      "tpu.region"() ({
        %run_scoped3A_56 = tpu.sem_alloc : memref<!tpu.dma_semaphore, #tpu.memory_space<semaphore_mem>>
        %dma_start3A = arith.constant 0 : i32
        %dma_start3A_57 = arith.constant 0 : i32
        %dma_start3A_58 = tpu.memref_slice %arg7[%run_scoped3A_55, %dma_start3A, %dma_start3A_57] : memref<2x8x128xi32, #tpu.memory_space<vmem>> -> memref<1x8x128xi32, #tpu.memory_space<vmem>>
        %dma_start3A_59 = tpu.memref_squeeze %dma_start3A_58 : memref<1x8x128xi32, #tpu.memory_space<vmem>> -> memref<8x128xi32, #tpu.memory_space<vmem>>
        %dma_start3A_60 = arith.constant 0 : i32
        %dma_start3A_61 = arith.constant 0 : i32
        %dma_start3A_62 = tpu.memref_slice %arg4[%min3A_32, %dma_start3A_60, %dma_start3A_61] : memref<320x8x128xi32, #tpu.memory_space<hbm>> -> memref<1x8x128xi32, #tpu.memory_space<hbm>>
        %dma_start3A_63 = tpu.memref_squeeze %dma_start3A_62 : memref<1x8x128xi32, #tpu.memory_space<hbm>> -> memref<8x128xi32, #tpu.memory_space<hbm>>
        %dma_start3A_64 = arith.constant 0 : i32
        %dma_start3A_65 = arith.constant 0 : i32
        %dma_start3A_66 = tpu.memref_slice %arg7[%run_scoped3A_55, %dma_start3A_64, %dma_start3A_65] : memref<2x8x128xi32, #tpu.memory_space<vmem>> -> memref<1x8x128xi32, #tpu.memory_space<vmem>>
        %dma_start3A_67 = tpu.memref_squeeze %dma_start3A_66 : memref<1x8x128xi32, #tpu.memory_space<vmem>> -> memref<8x128xi32, #tpu.memory_space<vmem>>
        %dma_start3A_68 = arith.constant 0 : i32
        %dma_start3A_69 = arith.constant 0 : i32
        %dma_start3A_70 = tpu.memref_slice %arg4[%min3A_32, %dma_start3A_68, %dma_start3A_69] : memref<320x8x128xi32, #tpu.memory_space<hbm>> -> memref<1x8x128xi32, #tpu.memory_space<hbm>>
        %dma_start3A_71 = tpu.memref_squeeze %dma_start3A_70 : memref<1x8x128xi32, #tpu.memory_space<hbm>> -> memref<8x128xi32, #tpu.memory_space<hbm>>
        tpu.enqueue_dma source(%dma_start3A_71 : memref<8x128xi32, #tpu.memory_space<hbm>>) target(%dma_start3A_67 : memref<8x128xi32, #tpu.memory_space<vmem>>) target_semaphore(%run_scoped3A_56 : memref<!tpu.dma_semaphore, #tpu.memory_space<semaphore_mem>>)
        %dma_wait3A = arith.constant 0 : i32
        %dma_wait3A_72 = arith.constant 0 : i32
        %dma_wait3A_73 = tpu.memref_slice %arg7[%run_scoped3A_55, %dma_wait3A, %dma_wait3A_72] : memref<2x8x128xi32, #tpu.memory_space<vmem>> -> memref<1x8x128xi32, #tpu.memory_space<vmem>>
        %dma_wait3A_74 = tpu.memref_squeeze %dma_wait3A_73 : memref<1x8x128xi32, #tpu.memory_space<vmem>> -> memref<8x128xi32, #tpu.memory_space<vmem>>
        %dma_wait3A_75 = arith.constant 0 : i32
        %dma_wait3A_76 = arith.constant 0 : i32
        %dma_wait3A_77 = tpu.memref_slice %arg4[%min3A_32, %dma_wait3A_75, %dma_wait3A_76] : memref<320x8x128xi32, #tpu.memory_space<hbm>> -> memref<1x8x128xi32, #tpu.memory_space<hbm>>
        %dma_wait3A_78 = tpu.memref_squeeze %dma_wait3A_77 : memref<1x8x128xi32, #tpu.memory_space<hbm>> -> memref<8x128xi32, #tpu.memory_space<hbm>>
        %dma_wait3A_79 = arith.constant 0 : i32
        %dma_wait3A_80 = arith.constant 0 : i32
        %dma_wait3A_81 = tpu.memref_slice %arg7[%run_scoped3A_55, %dma_wait3A_79, %dma_wait3A_80] : memref<2x8x128xi32, #tpu.memory_space<vmem>> -> memref<1x8x128xi32, #tpu.memory_space<vmem>>
        %dma_wait3A_82 = tpu.memref_squeeze %dma_wait3A_81 : memref<1x8x128xi32, #tpu.memory_space<vmem>> -> memref<8x128xi32, #tpu.memory_space<vmem>>
        %dma_wait3A_83 = arith.constant 0 : i32
        %dma_wait3A_84 = arith.constant 0 : i32
        %dma_wait3A_85 = tpu.memref_slice %arg4[%min3A_32, %dma_wait3A_83, %dma_wait3A_84] : memref<320x8x128xi32, #tpu.memory_space<hbm>> -> memref<1x8x128xi32, #tpu.memory_space<hbm>>
        %dma_wait3A_86 = tpu.memref_squeeze %dma_wait3A_85 : memref<1x8x128xi32, #tpu.memory_space<hbm>> -> memref<8x128xi32, #tpu.memory_space<hbm>>
        tpu.wait_dma2 semaphore(%run_scoped3A_56 : memref<!tpu.dma_semaphore, #tpu.memory_space<semaphore_mem>>) src(%dma_wait3A_86 : memref<8x128xi32, #tpu.memory_space<hbm>>) dst(%dma_wait3A_82 : memref<8x128xi32, #tpu.memory_space<vmem>>)
        tpu.yield
      }) : () -> ()
    } else {
    }
    %barrier3A = arith.constant 0 : index
    tpu.barrier barrier_id(%barrier3A)
    %gt3A_35 = arith.constant 0 : i32
    %gt3A_36 = arith.cmpi sgt, %select_n3A, %gt3A_35 : i32
    %convert_element_type3A_37 = arith.extui %gt3A_36 : i1 to i32
    %cond3A_38 = arith.constant 0 : i32
    %cond3A_39 = arith.cmpi ne, %convert_element_type3A_37, %cond3A_38 : i32
    scf.if %cond3A_39 {
      %dma_start3A = arith.constant 0 : i32
      %dma_start3A_55 = arith.constant 0 : i32
      %dma_start3A_56 = arith.constant 0 : i32
      %dma_start3A_57 = tpu.memref_slice %arg6[%dma_start3A, %dma_start3A_55, %dma_start3A_56] : memref<2x8x128xi32, #tpu.memory_space<vmem>> -> memref<1x1x128xi32, #tpu.memory_space<vmem>>
      %dma_start3A_58 = tpu.memref_squeeze %dma_start3A_57 : memref<1x1x128xi32, #tpu.memory_space<vmem>> -> memref<128xi32, #tpu.memory_space<vmem>>
      %dma_start3A_59 = arith.constant 0 : i32
      %dma_start3A_60 = arith.constant 0 : i32
      %dma_start3A_61 = tpu.memref_slice %arg2[%dma_start3A_59, %dma_start3A_60] : memref<10000x128xf32, #tpu.memory_space<hbm>> -> memref<10000x128xf32, #tpu.memory_space<hbm>>
      tpu.enqueue_indirect_dma source(%dma_start3A_61 : memref<10000x128xf32, #tpu.memory_space<hbm>>) target(%arg8 : memref<128x128xf32, #tpu.memory_space<vmem>>) offsets(%dma_start3A_58 : memref<128xi32, #tpu.memory_space<vmem>>) semaphore(%arg10 : memref<!tpu.dma_semaphore, #tpu.memory_space<semaphore_mem>>)
    } else {
    }
    %while3A = arith.constant 0 : i32
    %while3A_40 = arith.constant 0 : i32
    %while3A_41 = arith.subi %select_n3A_22, %while3A_40 : i32
    %while3A_42 = arith.addi %while3A_40, %while3A_41 : i32
    %while3A_43 = arith.constant 1 : i32
    %while3A_44 = arith.divsi %while3A_41, %while3A_43 : i32
    %while3A_45 = arith.muli %while3A_44, %while3A_43 : i32
    %while3A_46 = arith.addi %while3A_40, %while3A_45 : i32
    %while3A_47 = arith.constant 1 : i32
    scf.for %while3A_55 = %while3A_40 to %while3A_46 step %while3A_47  : i32 {
      %rem3A = arith.constant 2 : i32
      %rem3A_56 = arith.remsi %while3A_55, %rem3A : i32
      %add3A_57 = arith.constant 1 : i32
      %add3A_58 = arith.addi %while3A_55, %add3A_57 : i32
      %rem3A_59 = arith.constant 2 : i32
      %rem3A_60 = arith.remsi %add3A_58, %rem3A_59 : i32
      %mul3A_61 = arith.constant 8 : i32
      %mul3A_62 = arith.muli %while3A_55, %mul3A_61 : i32
      %add3A_63 = arith.constant 0 : i32
      %add3A_64 = arith.addi %mul3A_62, %add3A_63 : i32
      %ge3A = arith.constant 1 : i32
      %ge3A_65 = arith.cmpi sge, %add3A_64, %ge3A : i32
      %convert_element_type3A_66 = arith.extui %ge3A_65 : i1 to i32
      %cond3A_67 = arith.constant 0 : i32
      %cond3A_68 = arith.cmpi ne, %convert_element_type3A_66, %cond3A_67 : i32
      scf.if %cond3A_68 {
        %dma_wait3A_293 = arith.constant 0 : i32
        %dma_wait3A_294 = arith.constant 0 : i32
        %dma_wait3A_295 = arith.constant 0 : i32
        %dma_wait3A_296 = tpu.memref_slice %arg7[%dma_wait3A_293, %dma_wait3A_294, %dma_wait3A_295] : memref<2x8x128xi32, #tpu.memory_space<vmem>> -> memref<1x1x128xi32, #tpu.memory_space<vmem>>
        %dma_wait3A_297 = tpu.memref_squeeze %dma_wait3A_296 : memref<1x1x128xi32, #tpu.memory_space<vmem>> -> memref<128xi32, #tpu.memory_space<vmem>>
        %dma_wait3A_298 = arith.constant 0 : i32
        %dma_wait3A_299 = arith.constant 0 : i32
        %dma_wait3A_300 = tpu.memref_slice %arg15[%dma_wait3A_298, %dma_wait3A_299] : memref<10112x128xf32, #tpu.memory_space<vmem_shared>> -> memref<10112x128xf32, #tpu.memory_space<vmem_shared>>
        tpu.wait_indirect_dma semaphore(%arg13 : memref<!tpu.dma_semaphore, #tpu.memory_space<semaphore_mem>>) src(%arg9 : memref<128x128xf32, #tpu.memory_space<vmem>>) dst(%dma_wait3A_300 : memref<10112x128xf32, #tpu.memory_space<vmem_shared>>)
      } else {
      }
      %add3A_69 = arith.constant 1 : i32
      %add3A_70 = arith.addi %add3A_64, %add3A_69 : i32
      %lt3A = arith.cmpi slt, %add3A_70, %select_n3A : i32
      %convert_element_type3A_71 = arith.extui %lt3A : i1 to i32
      %cond3A_72 = arith.constant 0 : i32
      %cond3A_73 = arith.cmpi ne, %convert_element_type3A_71, %cond3A_72 : i32
      scf.if %cond3A_73 {
        %dma_start3A_293 = arith.constant 1 : i32
        %dma_start3A_294 = arith.constant 0 : i32
        %dma_start3A_295 = tpu.memref_slice %arg6[%rem3A_56, %dma_start3A_293, %dma_start3A_294] : memref<2x8x128xi32, #tpu.memory_space<vmem>> -> memref<1x1x128xi32, #tpu.memory_space<vmem>>
        %dma_start3A_296 = tpu.memref_squeeze %dma_start3A_295 : memref<1x1x128xi32, #tpu.memory_space<vmem>> -> memref<128xi32, #tpu.memory_space<vmem>>
        %dma_start3A_297 = arith.constant 0 : i32
        %dma_start3A_298 = arith.constant 0 : i32
        %dma_start3A_299 = tpu.memref_slice %arg2[%dma_start3A_297, %dma_start3A_298] : memref<10000x128xf32, #tpu.memory_space<hbm>> -> memref<10000x128xf32, #tpu.memory_space<hbm>>
        tpu.enqueue_indirect_dma source(%dma_start3A_299 : memref<10000x128xf32, #tpu.memory_space<hbm>>) target(%arg9 : memref<128x128xf32, #tpu.memory_space<vmem>>) offsets(%dma_start3A_296 : memref<128xi32, #tpu.memory_space<vmem>>) semaphore(%arg11 : memref<!tpu.dma_semaphore, #tpu.memory_space<semaphore_mem>>)
      } else {
      }
      %dma_wait3A = arith.constant 0 : i32
      %dma_wait3A_74 = arith.constant 0 : i32
      %dma_wait3A_75 = tpu.memref_slice %arg2[%dma_wait3A, %dma_wait3A_74] : memref<10000x128xf32, #tpu.memory_space<hbm>> -> memref<128x128xf32, #tpu.memory_space<hbm>>
      %dma_wait3A_76 = arith.constant 0 : i32
      %dma_wait3A_77 = arith.constant 0 : i32
      %dma_wait3A_78 = tpu.memref_slice %arg2[%dma_wait3A_76, %dma_wait3A_77] : memref<10000x128xf32, #tpu.memory_space<hbm>> -> memref<128x128xf32, #tpu.memory_space<hbm>>
      tpu.wait_dma2 semaphore(%arg10 : memref<!tpu.dma_semaphore, #tpu.memory_space<semaphore_mem>>) src(%dma_wait3A_78 : memref<128x128xf32, #tpu.memory_space<hbm>>) dst(%arg8 : memref<128x128xf32, #tpu.memory_space<vmem>>)
      %dma_start3A = arith.constant 0 : i32
      %dma_start3A_79 = arith.constant 0 : i32
      %dma_start3A_80 = tpu.memref_slice %arg7[%rem3A_56, %dma_start3A, %dma_start3A_79] : memref<2x8x128xi32, #tpu.memory_space<vmem>> -> memref<1x1x128xi32, #tpu.memory_space<vmem>>
      %dma_start3A_81 = tpu.memref_squeeze %dma_start3A_80 : memref<1x1x128xi32, #tpu.memory_space<vmem>> -> memref<128xi32, #tpu.memory_space<vmem>>
      %dma_start3A_82 = arith.constant 0 : i32
      %dma_start3A_83 = arith.constant 0 : i32
      %dma_start3A_84 = tpu.memref_slice %arg15[%dma_start3A_82, %dma_start3A_83] : memref<10112x128xf32, #tpu.memory_space<vmem_shared>> -> memref<10112x128xf32, #tpu.memory_space<vmem_shared>>
      tpu.enqueue_indirect_dma source(%arg8 : memref<128x128xf32, #tpu.memory_space<vmem>>) target(%dma_start3A_84 : memref<10112x128xf32, #tpu.memory_space<vmem_shared>>) offsets(%dma_start3A_81 : memref<128xi32, #tpu.memory_space<vmem>>) semaphore(%arg12 : memref<!tpu.dma_semaphore, #tpu.memory_space<semaphore_mem>>) {add = true}
      %mul3A_85 = arith.constant 8 : i32
      %mul3A_86 = arith.muli %while3A_55, %mul3A_85 : i32
      %add3A_87 = arith.constant 1 : i32
      %add3A_88 = arith.addi %mul3A_86, %add3A_87 : i32
      %ge3A_89 = arith.constant 1 : i32
      %ge3A_90 = arith.cmpi sge, %add3A_88, %ge3A_89 : i32
      %convert_element_type3A_91 = arith.extui %ge3A_90 : i1 to i32
      %cond3A_92 = arith.constant 0 : i32
      %cond3A_93 = arith.cmpi ne, %convert_element_type3A_91, %cond3A_92 : i32
      scf.if %cond3A_93 {
        %dma_wait3A_293 = arith.constant 0 : i32
        %dma_wait3A_294 = arith.constant 0 : i32
        %dma_wait3A_295 = arith.constant 0 : i32
        %dma_wait3A_296 = tpu.memref_slice %arg7[%dma_wait3A_293, %dma_wait3A_294, %dma_wait3A_295] : memref<2x8x128xi32, #tpu.memory_space<vmem>> -> memref<1x1x128xi32, #tpu.memory_space<vmem>>
        %dma_wait3A_297 = tpu.memref_squeeze %dma_wait3A_296 : memref<1x1x128xi32, #tpu.memory_space<vmem>> -> memref<128xi32, #tpu.memory_space<vmem>>
        %dma_wait3A_298 = arith.constant 0 : i32
        %dma_wait3A_299 = arith.constant 0 : i32
        %dma_wait3A_300 = tpu.memref_slice %arg15[%dma_wait3A_298, %dma_wait3A_299] : memref<10112x128xf32, #tpu.memory_space<vmem_shared>> -> memref<10112x128xf32, #tpu.memory_space<vmem_shared>>
        tpu.wait_indirect_dma semaphore(%arg12 : memref<!tpu.dma_semaphore, #tpu.memory_space<semaphore_mem>>) src(%arg8 : memref<128x128xf32, #tpu.memory_space<vmem>>) dst(%dma_wait3A_300 : memref<10112x128xf32, #tpu.memory_space<vmem_shared>>)
      } else {
      }
      %add3A_94 = arith.constant 1 : i32
      %add3A_95 = arith.addi %while3A_55, %add3A_94 : i32
      %lt3A_96 = arith.cmpi slt, %add3A_95, %select_n3A_22 : i32
      %convert_element_type3A_97 = arith.extui %lt3A_96 : i1 to i32
      %cond3A_98 = arith.constant 0 : i32
      %cond3A_99 = arith.cmpi ne, %convert_element_type3A_97, %cond3A_98 : i32
      scf.if %cond3A_99 {
        %add3A_293 = arith.addi %min3A_32, %while3A_55 : i32
        %add3A_294 = arith.constant 1 : i32
        %add3A_295 = arith.addi %add3A_293, %add3A_294 : i32
        %dma_start3A_296 = arith.constant 0 : i32
        %dma_start3A_297 = arith.constant 0 : i32
        %dma_start3A_298 = tpu.memref_slice %arg6[%rem3A_60, %dma_start3A_296, %dma_start3A_297] : memref<2x8x128xi32, #tpu.memory_space<vmem>> -> memref<1x8x128xi32, #tpu.memory_space<vmem>>
        %dma_start3A_299 = tpu.memref_squeeze %dma_start3A_298 : memref<1x8x128xi32, #tpu.memory_space<vmem>> -> memref<8x128xi32, #tpu.memory_space<vmem>>
        %dma_start3A_300 = arith.constant 0 : i32
        %dma_start3A_301 = arith.constant 0 : i32
        %dma_start3A_302 = tpu.memref_slice %arg3[%add3A_295, %dma_start3A_300, %dma_start3A_301] : memref<320x8x128xi32, #tpu.memory_space<hbm>> -> memref<1x8x128xi32, #tpu.memory_space<hbm>>
        %dma_start3A_303 = tpu.memref_squeeze %dma_start3A_302 : memref<1x8x128xi32, #tpu.memory_space<hbm>> -> memref<8x128xi32, #tpu.memory_space<hbm>>
        %dma_start3A_304 = arith.constant 0 : i32
        %dma_start3A_305 = arith.constant 0 : i32
        %dma_start3A_306 = tpu.memref_slice %arg6[%rem3A_60, %dma_start3A_304, %dma_start3A_305] : memref<2x8x128xi32, #tpu.memory_space<vmem>> -> memref<1x8x128xi32, #tpu.memory_space<vmem>>
        %dma_start3A_307 = tpu.memref_squeeze %dma_start3A_306 : memref<1x8x128xi32, #tpu.memory_space<vmem>> -> memref<8x128xi32, #tpu.memory_space<vmem>>
        %dma_start3A_308 = arith.constant 0 : i32
        %dma_start3A_309 = arith.constant 0 : i32
        %dma_start3A_310 = tpu.memref_slice %arg3[%add3A_295, %dma_start3A_308, %dma_start3A_309] : memref<320x8x128xi32, #tpu.memory_space<hbm>> -> memref<1x8x128xi32, #tpu.memory_space<hbm>>
        %dma_start3A_311 = tpu.memref_squeeze %dma_start3A_310 : memref<1x8x128xi32, #tpu.memory_space<hbm>> -> memref<8x128xi32, #tpu.memory_space<hbm>>
        tpu.enqueue_dma source(%dma_start3A_311 : memref<8x128xi32, #tpu.memory_space<hbm>>) target(%dma_start3A_307 : memref<8x128xi32, #tpu.memory_space<vmem>>) target_semaphore(%arg14 : memref<!tpu.dma_semaphore, #tpu.memory_space<semaphore_mem>>)
        %add3A_312 = arith.addi %min3A_32, %while3A_55 : i32
        %add3A_313 = arith.constant 1 : i32
        %add3A_314 = arith.addi %add3A_312, %add3A_313 : i32
        %dma_start3A_315 = arith.constant 0 : i32
        %dma_start3A_316 = arith.constant 0 : i32
        %dma_start3A_317 = tpu.memref_slice %arg7[%rem3A_60, %dma_start3A_315, %dma_start3A_316] : memref<2x8x128xi32, #tpu.memory_space<vmem>> -> memref<1x8x128xi32, #tpu.memory_space<vmem>>
        %dma_start3A_318 = tpu.memref_squeeze %dma_start3A_317 : memref<1x8x128xi32, #tpu.memory_space<vmem>> -> memref<8x128xi32, #tpu.memory_space<vmem>>
        %dma_start3A_319 = arith.constant 0 : i32
        %dma_start3A_320 = arith.constant 0 : i32
        %dma_start3A_321 = tpu.memref_slice %arg4[%add3A_314, %dma_start3A_319, %dma_start3A_320] : memref<320x8x128xi32, #tpu.memory_space<hbm>> -> memref<1x8x128xi32, #tpu.memory_space<hbm>>
        %dma_start3A_322 = tpu.memref_squeeze %dma_start3A_321 : memref<1x8x128xi32, #tpu.memory_space<hbm>> -> memref<8x128xi32, #tpu.memory_space<hbm>>
        %dma_start3A_323 = arith.constant 0 : i32
        %dma_start3A_324 = arith.constant 0 : i32
        %dma_start3A_325 = tpu.memref_slice %arg7[%rem3A_60, %dma_start3A_323, %dma_start3A_324] : memref<2x8x128xi32, #tpu.memory_space<vmem>> -> memref<1x8x128xi32, #tpu.memory_space<vmem>>
        %dma_start3A_326 = tpu.memref_squeeze %dma_start3A_325 : memref<1x8x128xi32, #tpu.memory_space<vmem>> -> memref<8x128xi32, #tpu.memory_space<vmem>>
        %dma_start3A_327 = arith.constant 0 : i32
        %dma_start3A_328 = arith.constant 0 : i32
        %dma_start3A_329 = tpu.memref_slice %arg4[%add3A_314, %dma_start3A_327, %dma_start3A_328] : memref<320x8x128xi32, #tpu.memory_space<hbm>> -> memref<1x8x128xi32, #tpu.memory_space<hbm>>
        %dma_start3A_330 = tpu.memref_squeeze %dma_start3A_329 : memref<1x8x128xi32, #tpu.memory_space<hbm>> -> memref<8x128xi32, #tpu.memory_space<hbm>>
        tpu.enqueue_dma source(%dma_start3A_330 : memref<8x128xi32, #tpu.memory_space<hbm>>) target(%dma_start3A_326 : memref<8x128xi32, #tpu.memory_space<vmem>>) target_semaphore(%arg14 : memref<!tpu.dma_semaphore, #tpu.memory_space<semaphore_mem>>)
      } else {
      }
      %add3A_100 = arith.constant 1 : i32
      %add3A_101 = arith.addi %add3A_88, %add3A_100 : i32
      %lt3A_102 = arith.cmpi slt, %add3A_101, %select_n3A : i32
      %convert_element_type3A_103 = arith.extui %lt3A_102 : i1 to i32
      %cond3A_104 = arith.constant 0 : i32
      %cond3A_105 = arith.cmpi ne, %convert_element_type3A_103, %cond3A_104 : i32
      scf.if %cond3A_105 {
        %dma_start3A_293 = arith.constant 2 : i32
        %dma_start3A_294 = arith.constant 0 : i32
        %dma_start3A_295 = tpu.memref_slice %arg6[%rem3A_56, %dma_start3A_293, %dma_start3A_294] : memref<2x8x128xi32, #tpu.memory_space<vmem>> -> memref<1x1x128xi32, #tpu.memory_space<vmem>>
        %dma_start3A_296 = tpu.memref_squeeze %dma_start3A_295 : memref<1x1x128xi32, #tpu.memory_space<vmem>> -> memref<128xi32, #tpu.memory_space<vmem>>
        %dma_start3A_297 = arith.constant 0 : i32
        %dma_start3A_298 = arith.constant 0 : i32
        %dma_start3A_299 = tpu.memref_slice %arg2[%dma_start3A_297, %dma_start3A_298] : memref<10000x128xf32, #tpu.memory_space<hbm>> -> memref<10000x128xf32, #tpu.memory_space<hbm>>
        tpu.enqueue_indirect_dma source(%dma_start3A_299 : memref<10000x128xf32, #tpu.memory_space<hbm>>) target(%arg8 : memref<128x128xf32, #tpu.memory_space<vmem>>) offsets(%dma_start3A_296 : memref<128xi32, #tpu.memory_space<vmem>>) semaphore(%arg10 : memref<!tpu.dma_semaphore, #tpu.memory_space<semaphore_mem>>)
      } else {
      }
      %dma_wait3A_106 = arith.constant 0 : i32
      %dma_wait3A_107 = arith.constant 0 : i32
      %dma_wait3A_108 = tpu.memref_slice %arg2[%dma_wait3A_106, %dma_wait3A_107] : memref<10000x128xf32, #tpu.memory_space<hbm>> -> memref<128x128xf32, #tpu.memory_space<hbm>>
      %dma_wait3A_109 = arith.constant 0 : i32
      %dma_wait3A_110 = arith.constant 0 : i32
      %dma_wait3A_111 = tpu.memref_slice %arg2[%dma_wait3A_109, %dma_wait3A_110] : memref<10000x128xf32, #tpu.memory_space<hbm>> -> memref<128x128xf32, #tpu.memory_space<hbm>>
      tpu.wait_dma2 semaphore(%arg11 : memref<!tpu.dma_semaphore, #tpu.memory_space<semaphore_mem>>) src(%dma_wait3A_111 : memref<128x128xf32, #tpu.memory_space<hbm>>) dst(%arg9 : memref<128x128xf32, #tpu.memory_space<vmem>>)
      %dma_start3A_112 = arith.constant 1 : i32
      %dma_start3A_113 = arith.constant 0 : i32
      %dma_start3A_114 = tpu.memref_slice %arg7[%rem3A_56, %dma_start3A_112, %dma_start3A_113] : memref<2x8x128xi32, #tpu.memory_space<vmem>> -> memref<1x1x128xi32, #tpu.memory_space<vmem>>
      %dma_start3A_115 = tpu.memref_squeeze %dma_start3A_114 : memref<1x1x128xi32, #tpu.memory_space<vmem>> -> memref<128xi32, #tpu.memory_space<vmem>>
      %dma_start3A_116 = arith.constant 0 : i32
      %dma_start3A_117 = arith.constant 0 : i32
      %dma_start3A_118 = tpu.memref_slice %arg15[%dma_start3A_116, %dma_start3A_117] : memref<10112x128xf32, #tpu.memory_space<vmem_shared>> -> memref<10112x128xf32, #tpu.memory_space<vmem_shared>>
      tpu.enqueue_indirect_dma source(%arg9 : memref<128x128xf32, #tpu.memory_space<vmem>>) target(%dma_start3A_118 : memref<10112x128xf32, #tpu.memory_space<vmem_shared>>) offsets(%dma_start3A_115 : memref<128xi32, #tpu.memory_space<vmem>>) semaphore(%arg13 : memref<!tpu.dma_semaphore, #tpu.memory_space<semaphore_mem>>) {add = true}
      %mul3A_119 = arith.constant 8 : i32
      %mul3A_120 = arith.muli %while3A_55, %mul3A_119 : i32
      %add3A_121 = arith.constant 2 : i32
      %add3A_122 = arith.addi %mul3A_120, %add3A_121 : i32
      %ge3A_123 = arith.constant 1 : i32
      %ge3A_124 = arith.cmpi sge, %add3A_122, %ge3A_123 : i32
      %convert_element_type3A_125 = arith.extui %ge3A_124 : i1 to i32
      %cond3A_126 = arith.constant 0 : i32
      %cond3A_127 = arith.cmpi ne, %convert_element_type3A_125, %cond3A_126 : i32
      scf.if %cond3A_127 {
        %dma_wait3A_293 = arith.constant 0 : i32
        %dma_wait3A_294 = arith.constant 0 : i32
        %dma_wait3A_295 = arith.constant 0 : i32
        %dma_wait3A_296 = tpu.memref_slice %arg7[%dma_wait3A_293, %dma_wait3A_294, %dma_wait3A_295] : memref<2x8x128xi32, #tpu.memory_space<vmem>> -> memref<1x1x128xi32, #tpu.memory_space<vmem>>
        %dma_wait3A_297 = tpu.memref_squeeze %dma_wait3A_296 : memref<1x1x128xi32, #tpu.memory_space<vmem>> -> memref<128xi32, #tpu.memory_space<vmem>>
        %dma_wait3A_298 = arith.constant 0 : i32
        %dma_wait3A_299 = arith.constant 0 : i32
        %dma_wait3A_300 = tpu.memref_slice %arg15[%dma_wait3A_298, %dma_wait3A_299] : memref<10112x128xf32, #tpu.memory_space<vmem_shared>> -> memref<10112x128xf32, #tpu.memory_space<vmem_shared>>
        tpu.wait_indirect_dma semaphore(%arg13 : memref<!tpu.dma_semaphore, #tpu.memory_space<semaphore_mem>>) src(%arg9 : memref<128x128xf32, #tpu.memory_space<vmem>>) dst(%dma_wait3A_300 : memref<10112x128xf32, #tpu.memory_space<vmem_shared>>)
      } else {
      }
      %add3A_128 = arith.constant 1 : i32
      %add3A_129 = arith.addi %add3A_122, %add3A_128 : i32
      %lt3A_130 = arith.cmpi slt, %add3A_129, %select_n3A : i32
      %convert_element_type3A_131 = arith.extui %lt3A_130 : i1 to i32
      %cond3A_132 = arith.constant 0 : i32
      %cond3A_133 = arith.cmpi ne, %convert_element_type3A_131, %cond3A_132 : i32
      scf.if %cond3A_133 {
        %dma_start3A_293 = arith.constant 3 : i32
        %dma_start3A_294 = arith.constant 0 : i32
        %dma_start3A_295 = tpu.memref_slice %arg6[%rem3A_56, %dma_start3A_293, %dma_start3A_294] : memref<2x8x128xi32, #tpu.memory_space<vmem>> -> memref<1x1x128xi32, #tpu.memory_space<vmem>>
        %dma_start3A_296 = tpu.memref_squeeze %dma_start3A_295 : memref<1x1x128xi32, #tpu.memory_space<vmem>> -> memref<128xi32, #tpu.memory_space<vmem>>
        %dma_start3A_297 = arith.constant 0 : i32
        %dma_start3A_298 = arith.constant 0 : i32
        %dma_start3A_299 = tpu.memref_slice %arg2[%dma_start3A_297, %dma_start3A_298] : memref<10000x128xf32, #tpu.memory_space<hbm>> -> memref<10000x128xf32, #tpu.memory_space<hbm>>
        tpu.enqueue_indirect_dma source(%dma_start3A_299 : memref<10000x128xf32, #tpu.memory_space<hbm>>) target(%arg9 : memref<128x128xf32, #tpu.memory_space<vmem>>) offsets(%dma_start3A_296 : memref<128xi32, #tpu.memory_space<vmem>>) semaphore(%arg11 : memref<!tpu.dma_semaphore, #tpu.memory_space<semaphore_mem>>)
      } else {
      }
      %dma_wait3A_134 = arith.constant 0 : i32
      %dma_wait3A_135 = arith.constant 0 : i32
      %dma_wait3A_136 = tpu.memref_slice %arg2[%dma_wait3A_134, %dma_wait3A_135] : memref<10000x128xf32, #tpu.memory_space<hbm>> -> memref<128x128xf32, #tpu.memory_space<hbm>>
      %dma_wait3A_137 = arith.constant 0 : i32
      %dma_wait3A_138 = arith.constant 0 : i32
      %dma_wait3A_139 = tpu.memref_slice %arg2[%dma_wait3A_137, %dma_wait3A_138] : memref<10000x128xf32, #tpu.memory_space<hbm>> -> memref<128x128xf32, #tpu.memory_space<hbm>>
      tpu.wait_dma2 semaphore(%arg10 : memref<!tpu.dma_semaphore, #tpu.memory_space<semaphore_mem>>) src(%dma_wait3A_139 : memref<128x128xf32, #tpu.memory_space<hbm>>) dst(%arg8 : memref<128x128xf32, #tpu.memory_space<vmem>>)
      %dma_start3A_140 = arith.constant 2 : i32
      %dma_start3A_141 = arith.constant 0 : i32
      %dma_start3A_142 = tpu.memref_slice %arg7[%rem3A_56, %dma_start3A_140, %dma_start3A_141] : memref<2x8x128xi32, #tpu.memory_space<vmem>> -> memref<1x1x128xi32, #tpu.memory_space<vmem>>
      %dma_start3A_143 = tpu.memref_squeeze %dma_start3A_142 : memref<1x1x128xi32, #tpu.memory_space<vmem>> -> memref<128xi32, #tpu.memory_space<vmem>>
      %dma_start3A_144 = arith.constant 0 : i32
      %dma_start3A_145 = arith.constant 0 : i32
      %dma_start3A_146 = tpu.memref_slice %arg15[%dma_start3A_144, %dma_start3A_145] : memref<10112x128xf32, #tpu.memory_space<vmem_shared>> -> memref<10112x128xf32, #tpu.memory_space<vmem_shared>>
      tpu.enqueue_indirect_dma source(%arg8 : memref<128x128xf32, #tpu.memory_space<vmem>>) target(%dma_start3A_146 : memref<10112x128xf32, #tpu.memory_space<vmem_shared>>) offsets(%dma_start3A_143 : memref<128xi32, #tpu.memory_space<vmem>>) semaphore(%arg12 : memref<!tpu.dma_semaphore, #tpu.memory_space<semaphore_mem>>) {add = true}
      %mul3A_147 = arith.constant 8 : i32
      %mul3A_148 = arith.muli %while3A_55, %mul3A_147 : i32
      %add3A_149 = arith.constant 3 : i32
      %add3A_150 = arith.addi %mul3A_148, %add3A_149 : i32
      %ge3A_151 = arith.constant 1 : i32
      %ge3A_152 = arith.cmpi sge, %add3A_150, %ge3A_151 : i32
      %convert_element_type3A_153 = arith.extui %ge3A_152 : i1 to i32
      %cond3A_154 = arith.constant 0 : i32
      %cond3A_155 = arith.cmpi ne, %convert_element_type3A_153, %cond3A_154 : i32
      scf.if %cond3A_155 {
        %dma_wait3A_293 = arith.constant 0 : i32
        %dma_wait3A_294 = arith.constant 0 : i32
        %dma_wait3A_295 = arith.constant 0 : i32
        %dma_wait3A_296 = tpu.memref_slice %arg7[%dma_wait3A_293, %dma_wait3A_294, %dma_wait3A_295] : memref<2x8x128xi32, #tpu.memory_space<vmem>> -> memref<1x1x128xi32, #tpu.memory_space<vmem>>
        %dma_wait3A_297 = tpu.memref_squeeze %dma_wait3A_296 : memref<1x1x128xi32, #tpu.memory_space<vmem>> -> memref<128xi32, #tpu.memory_space<vmem>>
        %dma_wait3A_298 = arith.constant 0 : i32
        %dma_wait3A_299 = arith.constant 0 : i32
        %dma_wait3A_300 = tpu.memref_slice %arg15[%dma_wait3A_298, %dma_wait3A_299] : memref<10112x128xf32, #tpu.memory_space<vmem_shared>> -> memref<10112x128xf32, #tpu.memory_space<vmem_shared>>
        tpu.wait_indirect_dma semaphore(%arg12 : memref<!tpu.dma_semaphore, #tpu.memory_space<semaphore_mem>>) src(%arg8 : memref<128x128xf32, #tpu.memory_space<vmem>>) dst(%dma_wait3A_300 : memref<10112x128xf32, #tpu.memory_space<vmem_shared>>)
      } else {
      }
      %add3A_156 = arith.constant 1 : i32
      %add3A_157 = arith.addi %add3A_150, %add3A_156 : i32
      %lt3A_158 = arith.cmpi slt, %add3A_157, %select_n3A : i32
      %convert_element_type3A_159 = arith.extui %lt3A_158 : i1 to i32
      %cond3A_160 = arith.constant 0 : i32
      %cond3A_161 = arith.cmpi ne, %convert_element_type3A_159, %cond3A_160 : i32
      scf.if %cond3A_161 {
        %dma_start3A_293 = arith.constant 4 : i32
        %dma_start3A_294 = arith.constant 0 : i32
        %dma_start3A_295 = tpu.memref_slice %arg6[%rem3A_56, %dma_start3A_293, %dma_start3A_294] : memref<2x8x128xi32, #tpu.memory_space<vmem>> -> memref<1x1x128xi32, #tpu.memory_space<vmem>>
        %dma_start3A_296 = tpu.memref_squeeze %dma_start3A_295 : memref<1x1x128xi32, #tpu.memory_space<vmem>> -> memref<128xi32, #tpu.memory_space<vmem>>
        %dma_start3A_297 = arith.constant 0 : i32
        %dma_start3A_298 = arith.constant 0 : i32
        %dma_start3A_299 = tpu.memref_slice %arg2[%dma_start3A_297, %dma_start3A_298] : memref<10000x128xf32, #tpu.memory_space<hbm>> -> memref<10000x128xf32, #tpu.memory_space<hbm>>
        tpu.enqueue_indirect_dma source(%dma_start3A_299 : memref<10000x128xf32, #tpu.memory_space<hbm>>) target(%arg8 : memref<128x128xf32, #tpu.memory_space<vmem>>) offsets(%dma_start3A_296 : memref<128xi32, #tpu.memory_space<vmem>>) semaphore(%arg10 : memref<!tpu.dma_semaphore, #tpu.memory_space<semaphore_mem>>)
      } else {
      }
      %dma_wait3A_162 = arith.constant 0 : i32
      %dma_wait3A_163 = arith.constant 0 : i32
      %dma_wait3A_164 = tpu.memref_slice %arg2[%dma_wait3A_162, %dma_wait3A_163] : memref<10000x128xf32, #tpu.memory_space<hbm>> -> memref<128x128xf32, #tpu.memory_space<hbm>>
      %dma_wait3A_165 = arith.constant 0 : i32
      %dma_wait3A_166 = arith.constant 0 : i32
      %dma_wait3A_167 = tpu.memref_slice %arg2[%dma_wait3A_165, %dma_wait3A_166] : memref<10000x128xf32, #tpu.memory_space<hbm>> -> memref<128x128xf32, #tpu.memory_space<hbm>>
      tpu.wait_dma2 semaphore(%arg11 : memref<!tpu.dma_semaphore, #tpu.memory_space<semaphore_mem>>) src(%dma_wait3A_167 : memref<128x128xf32, #tpu.memory_space<hbm>>) dst(%arg9 : memref<128x128xf32, #tpu.memory_space<vmem>>)
      %dma_start3A_168 = arith.constant 3 : i32
      %dma_start3A_169 = arith.constant 0 : i32
      %dma_start3A_170 = tpu.memref_slice %arg7[%rem3A_56, %dma_start3A_168, %dma_start3A_169] : memref<2x8x128xi32, #tpu.memory_space<vmem>> -> memref<1x1x128xi32, #tpu.memory_space<vmem>>
      %dma_start3A_171 = tpu.memref_squeeze %dma_start3A_170 : memref<1x1x128xi32, #tpu.memory_space<vmem>> -> memref<128xi32, #tpu.memory_space<vmem>>
      %dma_start3A_172 = arith.constant 0 : i32
      %dma_start3A_173 = arith.constant 0 : i32
      %dma_start3A_174 = tpu.memref_slice %arg15[%dma_start3A_172, %dma_start3A_173] : memref<10112x128xf32, #tpu.memory_space<vmem_shared>> -> memref<10112x128xf32, #tpu.memory_space<vmem_shared>>
      tpu.enqueue_indirect_dma source(%arg9 : memref<128x128xf32, #tpu.memory_space<vmem>>) target(%dma_start3A_174 : memref<10112x128xf32, #tpu.memory_space<vmem_shared>>) offsets(%dma_start3A_171 : memref<128xi32, #tpu.memory_space<vmem>>) semaphore(%arg13 : memref<!tpu.dma_semaphore, #tpu.memory_space<semaphore_mem>>) {add = true}
      %mul3A_175 = arith.constant 8 : i32
      %mul3A_176 = arith.muli %while3A_55, %mul3A_175 : i32
      %add3A_177 = arith.constant 4 : i32
      %add3A_178 = arith.addi %mul3A_176, %add3A_177 : i32
      %ge3A_179 = arith.constant 1 : i32
      %ge3A_180 = arith.cmpi sge, %add3A_178, %ge3A_179 : i32
      %convert_element_type3A_181 = arith.extui %ge3A_180 : i1 to i32
      %cond3A_182 = arith.constant 0 : i32
      %cond3A_183 = arith.cmpi ne, %convert_element_type3A_181, %cond3A_182 : i32
      scf.if %cond3A_183 {
        %dma_wait3A_293 = arith.constant 0 : i32
        %dma_wait3A_294 = arith.constant 0 : i32
        %dma_wait3A_295 = arith.constant 0 : i32
        %dma_wait3A_296 = tpu.memref_slice %arg7[%dma_wait3A_293, %dma_wait3A_294, %dma_wait3A_295] : memref<2x8x128xi32, #tpu.memory_space<vmem>> -> memref<1x1x128xi32, #tpu.memory_space<vmem>>
        %dma_wait3A_297 = tpu.memref_squeeze %dma_wait3A_296 : memref<1x1x128xi32, #tpu.memory_space<vmem>> -> memref<128xi32, #tpu.memory_space<vmem>>
        %dma_wait3A_298 = arith.constant 0 : i32
        %dma_wait3A_299 = arith.constant 0 : i32
        %dma_wait3A_300 = tpu.memref_slice %arg15[%dma_wait3A_298, %dma_wait3A_299] : memref<10112x128xf32, #tpu.memory_space<vmem_shared>> -> memref<10112x128xf32, #tpu.memory_space<vmem_shared>>
        tpu.wait_indirect_dma semaphore(%arg13 : memref<!tpu.dma_semaphore, #tpu.memory_space<semaphore_mem>>) src(%arg9 : memref<128x128xf32, #tpu.memory_space<vmem>>) dst(%dma_wait3A_300 : memref<10112x128xf32, #tpu.memory_space<vmem_shared>>)
      } else {
      }
      %add3A_184 = arith.constant 1 : i32
      %add3A_185 = arith.addi %add3A_178, %add3A_184 : i32
      %lt3A_186 = arith.cmpi slt, %add3A_185, %select_n3A : i32
      %convert_element_type3A_187 = arith.extui %lt3A_186 : i1 to i32
      %cond3A_188 = arith.constant 0 : i32
      %cond3A_189 = arith.cmpi ne, %convert_element_type3A_187, %cond3A_188 : i32
      scf.if %cond3A_189 {
        %dma_start3A_293 = arith.constant 5 : i32
        %dma_start3A_294 = arith.constant 0 : i32
        %dma_start3A_295 = tpu.memref_slice %arg6[%rem3A_56, %dma_start3A_293, %dma_start3A_294] : memref<2x8x128xi32, #tpu.memory_space<vmem>> -> memref<1x1x128xi32, #tpu.memory_space<vmem>>
        %dma_start3A_296 = tpu.memref_squeeze %dma_start3A_295 : memref<1x1x128xi32, #tpu.memory_space<vmem>> -> memref<128xi32, #tpu.memory_space<vmem>>
        %dma_start3A_297 = arith.constant 0 : i32
        %dma_start3A_298 = arith.constant 0 : i32
        %dma_start3A_299 = tpu.memref_slice %arg2[%dma_start3A_297, %dma_start3A_298] : memref<10000x128xf32, #tpu.memory_space<hbm>> -> memref<10000x128xf32, #tpu.memory_space<hbm>>
        tpu.enqueue_indirect_dma source(%dma_start3A_299 : memref<10000x128xf32, #tpu.memory_space<hbm>>) target(%arg9 : memref<128x128xf32, #tpu.memory_space<vmem>>) offsets(%dma_start3A_296 : memref<128xi32, #tpu.memory_space<vmem>>) semaphore(%arg11 : memref<!tpu.dma_semaphore, #tpu.memory_space<semaphore_mem>>)
      } else {
      }
      %dma_wait3A_190 = arith.constant 0 : i32
      %dma_wait3A_191 = arith.constant 0 : i32
      %dma_wait3A_192 = tpu.memref_slice %arg2[%dma_wait3A_190, %dma_wait3A_191] : memref<10000x128xf32, #tpu.memory_space<hbm>> -> memref<128x128xf32, #tpu.memory_space<hbm>>
      %dma_wait3A_193 = arith.constant 0 : i32
      %dma_wait3A_194 = arith.constant 0 : i32
      %dma_wait3A_195 = tpu.memref_slice %arg2[%dma_wait3A_193, %dma_wait3A_194] : memref<10000x128xf32, #tpu.memory_space<hbm>> -> memref<128x128xf32, #tpu.memory_space<hbm>>
      tpu.wait_dma2 semaphore(%arg10 : memref<!tpu.dma_semaphore, #tpu.memory_space<semaphore_mem>>) src(%dma_wait3A_195 : memref<128x128xf32, #tpu.memory_space<hbm>>) dst(%arg8 : memref<128x128xf32, #tpu.memory_space<vmem>>)
      %dma_start3A_196 = arith.constant 4 : i32
      %dma_start3A_197 = arith.constant 0 : i32
      %dma_start3A_198 = tpu.memref_slice %arg7[%rem3A_56, %dma_start3A_196, %dma_start3A_197] : memref<2x8x128xi32, #tpu.memory_space<vmem>> -> memref<1x1x128xi32, #tpu.memory_space<vmem>>
      %dma_start3A_199 = tpu.memref_squeeze %dma_start3A_198 : memref<1x1x128xi32, #tpu.memory_space<vmem>> -> memref<128xi32, #tpu.memory_space<vmem>>
      %dma_start3A_200 = arith.constant 0 : i32
      %dma_start3A_201 = arith.constant 0 : i32
      %dma_start3A_202 = tpu.memref_slice %arg15[%dma_start3A_200, %dma_start3A_201] : memref<10112x128xf32, #tpu.memory_space<vmem_shared>> -> memref<10112x128xf32, #tpu.memory_space<vmem_shared>>
      tpu.enqueue_indirect_dma source(%arg8 : memref<128x128xf32, #tpu.memory_space<vmem>>) target(%dma_start3A_202 : memref<10112x128xf32, #tpu.memory_space<vmem_shared>>) offsets(%dma_start3A_199 : memref<128xi32, #tpu.memory_space<vmem>>) semaphore(%arg12 : memref<!tpu.dma_semaphore, #tpu.memory_space<semaphore_mem>>) {add = true}
      %mul3A_203 = arith.constant 8 : i32
      %mul3A_204 = arith.muli %while3A_55, %mul3A_203 : i32
      %add3A_205 = arith.constant 5 : i32
      %add3A_206 = arith.addi %mul3A_204, %add3A_205 : i32
      %ge3A_207 = arith.constant 1 : i32
      %ge3A_208 = arith.cmpi sge, %add3A_206, %ge3A_207 : i32
      %convert_element_type3A_209 = arith.extui %ge3A_208 : i1 to i32
      %cond3A_210 = arith.constant 0 : i32
      %cond3A_211 = arith.cmpi ne, %convert_element_type3A_209, %cond3A_210 : i32
      scf.if %cond3A_211 {
        %dma_wait3A_293 = arith.constant 0 : i32
        %dma_wait3A_294 = arith.constant 0 : i32
        %dma_wait3A_295 = arith.constant 0 : i32
        %dma_wait3A_296 = tpu.memref_slice %arg7[%dma_wait3A_293, %dma_wait3A_294, %dma_wait3A_295] : memref<2x8x128xi32, #tpu.memory_space<vmem>> -> memref<1x1x128xi32, #tpu.memory_space<vmem>>
        %dma_wait3A_297 = tpu.memref_squeeze %dma_wait3A_296 : memref<1x1x128xi32, #tpu.memory_space<vmem>> -> memref<128xi32, #tpu.memory_space<vmem>>
        %dma_wait3A_298 = arith.constant 0 : i32
        %dma_wait3A_299 = arith.constant 0 : i32
        %dma_wait3A_300 = tpu.memref_slice %arg15[%dma_wait3A_298, %dma_wait3A_299] : memref<10112x128xf32, #tpu.memory_space<vmem_shared>> -> memref<10112x128xf32, #tpu.memory_space<vmem_shared>>
        tpu.wait_indirect_dma semaphore(%arg12 : memref<!tpu.dma_semaphore, #tpu.memory_space<semaphore_mem>>) src(%arg8 : memref<128x128xf32, #tpu.memory_space<vmem>>) dst(%dma_wait3A_300 : memref<10112x128xf32, #tpu.memory_space<vmem_shared>>)
      } else {
      }
      %add3A_212 = arith.constant 1 : i32
      %add3A_213 = arith.addi %add3A_206, %add3A_212 : i32
      %lt3A_214 = arith.cmpi slt, %add3A_213, %select_n3A : i32
      %convert_element_type3A_215 = arith.extui %lt3A_214 : i1 to i32
      %cond3A_216 = arith.constant 0 : i32
      %cond3A_217 = arith.cmpi ne, %convert_element_type3A_215, %cond3A_216 : i32
      scf.if %cond3A_217 {
        %dma_start3A_293 = arith.constant 6 : i32
        %dma_start3A_294 = arith.constant 0 : i32
        %dma_start3A_295 = tpu.memref_slice %arg6[%rem3A_56, %dma_start3A_293, %dma_start3A_294] : memref<2x8x128xi32, #tpu.memory_space<vmem>> -> memref<1x1x128xi32, #tpu.memory_space<vmem>>
        %dma_start3A_296 = tpu.memref_squeeze %dma_start3A_295 : memref<1x1x128xi32, #tpu.memory_space<vmem>> -> memref<128xi32, #tpu.memory_space<vmem>>
        %dma_start3A_297 = arith.constant 0 : i32
        %dma_start3A_298 = arith.constant 0 : i32
        %dma_start3A_299 = tpu.memref_slice %arg2[%dma_start3A_297, %dma_start3A_298] : memref<10000x128xf32, #tpu.memory_space<hbm>> -> memref<10000x128xf32, #tpu.memory_space<hbm>>
        tpu.enqueue_indirect_dma source(%dma_start3A_299 : memref<10000x128xf32, #tpu.memory_space<hbm>>) target(%arg8 : memref<128x128xf32, #tpu.memory_space<vmem>>) offsets(%dma_start3A_296 : memref<128xi32, #tpu.memory_space<vmem>>) semaphore(%arg10 : memref<!tpu.dma_semaphore, #tpu.memory_space<semaphore_mem>>)
      } else {
      }
      %dma_wait3A_218 = arith.constant 0 : i32
      %dma_wait3A_219 = arith.constant 0 : i32
      %dma_wait3A_220 = tpu.memref_slice %arg2[%dma_wait3A_218, %dma_wait3A_219] : memref<10000x128xf32, #tpu.memory_space<hbm>> -> memref<128x128xf32, #tpu.memory_space<hbm>>
      %dma_wait3A_221 = arith.constant 0 : i32
      %dma_wait3A_222 = arith.constant 0 : i32
      %dma_wait3A_223 = tpu.memref_slice %arg2[%dma_wait3A_221, %dma_wait3A_222] : memref<10000x128xf32, #tpu.memory_space<hbm>> -> memref<128x128xf32, #tpu.memory_space<hbm>>
      tpu.wait_dma2 semaphore(%arg11 : memref<!tpu.dma_semaphore, #tpu.memory_space<semaphore_mem>>) src(%dma_wait3A_223 : memref<128x128xf32, #tpu.memory_space<hbm>>) dst(%arg9 : memref<128x128xf32, #tpu.memory_space<vmem>>)
      %dma_start3A_224 = arith.constant 5 : i32
      %dma_start3A_225 = arith.constant 0 : i32
      %dma_start3A_226 = tpu.memref_slice %arg7[%rem3A_56, %dma_start3A_224, %dma_start3A_225] : memref<2x8x128xi32, #tpu.memory_space<vmem>> -> memref<1x1x128xi32, #tpu.memory_space<vmem>>
      %dma_start3A_227 = tpu.memref_squeeze %dma_start3A_226 : memref<1x1x128xi32, #tpu.memory_space<vmem>> -> memref<128xi32, #tpu.memory_space<vmem>>
      %dma_start3A_228 = arith.constant 0 : i32
      %dma_start3A_229 = arith.constant 0 : i32
      %dma_start3A_230 = tpu.memref_slice %arg15[%dma_start3A_228, %dma_start3A_229] : memref<10112x128xf32, #tpu.memory_space<vmem_shared>> -> memref<10112x128xf32, #tpu.memory_space<vmem_shared>>
      tpu.enqueue_indirect_dma source(%arg9 : memref<128x128xf32, #tpu.memory_space<vmem>>) target(%dma_start3A_230 : memref<10112x128xf32, #tpu.memory_space<vmem_shared>>) offsets(%dma_start3A_227 : memref<128xi32, #tpu.memory_space<vmem>>) semaphore(%arg13 : memref<!tpu.dma_semaphore, #tpu.memory_space<semaphore_mem>>) {add = true}
      %mul3A_231 = arith.constant 8 : i32
      %mul3A_232 = arith.muli %while3A_55, %mul3A_231 : i32
      %add3A_233 = arith.constant 6 : i32
      %add3A_234 = arith.addi %mul3A_232, %add3A_233 : i32
      %ge3A_235 = arith.constant 1 : i32
      %ge3A_236 = arith.cmpi sge, %add3A_234, %ge3A_235 : i32
      %convert_element_type3A_237 = arith.extui %ge3A_236 : i1 to i32
      %cond3A_238 = arith.constant 0 : i32
      %cond3A_239 = arith.cmpi ne, %convert_element_type3A_237, %cond3A_238 : i32
      scf.if %cond3A_239 {
        %dma_wait3A_293 = arith.constant 0 : i32
        %dma_wait3A_294 = arith.constant 0 : i32
        %dma_wait3A_295 = arith.constant 0 : i32
        %dma_wait3A_296 = tpu.memref_slice %arg7[%dma_wait3A_293, %dma_wait3A_294, %dma_wait3A_295] : memref<2x8x128xi32, #tpu.memory_space<vmem>> -> memref<1x1x128xi32, #tpu.memory_space<vmem>>
        %dma_wait3A_297 = tpu.memref_squeeze %dma_wait3A_296 : memref<1x1x128xi32, #tpu.memory_space<vmem>> -> memref<128xi32, #tpu.memory_space<vmem>>
        %dma_wait3A_298 = arith.constant 0 : i32
        %dma_wait3A_299 = arith.constant 0 : i32
        %dma_wait3A_300 = tpu.memref_slice %arg15[%dma_wait3A_298, %dma_wait3A_299] : memref<10112x128xf32, #tpu.memory_space<vmem_shared>> -> memref<10112x128xf32, #tpu.memory_space<vmem_shared>>
        tpu.wait_indirect_dma semaphore(%arg13 : memref<!tpu.dma_semaphore, #tpu.memory_space<semaphore_mem>>) src(%arg9 : memref<128x128xf32, #tpu.memory_space<vmem>>) dst(%dma_wait3A_300 : memref<10112x128xf32, #tpu.memory_space<vmem_shared>>)
      } else {
      }
      %add3A_240 = arith.constant 1 : i32
      %add3A_241 = arith.addi %while3A_55, %add3A_240 : i32
      %lt3A_242 = arith.cmpi slt, %add3A_241, %select_n3A_22 : i32
      %convert_element_type3A_243 = arith.extui %lt3A_242 : i1 to i32
      %cond3A_244 = arith.constant 0 : i32
      %cond3A_245 = arith.cmpi ne, %convert_element_type3A_243, %cond3A_244 : i32
      scf.if %cond3A_245 {
        %dma_wait3A_293 = arith.constant 0 : i32
        %dma_wait3A_294 = arith.constant 0 : i32
        %dma_wait3A_295 = arith.constant 0 : i32
        %dma_wait3A_296 = arith.constant 0 : i32
        %dma_wait3A_297 = tpu.memref_slice %arg6[%dma_wait3A_294, %dma_wait3A_295, %dma_wait3A_296] : memref<2x8x128xi32, #tpu.memory_space<vmem>> -> memref<1x8x128xi32, #tpu.memory_space<vmem>>
        %dma_wait3A_298 = tpu.memref_squeeze %dma_wait3A_297 : memref<1x8x128xi32, #tpu.memory_space<vmem>> -> memref<8x128xi32, #tpu.memory_space<vmem>>
        %dma_wait3A_299 = arith.constant 0 : i32
        %dma_wait3A_300 = arith.constant 0 : i32
        %dma_wait3A_301 = tpu.memref_slice %arg3[%dma_wait3A_293, %dma_wait3A_299, %dma_wait3A_300] : memref<320x8x128xi32, #tpu.memory_space<hbm>> -> memref<1x8x128xi32, #tpu.memory_space<hbm>>
        %dma_wait3A_302 = tpu.memref_squeeze %dma_wait3A_301 : memref<1x8x128xi32, #tpu.memory_space<hbm>> -> memref<8x128xi32, #tpu.memory_space<hbm>>
        %dma_wait3A_303 = arith.constant 0 : i32
        %dma_wait3A_304 = arith.constant 0 : i32
        %dma_wait3A_305 = tpu.memref_slice %arg6[%dma_wait3A_294, %dma_wait3A_303, %dma_wait3A_304] : memref<2x8x128xi32, #tpu.memory_space<vmem>> -> memref<1x8x128xi32, #tpu.memory_space<vmem>>
        %dma_wait3A_306 = tpu.memref_squeeze %dma_wait3A_305 : memref<1x8x128xi32, #tpu.memory_space<vmem>> -> memref<8x128xi32, #tpu.memory_space<vmem>>
        %dma_wait3A_307 = arith.constant 0 : i32
        %dma_wait3A_308 = arith.constant 0 : i32
        %dma_wait3A_309 = tpu.memref_slice %arg3[%dma_wait3A_293, %dma_wait3A_307, %dma_wait3A_308] : memref<320x8x128xi32, #tpu.memory_space<hbm>> -> memref<1x8x128xi32, #tpu.memory_space<hbm>>
        %dma_wait3A_310 = tpu.memref_squeeze %dma_wait3A_309 : memref<1x8x128xi32, #tpu.memory_space<hbm>> -> memref<8x128xi32, #tpu.memory_space<hbm>>
        tpu.wait_dma2 semaphore(%arg14 : memref<!tpu.dma_semaphore, #tpu.memory_space<semaphore_mem>>) src(%dma_wait3A_310 : memref<8x128xi32, #tpu.memory_space<hbm>>) dst(%dma_wait3A_306 : memref<8x128xi32, #tpu.memory_space<vmem>>)
        %dma_wait3A_311 = arith.constant 0 : i32
        %dma_wait3A_312 = arith.constant 0 : i32
        %dma_wait3A_313 = arith.constant 0 : i32
        %dma_wait3A_314 = arith.constant 0 : i32
        %dma_wait3A_315 = tpu.memref_slice %arg7[%dma_wait3A_312, %dma_wait3A_313, %dma_wait3A_314] : memref<2x8x128xi32, #tpu.memory_space<vmem>> -> memref<1x8x128xi32, #tpu.memory_space<vmem>>
        %dma_wait3A_316 = tpu.memref_squeeze %dma_wait3A_315 : memref<1x8x128xi32, #tpu.memory_space<vmem>> -> memref<8x128xi32, #tpu.memory_space<vmem>>
        %dma_wait3A_317 = arith.constant 0 : i32
        %dma_wait3A_318 = arith.constant 0 : i32
        %dma_wait3A_319 = tpu.memref_slice %arg4[%dma_wait3A_311, %dma_wait3A_317, %dma_wait3A_318] : memref<320x8x128xi32, #tpu.memory_space<hbm>> -> memref<1x8x128xi32, #tpu.memory_space<hbm>>
        %dma_wait3A_320 = tpu.memref_squeeze %dma_wait3A_319 : memref<1x8x128xi32, #tpu.memory_space<hbm>> -> memref<8x128xi32, #tpu.memory_space<hbm>>
        %dma_wait3A_321 = arith.constant 0 : i32
        %dma_wait3A_322 = arith.constant 0 : i32
        %dma_wait3A_323 = tpu.memref_slice %arg7[%dma_wait3A_312, %dma_wait3A_321, %dma_wait3A_322] : memref<2x8x128xi32, #tpu.memory_space<vmem>> -> memref<1x8x128xi32, #tpu.memory_space<vmem>>
        %dma_wait3A_324 = tpu.memref_squeeze %dma_wait3A_323 : memref<1x8x128xi32, #tpu.memory_space<vmem>> -> memref<8x128xi32, #tpu.memory_space<vmem>>
        %dma_wait3A_325 = arith.constant 0 : i32
        %dma_wait3A_326 = arith.constant 0 : i32
        %dma_wait3A_327 = tpu.memref_slice %arg4[%dma_wait3A_311, %dma_wait3A_325, %dma_wait3A_326] : memref<320x8x128xi32, #tpu.memory_space<hbm>> -> memref<1x8x128xi32, #tpu.memory_space<hbm>>
        %dma_wait3A_328 = tpu.memref_squeeze %dma_wait3A_327 : memref<1x8x128xi32, #tpu.memory_space<hbm>> -> memref<8x128xi32, #tpu.memory_space<hbm>>
        tpu.wait_dma2 semaphore(%arg14 : memref<!tpu.dma_semaphore, #tpu.memory_space<semaphore_mem>>) src(%dma_wait3A_328 : memref<8x128xi32, #tpu.memory_space<hbm>>) dst(%dma_wait3A_324 : memref<8x128xi32, #tpu.memory_space<vmem>>)
      } else {
      }
      %add3A_246 = arith.constant 1 : i32
      %add3A_247 = arith.addi %add3A_234, %add3A_246 : i32
      %lt3A_248 = arith.cmpi slt, %add3A_247, %select_n3A : i32
      %convert_element_type3A_249 = arith.extui %lt3A_248 : i1 to i32
      %cond3A_250 = arith.constant 0 : i32
      %cond3A_251 = arith.cmpi ne, %convert_element_type3A_249, %cond3A_250 : i32
      scf.if %cond3A_251 {
        %dma_start3A_293 = arith.constant 7 : i32
        %dma_start3A_294 = arith.constant 0 : i32
        %dma_start3A_295 = tpu.memref_slice %arg6[%rem3A_56, %dma_start3A_293, %dma_start3A_294] : memref<2x8x128xi32, #tpu.memory_space<vmem>> -> memref<1x1x128xi32, #tpu.memory_space<vmem>>
        %dma_start3A_296 = tpu.memref_squeeze %dma_start3A_295 : memref<1x1x128xi32, #tpu.memory_space<vmem>> -> memref<128xi32, #tpu.memory_space<vmem>>
        %dma_start3A_297 = arith.constant 0 : i32
        %dma_start3A_298 = arith.constant 0 : i32
        %dma_start3A_299 = tpu.memref_slice %arg2[%dma_start3A_297, %dma_start3A_298] : memref<10000x128xf32, #tpu.memory_space<hbm>> -> memref<10000x128xf32, #tpu.memory_space<hbm>>
        tpu.enqueue_indirect_dma source(%dma_start3A_299 : memref<10000x128xf32, #tpu.memory_space<hbm>>) target(%arg9 : memref<128x128xf32, #tpu.memory_space<vmem>>) offsets(%dma_start3A_296 : memref<128xi32, #tpu.memory_space<vmem>>) semaphore(%arg11 : memref<!tpu.dma_semaphore, #tpu.memory_space<semaphore_mem>>)
      } else {
      }
      %dma_wait3A_252 = arith.constant 0 : i32
      %dma_wait3A_253 = arith.constant 0 : i32
      %dma_wait3A_254 = tpu.memref_slice %arg2[%dma_wait3A_252, %dma_wait3A_253] : memref<10000x128xf32, #tpu.memory_space<hbm>> -> memref<128x128xf32, #tpu.memory_space<hbm>>
      %dma_wait3A_255 = arith.constant 0 : i32
      %dma_wait3A_256 = arith.constant 0 : i32
      %dma_wait3A_257 = tpu.memref_slice %arg2[%dma_wait3A_255, %dma_wait3A_256] : memref<10000x128xf32, #tpu.memory_space<hbm>> -> memref<128x128xf32, #tpu.memory_space<hbm>>
      tpu.wait_dma2 semaphore(%arg10 : memref<!tpu.dma_semaphore, #tpu.memory_space<semaphore_mem>>) src(%dma_wait3A_257 : memref<128x128xf32, #tpu.memory_space<hbm>>) dst(%arg8 : memref<128x128xf32, #tpu.memory_space<vmem>>)
      %dma_start3A_258 = arith.constant 6 : i32
      %dma_start3A_259 = arith.constant 0 : i32
      %dma_start3A_260 = tpu.memref_slice %arg7[%rem3A_56, %dma_start3A_258, %dma_start3A_259] : memref<2x8x128xi32, #tpu.memory_space<vmem>> -> memref<1x1x128xi32, #tpu.memory_space<vmem>>
      %dma_start3A_261 = tpu.memref_squeeze %dma_start3A_260 : memref<1x1x128xi32, #tpu.memory_space<vmem>> -> memref<128xi32, #tpu.memory_space<vmem>>
      %dma_start3A_262 = arith.constant 0 : i32
      %dma_start3A_263 = arith.constant 0 : i32
      %dma_start3A_264 = tpu.memref_slice %arg15[%dma_start3A_262, %dma_start3A_263] : memref<10112x128xf32, #tpu.memory_space<vmem_shared>> -> memref<10112x128xf32, #tpu.memory_space<vmem_shared>>
      tpu.enqueue_indirect_dma source(%arg8 : memref<128x128xf32, #tpu.memory_space<vmem>>) target(%dma_start3A_264 : memref<10112x128xf32, #tpu.memory_space<vmem_shared>>) offsets(%dma_start3A_261 : memref<128xi32, #tpu.memory_space<vmem>>) semaphore(%arg12 : memref<!tpu.dma_semaphore, #tpu.memory_space<semaphore_mem>>) {add = true}
      %mul3A_265 = arith.constant 8 : i32
      %mul3A_266 = arith.muli %while3A_55, %mul3A_265 : i32
      %add3A_267 = arith.constant 7 : i32
      %add3A_268 = arith.addi %mul3A_266, %add3A_267 : i32
      %ge3A_269 = arith.constant 1 : i32
      %ge3A_270 = arith.cmpi sge, %add3A_268, %ge3A_269 : i32
      %convert_element_type3A_271 = arith.extui %ge3A_270 : i1 to i32
      %cond3A_272 = arith.constant 0 : i32
      %cond3A_273 = arith.cmpi ne, %convert_element_type3A_271, %cond3A_272 : i32
      scf.if %cond3A_273 {
        %dma_wait3A_293 = arith.constant 0 : i32
        %dma_wait3A_294 = arith.constant 0 : i32
        %dma_wait3A_295 = arith.constant 0 : i32
        %dma_wait3A_296 = tpu.memref_slice %arg7[%dma_wait3A_293, %dma_wait3A_294, %dma_wait3A_295] : memref<2x8x128xi32, #tpu.memory_space<vmem>> -> memref<1x1x128xi32, #tpu.memory_space<vmem>>
        %dma_wait3A_297 = tpu.memref_squeeze %dma_wait3A_296 : memref<1x1x128xi32, #tpu.memory_space<vmem>> -> memref<128xi32, #tpu.memory_space<vmem>>
        %dma_wait3A_298 = arith.constant 0 : i32
        %dma_wait3A_299 = arith.constant 0 : i32
        %dma_wait3A_300 = tpu.memref_slice %arg15[%dma_wait3A_298, %dma_wait3A_299] : memref<10112x128xf32, #tpu.memory_space<vmem_shared>> -> memref<10112x128xf32, #tpu.memory_space<vmem_shared>>
        tpu.wait_indirect_dma semaphore(%arg12 : memref<!tpu.dma_semaphore, #tpu.memory_space<semaphore_mem>>) src(%arg8 : memref<128x128xf32, #tpu.memory_space<vmem>>) dst(%dma_wait3A_300 : memref<10112x128xf32, #tpu.memory_space<vmem_shared>>)
      } else {
      }
      %add3A_274 = arith.constant 1 : i32
      %add3A_275 = arith.addi %add3A_268, %add3A_274 : i32
      %lt3A_276 = arith.cmpi slt, %add3A_275, %select_n3A : i32
      %convert_element_type3A_277 = arith.extui %lt3A_276 : i1 to i32
      %cond3A_278 = arith.constant 0 : i32
      %cond3A_279 = arith.cmpi ne, %convert_element_type3A_277, %cond3A_278 : i32
      scf.if %cond3A_279 {
        %dma_start3A_293 = arith.constant 0 : i32
        %dma_start3A_294 = arith.constant 0 : i32
        %dma_start3A_295 = tpu.memref_slice %arg6[%rem3A_60, %dma_start3A_293, %dma_start3A_294] : memref<2x8x128xi32, #tpu.memory_space<vmem>> -> memref<1x1x128xi32, #tpu.memory_space<vmem>>
        %dma_start3A_296 = tpu.memref_squeeze %dma_start3A_295 : memref<1x1x128xi32, #tpu.memory_space<vmem>> -> memref<128xi32, #tpu.memory_space<vmem>>
        %dma_start3A_297 = arith.constant 0 : i32
        %dma_start3A_298 = arith.constant 0 : i32
        %dma_start3A_299 = tpu.memref_slice %arg2[%dma_start3A_297, %dma_start3A_298] : memref<10000x128xf32, #tpu.memory_space<hbm>> -> memref<10000x128xf32, #tpu.memory_space<hbm>>
        tpu.enqueue_indirect_dma source(%dma_start3A_299 : memref<10000x128xf32, #tpu.memory_space<hbm>>) target(%arg8 : memref<128x128xf32, #tpu.memory_space<vmem>>) offsets(%dma_start3A_296 : memref<128xi32, #tpu.memory_space<vmem>>) semaphore(%arg10 : memref<!tpu.dma_semaphore, #tpu.memory_space<semaphore_mem>>)
      } else {
      }
      %dma_wait3A_280 = arith.constant 0 : i32
      %dma_wait3A_281 = arith.constant 0 : i32
      %dma_wait3A_282 = tpu.memref_slice %arg2[%dma_wait3A_280, %dma_wait3A_281] : memref<10000x128xf32, #tpu.memory_space<hbm>> -> memref<128x128xf32, #tpu.memory_space<hbm>>
      %dma_wait3A_283 = arith.constant 0 : i32
      %dma_wait3A_284 = arith.constant 0 : i32
      %dma_wait3A_285 = tpu.memref_slice %arg2[%dma_wait3A_283, %dma_wait3A_284] : memref<10000x128xf32, #tpu.memory_space<hbm>> -> memref<128x128xf32, #tpu.memory_space<hbm>>
      tpu.wait_dma2 semaphore(%arg11 : memref<!tpu.dma_semaphore, #tpu.memory_space<semaphore_mem>>) src(%dma_wait3A_285 : memref<128x128xf32, #tpu.memory_space<hbm>>) dst(%arg9 : memref<128x128xf32, #tpu.memory_space<vmem>>)
      %dma_start3A_286 = arith.constant 7 : i32
      %dma_start3A_287 = arith.constant 0 : i32
      %dma_start3A_288 = tpu.memref_slice %arg7[%rem3A_56, %dma_start3A_286, %dma_start3A_287] : memref<2x8x128xi32, #tpu.memory_space<vmem>> -> memref<1x1x128xi32, #tpu.memory_space<vmem>>
      %dma_start3A_289 = tpu.memref_squeeze %dma_start3A_288 : memref<1x1x128xi32, #tpu.memory_space<vmem>> -> memref<128xi32, #tpu.memory_space<vmem>>
      %dma_start3A_290 = arith.constant 0 : i32
      %dma_start3A_291 = arith.constant 0 : i32
      %dma_start3A_292 = tpu.memref_slice %arg15[%dma_start3A_290, %dma_start3A_291] : memref<10112x128xf32, #tpu.memory_space<vmem_shared>> -> memref<10112x128xf32, #tpu.memory_space<vmem_shared>>
      tpu.enqueue_indirect_dma source(%arg9 : memref<128x128xf32, #tpu.memory_space<vmem>>) target(%dma_start3A_292 : memref<10112x128xf32, #tpu.memory_space<vmem_shared>>) offsets(%dma_start3A_289 : memref<128xi32, #tpu.memory_space<vmem>>) semaphore(%arg13 : memref<!tpu.dma_semaphore, #tpu.memory_space<semaphore_mem>>) {add = true}
    }
    %while3A_48 = arith.constant 1 : i32
    scf.for %while3A_55 = %while3A_46 to %while3A_42 step %while3A_48  : i32 {
      %rem3A = arith.constant 2 : i32
      %rem3A_56 = arith.remsi %while3A_55, %rem3A : i32
      %add3A_57 = arith.constant 1 : i32
      %add3A_58 = arith.addi %while3A_55, %add3A_57 : i32
      %rem3A_59 = arith.constant 2 : i32
      %rem3A_60 = arith.remsi %add3A_58, %rem3A_59 : i32
      %mul3A_61 = arith.constant 8 : i32
      %mul3A_62 = arith.muli %while3A_55, %mul3A_61 : i32
      %add3A_63 = arith.constant 0 : i32
      %add3A_64 = arith.addi %mul3A_62, %add3A_63 : i32
      %ge3A = arith.constant 1 : i32
      %ge3A_65 = arith.cmpi sge, %add3A_64, %ge3A : i32
      %convert_element_type3A_66 = arith.extui %ge3A_65 : i1 to i32
      %cond3A_67 = arith.constant 0 : i32
      %cond3A_68 = arith.cmpi ne, %convert_element_type3A_66, %cond3A_67 : i32
      scf.if %cond3A_68 {
        %dma_wait3A_293 = arith.constant 0 : i32
        %dma_wait3A_294 = arith.constant 0 : i32
        %dma_wait3A_295 = arith.constant 0 : i32
        %dma_wait3A_296 = tpu.memref_slice %arg7[%dma_wait3A_293, %dma_wait3A_294, %dma_wait3A_295] : memref<2x8x128xi32, #tpu.memory_space<vmem>> -> memref<1x1x128xi32, #tpu.memory_space<vmem>>
        %dma_wait3A_297 = tpu.memref_squeeze %dma_wait3A_296 : memref<1x1x128xi32, #tpu.memory_space<vmem>> -> memref<128xi32, #tpu.memory_space<vmem>>
        %dma_wait3A_298 = arith.constant 0 : i32
        %dma_wait3A_299 = arith.constant 0 : i32
        %dma_wait3A_300 = tpu.memref_slice %arg15[%dma_wait3A_298, %dma_wait3A_299] : memref<10112x128xf32, #tpu.memory_space<vmem_shared>> -> memref<10112x128xf32, #tpu.memory_space<vmem_shared>>
        tpu.wait_indirect_dma semaphore(%arg13 : memref<!tpu.dma_semaphore, #tpu.memory_space<semaphore_mem>>) src(%arg9 : memref<128x128xf32, #tpu.memory_space<vmem>>) dst(%dma_wait3A_300 : memref<10112x128xf32, #tpu.memory_space<vmem_shared>>)
      } else {
      }
      %add3A_69 = arith.constant 1 : i32
      %add3A_70 = arith.addi %add3A_64, %add3A_69 : i32
      %lt3A = arith.cmpi slt, %add3A_70, %select_n3A : i32
      %convert_element_type3A_71 = arith.extui %lt3A : i1 to i32
      %cond3A_72 = arith.constant 0 : i32
      %cond3A_73 = arith.cmpi ne, %convert_element_type3A_71, %cond3A_72 : i32
      scf.if %cond3A_73 {
        %dma_start3A_293 = arith.constant 1 : i32
        %dma_start3A_294 = arith.constant 0 : i32
        %dma_start3A_295 = tpu.memref_slice %arg6[%rem3A_56, %dma_start3A_293, %dma_start3A_294] : memref<2x8x128xi32, #tpu.memory_space<vmem>> -> memref<1x1x128xi32, #tpu.memory_space<vmem>>
        %dma_start3A_296 = tpu.memref_squeeze %dma_start3A_295 : memref<1x1x128xi32, #tpu.memory_space<vmem>> -> memref<128xi32, #tpu.memory_space<vmem>>
        %dma_start3A_297 = arith.constant 0 : i32
        %dma_start3A_298 = arith.constant 0 : i32
        %dma_start3A_299 = tpu.memref_slice %arg2[%dma_start3A_297, %dma_start3A_298] : memref<10000x128xf32, #tpu.memory_space<hbm>> -> memref<10000x128xf32, #tpu.memory_space<hbm>>
        tpu.enqueue_indirect_dma source(%dma_start3A_299 : memref<10000x128xf32, #tpu.memory_space<hbm>>) target(%arg9 : memref<128x128xf32, #tpu.memory_space<vmem>>) offsets(%dma_start3A_296 : memref<128xi32, #tpu.memory_space<vmem>>) semaphore(%arg11 : memref<!tpu.dma_semaphore, #tpu.memory_space<semaphore_mem>>)
      } else {
      }
      %dma_wait3A = arith.constant 0 : i32
      %dma_wait3A_74 = arith.constant 0 : i32
      %dma_wait3A_75 = tpu.memref_slice %arg2[%dma_wait3A, %dma_wait3A_74] : memref<10000x128xf32, #tpu.memory_space<hbm>> -> memref<128x128xf32, #tpu.memory_space<hbm>>
      %dma_wait3A_76 = arith.constant 0 : i32
      %dma_wait3A_77 = arith.constant 0 : i32
      %dma_wait3A_78 = tpu.memref_slice %arg2[%dma_wait3A_76, %dma_wait3A_77] : memref<10000x128xf32, #tpu.memory_space<hbm>> -> memref<128x128xf32, #tpu.memory_space<hbm>>
      tpu.wait_dma2 semaphore(%arg10 : memref<!tpu.dma_semaphore, #tpu.memory_space<semaphore_mem>>) src(%dma_wait3A_78 : memref<128x128xf32, #tpu.memory_space<hbm>>) dst(%arg8 : memref<128x128xf32, #tpu.memory_space<vmem>>)
      %dma_start3A = arith.constant 0 : i32
      %dma_start3A_79 = arith.constant 0 : i32
      %dma_start3A_80 = tpu.memref_slice %arg7[%rem3A_56, %dma_start3A, %dma_start3A_79] : memref<2x8x128xi32, #tpu.memory_space<vmem>> -> memref<1x1x128xi32, #tpu.memory_space<vmem>>
      %dma_start3A_81 = tpu.memref_squeeze %dma_start3A_80 : memref<1x1x128xi32, #tpu.memory_space<vmem>> -> memref<128xi32, #tpu.memory_space<vmem>>
      %dma_start3A_82 = arith.constant 0 : i32
      %dma_start3A_83 = arith.constant 0 : i32
      %dma_start3A_84 = tpu.memref_slice %arg15[%dma_start3A_82, %dma_start3A_83] : memref<10112x128xf32, #tpu.memory_space<vmem_shared>> -> memref<10112x128xf32, #tpu.memory_space<vmem_shared>>
      tpu.enqueue_indirect_dma source(%arg8 : memref<128x128xf32, #tpu.memory_space<vmem>>) target(%dma_start3A_84 : memref<10112x128xf32, #tpu.memory_space<vmem_shared>>) offsets(%dma_start3A_81 : memref<128xi32, #tpu.memory_space<vmem>>) semaphore(%arg12 : memref<!tpu.dma_semaphore, #tpu.memory_space<semaphore_mem>>) {add = true}
      %mul3A_85 = arith.constant 8 : i32
      %mul3A_86 = arith.muli %while3A_55, %mul3A_85 : i32
      %add3A_87 = arith.constant 1 : i32
      %add3A_88 = arith.addi %mul3A_86, %add3A_87 : i32
      %ge3A_89 = arith.constant 1 : i32
      %ge3A_90 = arith.cmpi sge, %add3A_88, %ge3A_89 : i32
      %convert_element_type3A_91 = arith.extui %ge3A_90 : i1 to i32
      %cond3A_92 = arith.constant 0 : i32
      %cond3A_93 = arith.cmpi ne, %convert_element_type3A_91, %cond3A_92 : i32
      scf.if %cond3A_93 {
        %dma_wait3A_293 = arith.constant 0 : i32
        %dma_wait3A_294 = arith.constant 0 : i32
        %dma_wait3A_295 = arith.constant 0 : i32
        %dma_wait3A_296 = tpu.memref_slice %arg7[%dma_wait3A_293, %dma_wait3A_294, %dma_wait3A_295] : memref<2x8x128xi32, #tpu.memory_space<vmem>> -> memref<1x1x128xi32, #tpu.memory_space<vmem>>
        %dma_wait3A_297 = tpu.memref_squeeze %dma_wait3A_296 : memref<1x1x128xi32, #tpu.memory_space<vmem>> -> memref<128xi32, #tpu.memory_space<vmem>>
        %dma_wait3A_298 = arith.constant 0 : i32
        %dma_wait3A_299 = arith.constant 0 : i32
        %dma_wait3A_300 = tpu.memref_slice %arg15[%dma_wait3A_298, %dma_wait3A_299] : memref<10112x128xf32, #tpu.memory_space<vmem_shared>> -> memref<10112x128xf32, #tpu.memory_space<vmem_shared>>
        tpu.wait_indirect_dma semaphore(%arg12 : memref<!tpu.dma_semaphore, #tpu.memory_space<semaphore_mem>>) src(%arg8 : memref<128x128xf32, #tpu.memory_space<vmem>>) dst(%dma_wait3A_300 : memref<10112x128xf32, #tpu.memory_space<vmem_shared>>)
      } else {
      }
      %add3A_94 = arith.constant 1 : i32
      %add3A_95 = arith.addi %while3A_55, %add3A_94 : i32
      %lt3A_96 = arith.cmpi slt, %add3A_95, %select_n3A_22 : i32
      %convert_element_type3A_97 = arith.extui %lt3A_96 : i1 to i32
      %cond3A_98 = arith.constant 0 : i32
      %cond3A_99 = arith.cmpi ne, %convert_element_type3A_97, %cond3A_98 : i32
      scf.if %cond3A_99 {
        %add3A_293 = arith.addi %min3A_32, %while3A_55 : i32
        %add3A_294 = arith.constant 1 : i32
        %add3A_295 = arith.addi %add3A_293, %add3A_294 : i32
        %dma_start3A_296 = arith.constant 0 : i32
        %dma_start3A_297 = arith.constant 0 : i32
        %dma_start3A_298 = tpu.memref_slice %arg6[%rem3A_60, %dma_start3A_296, %dma_start3A_297] : memref<2x8x128xi32, #tpu.memory_space<vmem>> -> memref<1x8x128xi32, #tpu.memory_space<vmem>>
        %dma_start3A_299 = tpu.memref_squeeze %dma_start3A_298 : memref<1x8x128xi32, #tpu.memory_space<vmem>> -> memref<8x128xi32, #tpu.memory_space<vmem>>
        %dma_start3A_300 = arith.constant 0 : i32
        %dma_start3A_301 = arith.constant 0 : i32
        %dma_start3A_302 = tpu.memref_slice %arg3[%add3A_295, %dma_start3A_300, %dma_start3A_301] : memref<320x8x128xi32, #tpu.memory_space<hbm>> -> memref<1x8x128xi32, #tpu.memory_space<hbm>>
        %dma_start3A_303 = tpu.memref_squeeze %dma_start3A_302 : memref<1x8x128xi32, #tpu.memory_space<hbm>> -> memref<8x128xi32, #tpu.memory_space<hbm>>
        %dma_start3A_304 = arith.constant 0 : i32
        %dma_start3A_305 = arith.constant 0 : i32
        %dma_start3A_306 = tpu.memref_slice %arg6[%rem3A_60, %dma_start3A_304, %dma_start3A_305] : memref<2x8x128xi32, #tpu.memory_space<vmem>> -> memref<1x8x128xi32, #tpu.memory_space<vmem>>
        %dma_start3A_307 = tpu.memref_squeeze %dma_start3A_306 : memref<1x8x128xi32, #tpu.memory_space<vmem>> -> memref<8x128xi32, #tpu.memory_space<vmem>>
        %dma_start3A_308 = arith.constant 0 : i32
        %dma_start3A_309 = arith.constant 0 : i32
        %dma_start3A_310 = tpu.memref_slice %arg3[%add3A_295, %dma_start3A_308, %dma_start3A_309] : memref<320x8x128xi32, #tpu.memory_space<hbm>> -> memref<1x8x128xi32, #tpu.memory_space<hbm>>
        %dma_start3A_311 = tpu.memref_squeeze %dma_start3A_310 : memref<1x8x128xi32, #tpu.memory_space<hbm>> -> memref<8x128xi32, #tpu.memory_space<hbm>>
        tpu.enqueue_dma source(%dma_start3A_311 : memref<8x128xi32, #tpu.memory_space<hbm>>) target(%dma_start3A_307 : memref<8x128xi32, #tpu.memory_space<vmem>>) target_semaphore(%arg14 : memref<!tpu.dma_semaphore, #tpu.memory_space<semaphore_mem>>)
        %add3A_312 = arith.addi %min3A_32, %while3A_55 : i32
        %add3A_313 = arith.constant 1 : i32
        %add3A_314 = arith.addi %add3A_312, %add3A_313 : i32
        %dma_start3A_315 = arith.constant 0 : i32
        %dma_start3A_316 = arith.constant 0 : i32
        %dma_start3A_317 = tpu.memref_slice %arg7[%rem3A_60, %dma_start3A_315, %dma_start3A_316] : memref<2x8x128xi32, #tpu.memory_space<vmem>> -> memref<1x8x128xi32, #tpu.memory_space<vmem>>
        %dma_start3A_318 = tpu.memref_squeeze %dma_start3A_317 : memref<1x8x128xi32, #tpu.memory_space<vmem>> -> memref<8x128xi32, #tpu.memory_space<vmem>>
        %dma_start3A_319 = arith.constant 0 : i32
        %dma_start3A_320 = arith.constant 0 : i32
        %dma_start3A_321 = tpu.memref_slice %arg4[%add3A_314, %dma_start3A_319, %dma_start3A_320] : memref<320x8x128xi32, #tpu.memory_space<hbm>> -> memref<1x8x128xi32, #tpu.memory_space<hbm>>
        %dma_start3A_322 = tpu.memref_squeeze %dma_start3A_321 : memref<1x8x128xi32, #tpu.memory_space<hbm>> -> memref<8x128xi32, #tpu.memory_space<hbm>>
        %dma_start3A_323 = arith.constant 0 : i32
        %dma_start3A_324 = arith.constant 0 : i32
        %dma_start3A_325 = tpu.memref_slice %arg7[%rem3A_60, %dma_start3A_323, %dma_start3A_324] : memref<2x8x128xi32, #tpu.memory_space<vmem>> -> memref<1x8x128xi32, #tpu.memory_space<vmem>>
        %dma_start3A_326 = tpu.memref_squeeze %dma_start3A_325 : memref<1x8x128xi32, #tpu.memory_space<vmem>> -> memref<8x128xi32, #tpu.memory_space<vmem>>
        %dma_start3A_327 = arith.constant 0 : i32
        %dma_start3A_328 = arith.constant 0 : i32
        %dma_start3A_329 = tpu.memref_slice %arg4[%add3A_314, %dma_start3A_327, %dma_start3A_328] : memref<320x8x128xi32, #tpu.memory_space<hbm>> -> memref<1x8x128xi32, #tpu.memory_space<hbm>>
        %dma_start3A_330 = tpu.memref_squeeze %dma_start3A_329 : memref<1x8x128xi32, #tpu.memory_space<hbm>> -> memref<8x128xi32, #tpu.memory_space<hbm>>
        tpu.enqueue_dma source(%dma_start3A_330 : memref<8x128xi32, #tpu.memory_space<hbm>>) target(%dma_start3A_326 : memref<8x128xi32, #tpu.memory_space<vmem>>) target_semaphore(%arg14 : memref<!tpu.dma_semaphore, #tpu.memory_space<semaphore_mem>>)
      } else {
      }
      %add3A_100 = arith.constant 1 : i32
      %add3A_101 = arith.addi %add3A_88, %add3A_100 : i32
      %lt3A_102 = arith.cmpi slt, %add3A_101, %select_n3A : i32
      %convert_element_type3A_103 = arith.extui %lt3A_102 : i1 to i32
      %cond3A_104 = arith.constant 0 : i32
      %cond3A_105 = arith.cmpi ne, %convert_element_type3A_103, %cond3A_104 : i32
      scf.if %cond3A_105 {
        %dma_start3A_293 = arith.constant 2 : i32
        %dma_start3A_294 = arith.constant 0 : i32
        %dma_start3A_295 = tpu.memref_slice %arg6[%rem3A_56, %dma_start3A_293, %dma_start3A_294] : memref<2x8x128xi32, #tpu.memory_space<vmem>> -> memref<1x1x128xi32, #tpu.memory_space<vmem>>
        %dma_start3A_296 = tpu.memref_squeeze %dma_start3A_295 : memref<1x1x128xi32, #tpu.memory_space<vmem>> -> memref<128xi32, #tpu.memory_space<vmem>>
        %dma_start3A_297 = arith.constant 0 : i32
        %dma_start3A_298 = arith.constant 0 : i32
        %dma_start3A_299 = tpu.memref_slice %arg2[%dma_start3A_297, %dma_start3A_298] : memref<10000x128xf32, #tpu.memory_space<hbm>> -> memref<10000x128xf32, #tpu.memory_space<hbm>>
        tpu.enqueue_indirect_dma source(%dma_start3A_299 : memref<10000x128xf32, #tpu.memory_space<hbm>>) target(%arg8 : memref<128x128xf32, #tpu.memory_space<vmem>>) offsets(%dma_start3A_296 : memref<128xi32, #tpu.memory_space<vmem>>) semaphore(%arg10 : memref<!tpu.dma_semaphore, #tpu.memory_space<semaphore_mem>>)
      } else {
      }
      %dma_wait3A_106 = arith.constant 0 : i32
      %dma_wait3A_107 = arith.constant 0 : i32
      %dma_wait3A_108 = tpu.memref_slice %arg2[%dma_wait3A_106, %dma_wait3A_107] : memref<10000x128xf32, #tpu.memory_space<hbm>> -> memref<128x128xf32, #tpu.memory_space<hbm>>
      %dma_wait3A_109 = arith.constant 0 : i32
      %dma_wait3A_110 = arith.constant 0 : i32
      %dma_wait3A_111 = tpu.memref_slice %arg2[%dma_wait3A_109, %dma_wait3A_110] : memref<10000x128xf32, #tpu.memory_space<hbm>> -> memref<128x128xf32, #tpu.memory_space<hbm>>
      tpu.wait_dma2 semaphore(%arg11 : memref<!tpu.dma_semaphore, #tpu.memory_space<semaphore_mem>>) src(%dma_wait3A_111 : memref<128x128xf32, #tpu.memory_space<hbm>>) dst(%arg9 : memref<128x128xf32, #tpu.memory_space<vmem>>)
      %dma_start3A_112 = arith.constant 1 : i32
      %dma_start3A_113 = arith.constant 0 : i32
      %dma_start3A_114 = tpu.memref_slice %arg7[%rem3A_56, %dma_start3A_112, %dma_start3A_113] : memref<2x8x128xi32, #tpu.memory_space<vmem>> -> memref<1x1x128xi32, #tpu.memory_space<vmem>>
      %dma_start3A_115 = tpu.memref_squeeze %dma_start3A_114 : memref<1x1x128xi32, #tpu.memory_space<vmem>> -> memref<128xi32, #tpu.memory_space<vmem>>
      %dma_start3A_116 = arith.constant 0 : i32
      %dma_start3A_117 = arith.constant 0 : i32
      %dma_start3A_118 = tpu.memref_slice %arg15[%dma_start3A_116, %dma_start3A_117] : memref<10112x128xf32, #tpu.memory_space<vmem_shared>> -> memref<10112x128xf32, #tpu.memory_space<vmem_shared>>
      tpu.enqueue_indirect_dma source(%arg9 : memref<128x128xf32, #tpu.memory_space<vmem>>) target(%dma_start3A_118 : memref<10112x128xf32, #tpu.memory_space<vmem_shared>>) offsets(%dma_start3A_115 : memref<128xi32, #tpu.memory_space<vmem>>) semaphore(%arg13 : memref<!tpu.dma_semaphore, #tpu.memory_space<semaphore_mem>>) {add = true}
      %mul3A_119 = arith.constant 8 : i32
      %mul3A_120 = arith.muli %while3A_55, %mul3A_119 : i32
      %add3A_121 = arith.constant 2 : i32
      %add3A_122 = arith.addi %mul3A_120, %add3A_121 : i32
      %ge3A_123 = arith.constant 1 : i32
      %ge3A_124 = arith.cmpi sge, %add3A_122, %ge3A_123 : i32
      %convert_element_type3A_125 = arith.extui %ge3A_124 : i1 to i32
      %cond3A_126 = arith.constant 0 : i32
      %cond3A_127 = arith.cmpi ne, %convert_element_type3A_125, %cond3A_126 : i32
      scf.if %cond3A_127 {
        %dma_wait3A_293 = arith.constant 0 : i32
        %dma_wait3A_294 = arith.constant 0 : i32
        %dma_wait3A_295 = arith.constant 0 : i32
        %dma_wait3A_296 = tpu.memref_slice %arg7[%dma_wait3A_293, %dma_wait3A_294, %dma_wait3A_295] : memref<2x8x128xi32, #tpu.memory_space<vmem>> -> memref<1x1x128xi32, #tpu.memory_space<vmem>>
        %dma_wait3A_297 = tpu.memref_squeeze %dma_wait3A_296 : memref<1x1x128xi32, #tpu.memory_space<vmem>> -> memref<128xi32, #tpu.memory_space<vmem>>
        %dma_wait3A_298 = arith.constant 0 : i32
        %dma_wait3A_299 = arith.constant 0 : i32
        %dma_wait3A_300 = tpu.memref_slice %arg15[%dma_wait3A_298, %dma_wait3A_299] : memref<10112x128xf32, #tpu.memory_space<vmem_shared>> -> memref<10112x128xf32, #tpu.memory_space<vmem_shared>>
        tpu.wait_indirect_dma semaphore(%arg13 : memref<!tpu.dma_semaphore, #tpu.memory_space<semaphore_mem>>) src(%arg9 : memref<128x128xf32, #tpu.memory_space<vmem>>) dst(%dma_wait3A_300 : memref<10112x128xf32, #tpu.memory_space<vmem_shared>>)
      } else {
      }
      %add3A_128 = arith.constant 1 : i32
      %add3A_129 = arith.addi %add3A_122, %add3A_128 : i32
      %lt3A_130 = arith.cmpi slt, %add3A_129, %select_n3A : i32
      %convert_element_type3A_131 = arith.extui %lt3A_130 : i1 to i32
      %cond3A_132 = arith.constant 0 : i32
      %cond3A_133 = arith.cmpi ne, %convert_element_type3A_131, %cond3A_132 : i32
      scf.if %cond3A_133 {
        %dma_start3A_293 = arith.constant 3 : i32
        %dma_start3A_294 = arith.constant 0 : i32
        %dma_start3A_295 = tpu.memref_slice %arg6[%rem3A_56, %dma_start3A_293, %dma_start3A_294] : memref<2x8x128xi32, #tpu.memory_space<vmem>> -> memref<1x1x128xi32, #tpu.memory_space<vmem>>
        %dma_start3A_296 = tpu.memref_squeeze %dma_start3A_295 : memref<1x1x128xi32, #tpu.memory_space<vmem>> -> memref<128xi32, #tpu.memory_space<vmem>>
        %dma_start3A_297 = arith.constant 0 : i32
        %dma_start3A_298 = arith.constant 0 : i32
        %dma_start3A_299 = tpu.memref_slice %arg2[%dma_start3A_297, %dma_start3A_298] : memref<10000x128xf32, #tpu.memory_space<hbm>> -> memref<10000x128xf32, #tpu.memory_space<hbm>>
        tpu.enqueue_indirect_dma source(%dma_start3A_299 : memref<10000x128xf32, #tpu.memory_space<hbm>>) target(%arg9 : memref<128x128xf32, #tpu.memory_space<vmem>>) offsets(%dma_start3A_296 : memref<128xi32, #tpu.memory_space<vmem>>) semaphore(%arg11 : memref<!tpu.dma_semaphore, #tpu.memory_space<semaphore_mem>>)
      } else {
      }
      %dma_wait3A_134 = arith.constant 0 : i32
      %dma_wait3A_135 = arith.constant 0 : i32
      %dma_wait3A_136 = tpu.memref_slice %arg2[%dma_wait3A_134, %dma_wait3A_135] : memref<10000x128xf32, #tpu.memory_space<hbm>> -> memref<128x128xf32, #tpu.memory_space<hbm>>
      %dma_wait3A_137 = arith.constant 0 : i32
      %dma_wait3A_138 = arith.constant 0 : i32
      %dma_wait3A_139 = tpu.memref_slice %arg2[%dma_wait3A_137, %dma_wait3A_138] : memref<10000x128xf32, #tpu.memory_space<hbm>> -> memref<128x128xf32, #tpu.memory_space<hbm>>
      tpu.wait_dma2 semaphore(%arg10 : memref<!tpu.dma_semaphore, #tpu.memory_space<semaphore_mem>>) src(%dma_wait3A_139 : memref<128x128xf32, #tpu.memory_space<hbm>>) dst(%arg8 : memref<128x128xf32, #tpu.memory_space<vmem>>)
      %dma_start3A_140 = arith.constant 2 : i32
      %dma_start3A_141 = arith.constant 0 : i32
      %dma_start3A_142 = tpu.memref_slice %arg7[%rem3A_56, %dma_start3A_140, %dma_start3A_141] : memref<2x8x128xi32, #tpu.memory_space<vmem>> -> memref<1x1x128xi32, #tpu.memory_space<vmem>>
      %dma_start3A_143 = tpu.memref_squeeze %dma_start3A_142 : memref<1x1x128xi32, #tpu.memory_space<vmem>> -> memref<128xi32, #tpu.memory_space<vmem>>
      %dma_start3A_144 = arith.constant 0 : i32
      %dma_start3A_145 = arith.constant 0 : i32
      %dma_start3A_146 = tpu.memref_slice %arg15[%dma_start3A_144, %dma_start3A_145] : memref<10112x128xf32, #tpu.memory_space<vmem_shared>> -> memref<10112x128xf32, #tpu.memory_space<vmem_shared>>
      tpu.enqueue_indirect_dma source(%arg8 : memref<128x128xf32, #tpu.memory_space<vmem>>) target(%dma_start3A_146 : memref<10112x128xf32, #tpu.memory_space<vmem_shared>>) offsets(%dma_start3A_143 : memref<128xi32, #tpu.memory_space<vmem>>) semaphore(%arg12 : memref<!tpu.dma_semaphore, #tpu.memory_space<semaphore_mem>>) {add = true}
      %mul3A_147 = arith.constant 8 : i32
      %mul3A_148 = arith.muli %while3A_55, %mul3A_147 : i32
      %add3A_149 = arith.constant 3 : i32
      %add3A_150 = arith.addi %mul3A_148, %add3A_149 : i32
      %ge3A_151 = arith.constant 1 : i32
      %ge3A_152 = arith.cmpi sge, %add3A_150, %ge3A_151 : i32
      %convert_element_type3A_153 = arith.extui %ge3A_152 : i1 to i32
      %cond3A_154 = arith.constant 0 : i32
      %cond3A_155 = arith.cmpi ne, %convert_element_type3A_153, %cond3A_154 : i32
      scf.if %cond3A_155 {
        %dma_wait3A_293 = arith.constant 0 : i32
        %dma_wait3A_294 = arith.constant 0 : i32
        %dma_wait3A_295 = arith.constant 0 : i32
        %dma_wait3A_296 = tpu.memref_slice %arg7[%dma_wait3A_293, %dma_wait3A_294, %dma_wait3A_295] : memref<2x8x128xi32, #tpu.memory_space<vmem>> -> memref<1x1x128xi32, #tpu.memory_space<vmem>>
        %dma_wait3A_297 = tpu.memref_squeeze %dma_wait3A_296 : memref<1x1x128xi32, #tpu.memory_space<vmem>> -> memref<128xi32, #tpu.memory_space<vmem>>
        %dma_wait3A_298 = arith.constant 0 : i32
        %dma_wait3A_299 = arith.constant 0 : i32
        %dma_wait3A_300 = tpu.memref_slice %arg15[%dma_wait3A_298, %dma_wait3A_299] : memref<10112x128xf32, #tpu.memory_space<vmem_shared>> -> memref<10112x128xf32, #tpu.memory_space<vmem_shared>>
        tpu.wait_indirect_dma semaphore(%arg12 : memref<!tpu.dma_semaphore, #tpu.memory_space<semaphore_mem>>) src(%arg8 : memref<128x128xf32, #tpu.memory_space<vmem>>) dst(%dma_wait3A_300 : memref<10112x128xf32, #tpu.memory_space<vmem_shared>>)
      } else {
      }
      %add3A_156 = arith.constant 1 : i32
      %add3A_157 = arith.addi %add3A_150, %add3A_156 : i32
      %lt3A_158 = arith.cmpi slt, %add3A_157, %select_n3A : i32
      %convert_element_type3A_159 = arith.extui %lt3A_158 : i1 to i32
      %cond3A_160 = arith.constant 0 : i32
      %cond3A_161 = arith.cmpi ne, %convert_element_type3A_159, %cond3A_160 : i32
      scf.if %cond3A_161 {
        %dma_start3A_293 = arith.constant 4 : i32
        %dma_start3A_294 = arith.constant 0 : i32
        %dma_start3A_295 = tpu.memref_slice %arg6[%rem3A_56, %dma_start3A_293, %dma_start3A_294] : memref<2x8x128xi32, #tpu.memory_space<vmem>> -> memref<1x1x128xi32, #tpu.memory_space<vmem>>
        %dma_start3A_296 = tpu.memref_squeeze %dma_start3A_295 : memref<1x1x128xi32, #tpu.memory_space<vmem>> -> memref<128xi32, #tpu.memory_space<vmem>>
        %dma_start3A_297 = arith.constant 0 : i32
        %dma_start3A_298 = arith.constant 0 : i32
        %dma_start3A_299 = tpu.memref_slice %arg2[%dma_start3A_297, %dma_start3A_298] : memref<10000x128xf32, #tpu.memory_space<hbm>> -> memref<10000x128xf32, #tpu.memory_space<hbm>>
        tpu.enqueue_indirect_dma source(%dma_start3A_299 : memref<10000x128xf32, #tpu.memory_space<hbm>>) target(%arg8 : memref<128x128xf32, #tpu.memory_space<vmem>>) offsets(%dma_start3A_296 : memref<128xi32, #tpu.memory_space<vmem>>) semaphore(%arg10 : memref<!tpu.dma_semaphore, #tpu.memory_space<semaphore_mem>>)
      } else {
      }
      %dma_wait3A_162 = arith.constant 0 : i32
      %dma_wait3A_163 = arith.constant 0 : i32
      %dma_wait3A_164 = tpu.memref_slice %arg2[%dma_wait3A_162, %dma_wait3A_163] : memref<10000x128xf32, #tpu.memory_space<hbm>> -> memref<128x128xf32, #tpu.memory_space<hbm>>
      %dma_wait3A_165 = arith.constant 0 : i32
      %dma_wait3A_166 = arith.constant 0 : i32
      %dma_wait3A_167 = tpu.memref_slice %arg2[%dma_wait3A_165, %dma_wait3A_166] : memref<10000x128xf32, #tpu.memory_space<hbm>> -> memref<128x128xf32, #tpu.memory_space<hbm>>
      tpu.wait_dma2 semaphore(%arg11 : memref<!tpu.dma_semaphore, #tpu.memory_space<semaphore_mem>>) src(%dma_wait3A_167 : memref<128x128xf32, #tpu.memory_space<hbm>>) dst(%arg9 : memref<128x128xf32, #tpu.memory_space<vmem>>)
      %dma_start3A_168 = arith.constant 3 : i32
      %dma_start3A_169 = arith.constant 0 : i32
      %dma_start3A_170 = tpu.memref_slice %arg7[%rem3A_56, %dma_start3A_168, %dma_start3A_169] : memref<2x8x128xi32, #tpu.memory_space<vmem>> -> memref<1x1x128xi32, #tpu.memory_space<vmem>>
      %dma_start3A_171 = tpu.memref_squeeze %dma_start3A_170 : memref<1x1x128xi32, #tpu.memory_space<vmem>> -> memref<128xi32, #tpu.memory_space<vmem>>
      %dma_start3A_172 = arith.constant 0 : i32
      %dma_start3A_173 = arith.constant 0 : i32
      %dma_start3A_174 = tpu.memref_slice %arg15[%dma_start3A_172, %dma_start3A_173] : memref<10112x128xf32, #tpu.memory_space<vmem_shared>> -> memref<10112x128xf32, #tpu.memory_space<vmem_shared>>
      tpu.enqueue_indirect_dma source(%arg9 : memref<128x128xf32, #tpu.memory_space<vmem>>) target(%dma_start3A_174 : memref<10112x128xf32, #tpu.memory_space<vmem_shared>>) offsets(%dma_start3A_171 : memref<128xi32, #tpu.memory_space<vmem>>) semaphore(%arg13 : memref<!tpu.dma_semaphore, #tpu.memory_space<semaphore_mem>>) {add = true}
      %mul3A_175 = arith.constant 8 : i32
      %mul3A_176 = arith.muli %while3A_55, %mul3A_175 : i32
      %add3A_177 = arith.constant 4 : i32
      %add3A_178 = arith.addi %mul3A_176, %add3A_177 : i32
      %ge3A_179 = arith.constant 1 : i32
      %ge3A_180 = arith.cmpi sge, %add3A_178, %ge3A_179 : i32
      %convert_element_type3A_181 = arith.extui %ge3A_180 : i1 to i32
      %cond3A_182 = arith.constant 0 : i32
      %cond3A_183 = arith.cmpi ne, %convert_element_type3A_181, %cond3A_182 : i32
      scf.if %cond3A_183 {
        %dma_wait3A_293 = arith.constant 0 : i32
        %dma_wait3A_294 = arith.constant 0 : i32
        %dma_wait3A_295 = arith.constant 0 : i32
        %dma_wait3A_296 = tpu.memref_slice %arg7[%dma_wait3A_293, %dma_wait3A_294, %dma_wait3A_295] : memref<2x8x128xi32, #tpu.memory_space<vmem>> -> memref<1x1x128xi32, #tpu.memory_space<vmem>>
        %dma_wait3A_297 = tpu.memref_squeeze %dma_wait3A_296 : memref<1x1x128xi32, #tpu.memory_space<vmem>> -> memref<128xi32, #tpu.memory_space<vmem>>
        %dma_wait3A_298 = arith.constant 0 : i32
        %dma_wait3A_299 = arith.constant 0 : i32
        %dma_wait3A_300 = tpu.memref_slice %arg15[%dma_wait3A_298, %dma_wait3A_299] : memref<10112x128xf32, #tpu.memory_space<vmem_shared>> -> memref<10112x128xf32, #tpu.memory_space<vmem_shared>>
        tpu.wait_indirect_dma semaphore(%arg13 : memref<!tpu.dma_semaphore, #tpu.memory_space<semaphore_mem>>) src(%arg9 : memref<128x128xf32, #tpu.memory_space<vmem>>) dst(%dma_wait3A_300 : memref<10112x128xf32, #tpu.memory_space<vmem_shared>>)
      } else {
      }
      %add3A_184 = arith.constant 1 : i32
      %add3A_185 = arith.addi %add3A_178, %add3A_184 : i32
      %lt3A_186 = arith.cmpi slt, %add3A_185, %select_n3A : i32
      %convert_element_type3A_187 = arith.extui %lt3A_186 : i1 to i32
      %cond3A_188 = arith.constant 0 : i32
      %cond3A_189 = arith.cmpi ne, %convert_element_type3A_187, %cond3A_188 : i32
      scf.if %cond3A_189 {
        %dma_start3A_293 = arith.constant 5 : i32
        %dma_start3A_294 = arith.constant 0 : i32
        %dma_start3A_295 = tpu.memref_slice %arg6[%rem3A_56, %dma_start3A_293, %dma_start3A_294] : memref<2x8x128xi32, #tpu.memory_space<vmem>> -> memref<1x1x128xi32, #tpu.memory_space<vmem>>
        %dma_start3A_296 = tpu.memref_squeeze %dma_start3A_295 : memref<1x1x128xi32, #tpu.memory_space<vmem>> -> memref<128xi32, #tpu.memory_space<vmem>>
        %dma_start3A_297 = arith.constant 0 : i32
        %dma_start3A_298 = arith.constant 0 : i32
        %dma_start3A_299 = tpu.memref_slice %arg2[%dma_start3A_297, %dma_start3A_298] : memref<10000x128xf32, #tpu.memory_space<hbm>> -> memref<10000x128xf32, #tpu.memory_space<hbm>>
        tpu.enqueue_indirect_dma source(%dma_start3A_299 : memref<10000x128xf32, #tpu.memory_space<hbm>>) target(%arg9 : memref<128x128xf32, #tpu.memory_space<vmem>>) offsets(%dma_start3A_296 : memref<128xi32, #tpu.memory_space<vmem>>) semaphore(%arg11 : memref<!tpu.dma_semaphore, #tpu.memory_space<semaphore_mem>>)
      } else {
      }
      %dma_wait3A_190 = arith.constant 0 : i32
      %dma_wait3A_191 = arith.constant 0 : i32
      %dma_wait3A_192 = tpu.memref_slice %arg2[%dma_wait3A_190, %dma_wait3A_191] : memref<10000x128xf32, #tpu.memory_space<hbm>> -> memref<128x128xf32, #tpu.memory_space<hbm>>
      %dma_wait3A_193 = arith.constant 0 : i32
      %dma_wait3A_194 = arith.constant 0 : i32
      %dma_wait3A_195 = tpu.memref_slice %arg2[%dma_wait3A_193, %dma_wait3A_194] : memref<10000x128xf32, #tpu.memory_space<hbm>> -> memref<128x128xf32, #tpu.memory_space<hbm>>
      tpu.wait_dma2 semaphore(%arg10 : memref<!tpu.dma_semaphore, #tpu.memory_space<semaphore_mem>>) src(%dma_wait3A_195 : memref<128x128xf32, #tpu.memory_space<hbm>>) dst(%arg8 : memref<128x128xf32, #tpu.memory_space<vmem>>)
      %dma_start3A_196 = arith.constant 4 : i32
      %dma_start3A_197 = arith.constant 0 : i32
      %dma_start3A_198 = tpu.memref_slice %arg7[%rem3A_56, %dma_start3A_196, %dma_start3A_197] : memref<2x8x128xi32, #tpu.memory_space<vmem>> -> memref<1x1x128xi32, #tpu.memory_space<vmem>>
      %dma_start3A_199 = tpu.memref_squeeze %dma_start3A_198 : memref<1x1x128xi32, #tpu.memory_space<vmem>> -> memref<128xi32, #tpu.memory_space<vmem>>
      %dma_start3A_200 = arith.constant 0 : i32
      %dma_start3A_201 = arith.constant 0 : i32
      %dma_start3A_202 = tpu.memref_slice %arg15[%dma_start3A_200, %dma_start3A_201] : memref<10112x128xf32, #tpu.memory_space<vmem_shared>> -> memref<10112x128xf32, #tpu.memory_space<vmem_shared>>
      tpu.enqueue_indirect_dma source(%arg8 : memref<128x128xf32, #tpu.memory_space<vmem>>) target(%dma_start3A_202 : memref<10112x128xf32, #tpu.memory_space<vmem_shared>>) offsets(%dma_start3A_199 : memref<128xi32, #tpu.memory_space<vmem>>) semaphore(%arg12 : memref<!tpu.dma_semaphore, #tpu.memory_space<semaphore_mem>>) {add = true}
      %mul3A_203 = arith.constant 8 : i32
      %mul3A_204 = arith.muli %while3A_55, %mul3A_203 : i32
      %add3A_205 = arith.constant 5 : i32
      %add3A_206 = arith.addi %mul3A_204, %add3A_205 : i32
      %ge3A_207 = arith.constant 1 : i32
      %ge3A_208 = arith.cmpi sge, %add3A_206, %ge3A_207 : i32
      %convert_element_type3A_209 = arith.extui %ge3A_208 : i1 to i32
      %cond3A_210 = arith.constant 0 : i32
      %cond3A_211 = arith.cmpi ne, %convert_element_type3A_209, %cond3A_210 : i32
      scf.if %cond3A_211 {
        %dma_wait3A_293 = arith.constant 0 : i32
        %dma_wait3A_294 = arith.constant 0 : i32
        %dma_wait3A_295 = arith.constant 0 : i32
        %dma_wait3A_296 = tpu.memref_slice %arg7[%dma_wait3A_293, %dma_wait3A_294, %dma_wait3A_295] : memref<2x8x128xi32, #tpu.memory_space<vmem>> -> memref<1x1x128xi32, #tpu.memory_space<vmem>>
        %dma_wait3A_297 = tpu.memref_squeeze %dma_wait3A_296 : memref<1x1x128xi32, #tpu.memory_space<vmem>> -> memref<128xi32, #tpu.memory_space<vmem>>
        %dma_wait3A_298 = arith.constant 0 : i32
        %dma_wait3A_299 = arith.constant 0 : i32
        %dma_wait3A_300 = tpu.memref_slice %arg15[%dma_wait3A_298, %dma_wait3A_299] : memref<10112x128xf32, #tpu.memory_space<vmem_shared>> -> memref<10112x128xf32, #tpu.memory_space<vmem_shared>>
        tpu.wait_indirect_dma semaphore(%arg12 : memref<!tpu.dma_semaphore, #tpu.memory_space<semaphore_mem>>) src(%arg8 : memref<128x128xf32, #tpu.memory_space<vmem>>) dst(%dma_wait3A_300 : memref<10112x128xf32, #tpu.memory_space<vmem_shared>>)
      } else {
      }
      %add3A_212 = arith.constant 1 : i32
      %add3A_213 = arith.addi %add3A_206, %add3A_212 : i32
      %lt3A_214 = arith.cmpi slt, %add3A_213, %select_n3A : i32
      %convert_element_type3A_215 = arith.extui %lt3A_214 : i1 to i32
      %cond3A_216 = arith.constant 0 : i32
      %cond3A_217 = arith.cmpi ne, %convert_element_type3A_215, %cond3A_216 : i32
      scf.if %cond3A_217 {
        %dma_start3A_293 = arith.constant 6 : i32
        %dma_start3A_294 = arith.constant 0 : i32
        %dma_start3A_295 = tpu.memref_slice %arg6[%rem3A_56, %dma_start3A_293, %dma_start3A_294] : memref<2x8x128xi32, #tpu.memory_space<vmem>> -> memref<1x1x128xi32, #tpu.memory_space<vmem>>
        %dma_start3A_296 = tpu.memref_squeeze %dma_start3A_295 : memref<1x1x128xi32, #tpu.memory_space<vmem>> -> memref<128xi32, #tpu.memory_space<vmem>>
        %dma_start3A_297 = arith.constant 0 : i32
        %dma_start3A_298 = arith.constant 0 : i32
        %dma_start3A_299 = tpu.memref_slice %arg2[%dma_start3A_297, %dma_start3A_298] : memref<10000x128xf32, #tpu.memory_space<hbm>> -> memref<10000x128xf32, #tpu.memory_space<hbm>>
        tpu.enqueue_indirect_dma source(%dma_start3A_299 : memref<10000x128xf32, #tpu.memory_space<hbm>>) target(%arg8 : memref<128x128xf32, #tpu.memory_space<vmem>>) offsets(%dma_start3A_296 : memref<128xi32, #tpu.memory_space<vmem>>) semaphore(%arg10 : memref<!tpu.dma_semaphore, #tpu.memory_space<semaphore_mem>>)
      } else {
      }
      %dma_wait3A_218 = arith.constant 0 : i32
      %dma_wait3A_219 = arith.constant 0 : i32
      %dma_wait3A_220 = tpu.memref_slice %arg2[%dma_wait3A_218, %dma_wait3A_219] : memref<10000x128xf32, #tpu.memory_space<hbm>> -> memref<128x128xf32, #tpu.memory_space<hbm>>
      %dma_wait3A_221 = arith.constant 0 : i32
      %dma_wait3A_222 = arith.constant 0 : i32
      %dma_wait3A_223 = tpu.memref_slice %arg2[%dma_wait3A_221, %dma_wait3A_222] : memref<10000x128xf32, #tpu.memory_space<hbm>> -> memref<128x128xf32, #tpu.memory_space<hbm>>
      tpu.wait_dma2 semaphore(%arg11 : memref<!tpu.dma_semaphore, #tpu.memory_space<semaphore_mem>>) src(%dma_wait3A_223 : memref<128x128xf32, #tpu.memory_space<hbm>>) dst(%arg9 : memref<128x128xf32, #tpu.memory_space<vmem>>)
      %dma_start3A_224 = arith.constant 5 : i32
      %dma_start3A_225 = arith.constant 0 : i32
      %dma_start3A_226 = tpu.memref_slice %arg7[%rem3A_56, %dma_start3A_224, %dma_start3A_225] : memref<2x8x128xi32, #tpu.memory_space<vmem>> -> memref<1x1x128xi32, #tpu.memory_space<vmem>>
      %dma_start3A_227 = tpu.memref_squeeze %dma_start3A_226 : memref<1x1x128xi32, #tpu.memory_space<vmem>> -> memref<128xi32, #tpu.memory_space<vmem>>
      %dma_start3A_228 = arith.constant 0 : i32
      %dma_start3A_229 = arith.constant 0 : i32
      %dma_start3A_230 = tpu.memref_slice %arg15[%dma_start3A_228, %dma_start3A_229] : memref<10112x128xf32, #tpu.memory_space<vmem_shared>> -> memref<10112x128xf32, #tpu.memory_space<vmem_shared>>
      tpu.enqueue_indirect_dma source(%arg9 : memref<128x128xf32, #tpu.memory_space<vmem>>) target(%dma_start3A_230 : memref<10112x128xf32, #tpu.memory_space<vmem_shared>>) offsets(%dma_start3A_227 : memref<128xi32, #tpu.memory_space<vmem>>) semaphore(%arg13 : memref<!tpu.dma_semaphore, #tpu.memory_space<semaphore_mem>>) {add = true}
      %mul3A_231 = arith.constant 8 : i32
      %mul3A_232 = arith.muli %while3A_55, %mul3A_231 : i32
      %add3A_233 = arith.constant 6 : i32
      %add3A_234 = arith.addi %mul3A_232, %add3A_233 : i32
      %ge3A_235 = arith.constant 1 : i32
      %ge3A_236 = arith.cmpi sge, %add3A_234, %ge3A_235 : i32
      %convert_element_type3A_237 = arith.extui %ge3A_236 : i1 to i32
      %cond3A_238 = arith.constant 0 : i32
      %cond3A_239 = arith.cmpi ne, %convert_element_type3A_237, %cond3A_238 : i32
      scf.if %cond3A_239 {
        %dma_wait3A_293 = arith.constant 0 : i32
        %dma_wait3A_294 = arith.constant 0 : i32
        %dma_wait3A_295 = arith.constant 0 : i32
        %dma_wait3A_296 = tpu.memref_slice %arg7[%dma_wait3A_293, %dma_wait3A_294, %dma_wait3A_295] : memref<2x8x128xi32, #tpu.memory_space<vmem>> -> memref<1x1x128xi32, #tpu.memory_space<vmem>>
        %dma_wait3A_297 = tpu.memref_squeeze %dma_wait3A_296 : memref<1x1x128xi32, #tpu.memory_space<vmem>> -> memref<128xi32, #tpu.memory_space<vmem>>
        %dma_wait3A_298 = arith.constant 0 : i32
        %dma_wait3A_299 = arith.constant 0 : i32
        %dma_wait3A_300 = tpu.memref_slice %arg15[%dma_wait3A_298, %dma_wait3A_299] : memref<10112x128xf32, #tpu.memory_space<vmem_shared>> -> memref<10112x128xf32, #tpu.memory_space<vmem_shared>>
        tpu.wait_indirect_dma semaphore(%arg13 : memref<!tpu.dma_semaphore, #tpu.memory_space<semaphore_mem>>) src(%arg9 : memref<128x128xf32, #tpu.memory_space<vmem>>) dst(%dma_wait3A_300 : memref<10112x128xf32, #tpu.memory_space<vmem_shared>>)
      } else {
      }
      %add3A_240 = arith.constant 1 : i32
      %add3A_241 = arith.addi %while3A_55, %add3A_240 : i32
      %lt3A_242 = arith.cmpi slt, %add3A_241, %select_n3A_22 : i32
      %convert_element_type3A_243 = arith.extui %lt3A_242 : i1 to i32
      %cond3A_244 = arith.constant 0 : i32
      %cond3A_245 = arith.cmpi ne, %convert_element_type3A_243, %cond3A_244 : i32
      scf.if %cond3A_245 {
        %dma_wait3A_293 = arith.constant 0 : i32
        %dma_wait3A_294 = arith.constant 0 : i32
        %dma_wait3A_295 = arith.constant 0 : i32
        %dma_wait3A_296 = arith.constant 0 : i32
        %dma_wait3A_297 = tpu.memref_slice %arg6[%dma_wait3A_294, %dma_wait3A_295, %dma_wait3A_296] : memref<2x8x128xi32, #tpu.memory_space<vmem>> -> memref<1x8x128xi32, #tpu.memory_space<vmem>>
        %dma_wait3A_298 = tpu.memref_squeeze %dma_wait3A_297 : memref<1x8x128xi32, #tpu.memory_space<vmem>> -> memref<8x128xi32, #tpu.memory_space<vmem>>
        %dma_wait3A_299 = arith.constant 0 : i32
        %dma_wait3A_300 = arith.constant 0 : i32
        %dma_wait3A_301 = tpu.memref_slice %arg3[%dma_wait3A_293, %dma_wait3A_299, %dma_wait3A_300] : memref<320x8x128xi32, #tpu.memory_space<hbm>> -> memref<1x8x128xi32, #tpu.memory_space<hbm>>
        %dma_wait3A_302 = tpu.memref_squeeze %dma_wait3A_301 : memref<1x8x128xi32, #tpu.memory_space<hbm>> -> memref<8x128xi32, #tpu.memory_space<hbm>>
        %dma_wait3A_303 = arith.constant 0 : i32
        %dma_wait3A_304 = arith.constant 0 : i32
        %dma_wait3A_305 = tpu.memref_slice %arg6[%dma_wait3A_294, %dma_wait3A_303, %dma_wait3A_304] : memref<2x8x128xi32, #tpu.memory_space<vmem>> -> memref<1x8x128xi32, #tpu.memory_space<vmem>>
        %dma_wait3A_306 = tpu.memref_squeeze %dma_wait3A_305 : memref<1x8x128xi32, #tpu.memory_space<vmem>> -> memref<8x128xi32, #tpu.memory_space<vmem>>
        %dma_wait3A_307 = arith.constant 0 : i32
        %dma_wait3A_308 = arith.constant 0 : i32
        %dma_wait3A_309 = tpu.memref_slice %arg3[%dma_wait3A_293, %dma_wait3A_307, %dma_wait3A_308] : memref<320x8x128xi32, #tpu.memory_space<hbm>> -> memref<1x8x128xi32, #tpu.memory_space<hbm>>
        %dma_wait3A_310 = tpu.memref_squeeze %dma_wait3A_309 : memref<1x8x128xi32, #tpu.memory_space<hbm>> -> memref<8x128xi32, #tpu.memory_space<hbm>>
        tpu.wait_dma2 semaphore(%arg14 : memref<!tpu.dma_semaphore, #tpu.memory_space<semaphore_mem>>) src(%dma_wait3A_310 : memref<8x128xi32, #tpu.memory_space<hbm>>) dst(%dma_wait3A_306 : memref<8x128xi32, #tpu.memory_space<vmem>>)
        %dma_wait3A_311 = arith.constant 0 : i32
        %dma_wait3A_312 = arith.constant 0 : i32
        %dma_wait3A_313 = arith.constant 0 : i32
        %dma_wait3A_314 = arith.constant 0 : i32
        %dma_wait3A_315 = tpu.memref_slice %arg7[%dma_wait3A_312, %dma_wait3A_313, %dma_wait3A_314] : memref<2x8x128xi32, #tpu.memory_space<vmem>> -> memref<1x8x128xi32, #tpu.memory_space<vmem>>
        %dma_wait3A_316 = tpu.memref_squeeze %dma_wait3A_315 : memref<1x8x128xi32, #tpu.memory_space<vmem>> -> memref<8x128xi32, #tpu.memory_space<vmem>>
        %dma_wait3A_317 = arith.constant 0 : i32
        %dma_wait3A_318 = arith.constant 0 : i32
        %dma_wait3A_319 = tpu.memref_slice %arg4[%dma_wait3A_311, %dma_wait3A_317, %dma_wait3A_318] : memref<320x8x128xi32, #tpu.memory_space<hbm>> -> memref<1x8x128xi32, #tpu.memory_space<hbm>>
        %dma_wait3A_320 = tpu.memref_squeeze %dma_wait3A_319 : memref<1x8x128xi32, #tpu.memory_space<hbm>> -> memref<8x128xi32, #tpu.memory_space<hbm>>
        %dma_wait3A_321 = arith.constant 0 : i32
        %dma_wait3A_322 = arith.constant 0 : i32
        %dma_wait3A_323 = tpu.memref_slice %arg7[%dma_wait3A_312, %dma_wait3A_321, %dma_wait3A_322] : memref<2x8x128xi32, #tpu.memory_space<vmem>> -> memref<1x8x128xi32, #tpu.memory_space<vmem>>
        %dma_wait3A_324 = tpu.memref_squeeze %dma_wait3A_323 : memref<1x8x128xi32, #tpu.memory_space<vmem>> -> memref<8x128xi32, #tpu.memory_space<vmem>>
        %dma_wait3A_325 = arith.constant 0 : i32
        %dma_wait3A_326 = arith.constant 0 : i32
        %dma_wait3A_327 = tpu.memref_slice %arg4[%dma_wait3A_311, %dma_wait3A_325, %dma_wait3A_326] : memref<320x8x128xi32, #tpu.memory_space<hbm>> -> memref<1x8x128xi32, #tpu.memory_space<hbm>>
        %dma_wait3A_328 = tpu.memref_squeeze %dma_wait3A_327 : memref<1x8x128xi32, #tpu.memory_space<hbm>> -> memref<8x128xi32, #tpu.memory_space<hbm>>
        tpu.wait_dma2 semaphore(%arg14 : memref<!tpu.dma_semaphore, #tpu.memory_space<semaphore_mem>>) src(%dma_wait3A_328 : memref<8x128xi32, #tpu.memory_space<hbm>>) dst(%dma_wait3A_324 : memref<8x128xi32, #tpu.memory_space<vmem>>)
      } else {
      }
      %add3A_246 = arith.constant 1 : i32
      %add3A_247 = arith.addi %add3A_234, %add3A_246 : i32
      %lt3A_248 = arith.cmpi slt, %add3A_247, %select_n3A : i32
      %convert_element_type3A_249 = arith.extui %lt3A_248 : i1 to i32
      %cond3A_250 = arith.constant 0 : i32
      %cond3A_251 = arith.cmpi ne, %convert_element_type3A_249, %cond3A_250 : i32
      scf.if %cond3A_251 {
        %dma_start3A_293 = arith.constant 7 : i32
        %dma_start3A_294 = arith.constant 0 : i32
        %dma_start3A_295 = tpu.memref_slice %arg6[%rem3A_56, %dma_start3A_293, %dma_start3A_294] : memref<2x8x128xi32, #tpu.memory_space<vmem>> -> memref<1x1x128xi32, #tpu.memory_space<vmem>>
        %dma_start3A_296 = tpu.memref_squeeze %dma_start3A_295 : memref<1x1x128xi32, #tpu.memory_space<vmem>> -> memref<128xi32, #tpu.memory_space<vmem>>
        %dma_start3A_297 = arith.constant 0 : i32
        %dma_start3A_298 = arith.constant 0 : i32
        %dma_start3A_299 = tpu.memref_slice %arg2[%dma_start3A_297, %dma_start3A_298] : memref<10000x128xf32, #tpu.memory_space<hbm>> -> memref<10000x128xf32, #tpu.memory_space<hbm>>
        tpu.enqueue_indirect_dma source(%dma_start3A_299 : memref<10000x128xf32, #tpu.memory_space<hbm>>) target(%arg9 : memref<128x128xf32, #tpu.memory_space<vmem>>) offsets(%dma_start3A_296 : memref<128xi32, #tpu.memory_space<vmem>>) semaphore(%arg11 : memref<!tpu.dma_semaphore, #tpu.memory_space<semaphore_mem>>)
      } else {
      }
      %dma_wait3A_252 = arith.constant 0 : i32
      %dma_wait3A_253 = arith.constant 0 : i32
      %dma_wait3A_254 = tpu.memref_slice %arg2[%dma_wait3A_252, %dma_wait3A_253] : memref<10000x128xf32, #tpu.memory_space<hbm>> -> memref<128x128xf32, #tpu.memory_space<hbm>>
      %dma_wait3A_255 = arith.constant 0 : i32
      %dma_wait3A_256 = arith.constant 0 : i32
      %dma_wait3A_257 = tpu.memref_slice %arg2[%dma_wait3A_255, %dma_wait3A_256] : memref<10000x128xf32, #tpu.memory_space<hbm>> -> memref<128x128xf32, #tpu.memory_space<hbm>>
      tpu.wait_dma2 semaphore(%arg10 : memref<!tpu.dma_semaphore, #tpu.memory_space<semaphore_mem>>) src(%dma_wait3A_257 : memref<128x128xf32, #tpu.memory_space<hbm>>) dst(%arg8 : memref<128x128xf32, #tpu.memory_space<vmem>>)
      %dma_start3A_258 = arith.constant 6 : i32
      %dma_start3A_259 = arith.constant 0 : i32
      %dma_start3A_260 = tpu.memref_slice %arg7[%rem3A_56, %dma_start3A_258, %dma_start3A_259] : memref<2x8x128xi32, #tpu.memory_space<vmem>> -> memref<1x1x128xi32, #tpu.memory_space<vmem>>
      %dma_start3A_261 = tpu.memref_squeeze %dma_start3A_260 : memref<1x1x128xi32, #tpu.memory_space<vmem>> -> memref<128xi32, #tpu.memory_space<vmem>>
      %dma_start3A_262 = arith.constant 0 : i32
      %dma_start3A_263 = arith.constant 0 : i32
      %dma_start3A_264 = tpu.memref_slice %arg15[%dma_start3A_262, %dma_start3A_263] : memref<10112x128xf32, #tpu.memory_space<vmem_shared>> -> memref<10112x128xf32, #tpu.memory_space<vmem_shared>>
      tpu.enqueue_indirect_dma source(%arg8 : memref<128x128xf32, #tpu.memory_space<vmem>>) target(%dma_start3A_264 : memref<10112x128xf32, #tpu.memory_space<vmem_shared>>) offsets(%dma_start3A_261 : memref<128xi32, #tpu.memory_space<vmem>>) semaphore(%arg12 : memref<!tpu.dma_semaphore, #tpu.memory_space<semaphore_mem>>) {add = true}
      %mul3A_265 = arith.constant 8 : i32
      %mul3A_266 = arith.muli %while3A_55, %mul3A_265 : i32
      %add3A_267 = arith.constant 7 : i32
      %add3A_268 = arith.addi %mul3A_266, %add3A_267 : i32
      %ge3A_269 = arith.constant 1 : i32
      %ge3A_270 = arith.cmpi sge, %add3A_268, %ge3A_269 : i32
      %convert_element_type3A_271 = arith.extui %ge3A_270 : i1 to i32
      %cond3A_272 = arith.constant 0 : i32
      %cond3A_273 = arith.cmpi ne, %convert_element_type3A_271, %cond3A_272 : i32
      scf.if %cond3A_273 {
        %dma_wait3A_293 = arith.constant 0 : i32
        %dma_wait3A_294 = arith.constant 0 : i32
        %dma_wait3A_295 = arith.constant 0 : i32
        %dma_wait3A_296 = tpu.memref_slice %arg7[%dma_wait3A_293, %dma_wait3A_294, %dma_wait3A_295] : memref<2x8x128xi32, #tpu.memory_space<vmem>> -> memref<1x1x128xi32, #tpu.memory_space<vmem>>
        %dma_wait3A_297 = tpu.memref_squeeze %dma_wait3A_296 : memref<1x1x128xi32, #tpu.memory_space<vmem>> -> memref<128xi32, #tpu.memory_space<vmem>>
        %dma_wait3A_298 = arith.constant 0 : i32
        %dma_wait3A_299 = arith.constant 0 : i32
        %dma_wait3A_300 = tpu.memref_slice %arg15[%dma_wait3A_298, %dma_wait3A_299] : memref<10112x128xf32, #tpu.memory_space<vmem_shared>> -> memref<10112x128xf32, #tpu.memory_space<vmem_shared>>
        tpu.wait_indirect_dma semaphore(%arg12 : memref<!tpu.dma_semaphore, #tpu.memory_space<semaphore_mem>>) src(%arg8 : memref<128x128xf32, #tpu.memory_space<vmem>>) dst(%dma_wait3A_300 : memref<10112x128xf32, #tpu.memory_space<vmem_shared>>)
      } else {
      }
      %add3A_274 = arith.constant 1 : i32
      %add3A_275 = arith.addi %add3A_268, %add3A_274 : i32
      %lt3A_276 = arith.cmpi slt, %add3A_275, %select_n3A : i32
      %convert_element_type3A_277 = arith.extui %lt3A_276 : i1 to i32
      %cond3A_278 = arith.constant 0 : i32
      %cond3A_279 = arith.cmpi ne, %convert_element_type3A_277, %cond3A_278 : i32
      scf.if %cond3A_279 {
        %dma_start3A_293 = arith.constant 0 : i32
        %dma_start3A_294 = arith.constant 0 : i32
        %dma_start3A_295 = tpu.memref_slice %arg6[%rem3A_60, %dma_start3A_293, %dma_start3A_294] : memref<2x8x128xi32, #tpu.memory_space<vmem>> -> memref<1x1x128xi32, #tpu.memory_space<vmem>>
        %dma_start3A_296 = tpu.memref_squeeze %dma_start3A_295 : memref<1x1x128xi32, #tpu.memory_space<vmem>> -> memref<128xi32, #tpu.memory_space<vmem>>
        %dma_start3A_297 = arith.constant 0 : i32
        %dma_start3A_298 = arith.constant 0 : i32
        %dma_start3A_299 = tpu.memref_slice %arg2[%dma_start3A_297, %dma_start3A_298] : memref<10000x128xf32, #tpu.memory_space<hbm>> -> memref<10000x128xf32, #tpu.memory_space<hbm>>
        tpu.enqueue_indirect_dma source(%dma_start3A_299 : memref<10000x128xf32, #tpu.memory_space<hbm>>) target(%arg8 : memref<128x128xf32, #tpu.memory_space<vmem>>) offsets(%dma_start3A_296 : memref<128xi32, #tpu.memory_space<vmem>>) semaphore(%arg10 : memref<!tpu.dma_semaphore, #tpu.memory_space<semaphore_mem>>)
      } else {
      }
      %dma_wait3A_280 = arith.constant 0 : i32
      %dma_wait3A_281 = arith.constant 0 : i32
      %dma_wait3A_282 = tpu.memref_slice %arg2[%dma_wait3A_280, %dma_wait3A_281] : memref<10000x128xf32, #tpu.memory_space<hbm>> -> memref<128x128xf32, #tpu.memory_space<hbm>>
      %dma_wait3A_283 = arith.constant 0 : i32
      %dma_wait3A_284 = arith.constant 0 : i32
      %dma_wait3A_285 = tpu.memref_slice %arg2[%dma_wait3A_283, %dma_wait3A_284] : memref<10000x128xf32, #tpu.memory_space<hbm>> -> memref<128x128xf32, #tpu.memory_space<hbm>>
      tpu.wait_dma2 semaphore(%arg11 : memref<!tpu.dma_semaphore, #tpu.memory_space<semaphore_mem>>) src(%dma_wait3A_285 : memref<128x128xf32, #tpu.memory_space<hbm>>) dst(%arg9 : memref<128x128xf32, #tpu.memory_space<vmem>>)
      %dma_start3A_286 = arith.constant 7 : i32
      %dma_start3A_287 = arith.constant 0 : i32
      %dma_start3A_288 = tpu.memref_slice %arg7[%rem3A_56, %dma_start3A_286, %dma_start3A_287] : memref<2x8x128xi32, #tpu.memory_space<vmem>> -> memref<1x1x128xi32, #tpu.memory_space<vmem>>
      %dma_start3A_289 = tpu.memref_squeeze %dma_start3A_288 : memref<1x1x128xi32, #tpu.memory_space<vmem>> -> memref<128xi32, #tpu.memory_space<vmem>>
      %dma_start3A_290 = arith.constant 0 : i32
      %dma_start3A_291 = arith.constant 0 : i32
      %dma_start3A_292 = tpu.memref_slice %arg15[%dma_start3A_290, %dma_start3A_291] : memref<10112x128xf32, #tpu.memory_space<vmem_shared>> -> memref<10112x128xf32, #tpu.memory_space<vmem_shared>>
      tpu.enqueue_indirect_dma source(%arg9 : memref<128x128xf32, #tpu.memory_space<vmem>>) target(%dma_start3A_292 : memref<10112x128xf32, #tpu.memory_space<vmem_shared>>) offsets(%dma_start3A_289 : memref<128xi32, #tpu.memory_space<vmem>>) semaphore(%arg13 : memref<!tpu.dma_semaphore, #tpu.memory_space<semaphore_mem>>) {add = true}
    }
    %gt3A_49 = arith.constant 0 : i32
    %gt3A_50 = arith.cmpi sgt, %select_n3A, %gt3A_49 : i32
    %convert_element_type3A_51 = arith.extui %gt3A_50 : i1 to i32
    %cond3A_52 = arith.constant 0 : i32
    %cond3A_53 = arith.cmpi ne, %convert_element_type3A_51, %cond3A_52 : i32
    scf.if %cond3A_53 {
      %dma_wait3A = arith.constant 0 : i32
      %dma_wait3A_55 = arith.constant 0 : i32
      %dma_wait3A_56 = arith.constant 0 : i32
      %dma_wait3A_57 = tpu.memref_slice %arg7[%dma_wait3A, %dma_wait3A_55, %dma_wait3A_56] : memref<2x8x128xi32, #tpu.memory_space<vmem>> -> memref<1x1x128xi32, #tpu.memory_space<vmem>>
      %dma_wait3A_58 = tpu.memref_squeeze %dma_wait3A_57 : memref<1x1x128xi32, #tpu.memory_space<vmem>> -> memref<128xi32, #tpu.memory_space<vmem>>
      %dma_wait3A_59 = arith.constant 0 : i32
      %dma_wait3A_60 = arith.constant 0 : i32
      %dma_wait3A_61 = tpu.memref_slice %arg15[%dma_wait3A_59, %dma_wait3A_60] : memref<10112x128xf32, #tpu.memory_space<vmem_shared>> -> memref<10112x128xf32, #tpu.memory_space<vmem_shared>>
      tpu.wait_indirect_dma semaphore(%arg13 : memref<!tpu.dma_semaphore, #tpu.memory_space<semaphore_mem>>) src(%arg9 : memref<128x128xf32, #tpu.memory_space<vmem>>) dst(%dma_wait3A_61 : memref<10112x128xf32, #tpu.memory_space<vmem_shared>>)
    } else {
    }
    %barrier3A_54 = arith.constant 0 : index
    tpu.barrier barrier_id(%barrier3A_54)
    "tpu.region"() ({
      %run_scoped3A = tpu.sem_alloc : memref<!tpu.dma_semaphore, #tpu.memory_space<semaphore_mem>>
      %dma_start3A = arith.constant 0 : i32
      %dma_start3A_55 = tpu.memref_slice %arg5[%arg0, %mul3A_5, %dma_start3A] : memref<2x10112x128xf32, #tpu.memory_space<hbm>> -> memref<1x632x128xf32, #tpu.memory_space<hbm>>
      %dma_start3A_56 = tpu.memref_squeeze %dma_start3A_55 : memref<1x632x128xf32, #tpu.memory_space<hbm>> -> memref<632x128xf32, #tpu.memory_space<hbm>>
      %dma_start3A_57 = arith.constant 0 : i32
      %dma_start3A_58 = tpu.memref_slice %arg15[%mul3A_5, %dma_start3A_57] : memref<10112x128xf32, #tpu.memory_space<vmem_shared>> -> memref<632x128xf32, #tpu.memory_space<vmem_shared>>
      tpu.enqueue_dma source(%dma_start3A_58 : memref<632x128xf32, #tpu.memory_space<vmem_shared>>) target(%dma_start3A_56 : memref<632x128xf32, #tpu.memory_space<hbm>>) target_semaphore(%run_scoped3A : memref<!tpu.dma_semaphore, #tpu.memory_space<semaphore_mem>>)
      %dma_wait3A = arith.constant 0 : i32
      %dma_wait3A_59 = tpu.memref_slice %arg5[%arg0, %mul3A_5, %dma_wait3A] : memref<2x10112x128xf32, #tpu.memory_space<hbm>> -> memref<1x632x128xf32, #tpu.memory_space<hbm>>
      %dma_wait3A_60 = tpu.memref_squeeze %dma_wait3A_59 : memref<1x632x128xf32, #tpu.memory_space<hbm>> -> memref<632x128xf32, #tpu.memory_space<hbm>>
      %dma_wait3A_61 = arith.constant 0 : i32
      %dma_wait3A_62 = tpu.memref_slice %arg15[%mul3A_5, %dma_wait3A_61] : memref<10112x128xf32, #tpu.memory_space<vmem_shared>> -> memref<632x128xf32, #tpu.memory_space<vmem_shared>>
      tpu.wait_dma2 semaphore(%run_scoped3A : memref<!tpu.dma_semaphore, #tpu.memory_space<semaphore_mem>>) src(%dma_wait3A_62 : memref<632x128xf32, #tpu.memory_space<vmem_shared>>) dst(%dma_wait3A_60 : memref<632x128xf32, #tpu.memory_space<hbm>>)
      tpu.yield
    }) : () -> ()
    return
  }
}

#map = affine_map<(d0, d1) -> (0, 0, 0)>
module attributes {stable_mosaic.version = 14 : i64} {
  func.func @_deg_kernel(%arg0: i32, %arg1: i32, %arg2: memref<32x80x128xi32, #tpu.memory_space<hbm>>, %arg3: memref<2x10112x128xf32, #tpu.memory_space<hbm>>, %arg4: memref<80x128xi32, #tpu.memory_space<vmem>>, %arg5: memref<128x128xf32, #tpu.memory_space<vmem>>, %arg6: memref<10112x128xf32, #tpu.memory_space<vmem_shared>>) attributes {dimension_semantics = [#tpu.dimension_semantics<core_parallel>, #tpu.dimension_semantics<subcore_parallel>], iteration_bounds = array<i64: 2, 16>, scalar_prefetch = 0 : i64, scratch_operands = 3 : i64, tpu.core_type = #tpu.core_type<sc_vector_subcore>, window_params = [{transform_indices = #map}, {transform_indices = #map}]} {
    %mul3A = arith.constant 16 : i32
    %mul3A_0 = arith.muli %arg0, %mul3A : i32
    %add3A = arith.addi %mul3A_0, %arg1 : i32
    "tpu.region"() ({
      %run_scoped3A = tpu.sem_alloc : memref<!tpu.dma_semaphore, #tpu.memory_space<semaphore_mem>>
      %dma_start3A = arith.constant 0 : i32
      %dma_start3A_32 = arith.constant 0 : i32
      %dma_start3A_33 = tpu.memref_slice %arg2[%add3A, %dma_start3A, %dma_start3A_32] : memref<32x80x128xi32, #tpu.memory_space<hbm>> -> memref<1x80x128xi32, #tpu.memory_space<hbm>>
      %dma_start3A_34 = tpu.memref_squeeze %dma_start3A_33 : memref<1x80x128xi32, #tpu.memory_space<hbm>> -> memref<80x128xi32, #tpu.memory_space<hbm>>
      %dma_start3A_35 = arith.constant 0 : i32
      %dma_start3A_36 = arith.constant 0 : i32
      %dma_start3A_37 = tpu.memref_slice %arg2[%add3A, %dma_start3A_35, %dma_start3A_36] : memref<32x80x128xi32, #tpu.memory_space<hbm>> -> memref<1x80x128xi32, #tpu.memory_space<hbm>>
      %dma_start3A_38 = tpu.memref_squeeze %dma_start3A_37 : memref<1x80x128xi32, #tpu.memory_space<hbm>> -> memref<80x128xi32, #tpu.memory_space<hbm>>
      tpu.enqueue_dma source(%dma_start3A_38 : memref<80x128xi32, #tpu.memory_space<hbm>>) target(%arg4 : memref<80x128xi32, #tpu.memory_space<vmem>>) target_semaphore(%run_scoped3A : memref<!tpu.dma_semaphore, #tpu.memory_space<semaphore_mem>>)
      %dma_wait3A = arith.constant 0 : i32
      %dma_wait3A_39 = arith.constant 0 : i32
      %dma_wait3A_40 = tpu.memref_slice %arg2[%add3A, %dma_wait3A, %dma_wait3A_39] : memref<32x80x128xi32, #tpu.memory_space<hbm>> -> memref<1x80x128xi32, #tpu.memory_space<hbm>>
      %dma_wait3A_41 = tpu.memref_squeeze %dma_wait3A_40 : memref<1x80x128xi32, #tpu.memory_space<hbm>> -> memref<80x128xi32, #tpu.memory_space<hbm>>
      %dma_wait3A_42 = arith.constant 0 : i32
      %dma_wait3A_43 = arith.constant 0 : i32
      %dma_wait3A_44 = tpu.memref_slice %arg2[%add3A, %dma_wait3A_42, %dma_wait3A_43] : memref<32x80x128xi32, #tpu.memory_space<hbm>> -> memref<1x80x128xi32, #tpu.memory_space<hbm>>
      %dma_wait3A_45 = tpu.memref_squeeze %dma_wait3A_44 : memref<1x80x128xi32, #tpu.memory_space<hbm>> -> memref<80x128xi32, #tpu.memory_space<hbm>>
      tpu.wait_dma2 semaphore(%run_scoped3A : memref<!tpu.dma_semaphore, #tpu.memory_space<semaphore_mem>>) src(%dma_wait3A_45 : memref<80x128xi32, #tpu.memory_space<hbm>>) dst(%arg4 : memref<80x128xi32, #tpu.memory_space<vmem>>)
      tpu.yield
    }) : () -> ()
    %scan3A = arith.constant 0 : i32
    %scan3A_1 = arith.constant 0 : i32
    %scan3A_2 = arith.constant 128 : i32
    %scan3A_3 = arith.addi %scan3A_1, %scan3A_2 : i32
    %scan3A_4 = arith.constant 1 : i32
    scf.for %scan3A_32 = %scan3A_1 to %scan3A_3 step %scan3A_4  : i32 {
      %broadcast_in_dim3A = arith.constant 0.000000e+00 : f32
      %broadcast_in_dim3A_33 = vector.broadcast %broadcast_in_dim3A : f32 to vector<16xf32>
      %swap3A = arith.index_cast %scan3A_32 : i32 to index
      %swap3A_34 = arith.constant 0 : index
      %swap3A_35 = tpu.vector_load %arg5[%swap3A, %swap3A_34] {strides = array<i32>} : memref<128x128xf32, #tpu.memory_space<vmem>>, vector<1x16xf32>,
      %swap3A_36 = vector.shape_cast %swap3A_35 : vector<1x16xf32> to vector<16xf32>
      %swap3A_37 = vector.shape_cast %broadcast_in_dim3A_33 : vector<16xf32> to vector<1x16xf32>
      tpu.vector_store %arg5[%swap3A, %swap3A_34], %swap3A_37 {strides = array<i32>} : memref<128x128xf32, #tpu.memory_space<vmem>>, vector<1x16xf32>,
      %broadcast_in_dim3A_38 = arith.constant 0.000000e+00 : f32
      %broadcast_in_dim3A_39 = vector.broadcast %broadcast_in_dim3A_38 : f32 to vector<16xf32>
      %swap3A_40 = arith.index_cast %scan3A_32 : i32 to index
      %swap3A_41 = arith.constant 16 : index
      %swap3A_42 = tpu.vector_load %arg5[%swap3A_40, %swap3A_41] {strides = array<i32>} : memref<128x128xf32, #tpu.memory_space<vmem>>, vector<1x16xf32>,
      %swap3A_43 = vector.shape_cast %swap3A_42 : vector<1x16xf32> to vector<16xf32>
      %swap3A_44 = vector.shape_cast %broadcast_in_dim3A_39 : vector<16xf32> to vector<1x16xf32>
      tpu.vector_store %arg5[%swap3A_40, %swap3A_41], %swap3A_44 {strides = array<i32>} : memref<128x128xf32, #tpu.memory_space<vmem>>, vector<1x16xf32>,
      %broadcast_in_dim3A_45 = arith.constant 0.000000e+00 : f32
      %broadcast_in_dim3A_46 = vector.broadcast %broadcast_in_dim3A_45 : f32 to vector<16xf32>
      %swap3A_47 = arith.index_cast %scan3A_32 : i32 to index
      %swap3A_48 = arith.constant 32 : index
      %swap3A_49 = tpu.vector_load %arg5[%swap3A_47, %swap3A_48] {strides = array<i32>} : memref<128x128xf32, #tpu.memory_space<vmem>>, vector<1x16xf32>,
      %swap3A_50 = vector.shape_cast %swap3A_49 : vector<1x16xf32> to vector<16xf32>
      %swap3A_51 = vector.shape_cast %broadcast_in_dim3A_46 : vector<16xf32> to vector<1x16xf32>
      tpu.vector_store %arg5[%swap3A_47, %swap3A_48], %swap3A_51 {strides = array<i32>} : memref<128x128xf32, #tpu.memory_space<vmem>>, vector<1x16xf32>,
      %broadcast_in_dim3A_52 = arith.constant 0.000000e+00 : f32
      %broadcast_in_dim3A_53 = vector.broadcast %broadcast_in_dim3A_52 : f32 to vector<16xf32>
      %swap3A_54 = arith.index_cast %scan3A_32 : i32 to index
      %swap3A_55 = arith.constant 48 : index
      %swap3A_56 = tpu.vector_load %arg5[%swap3A_54, %swap3A_55] {strides = array<i32>} : memref<128x128xf32, #tpu.memory_space<vmem>>, vector<1x16xf32>,
      %swap3A_57 = vector.shape_cast %swap3A_56 : vector<1x16xf32> to vector<16xf32>
      %swap3A_58 = vector.shape_cast %broadcast_in_dim3A_53 : vector<16xf32> to vector<1x16xf32>
      tpu.vector_store %arg5[%swap3A_54, %swap3A_55], %swap3A_58 {strides = array<i32>} : memref<128x128xf32, #tpu.memory_space<vmem>>, vector<1x16xf32>,
      %broadcast_in_dim3A_59 = arith.constant 0.000000e+00 : f32
      %broadcast_in_dim3A_60 = vector.broadcast %broadcast_in_dim3A_59 : f32 to vector<16xf32>
      %swap3A_61 = arith.index_cast %scan3A_32 : i32 to index
      %swap3A_62 = arith.constant 64 : index
      %swap3A_63 = tpu.vector_load %arg5[%swap3A_61, %swap3A_62] {strides = array<i32>} : memref<128x128xf32, #tpu.memory_space<vmem>>, vector<1x16xf32>,
      %swap3A_64 = vector.shape_cast %swap3A_63 : vector<1x16xf32> to vector<16xf32>
      %swap3A_65 = vector.shape_cast %broadcast_in_dim3A_60 : vector<16xf32> to vector<1x16xf32>
      tpu.vector_store %arg5[%swap3A_61, %swap3A_62], %swap3A_65 {strides = array<i32>} : memref<128x128xf32, #tpu.memory_space<vmem>>, vector<1x16xf32>,
      %broadcast_in_dim3A_66 = arith.constant 0.000000e+00 : f32
      %broadcast_in_dim3A_67 = vector.broadcast %broadcast_in_dim3A_66 : f32 to vector<16xf32>
      %swap3A_68 = arith.index_cast %scan3A_32 : i32 to index
      %swap3A_69 = arith.constant 80 : index
      %swap3A_70 = tpu.vector_load %arg5[%swap3A_68, %swap3A_69] {strides = array<i32>} : memref<128x128xf32, #tpu.memory_space<vmem>>, vector<1x16xf32>,
      %swap3A_71 = vector.shape_cast %swap3A_70 : vector<1x16xf32> to vector<16xf32>
      %swap3A_72 = vector.shape_cast %broadcast_in_dim3A_67 : vector<16xf32> to vector<1x16xf32>
      tpu.vector_store %arg5[%swap3A_68, %swap3A_69], %swap3A_72 {strides = array<i32>} : memref<128x128xf32, #tpu.memory_space<vmem>>, vector<1x16xf32>,
      %broadcast_in_dim3A_73 = arith.constant 0.000000e+00 : f32
      %broadcast_in_dim3A_74 = vector.broadcast %broadcast_in_dim3A_73 : f32 to vector<16xf32>
      %swap3A_75 = arith.index_cast %scan3A_32 : i32 to index
      %swap3A_76 = arith.constant 96 : index
      %swap3A_77 = tpu.vector_load %arg5[%swap3A_75, %swap3A_76] {strides = array<i32>} : memref<128x128xf32, #tpu.memory_space<vmem>>, vector<1x16xf32>,
      %swap3A_78 = vector.shape_cast %swap3A_77 : vector<1x16xf32> to vector<16xf32>
      %swap3A_79 = vector.shape_cast %broadcast_in_dim3A_74 : vector<16xf32> to vector<1x16xf32>
      tpu.vector_store %arg5[%swap3A_75, %swap3A_76], %swap3A_79 {strides = array<i32>} : memref<128x128xf32, #tpu.memory_space<vmem>>, vector<1x16xf32>,
      %broadcast_in_dim3A_80 = arith.constant 0.000000e+00 : f32
      %broadcast_in_dim3A_81 = vector.broadcast %broadcast_in_dim3A_80 : f32 to vector<16xf32>
      %swap3A_82 = arith.index_cast %scan3A_32 : i32 to index
      %swap3A_83 = arith.constant 112 : index
      %swap3A_84 = tpu.vector_load %arg5[%swap3A_82, %swap3A_83] {strides = array<i32>} : memref<128x128xf32, #tpu.memory_space<vmem>>, vector<1x16xf32>,
      %swap3A_85 = vector.shape_cast %swap3A_84 : vector<1x16xf32> to vector<16xf32>
      %swap3A_86 = vector.shape_cast %broadcast_in_dim3A_81 : vector<16xf32> to vector<1x16xf32>
      tpu.vector_store %arg5[%swap3A_82, %swap3A_83], %swap3A_86 {strides = array<i32>} : memref<128x128xf32, #tpu.memory_space<vmem>>, vector<1x16xf32>,
    }
    %scan3A_5 = arith.constant 128 : i32
    %mul3A_6 = arith.constant 632 : i32
    %mul3A_7 = arith.muli %arg1, %mul3A_6 : i32
    %add3A_8 = arith.constant 0 : i32
    %add3A_9 = arith.addi %mul3A_7, %add3A_8 : i32
    "tpu.region"() ({
      %run_scoped3A = tpu.sem_alloc : memref<!tpu.dma_semaphore, #tpu.memory_space<semaphore_mem>>
      %dma_start3A = arith.constant 0 : i32
      %dma_start3A_32 = tpu.memref_slice %arg6[%add3A_9, %dma_start3A] : memref<10112x128xf32, #tpu.memory_space<vmem_shared>> -> memref<128x128xf32, #tpu.memory_space<vmem_shared>>
      %dma_start3A_33 = arith.constant 0 : i32
      %dma_start3A_34 = tpu.memref_slice %arg6[%add3A_9, %dma_start3A_33] : memref<10112x128xf32, #tpu.memory_space<vmem_shared>> -> memref<128x128xf32, #tpu.memory_space<vmem_shared>>
      tpu.enqueue_dma source(%arg5 : memref<128x128xf32, #tpu.memory_space<vmem>>) target(%dma_start3A_34 : memref<128x128xf32, #tpu.memory_space<vmem_shared>>) target_semaphore(%run_scoped3A : memref<!tpu.dma_semaphore, #tpu.memory_space<semaphore_mem>>)
      %dma_wait3A = arith.constant 0 : i32
      %dma_wait3A_35 = tpu.memref_slice %arg6[%add3A_9, %dma_wait3A] : memref<10112x128xf32, #tpu.memory_space<vmem_shared>> -> memref<128x128xf32, #tpu.memory_space<vmem_shared>>
      %dma_wait3A_36 = arith.constant 0 : i32
      %dma_wait3A_37 = tpu.memref_slice %arg6[%add3A_9, %dma_wait3A_36] : memref<10112x128xf32, #tpu.memory_space<vmem_shared>> -> memref<128x128xf32, #tpu.memory_space<vmem_shared>>
      tpu.wait_dma2 semaphore(%run_scoped3A : memref<!tpu.dma_semaphore, #tpu.memory_space<semaphore_mem>>) src(%arg5 : memref<128x128xf32, #tpu.memory_space<vmem>>) dst(%dma_wait3A_37 : memref<128x128xf32, #tpu.memory_space<vmem_shared>>)
      tpu.yield
    }) : () -> ()
    %add3A_10 = arith.constant 128 : i32
    %add3A_11 = arith.addi %mul3A_7, %add3A_10 : i32
    "tpu.region"() ({
      %run_scoped3A = tpu.sem_alloc : memref<!tpu.dma_semaphore, #tpu.memory_space<semaphore_mem>>
      %dma_start3A = arith.constant 0 : i32
      %dma_start3A_32 = tpu.memref_slice %arg6[%add3A_11, %dma_start3A] : memref<10112x128xf32, #tpu.memory_space<vmem_shared>> -> memref<128x128xf32, #tpu.memory_space<vmem_shared>>
      %dma_start3A_33 = arith.constant 0 : i32
      %dma_start3A_34 = tpu.memref_slice %arg6[%add3A_11, %dma_start3A_33] : memref<10112x128xf32, #tpu.memory_space<vmem_shared>> -> memref<128x128xf32, #tpu.memory_space<vmem_shared>>
      tpu.enqueue_dma source(%arg5 : memref<128x128xf32, #tpu.memory_space<vmem>>) target(%dma_start3A_34 : memref<128x128xf32, #tpu.memory_space<vmem_shared>>) target_semaphore(%run_scoped3A : memref<!tpu.dma_semaphore, #tpu.memory_space<semaphore_mem>>)
      %dma_wait3A = arith.constant 0 : i32
      %dma_wait3A_35 = tpu.memref_slice %arg6[%add3A_11, %dma_wait3A] : memref<10112x128xf32, #tpu.memory_space<vmem_shared>> -> memref<128x128xf32, #tpu.memory_space<vmem_shared>>
      %dma_wait3A_36 = arith.constant 0 : i32
      %dma_wait3A_37 = tpu.memref_slice %arg6[%add3A_11, %dma_wait3A_36] : memref<10112x128xf32, #tpu.memory_space<vmem_shared>> -> memref<128x128xf32, #tpu.memory_space<vmem_shared>>
      tpu.wait_dma2 semaphore(%run_scoped3A : memref<!tpu.dma_semaphore, #tpu.memory_space<semaphore_mem>>) src(%arg5 : memref<128x128xf32, #tpu.memory_space<vmem>>) dst(%dma_wait3A_37 : memref<128x128xf32, #tpu.memory_space<vmem_shared>>)
      tpu.yield
    }) : () -> ()
    %add3A_12 = arith.constant 256 : i32
    %add3A_13 = arith.addi %mul3A_7, %add3A_12 : i32
    "tpu.region"() ({
      %run_scoped3A = tpu.sem_alloc : memref<!tpu.dma_semaphore, #tpu.memory_space<semaphore_mem>>
      %dma_start3A = arith.constant 0 : i32
      %dma_start3A_32 = tpu.memref_slice %arg6[%add3A_13, %dma_start3A] : memref<10112x128xf32, #tpu.memory_space<vmem_shared>> -> memref<128x128xf32, #tpu.memory_space<vmem_shared>>
      %dma_start3A_33 = arith.constant 0 : i32
      %dma_start3A_34 = tpu.memref_slice %arg6[%add3A_13, %dma_start3A_33] : memref<10112x128xf32, #tpu.memory_space<vmem_shared>> -> memref<128x128xf32, #tpu.memory_space<vmem_shared>>
      tpu.enqueue_dma source(%arg5 : memref<128x128xf32, #tpu.memory_space<vmem>>) target(%dma_start3A_34 : memref<128x128xf32, #tpu.memory_space<vmem_shared>>) target_semaphore(%run_scoped3A : memref<!tpu.dma_semaphore, #tpu.memory_space<semaphore_mem>>)
      %dma_wait3A = arith.constant 0 : i32
      %dma_wait3A_35 = tpu.memref_slice %arg6[%add3A_13, %dma_wait3A] : memref<10112x128xf32, #tpu.memory_space<vmem_shared>> -> memref<128x128xf32, #tpu.memory_space<vmem_shared>>
      %dma_wait3A_36 = arith.constant 0 : i32
      %dma_wait3A_37 = tpu.memref_slice %arg6[%add3A_13, %dma_wait3A_36] : memref<10112x128xf32, #tpu.memory_space<vmem_shared>> -> memref<128x128xf32, #tpu.memory_space<vmem_shared>>
      tpu.wait_dma2 semaphore(%run_scoped3A : memref<!tpu.dma_semaphore, #tpu.memory_space<semaphore_mem>>) src(%arg5 : memref<128x128xf32, #tpu.memory_space<vmem>>) dst(%dma_wait3A_37 : memref<128x128xf32, #tpu.memory_space<vmem_shared>>)
      tpu.yield
    }) : () -> ()
    %add3A_14 = arith.constant 384 : i32
    %add3A_15 = arith.addi %mul3A_7, %add3A_14 : i32
    "tpu.region"() ({
      %run_scoped3A = tpu.sem_alloc : memref<!tpu.dma_semaphore, #tpu.memory_space<semaphore_mem>>
      %dma_start3A = arith.constant 0 : i32
      %dma_start3A_32 = tpu.memref_slice %arg6[%add3A_15, %dma_start3A] : memref<10112x128xf32, #tpu.memory_space<vmem_shared>> -> memref<128x128xf32, #tpu.memory_space<vmem_shared>>
      %dma_start3A_33 = arith.constant 0 : i32
      %dma_start3A_34 = tpu.memref_slice %arg6[%add3A_15, %dma_start3A_33] : memref<10112x128xf32, #tpu.memory_space<vmem_shared>> -> memref<128x128xf32, #tpu.memory_space<vmem_shared>>
      tpu.enqueue_dma source(%arg5 : memref<128x128xf32, #tpu.memory_space<vmem>>) target(%dma_start3A_34 : memref<128x128xf32, #tpu.memory_space<vmem_shared>>) target_semaphore(%run_scoped3A : memref<!tpu.dma_semaphore, #tpu.memory_space<semaphore_mem>>)
      %dma_wait3A = arith.constant 0 : i32
      %dma_wait3A_35 = tpu.memref_slice %arg6[%add3A_15, %dma_wait3A] : memref<10112x128xf32, #tpu.memory_space<vmem_shared>> -> memref<128x128xf32, #tpu.memory_space<vmem_shared>>
      %dma_wait3A_36 = arith.constant 0 : i32
      %dma_wait3A_37 = tpu.memref_slice %arg6[%add3A_15, %dma_wait3A_36] : memref<10112x128xf32, #tpu.memory_space<vmem_shared>> -> memref<128x128xf32, #tpu.memory_space<vmem_shared>>
      tpu.wait_dma2 semaphore(%run_scoped3A : memref<!tpu.dma_semaphore, #tpu.memory_space<semaphore_mem>>) src(%arg5 : memref<128x128xf32, #tpu.memory_space<vmem>>) dst(%dma_wait3A_37 : memref<128x128xf32, #tpu.memory_space<vmem_shared>>)
      tpu.yield
    }) : () -> ()
    %add3A_16 = arith.constant 632 : i32
    %add3A_17 = arith.addi %mul3A_7, %add3A_16 : i32
    %sub3A = arith.constant 120 : i32
    %sub3A_18 = arith.subi %add3A_17, %sub3A : i32
    "tpu.region"() ({
      %run_scoped3A = tpu.sem_alloc : memref<!tpu.dma_semaphore, #tpu.memory_space<semaphore_mem>>
      %dma_start3A = arith.constant 0 : i32
      %dma_start3A_32 = arith.constant 0 : i32
      %dma_start3A_33 = tpu.memref_slice %arg5[%dma_start3A, %dma_start3A_32] : memref<128x128xf32, #tpu.memory_space<vmem>> -> memref<120x128xf32, #tpu.memory_space<vmem>>
      %dma_start3A_34 = arith.constant 0 : i32
      %dma_start3A_35 = tpu.memref_slice %arg6[%sub3A_18, %dma_start3A_34] : memref<10112x128xf32, #tpu.memory_space<vmem_shared>> -> memref<120x128xf32, #tpu.memory_space<vmem_shared>>
      %dma_start3A_36 = arith.constant 0 : i32
      %dma_start3A_37 = tpu.memref_slice %arg6[%sub3A_18, %dma_start3A_36] : memref<10112x128xf32, #tpu.memory_space<vmem_shared>> -> memref<120x128xf32, #tpu.memory_space<vmem_shared>>
      %dma_start3A_38 = arith.constant 0 : i32
      %dma_start3A_39 = arith.constant 0 : i32
      %dma_start3A_40 = tpu.memref_slice %arg5[%dma_start3A_38, %dma_start3A_39] : memref<128x128xf32, #tpu.memory_space<vmem>> -> memref<120x128xf32, #tpu.memory_space<vmem>>
      tpu.enqueue_dma source(%dma_start3A_40 : memref<120x128xf32, #tpu.memory_space<vmem>>) target(%dma_start3A_37 : memref<120x128xf32, #tpu.memory_space<vmem_shared>>) target_semaphore(%run_scoped3A : memref<!tpu.dma_semaphore, #tpu.memory_space<semaphore_mem>>)
      %dma_wait3A = arith.constant 0 : i32
      %dma_wait3A_41 = arith.constant 0 : i32
      %dma_wait3A_42 = tpu.memref_slice %arg5[%dma_wait3A, %dma_wait3A_41] : memref<128x128xf32, #tpu.memory_space<vmem>> -> memref<120x128xf32, #tpu.memory_space<vmem>>
      %dma_wait3A_43 = arith.constant 0 : i32
      %dma_wait3A_44 = tpu.memref_slice %arg6[%sub3A_18, %dma_wait3A_43] : memref<10112x128xf32, #tpu.memory_space<vmem_shared>> -> memref<120x128xf32, #tpu.memory_space<vmem_shared>>
      %dma_wait3A_45 = arith.constant 0 : i32
      %dma_wait3A_46 = tpu.memref_slice %arg6[%sub3A_18, %dma_wait3A_45] : memref<10112x128xf32, #tpu.memory_space<vmem_shared>> -> memref<120x128xf32, #tpu.memory_space<vmem_shared>>
      %dma_wait3A_47 = arith.constant 0 : i32
      %dma_wait3A_48 = arith.constant 0 : i32
      %dma_wait3A_49 = tpu.memref_slice %arg5[%dma_wait3A_47, %dma_wait3A_48] : memref<128x128xf32, #tpu.memory_space<vmem>> -> memref<120x128xf32, #tpu.memory_space<vmem>>
      tpu.wait_dma2 semaphore(%run_scoped3A : memref<!tpu.dma_semaphore, #tpu.memory_space<semaphore_mem>>) src(%dma_wait3A_49 : memref<120x128xf32, #tpu.memory_space<vmem>>) dst(%dma_wait3A_46 : memref<120x128xf32, #tpu.memory_space<vmem_shared>>)
      tpu.yield
    }) : () -> ()
    %scan3A_19 = arith.constant 0 : i32
    %scan3A_20 = arith.constant 0 : i32
    %scan3A_21 = arith.constant 128 : i32
    %scan3A_22 = arith.addi %scan3A_20, %scan3A_21 : i32
    %scan3A_23 = arith.constant 1 : i32
    scf.for %scan3A_32 = %scan3A_20 to %scan3A_22 step %scan3A_23  : i32 {
      %broadcast_in_dim3A = arith.constant 1.000000e+00 : f32
      %broadcast_in_dim3A_33 = vector.broadcast %broadcast_in_dim3A : f32 to vector<16xf32>
      %swap3A = arith.index_cast %scan3A_32 : i32 to index
      %swap3A_34 = arith.constant 0 : index
      %swap3A_35 = tpu.vector_load %arg5[%swap3A, %swap3A_34] {strides = array<i32>} : memref<128x128xf32, #tpu.memory_space<vmem>>, vector<1x16xf32>,
      %swap3A_36 = vector.shape_cast %swap3A_35 : vector<1x16xf32> to vector<16xf32>
      %swap3A_37 = vector.shape_cast %broadcast_in_dim3A_33 : vector<16xf32> to vector<1x16xf32>
      tpu.vector_store %arg5[%swap3A, %swap3A_34], %swap3A_37 {strides = array<i32>} : memref<128x128xf32, #tpu.memory_space<vmem>>, vector<1x16xf32>,
      %broadcast_in_dim3A_38 = arith.constant 1.000000e+00 : f32
      %broadcast_in_dim3A_39 = vector.broadcast %broadcast_in_dim3A_38 : f32 to vector<16xf32>
      %swap3A_40 = arith.index_cast %scan3A_32 : i32 to index
      %swap3A_41 = arith.constant 16 : index
      %swap3A_42 = tpu.vector_load %arg5[%swap3A_40, %swap3A_41] {strides = array<i32>} : memref<128x128xf32, #tpu.memory_space<vmem>>, vector<1x16xf32>,
      %swap3A_43 = vector.shape_cast %swap3A_42 : vector<1x16xf32> to vector<16xf32>
      %swap3A_44 = vector.shape_cast %broadcast_in_dim3A_39 : vector<16xf32> to vector<1x16xf32>
      tpu.vector_store %arg5[%swap3A_40, %swap3A_41], %swap3A_44 {strides = array<i32>} : memref<128x128xf32, #tpu.memory_space<vmem>>, vector<1x16xf32>,
      %broadcast_in_dim3A_45 = arith.constant 1.000000e+00 : f32
      %broadcast_in_dim3A_46 = vector.broadcast %broadcast_in_dim3A_45 : f32 to vector<16xf32>
      %swap3A_47 = arith.index_cast %scan3A_32 : i32 to index
      %swap3A_48 = arith.constant 32 : index
      %swap3A_49 = tpu.vector_load %arg5[%swap3A_47, %swap3A_48] {strides = array<i32>} : memref<128x128xf32, #tpu.memory_space<vmem>>, vector<1x16xf32>,
      %swap3A_50 = vector.shape_cast %swap3A_49 : vector<1x16xf32> to vector<16xf32>
      %swap3A_51 = vector.shape_cast %broadcast_in_dim3A_46 : vector<16xf32> to vector<1x16xf32>
      tpu.vector_store %arg5[%swap3A_47, %swap3A_48], %swap3A_51 {strides = array<i32>} : memref<128x128xf32, #tpu.memory_space<vmem>>, vector<1x16xf32>,
      %broadcast_in_dim3A_52 = arith.constant 1.000000e+00 : f32
      %broadcast_in_dim3A_53 = vector.broadcast %broadcast_in_dim3A_52 : f32 to vector<16xf32>
      %swap3A_54 = arith.index_cast %scan3A_32 : i32 to index
      %swap3A_55 = arith.constant 48 : index
      %swap3A_56 = tpu.vector_load %arg5[%swap3A_54, %swap3A_55] {strides = array<i32>} : memref<128x128xf32, #tpu.memory_space<vmem>>, vector<1x16xf32>,
      %swap3A_57 = vector.shape_cast %swap3A_56 : vector<1x16xf32> to vector<16xf32>
      %swap3A_58 = vector.shape_cast %broadcast_in_dim3A_53 : vector<16xf32> to vector<1x16xf32>
      tpu.vector_store %arg5[%swap3A_54, %swap3A_55], %swap3A_58 {strides = array<i32>} : memref<128x128xf32, #tpu.memory_space<vmem>>, vector<1x16xf32>,
      %broadcast_in_dim3A_59 = arith.constant 1.000000e+00 : f32
      %broadcast_in_dim3A_60 = vector.broadcast %broadcast_in_dim3A_59 : f32 to vector<16xf32>
      %swap3A_61 = arith.index_cast %scan3A_32 : i32 to index
      %swap3A_62 = arith.constant 64 : index
      %swap3A_63 = tpu.vector_load %arg5[%swap3A_61, %swap3A_62] {strides = array<i32>} : memref<128x128xf32, #tpu.memory_space<vmem>>, vector<1x16xf32>,
      %swap3A_64 = vector.shape_cast %swap3A_63 : vector<1x16xf32> to vector<16xf32>
      %swap3A_65 = vector.shape_cast %broadcast_in_dim3A_60 : vector<16xf32> to vector<1x16xf32>
      tpu.vector_store %arg5[%swap3A_61, %swap3A_62], %swap3A_65 {strides = array<i32>} : memref<128x128xf32, #tpu.memory_space<vmem>>, vector<1x16xf32>,
      %broadcast_in_dim3A_66 = arith.constant 1.000000e+00 : f32
      %broadcast_in_dim3A_67 = vector.broadcast %broadcast_in_dim3A_66 : f32 to vector<16xf32>
      %swap3A_68 = arith.index_cast %scan3A_32 : i32 to index
      %swap3A_69 = arith.constant 80 : index
      %swap3A_70 = tpu.vector_load %arg5[%swap3A_68, %swap3A_69] {strides = array<i32>} : memref<128x128xf32, #tpu.memory_space<vmem>>, vector<1x16xf32>,
      %swap3A_71 = vector.shape_cast %swap3A_70 : vector<1x16xf32> to vector<16xf32>
      %swap3A_72 = vector.shape_cast %broadcast_in_dim3A_67 : vector<16xf32> to vector<1x16xf32>
      tpu.vector_store %arg5[%swap3A_68, %swap3A_69], %swap3A_72 {strides = array<i32>} : memref<128x128xf32, #tpu.memory_space<vmem>>, vector<1x16xf32>,
      %broadcast_in_dim3A_73 = arith.constant 1.000000e+00 : f32
      %broadcast_in_dim3A_74 = vector.broadcast %broadcast_in_dim3A_73 : f32 to vector<16xf32>
      %swap3A_75 = arith.index_cast %scan3A_32 : i32 to index
      %swap3A_76 = arith.constant 96 : index
      %swap3A_77 = tpu.vector_load %arg5[%swap3A_75, %swap3A_76] {strides = array<i32>} : memref<128x128xf32, #tpu.memory_space<vmem>>, vector<1x16xf32>,
      %swap3A_78 = vector.shape_cast %swap3A_77 : vector<1x16xf32> to vector<16xf32>
      %swap3A_79 = vector.shape_cast %broadcast_in_dim3A_74 : vector<16xf32> to vector<1x16xf32>
      tpu.vector_store %arg5[%swap3A_75, %swap3A_76], %swap3A_79 {strides = array<i32>} : memref<128x128xf32, #tpu.memory_space<vmem>>, vector<1x16xf32>,
      %broadcast_in_dim3A_80 = arith.constant 1.000000e+00 : f32
      %broadcast_in_dim3A_81 = vector.broadcast %broadcast_in_dim3A_80 : f32 to vector<16xf32>
      %swap3A_82 = arith.index_cast %scan3A_32 : i32 to index
      %swap3A_83 = arith.constant 112 : index
      %swap3A_84 = tpu.vector_load %arg5[%swap3A_82, %swap3A_83] {strides = array<i32>} : memref<128x128xf32, #tpu.memory_space<vmem>>, vector<1x16xf32>,
      %swap3A_85 = vector.shape_cast %swap3A_84 : vector<1x16xf32> to vector<16xf32>
      %swap3A_86 = vector.shape_cast %broadcast_in_dim3A_81 : vector<16xf32> to vector<1x16xf32>
      tpu.vector_store %arg5[%swap3A_82, %swap3A_83], %swap3A_86 {strides = array<i32>} : memref<128x128xf32, #tpu.memory_space<vmem>>, vector<1x16xf32>,
    }
    %scan3A_24 = arith.constant 128 : i32
    %barrier3A = arith.constant 0 : index
    tpu.barrier barrier_id(%barrier3A)
    %scan3A_25 = arith.constant 0 : i32
    %scan3A_26 = arith.constant 0 : i32
    %scan3A_27 = arith.constant 80 : i32
    %scan3A_28 = arith.addi %scan3A_26, %scan3A_27 : i32
    %scan3A_29 = arith.constant 1 : i32
    scf.for %scan3A_32 = %scan3A_26 to %scan3A_28 step %scan3A_29  : i32 {
      "tpu.region"() ({
        %run_scoped3A = tpu.sem_alloc : memref<!tpu.dma_semaphore, #tpu.memory_space<semaphore_mem>>
        %dma_start3A = arith.constant 0 : i32
        %dma_start3A_33 = tpu.memref_slice %arg4[%scan3A_32, %dma_start3A] : memref<80x128xi32, #tpu.memory_space<vmem>> -> memref<1x128xi32, #tpu.memory_space<vmem>>
        %dma_start3A_34 = tpu.memref_squeeze %dma_start3A_33 : memref<1x128xi32, #tpu.memory_space<vmem>> -> memref<128xi32, #tpu.memory_space<vmem>>
        %dma_start3A_35 = arith.constant 0 : i32
        %dma_start3A_36 = arith.constant 0 : i32
        %dma_start3A_37 = tpu.memref_slice %arg6[%dma_start3A_35, %dma_start3A_36] : memref<10112x128xf32, #tpu.memory_space<vmem_shared>> -> memref<10112x128xf32, #tpu.memory_space<vmem_shared>>
        tpu.enqueue_indirect_dma source(%arg5 : memref<128x128xf32, #tpu.memory_space<vmem>>) target(%dma_start3A_37 : memref<10112x128xf32, #tpu.memory_space<vmem_shared>>) offsets(%dma_start3A_34 : memref<128xi32, #tpu.memory_space<vmem>>) semaphore(%run_scoped3A : memref<!tpu.dma_semaphore, #tpu.memory_space<semaphore_mem>>) {add = true}
        %dma_wait3A = arith.constant 0 : i32
        %dma_wait3A_38 = tpu.memref_slice %arg4[%scan3A_32, %dma_wait3A] : memref<80x128xi32, #tpu.memory_space<vmem>> -> memref<1x128xi32, #tpu.memory_space<vmem>>
        %dma_wait3A_39 = tpu.memref_squeeze %dma_wait3A_38 : memref<1x128xi32, #tpu.memory_space<vmem>> -> memref<128xi32, #tpu.memory_space<vmem>>
        %dma_wait3A_40 = arith.constant 0 : i32
        %dma_wait3A_41 = arith.constant 0 : i32
        %dma_wait3A_42 = tpu.memref_slice %arg6[%dma_wait3A_40, %dma_wait3A_41] : memref<10112x128xf32, #tpu.memory_space<vmem_shared>> -> memref<10112x128xf32, #tpu.memory_space<vmem_shared>>
        tpu.wait_indirect_dma semaphore(%run_scoped3A : memref<!tpu.dma_semaphore, #tpu.memory_space<semaphore_mem>>) src(%arg5 : memref<128x128xf32, #tpu.memory_space<vmem>>) dst(%dma_wait3A_42 : memref<10112x128xf32, #tpu.memory_space<vmem_shared>>)
        tpu.yield
      }) : () -> ()
    }
    %scan3A_30 = arith.constant 80 : i32
    %barrier3A_31 = arith.constant 0 : index
    tpu.barrier barrier_id(%barrier3A_31)
    "tpu.region"() ({
      %run_scoped3A = tpu.sem_alloc : memref<!tpu.dma_semaphore, #tpu.memory_space<semaphore_mem>>
      %dma_start3A = arith.constant 0 : i32
      %dma_start3A_32 = tpu.memref_slice %arg3[%arg0, %mul3A_7, %dma_start3A] : memref<2x10112x128xf32, #tpu.memory_space<hbm>> -> memref<1x632x128xf32, #tpu.memory_space<hbm>>
      %dma_start3A_33 = tpu.memref_squeeze %dma_start3A_32 : memref<1x632x128xf32, #tpu.memory_space<hbm>> -> memref<632x128xf32, #tpu.memory_space<hbm>>
      %dma_start3A_34 = arith.constant 0 : i32
      %dma_start3A_35 = tpu.memref_slice %arg6[%mul3A_7, %dma_start3A_34] : memref<10112x128xf32, #tpu.memory_space<vmem_shared>> -> memref<632x128xf32, #tpu.memory_space<vmem_shared>>
      tpu.enqueue_dma source(%dma_start3A_35 : memref<632x128xf32, #tpu.memory_space<vmem_shared>>) target(%dma_start3A_33 : memref<632x128xf32, #tpu.memory_space<hbm>>) target_semaphore(%run_scoped3A : memref<!tpu.dma_semaphore, #tpu.memory_space<semaphore_mem>>)
      %dma_wait3A = arith.constant 0 : i32
      %dma_wait3A_36 = tpu.memref_slice %arg3[%arg0, %mul3A_7, %dma_wait3A] : memref<2x10112x128xf32, #tpu.memory_space<hbm>> -> memref<1x632x128xf32, #tpu.memory_space<hbm>>
      %dma_wait3A_37 = tpu.memref_squeeze %dma_wait3A_36 : memref<1x632x128xf32, #tpu.memory_space<hbm>> -> memref<632x128xf32, #tpu.memory_space<hbm>>
      %dma_wait3A_38 = arith.constant 0 : i32
      %dma_wait3A_39 = tpu.memref_slice %arg6[%mul3A_7, %dma_wait3A_38] : memref<10112x128xf32, #tpu.memory_space<vmem_shared>> -> memref<632x128xf32, #tpu.memory_space<vmem_shared>>
      tpu.wait_dma2 semaphore(%run_scoped3A : memref<!tpu.dma_semaphore, #tpu.memory_space<semaphore_mem>>) src(%dma_wait3A_39 : memref<632x128xf32, #tpu.memory_space<vmem_shared>>) dst(%dma_wait3A_37 : memref<632x128xf32, #tpu.memory_space<hbm>>)
      tpu.yield
    }) : () -> ()
    return
  }
}

module attributes {stable_mosaic.version = 14 : i64} {
  func.func @_tc1_body(%arg0: i32, %arg1: memref<1000x128xf32, #tpu.memory_space<vmem>>, %arg2: memref<128x128xf32, #tpu.memory_space<vmem>>, %arg3: memref<2x1000x128xf32, #tpu.memory_space<vmem>>, %arg4: memref<1000x128xf32, #tpu.memory_space<vmem>>, %arg5: memref<1000x128xf32, #tpu.memory_space<vmem>>) attributes {dimension_semantics = [#tpu.dimension_semantics<arbitrary>], iteration_bounds = array<i64: 10>, scalar_prefetch = 0 : i64, scratch_operands = 0 : i64, tpu.core_type = #tpu.core_type<tc>, window_params = [{transform_indices = @transform_0, window_bounds = array<i64: 1000, 128>}, {pipeline_mode = #tpu.pipeline_mode<synchronous>, transform_indices = @transform_1, window_bounds = array<i64: 128, 128>}, {transform_indices = @transform_2, window_bounds = array<i64: 2, 1000, 128>}, {transform_indices = @transform_3, window_bounds = array<i64: 1000, 128>}, {transform_indices = @transform_4, window_bounds = array<i64: 1000, 128>}]} {
    %get3A = arith.constant 0 : index
    %get3A_0 = arith.constant 0 : index
    %get3A_1 = arith.constant 0 : index
    %get3A_2 = vector.load %arg3[%get3A, %get3A_0, %get3A_1] : memref<2x1000x128xf32, #tpu.memory_space<vmem>>, vector<1x1000x1xf32>
    %get3A_3 = vector.shape_cast %get3A_2 : vector<1x1000x1xf32> to vector<1000xf32>
    %get3A_4 = arith.constant 1 : index
    %get3A_5 = arith.constant 0 : index
    %get3A_6 = arith.constant 0 : index
    %get3A_7 = vector.load %arg3[%get3A_4, %get3A_5, %get3A_6] : memref<2x1000x128xf32, #tpu.memory_space<vmem>>, vector<1x1000x1xf32>
    %get3A_8 = vector.shape_cast %get3A_7 : vector<1x1000x1xf32> to vector<1000xf32>
    %add3A = arith.addf %get3A_3, %get3A_8 : vector<1000xf32>
    %add3A_9 = arith.constant 1.000000e+00 : f32
    %add3A_10 = vector.broadcast %add3A_9 : f32 to vector<1000xf32>
    %add3A_11 = arith.addf %add3A, %add3A_10 : vector<1000xf32>
    %rsqrt3A = math.rsqrt %add3A_11 : vector<1000xf32>
    %get3A_12 = arith.constant 0 : index
    %get3A_13 = arith.constant 0 : index
    %get3A_14 = vector.load %arg1[%get3A_12, %get3A_13] : memref<1000x128xf32, #tpu.memory_space<vmem>>, vector<1000x128xf32>
    %get3A_15 = arith.constant 0 : index
    %get3A_16 = arith.constant 0 : index
    %get3A_17 = vector.load %arg2[%get3A_15, %get3A_16] : memref<128x128xf32, #tpu.memory_space<vmem>>, vector<128x128xf32>
    %dot_general3A = arith.constant dense<0.000000e+00> : vector<1000x128xf32>
    %dot_general3A_18 = tpu.matmul %get3A_14, %get3A_17, %dot_general3A {dimension_numbers = #tpu.dot_dimension_numbers<[1], [0], [0], [1], [0, 0, 1, 1], [], []>, transpose_lhs_hint = false} : vector<1000x128xf32>, vector<128x128xf32>, vector<1000x128xf32> -> vector<1000x128xf32>
    %swap3A = arith.constant 0 : index
    %swap3A_19 = arith.constant 0 : index
    %swap3A_20 = vector.load %arg5[%swap3A, %swap3A_19] : memref<1000x128xf32, #tpu.memory_space<vmem>>, vector<1000x128xf32>
    tpu.vector_store %arg5[%swap3A, %swap3A_19], %dot_general3A_18 {strides = array<i32>} : memref<1000x128xf32, #tpu.memory_space<vmem>>, vector<1000x128xf32>,
    %broadcast_in_dim3A = vector.shape_cast %rsqrt3A : vector<1000xf32> to vector<1000x1xf32>
    %mul3A = vector.broadcast %broadcast_in_dim3A : vector<1000x1xf32> to vector<1000x128xf32>
    %mul3A_21 = arith.mulf %dot_general3A_18, %mul3A : vector<1000x128xf32>
    %swap3A_22 = arith.constant 0 : index
    %swap3A_23 = arith.constant 0 : index
    %swap3A_24 = vector.load %arg4[%swap3A_22, %swap3A_23] : memref<1000x128xf32, #tpu.memory_space<vmem>>, vector<1000x128xf32>
    tpu.vector_store %arg4[%swap3A_22, %swap3A_23], %mul3A_21 {strides = array<i32>} : memref<1000x128xf32, #tpu.memory_space<vmem>>, vector<1000x128xf32>,
    return
  }
  func.func @transform_0(%arg0: i32) -> (i32, i32) {
    %c0_i32 = arith.constant 0 : i32
    %c0_i32_0 = arith.constant 0 : i32
    return %arg0, %c0_i32 : i32, i32
  }
  func.func @transform_1(%arg0: i32) -> (i32, i32) {
    %c0_i32 = arith.constant 0 : i32
    %c0_i32_0 = arith.constant 0 : i32
    %c0_i32_1 = arith.constant 0 : i32
    return %c0_i32, %c0_i32_0 : i32, i32
  }
  func.func @transform_2(%arg0: i32) -> (i32, i32, i32) {
    %c0_i32 = arith.constant 0 : i32
    %c0_i32_0 = arith.constant 0 : i32
    %c0_i32_1 = arith.constant 0 : i32
    return %c0_i32, %arg0, %c0_i32_0 : i32, i32, i32
  }
  func.func @transform_3(%arg0: i32) -> (i32, i32) {
    %c0_i32 = arith.constant 0 : i32
    %c0_i32_0 = arith.constant 0 : i32
    return %arg0, %c0_i32 : i32, i32
  }
  func.func @transform_4(%arg0: i32) -> (i32, i32) {
    %c0_i32 = arith.constant 0 : i32
    %c0_i32_0 = arith.constant 0 : i32
    return %arg0, %c0_i32 : i32, i32
  }
}

module attributes {stable_mosaic.version = 14 : i64} {
  func.func @_tc2_body(%arg0: i32, %arg1: memref<2x1000x128xf32, #tpu.memory_space<vmem>>, %arg2: memref<2x1000x128xf32, #tpu.memory_space<vmem>>, %arg3: memref<1000x128xf32, #tpu.memory_space<vmem>>, %arg4: memref<128x128xf32, #tpu.memory_space<vmem>>, %arg5: memref<1x128xf32, #tpu.memory_space<vmem>>, %arg6: memref<1000x128xf32, #tpu.memory_space<vmem>>, %arg7: memref<1000x128xf32, #tpu.memory_space<vmem>>) attributes {dimension_semantics = [#tpu.dimension_semantics<arbitrary>], iteration_bounds = array<i64: 10>, scalar_prefetch = 0 : i64, scratch_operands = 0 : i64, tpu.core_type = #tpu.core_type<tc>, window_params = [{transform_indices = @transform_0, window_bounds = array<i64: 2, 1000, 128>}, {transform_indices = @transform_1, window_bounds = array<i64: 2, 1000, 128>}, {transform_indices = @transform_2, window_bounds = array<i64: 1000, 128>}, {pipeline_mode = #tpu.pipeline_mode<synchronous>, transform_indices = @transform_3, window_bounds = array<i64: 128, 128>}, {pipeline_mode = #tpu.pipeline_mode<synchronous>, transform_indices = @transform_4, window_bounds = array<i64: 1, 128>}, {transform_indices = @transform_5, window_bounds = array<i64: 1000, 128>}, {transform_indices = @transform_6, window_bounds = array<i64: 1000, 128>}]} {
    %get3A = arith.constant 0 : index
    %get3A_0 = arith.constant 0 : index
    %get3A_1 = arith.constant 0 : index
    %get3A_2 = vector.load %arg2[%get3A, %get3A_0, %get3A_1] : memref<2x1000x128xf32, #tpu.memory_space<vmem>>, vector<1x1000x1xf32>
    %get3A_3 = vector.shape_cast %get3A_2 : vector<1x1000x1xf32> to vector<1000xf32>
    %get3A_4 = arith.constant 1 : index
    %get3A_5 = arith.constant 0 : index
    %get3A_6 = arith.constant 0 : index
    %get3A_7 = vector.load %arg2[%get3A_4, %get3A_5, %get3A_6] : memref<2x1000x128xf32, #tpu.memory_space<vmem>>, vector<1x1000x1xf32>
    %get3A_8 = vector.shape_cast %get3A_7 : vector<1x1000x1xf32> to vector<1000xf32>
    %add3A = arith.addf %get3A_3, %get3A_8 : vector<1000xf32>
    %add3A_9 = arith.constant 1.000000e+00 : f32
    %add3A_10 = vector.broadcast %add3A_9 : f32 to vector<1000xf32>
    %add3A_11 = arith.addf %add3A, %add3A_10 : vector<1000xf32>
    %rsqrt3A = math.rsqrt %add3A_11 : vector<1000xf32>
    %get3A_12 = arith.constant 0 : index
    %get3A_13 = arith.constant 0 : index
    %get3A_14 = arith.constant 0 : index
    %get3A_15 = vector.load %arg1[%get3A_12, %get3A_13, %get3A_14] : memref<2x1000x128xf32, #tpu.memory_space<vmem>>, vector<1x1000x128xf32>
    %get3A_16 = vector.shape_cast %get3A_15 : vector<1x1000x128xf32> to vector<1000x128xf32>
    %get3A_17 = arith.constant 1 : index
    %get3A_18 = arith.constant 0 : index
    %get3A_19 = arith.constant 0 : index
    %get3A_20 = vector.load %arg1[%get3A_17, %get3A_18, %get3A_19] : memref<2x1000x128xf32, #tpu.memory_space<vmem>>, vector<1x1000x128xf32>
    %get3A_21 = vector.shape_cast %get3A_20 : vector<1x1000x128xf32> to vector<1000x128xf32>
    %add3A_22 = arith.addf %get3A_16, %get3A_21 : vector<1000x128xf32>
    %broadcast_in_dim3A = vector.shape_cast %rsqrt3A : vector<1000xf32> to vector<1000x1xf32>
    %mul3A = vector.broadcast %broadcast_in_dim3A : vector<1000x1xf32> to vector<1000x128xf32>
    %mul3A_23 = arith.mulf %add3A_22, %mul3A : vector<1000x128xf32>
    %get3A_24 = arith.constant 0 : index
    %get3A_25 = arith.constant 0 : index
    %get3A_26 = vector.load %arg3[%get3A_24, %get3A_25] : memref<1000x128xf32, #tpu.memory_space<vmem>>, vector<1000x128xf32>
    %mul3A_27 = arith.mulf %rsqrt3A, %rsqrt3A : vector<1000xf32>
    %broadcast_in_dim3A_28 = vector.shape_cast %mul3A_27 : vector<1000xf32> to vector<1000x1xf32>
    %mul3A_29 = vector.broadcast %broadcast_in_dim3A_28 : vector<1000x1xf32> to vector<1000x128xf32>
    %mul3A_30 = arith.mulf %get3A_26, %mul3A_29 : vector<1000x128xf32>
    %add3A_31 = arith.addf %mul3A_23, %mul3A_30 : vector<1000x128xf32>
    %get3A_32 = arith.constant 0 : index
    %get3A_33 = arith.constant 0 : index
    %get3A_34 = vector.load %arg5[%get3A_32, %get3A_33] : memref<1x128xf32, #tpu.memory_space<vmem>>, vector<1x128xf32>
    %add3A_35 = vector.broadcast %get3A_34 : vector<1x128xf32> to vector<1000x128xf32>
    %add3A_36 = arith.addf %add3A_31, %add3A_35 : vector<1000x128xf32>
    %get3A_37 = arith.constant 0 : index
    %get3A_38 = arith.constant 0 : index
    %get3A_39 = vector.load %arg4[%get3A_37, %get3A_38] : memref<128x128xf32, #tpu.memory_space<vmem>>, vector<128x128xf32>
    %dot_general3A = arith.constant dense<0.000000e+00> : vector<1000x128xf32>
    %dot_general3A_40 = tpu.matmul %add3A_36, %get3A_39, %dot_general3A {dimension_numbers = #tpu.dot_dimension_numbers<[1], [0], [0], [1], [0, 0, 1, 1], [], []>, transpose_lhs_hint = false} : vector<1000x128xf32>, vector<128x128xf32>, vector<1000x128xf32> -> vector<1000x128xf32>
    %swap3A = arith.constant 0 : index
    %swap3A_41 = arith.constant 0 : index
    %swap3A_42 = vector.load %arg6[%swap3A, %swap3A_41] : memref<1000x128xf32, #tpu.memory_space<vmem>>, vector<1000x128xf32>
    tpu.vector_store %arg6[%swap3A, %swap3A_41], %dot_general3A_40 {strides = array<i32>} : memref<1000x128xf32, #tpu.memory_space<vmem>>, vector<1000x128xf32>,
    %broadcast_in_dim3A_43 = vector.shape_cast %rsqrt3A : vector<1000xf32> to vector<1000x1xf32>
    %mul3A_44 = vector.broadcast %broadcast_in_dim3A_43 : vector<1000x1xf32> to vector<1000x128xf32>
    %mul3A_45 = arith.mulf %dot_general3A_40, %mul3A_44 : vector<1000x128xf32>
    %swap3A_46 = arith.constant 0 : index
    %swap3A_47 = arith.constant 0 : index
    %swap3A_48 = vector.load %arg7[%swap3A_46, %swap3A_47] : memref<1000x128xf32, #tpu.memory_space<vmem>>, vector<1000x128xf32>
    tpu.vector_store %arg7[%swap3A_46, %swap3A_47], %mul3A_45 {strides = array<i32>} : memref<1000x128xf32, #tpu.memory_space<vmem>>, vector<1000x128xf32>,
    return
  }
  func.func @transform_0(%arg0: i32) -> (i32, i32, i32) {
    %c0_i32 = arith.constant 0 : i32
    %c0_i32_0 = arith.constant 0 : i32
    %c0_i32_1 = arith.constant 0 : i32
    return %c0_i32, %arg0, %c0_i32_0 : i32, i32, i32
  }
  func.func @transform_1(%arg0: i32) -> (i32, i32, i32) {
    %c0_i32 = arith.constant 0 : i32
    %c0_i32_0 = arith.constant 0 : i32
    %c0_i32_1 = arith.constant 0 : i32
    return %c0_i32, %arg0, %c0_i32_0 : i32, i32, i32
  }
  func.func @transform_2(%arg0: i32) -> (i32, i32) {
    %c0_i32 = arith.constant 0 : i32
    %c0_i32_0 = arith.constant 0 : i32
    return %arg0, %c0_i32 : i32, i32
  }
  func.func @transform_3(%arg0: i32) -> (i32, i32) {
    %c0_i32 = arith.constant 0 : i32
    %c0_i32_0 = arith.constant 0 : i32
    %c0_i32_1 = arith.constant 0 : i32
    return %c0_i32, %c0_i32_0 : i32, i32
  }
  func.func @transform_4(%arg0: i32) -> (i32, i32) {
    %c0_i32 = arith.constant 0 : i32
    %c0_i32_0 = arith.constant 0 : i32
    %c0_i32_1 = arith.constant 0 : i32
    return %c0_i32, %c0_i32_0 : i32, i32
  }
  func.func @transform_5(%arg0: i32) -> (i32, i32) {
    %c0_i32 = arith.constant 0 : i32
    %c0_i32_0 = arith.constant 0 : i32
    return %arg0, %c0_i32 : i32, i32
  }
  func.func @transform_6(%arg0: i32) -> (i32, i32) {
    %c0_i32 = arith.constant 0 : i32
    %c0_i32_0 = arith.constant 0 : i32
    return %arg0, %c0_i32 : i32, i32
  }
}

module attributes {stable_mosaic.version = 14 : i64} {
  func.func @_tc3_body(%arg0: i32, %arg1: memref<2x1000x128xf32, #tpu.memory_space<vmem>>, %arg2: memref<2x1000x128xf32, #tpu.memory_space<vmem>>, %arg3: memref<1000x128xf32, #tpu.memory_space<vmem>>, %arg4: memref<1x128xf32, #tpu.memory_space<vmem>>, %arg5: memref<1000x128xf32, #tpu.memory_space<vmem>>) attributes {dimension_semantics = [#tpu.dimension_semantics<arbitrary>], iteration_bounds = array<i64: 10>, scalar_prefetch = 0 : i64, scratch_operands = 0 : i64, tpu.core_type = #tpu.core_type<tc>, window_params = [{transform_indices = @transform_0, window_bounds = array<i64: 2, 1000, 128>}, {transform_indices = @transform_1, window_bounds = array<i64: 2, 1000, 128>}, {transform_indices = @transform_2, window_bounds = array<i64: 1000, 128>}, {pipeline_mode = #tpu.pipeline_mode<synchronous>, transform_indices = @transform_3, window_bounds = array<i64: 1, 128>}, {transform_indices = @transform_4, window_bounds = array<i64: 1000, 128>}]} {
    %get3A = arith.constant 0 : index
    %get3A_0 = arith.constant 0 : index
    %get3A_1 = arith.constant 0 : index
    %get3A_2 = vector.load %arg2[%get3A, %get3A_0, %get3A_1] : memref<2x1000x128xf32, #tpu.memory_space<vmem>>, vector<1x1000x1xf32>
    %get3A_3 = vector.shape_cast %get3A_2 : vector<1x1000x1xf32> to vector<1000xf32>
    %get3A_4 = arith.constant 1 : index
    %get3A_5 = arith.constant 0 : index
    %get3A_6 = arith.constant 0 : index
    %get3A_7 = vector.load %arg2[%get3A_4, %get3A_5, %get3A_6] : memref<2x1000x128xf32, #tpu.memory_space<vmem>>, vector<1x1000x1xf32>
    %get3A_8 = vector.shape_cast %get3A_7 : vector<1x1000x1xf32> to vector<1000xf32>
    %add3A = arith.addf %get3A_3, %get3A_8 : vector<1000xf32>
    %add3A_9 = arith.constant 1.000000e+00 : f32
    %add3A_10 = vector.broadcast %add3A_9 : f32 to vector<1000xf32>
    %add3A_11 = arith.addf %add3A, %add3A_10 : vector<1000xf32>
    %rsqrt3A = math.rsqrt %add3A_11 : vector<1000xf32>
    %get3A_12 = arith.constant 0 : index
    %get3A_13 = arith.constant 0 : index
    %get3A_14 = arith.constant 0 : index
    %get3A_15 = vector.load %arg1[%get3A_12, %get3A_13, %get3A_14] : memref<2x1000x128xf32, #tpu.memory_space<vmem>>, vector<1x1000x128xf32>
    %get3A_16 = vector.shape_cast %get3A_15 : vector<1x1000x128xf32> to vector<1000x128xf32>
    %get3A_17 = arith.constant 1 : index
    %get3A_18 = arith.constant 0 : index
    %get3A_19 = arith.constant 0 : index
    %get3A_20 = vector.load %arg1[%get3A_17, %get3A_18, %get3A_19] : memref<2x1000x128xf32, #tpu.memory_space<vmem>>, vector<1x1000x128xf32>
    %get3A_21 = vector.shape_cast %get3A_20 : vector<1x1000x128xf32> to vector<1000x128xf32>
    %add3A_22 = arith.addf %get3A_16, %get3A_21 : vector<1000x128xf32>
    %broadcast_in_dim3A = vector.shape_cast %rsqrt3A : vector<1000xf32> to vector<1000x1xf32>
    %mul3A = vector.broadcast %broadcast_in_dim3A : vector<1000x1xf32> to vector<1000x128xf32>
    %mul3A_23 = arith.mulf %add3A_22, %mul3A : vector<1000x128xf32>
    %get3A_24 = arith.constant 0 : index
    %get3A_25 = arith.constant 0 : index
    %get3A_26 = vector.load %arg3[%get3A_24, %get3A_25] : memref<1000x128xf32, #tpu.memory_space<vmem>>, vector<1000x128xf32>
    %mul3A_27 = arith.mulf %rsqrt3A, %rsqrt3A : vector<1000xf32>
    %broadcast_in_dim3A_28 = vector.shape_cast %mul3A_27 : vector<1000xf32> to vector<1000x1xf32>
    %mul3A_29 = vector.broadcast %broadcast_in_dim3A_28 : vector<1000x1xf32> to vector<1000x128xf32>
    %mul3A_30 = arith.mulf %get3A_26, %mul3A_29 : vector<1000x128xf32>
    %add3A_31 = arith.addf %mul3A_23, %mul3A_30 : vector<1000x128xf32>
    %get3A_32 = arith.constant 0 : index
    %get3A_33 = arith.constant 0 : index
    %get3A_34 = vector.load %arg4[%get3A_32, %get3A_33] : memref<1x128xf32, #tpu.memory_space<vmem>>, vector<1x128xf32>
    %add3A_35 = vector.broadcast %get3A_34 : vector<1x128xf32> to vector<1000x128xf32>
    %add3A_36 = arith.addf %add3A_31, %add3A_35 : vector<1000x128xf32>
    %swap3A = arith.constant 0 : index
    %swap3A_37 = arith.constant 0 : index
    %swap3A_38 = vector.load %arg5[%swap3A, %swap3A_37] : memref<1000x128xf32, #tpu.memory_space<vmem>>, vector<1000x128xf32>
    tpu.vector_store %arg5[%swap3A, %swap3A_37], %add3A_36 {strides = array<i32>} : memref<1000x128xf32, #tpu.memory_space<vmem>>, vector<1000x128xf32>,
    return
  }
  func.func @transform_0(%arg0: i32) -> (i32, i32, i32) {
    %c0_i32 = arith.constant 0 : i32
    %c0_i32_0 = arith.constant 0 : i32
    %c0_i32_1 = arith.constant 0 : i32
    return %c0_i32, %arg0, %c0_i32_0 : i32, i32, i32
  }
  func.func @transform_1(%arg0: i32) -> (i32, i32, i32) {
    %c0_i32 = arith.constant 0 : i32
    %c0_i32_0 = arith.constant 0 : i32
    %c0_i32_1 = arith.constant 0 : i32
    return %c0_i32, %arg0, %c0_i32_0 : i32, i32, i32
  }
  func.func @transform_2(%arg0: i32) -> (i32, i32) {
    %c0_i32 = arith.constant 0 : i32
    %c0_i32_0 = arith.constant 0 : i32
    return %arg0, %c0_i32 : i32, i32
  }
  func.func @transform_3(%arg0: i32) -> (i32, i32) {
    %c0_i32 = arith.constant 0 : i32
    %c0_i32_0 = arith.constant 0 : i32
    %c0_i32_1 = arith.constant 0 : i32
    return %c0_i32, %c0_i32_0 : i32, i32
  }
  func.func @transform_4(%arg0: i32) -> (i32, i32) {
    %c0_i32 = arith.constant 0 : i32
    %c0_i32_0 = arith.constant 0 : i32
    return %arg0, %c0_i32 : i32, i32
  }
}

</mosaic_0001>

<sc_bundles>
// kernel: kernel.11.cloned.1.call-start
scs
__scs_entry_jumppad:
0x0: {  	(pc) =	sbr.rel $0x88, $3  }
0x1: {  	(tag) =	ssettag $0x0;
	lr =	simm.s32 $0x1  }
0x2: {  	[smem:$0x3F9B] =	sst lr;
	_ =	strace $0xD0000000  }
0x3: {  	_ = 	snop  }
0x4: {  	_ = 	snop  }
0x5: {  	_ = 	snop  }
0x6: {  	_ = 	snop  }
0x7: {  	_ = 	snop  }
__scs_overlays_trampoline_lowered:
0x8: {  	[smem:$0x3FAA] =	sst s0  }
0x9: {  	[smem:$0x3FAB] =	sst s1  }
0xa: {  	[smem:$0x3FAC] =	sst s2  }
0xb: {  	[smem:$0x3FAD] =	sst s3  }
0xc: {  	[smem:$0x3FAE] =	sst s4  }
0xd: {  	[smem:$0x3FAF] =	sst s5  }
0xe: {  	[smem:$0x3FB0] =	sst s6  }
0xf: {  	[smem:$0x3FB1] =	sst s7  }
0x10: {  	[smem:$0x3FB2] =	sst s8  }
0x11: {  	[smem:$0x3FB3] =	sst s9;
	s0 =	simm.s32 @!p0 $0x0  }
0x12: {  	s1 =	sld [smem:$0x3F99];
	s0 =	simm.s32 @p0 $0x1  }
0x13: {  	[smem:$0x3FB4] =	sst s0;
	s0 =	simm.s32 @!p1 $0x0  }
0x14: {  	s2 =	sld [smem:$0x3F98];
	s0 =	simm.s32 @p1 $0x1  }
0x15: {  	[smem:$0x3FB5] =	sst s0;
	s0 =	simm.s32 @!p2 $0x0  }
0x16: {  	s3 =	sld [smem:$0x3FDB];
	s0 =	simm.s32 @p2 $0x1  }
0x17: {  	s4 =	simm.s32 $0x1BF5;
	[smem:$0x3FB7] =	sst s0  }
0x18: {  	s0 =	sld [smem:$0x3F9A];
	_ =	swait.ge [sflag:s4], $0x0  }
0x19: {  	s7 =	sld [smem:$0x3F9B]  }
0x1a: {  	s8 =	sadd.s32 $0xFFFFE003, lr  }
0x1b: {  	s9 =	sadd.s32 $0xFFFFFEF7, lr;
	s5 =	simm.s32 $0xFFFFFFFF;
	p2 =	slt.u32 s8, $0xFFFFF086  }
0x1c: {  	p1 =	slt.u32 s9, $0xF7A;
	s5 =	simm.s32 @!p2 $0x0  }
0x1d: {  	s5 =	simm.s32 @p1 $0x1;
	p0 =	seq.s32 s7, s2  }
0x1e: {  	s7 =	smul.u32 @!p0 $0xF7A, s2;
	p2 =	seq.s32 @!p0 s5, $0x0  }
0x1f: {  	s9 =	smul.u32 $0xF7A, s1;
	s8 =	simm.s32 @!p0 $0x1BF5;
	p2 =	por !p2, p0  }
0x20: {  	[sflag:s8] =	ssyncset.s32 @!p0 $0xFFFFF086;
	s6 =	sadd.s32 @!p0 s3, s7;
	s7 =	simm.s32 @!p0 $0x108  }
0x21: {  	s3 =	sadd.s32 s3, s9;
	s6 =	sadd.s32 @!p0 $0x88, s6;
	s7 =	simm.s32 @p2 $0x1082  }
0x22: {  	[simem:s7], [sflag:s8] =	dma.local @!p0 [hbm:s6], $0xF7A  }
0x23: {  	s9 =	sor.u32 $0xD0000000, s2;
	s6 =	simm.s32 $0x108;
	_ =	swait.ge @!p0 [sflag:s8], $0x0  }
0x24: {  	s3 =	sadd.s32 $0x88, s3;
	s6 =	simm.s32 @!p1 $0x1082;
	[sflag:s4] =	ssyncset.s32 $0xFFFFF086  }
0x25: {  	[simem:s6], [sflag:s4] =	dma.local [hbm:s3], $0xF7A  }
0x26: {  	[smem:$0x3F9B] =	sst s1;
	(tag) =	ssettag s2;
	_ =	strace s9  }
0x27: {  	s1 =	sld [smem:$0x3FAB]  }
0x28: {  	s2 =	sld [smem:$0x3FAC]  }
0x29: {  	s4 =	sld [smem:$0x3FAE]  }
0x2a: {  	p0 =	seq.s32 s5, $0x0;
	s5 =	sld [smem:$0x3FAF]  }
0x2b: {  	s6 =	sld [smem:$0x3FB0]  }
0x2c: {  	s7 =	sld [smem:$0x3FB1]  }
0x2d: {  	s3 =	simm.s32 $0x108;
	s8 =	sld [smem:$0x3FB2]  }
0x2e: {  	s3 =	simm.s32 @!p0 $0x1082;
	s9 =	sld [smem:$0x3FB3]  }
0x2f: {  	lr =	sadd.s32 s0, s3;
	s0 =	sld [smem:$0x3FAA]  }
0x30: {  	s3 =	sld [smem:$0x3FAD]  }
0x31: {  	[smem:$0x3FB6] =	sst s10  }
0x32: {  	s10 =	sld [smem:$0x3FB4];
	_ =	sdelay $0x3  }
0x33: {  	p0 =	seq.s32 s10, $0x1;
	s10 =	sld [smem:$0x3FB6];
	_ =	sdelay $0x3  }
0x34: {  	[smem:$0x3FB6] =	sst s10  }
0x35: {  	s10 =	sld [smem:$0x3FB5];
	_ =	sdelay $0x3  }
0x36: {  	p1 =	seq.s32 s10, $0x1;
	s10 =	sld [smem:$0x3FB6];
	_ =	sdelay $0x3  }
0x37: {  	[smem:$0x3FB6] =	sst s10  }
0x38: {  	s10 =	sld [smem:$0x3FB7]  }
0x39: {  	_ = 	snop;
	(pc) =	sbr.ind lr, $3  }
0x3a: {  	_ = 	snop  }
0x3b: {  	_ = 	snop  }
0x3c: {  	p2 =	seq.s32 s10, $0x1;
	s10 =	sld [smem:$0x3FB6]  }
0x3d: {  	_ =	shalt  }
0x3e: {  	_ =	shalt  }
0x3f: {  	_ =	shalt  }
0x40: {  	_ =	shalt  }
0x41: {  	_ =	shalt  }
0x42: {  	_ =	shalt  }
0x43: {  	_ =	shalt  }
0x44: {  	_ =	shalt  }
0x45: {  	_ =	shalt  }
0x46: {  	_ =	shalt  }
0x47: {  	_ =	shalt  }
0x48: {  	_ =	shalt  }
0x49: {  	_ =	shalt  }
0x4a: {  	_ =	shalt  }
0x4b: {  	_ =	shalt  }
0x4c: {  	_ =	shalt  }
0x4d: {  	_ =	shalt  }
0x4e: {  	_ =	shalt  }
0x4f: {  	_ =	shalt  }
0x50: {  	_ =	shalt  }
0x51: {  	_ =	shalt  }
0x52: {  	_ =	shalt  }
0x53: {  	_ =	shalt  }
0x54: {  	_ =	shalt  }
0x55: {  	_ =	shalt  }
0x56: {  	_ =	shalt  }
0x57: {  	_ =	shalt  }
0x58: {  	_ =	shalt  }
0x59: {  	_ =	shalt  }
0x5a: {  	_ =	shalt  }
0x5b: {  	_ =	shalt  }
0x5c: {  	_ =	shalt  }
0x5d: {  	_ =	shalt  }
0x5e: {  	_ =	shalt  }
0x5f: {  	_ =	shalt  }
0x60: {  	_ =	shalt  }
0x61: {  	_ =	shalt  }
0x62: {  	_ =	shalt  }
0x63: {  	_ =	shalt  }
0x64: {  	_ =	shalt  }
0x65: {  	_ =	shalt  }
0x66: {  	_ =	shalt  }
0x67: {  	_ =	shalt  }
0x68: {  	_ =	shalt  }
0x69: {  	_ =	shalt  }
0x6a: {  	_ =	shalt  }
0x6b: {  	_ =	shalt  }
0x6c: {  	_ =	shalt  }
0x6d: {  	_ =	shalt  }
0x6e: {  	_ =	shalt  }
0x6f: {  	_ =	shalt  }
0x70: {  	_ =	shalt  }
0x71: {  	_ =	shalt  }
0x72: {  	_ =	shalt  }
0x73: {  	_ =	shalt  }
0x74: {  	_ =	shalt  }
0x75: {  	_ =	shalt  }
0x76: {  	_ =	shalt  }
0x77: {  	_ =	shalt  }
0x78: {  	_ =	shalt  }
0x79: {  	_ =	shalt  }
0x7a: {  	_ =	shalt  }
0x7b: {  	_ =	shalt  }
0x7c: {  	_ =	shalt  }
0x7d: {  	_ =	shalt  }
0x7e: {  	_ =	shalt  }
0x7f: {  	_ =	shalt  }
0x80: {  	_ =	shalt  }
0x81: {  	_ =	shalt  }
0x82: {  	_ =	shalt  }
0x83: {  	_ =	shalt  }
0x84: {  	_ =	shalt  }
0x85: {  	_ =	shalt  }
0x86: {  	_ =	shalt  }
0x87: {  	_ =	shalt  }
.Lfunc_end0:
.L_simem_size_0:
called_computation.1_lowered:
.L_overlay_start_0:
0x88: {  	s2 =	sld [smem:$0x3FD9]  }
0x89: {  	s3 =	sld [smem:$0x3FFE];
	_ =	sdelay $0x1  }
0x8a: {  	s1 =	srdreg.scid  }
0x8b: {  	s0 =	sand.u32 $0x1, s1  }
0x8c: {  	s17 =	sshll.u32 s0, $0xA;
	s2 =	sadd.s32 s3, s2  }
0x8d: {  	s2 =	sadd.s32 s2, s17  }
0x8e: {  	[smem:$0x3FC2] =	sst s2  }
0x8f: {  	_ = 	snop  }
0x90: {  	s2 =	sld [smem:$0x3FD0];
	(tm) =	ssettm $0x1  }
0x91: {  	s18 =	sld [smem:$0x3FFB];
	_ =	sdelay $0x3  }
0x92: {  	_ =	strace s18  }
0x93: {  	s3 =	sld [smem:$0x3FFC];
	_ =	sdelay $0x3  }
0x94: {  	_ =	strace s3  }
0x95: {  	s3 =	sld [smem:$0x3FFD];
	_ =	sdelay $0x3  }
0x96: {  	_ =	strace s3  }
0x97: {  	_ =	strace $0x8FFFFFFF  }
0x98: {  	s19 =	sld [smem:$0x3FDB];
	_ =	sdelay $0x1  }
0x99: {  	s4 =	simm.s32 $_scs_section_size  }
0x9a: {  	s5 =	simm.s32 $_size__tile_overlayer_lowered;
	s6 =	simm.s32 $_tile_overlayer_lowered  }
0x9b: {  	s22 =	simm.s32 $0x1BFF;
	s21 =	sshll.u32 s6, $0x1;
	s3 =	sadd.s32 s4, s19  }
0x9c: {  	s7 =	simm.s32 $0x0;
	s20 =	sshll.u32 s5, $0x1;
	s5 =	sadd.s32 s21, s3  }
0x9d: {  	[timem:s7], [sflag:s22] =	dma.local [hbm:s5], s20  }
0x9e: {  	_ =	swait.ge [sflag:s22], s20  }
0x9f: {  	s4 =	ssub.s32 $0x0, s20;
	[sflag:s22] =	ssyncset.done $0x0  }
0xa0: {  	[sflag:s22] =	ssyncadd.s32 s4;
	_ =	sdelay $0x1  }
0xa1: {  	s23 =	simm.s32 $0x1B8B  }
0xa2: {  	_ =	swait.ge [sflag:s23], $0x1  }
0xa3: {  	[sflag:s23] =	ssyncset.done $0x0  }
0xa4: {  	s25 =	simm.s32 $0x1B8E;
	s24 =	sld [smem:$0x3FFE];
	[sflag:s23] =	ssyncadd.s32 $0xFFFFFFFF  }
0xa5: {  	s26 =	simm.s32 $execute0_lowered;
	[smem:$0x3FD2] =	sst s25  }
0xa6: {  	s5 =	sshll.u32 s26, $0x1;
	_ =	strace $0x80000049;
	[dreg:$0x1] =	wrdreg $0xFFFFFFFF  }
0xa7: {  	s28 =	simm.s32 $_size_execute0_lowered;
	s3 =	sadd.s32 s3, s5;
	[dreg:$0x0] =	wrdreg $0x0  }
0xa8: {  	s5 =	sshll.u32 s28, $0x1;
	[dreg:$0x2] =	wrdreg s3  }
0xa9: {  	[dreg:$0x3] =	wrdreg s5  }
0xaa: {  	[dreg:$0x4] =	wrdreg $0xC0  }
0xab: {  	_ =	task [dreg:s7], $0x5FFFF  }
0xac: {  	[dreg:$0x1] =	wrdreg $0xFFFFFFFF  }
0xad: {  	[dreg:$0x0] =	wrdreg $0x60  }
0xae: {  	[dreg:$0x2] =	wrdreg s2  }
0xaf: {  	[dreg:$0x3] =	wrdreg s24  }
0xb0: {  	[dreg:$0x4] =	wrdreg $0x90000  }
0xb1: {  	[dreg:$0x5] =	wrdreg $0x9  }
0xb2: {  	_ =	task.clear_ibuf [dreg:s7], $0x6FFFF;
	_ =	strace $0x90000049  }
0xb3: {  	s29 =	simm.s32 $0x9;
	_ =	strace $0x8000004B  }
0xb4: {  	_ =	swait.ge [sflag:s29], $0x1  }
0xb5: {  	[sflag:s29] =	ssyncadd.s32 $0xFFFFFFFF  }
0xb6: {  	_ =	strace $0x9000004B  }
0xb7: {  	_ =	sfence  }
0xb8: {  	s30 =	sld [smem:$0x0];
	_ =	sdelay $0x2  }
0xb9: {  	s31 =	sshll.u32 s1, $0xD;
	s1 =	sshrl.u32 s1, $0x2  }
0xba: {  	s3 =	sand.u32 $0x4000, s31;
	s1 =	sadd.s32 s1, s30  }
0xbb: {  	s0 =	sor.u32 s3, s0;
	s1 =	sshll.u32 s1, $0x11  }
0xbc: {  	s0 =	sor.u32 s1, s0  }
0xbd: {  	s0 =	sadd.s32 $0x8F2B, s0  }
0xbe: {  	[sflag:s0] =	ssyncadd.remote.s32 $0x1  }
0xbf: {  	_ =	sfence.sel $0xFFFF  }
0xc0: {  	[dreg:$0x0] =	wrdreg $0xFFFFFFFF;
	(pc) =	sbr.abs _section_cstart, $3  }
0xc1: {  	[dreg:$0x1] =	wrdreg $0xFFFFFFFF  }
0xc2: {  	_ =	task.clear_ibuf [dreg:s7], $0x2FFFF;
	_ =	strace $0x9FFFFFFF  }
0xc3: {  	(tm) =	ssettm $0x7FFFFFFF  }
tec
execute0_lowered:
.L_overlay_start_1:
0x0: {  	(tag) =	ssettag $0x1  }
0x1: {  	s1 =	rddreg [dreg:$0x0]  }
0x2: {  	s0 =	stileid.u32;
	s2 =	srdreg.scid  }
0x3: {  	s6 =	rddreg [dreg:$0x1];
	s5 =	smul.u32 $0xF, s0  }
0x4: {  	s3 =	rddreg [dreg:$0x2];
	s4 =	simm.s32 $0x0;
	s7 =	smul.u32 $0x5, s0  }
0x5: {  	s14 =	simm.s32 $0x78;
	s17 =	simm.s32 $0x1000;
	s9 =	smul.u32 $0x13C00, s0  }
0x6: {  	s18 =	simm.s32 $0x6;
	s2 =	sand.u32 $0x1, s2;
	s22 =	smul.u32 $0x4F000, s0  }
0x7: {  	s20 =	simm.s32 $0x80;
	[smem:$0x7FF] =	sst s4;
	s8 =	smul.u32 $0x13C000, s2  }
0x8: {  	p0 =	seq.s32 s2, $0x0;
	_ =	strace $0x8000004A;
	s2 =	ssub.s32 $0x2, s2  }
0x9: {  	s7 =	sadd.s32 $0xF0, s7;
	s23 =	sshrl.u32 s2, $0x1;
	s14 =	simm.s32 @!p0 $0x28  }
0xa: {  	s24 =	sshrl.u32 s22, $0x2;
	s22 =	simm.s32 $0x3;
	s26 =	sadd.s32 $0xFFFFFFFF, s14  }
0xb: {  	s7 =	smov.u32 @p0 s5;
	s10 =	sadd.s32 $0xFFFFFFFE, s14;
	[dreg:$0x4] =	wrdreg s26  }
0xc: {  	s21 =	sadd.s32 s9, s8;
	s11 =	sadd.s32 $0xFFFFFFFD, s14;
	[dreg:$0x5] =	wrdreg s10  }
0xd: {  	s2 =	ssub.s32 s2, s23;
	s28 =	sadd.s32 $0xFFFFFFFC, s14;
	[dreg:$0x6] =	wrdreg s11  }
0xe: {  	s12 =	sadd.s32 $0xFFFFFFFB, s14;
	s15 =	sadd.s32 $0xFFFFFFFA, s14;
	[dreg:$0x7] =	wrdreg s28  }
0xf: {  	s29 =	sadd.s32 $0xFFFFFFF9, s14;
	s30 =	sadd.s32 $0xFFFFFFF8, s14;
	[dreg:$0x8] =	wrdreg s12  }
0x10: {  	s23 =	simm.s32 $0x2;
	s7 =	sshll.u32 s7, $0x7;
	[dreg:$0x9] =	wrdreg s15  }
0x11: {  	s5 =	sshrl.u32 s21, $0x3;
	s10 =	simm.s32 $0xF;
	[dreg:$0xa] =	wrdreg s29  }
0x12: {  	s14 =	smax.u32 s2, $0x1;
	[dreg:$0xb] =	wrdreg s30;
	s21 =	simm.s32 $0x1  }
0x13: {  	s16 =	sadd.s32 s7, s6;
	s13 =	sadd.s32 s5, s6;
	s5 =	sadd.s32 s24, s3  }
0x14: {  	s10 =	simm.s32 @!p0 $0x5;
	s24 =	simm.s32 $0x5000;
	s25 =	sadd.s32 $0x4000, s5  }
0x15: {  	s7 =	sadd.s32 $0x8000, s5;
	s8 =	sadd.s32 $0xC000, s5;
	s9 =	sadd.s32 $0x10000, s5  }
0x16: {  	s11 =	sadd.s32 $0x5B000, s16;
	s12 =	sadd.s32 $0x2000, s16;
	s13 =	sadd.s32 $0x65000, s13  }
0x17: {  	s31 =	sshll.u32 s10, $0x3;
	s15 =	sadd.s32 $0x2080, s16;
	[dreg:$0xd] =	wrdreg s25  }
0x18: {  	v0 =	vimm.f32 $0.0e+00;
	s16 =	sadd.s32 $0x5B080, s16;
	[dreg:$0xc] =	wrdreg s31;
	s25 =	simm.s32 $0x4  }
.LBB2_1:
0x19: {  	s2 =	simm.s32 $0x0;
	s26 =	simm.s32 $0x200  }
.LBB2_2:
0x1a: {  	p0 =	sne.s32 s26, $0xFE00;
	[tilespmem:s2+$0x1070] =	vst v0  }
0x1b: {  	[tilespmem:s2+$0x1000] =	vst v0  }
0x1c: {  	[tilespmem:s2+$0x1010] =	vst v0  }
.Ltmp0:
0x1d: {  	[tilespmem:s2+$0x1020] =	vst v0;
	(pc) =	sbr.rel @p0 .LBB2_2-.Ltmp0, $4  }
0x1e: {  	[tilespmem:s2+$0x1030] =	vst v0  }
0x1f: {  	[tilespmem:s2+$0x1040] =	vst v0  }
0x20: {  	[tilespmem:s2+$0x1050] =	vst v0  }
0x21: {  	[tilespmem:s2+$0x1060] =	vst v0;
	s2 =	sshra.s32 s26, $0x2;
	s26 =	sadd.s32 $0x200, s26  }
0x22: {  	[tilespmem:s2+$0x1070] =	vst v0  }
0x23: {  	[tilespmem:s2+$0x1000] =	vst v0  }
0x24: {  	[tilespmem:s2+$0x1010] =	vst v0  }
0x25: {  	[tilespmem:s2+$0x1020] =	vst v0  }
0x26: {  	[tilespmem:s2+$0x1030] =	vst v0  }
0x27: {  	[tilespmem:s2+$0x1040] =	vst v0  }
0x28: {  	[tilespmem:s2+$0x1050] =	vst v0  }
0x29: {  	[tilespmem:s2+$0x1060] =	vst v0  }
0x2a: {  	[spmem:s5] =	stream.linear.scatter [tilespmem:s17], [sflag:$0x6], $0x4000, $0x38;
	[tilespmem:$0x1CC00] =	vst v63  }
0x2b: {  	_ =	swait.ge [sflag:s18], $0x4000  }
0x2c: {  	[sflag:s18] =	ssyncset.done $0x0  }
0x2d: {  	s0 =	rddreg [dreg:$0xd];
	[sflag:s18] =	ssyncadd.s32 $0xFFFFC000  }
0x2e: {  	[spmem:s0] =	stream.linear.scatter [tilespmem:s17], [sflag:$0x6], $0x4000, $0x38;
	[tilespmem:$0x1CC00] =	vst v63  }
0x2f: {  	_ =	swait.ge [sflag:s18], $0x4000  }
0x30: {  	[sflag:s18] =	ssyncset.done $0x0  }
0x31: {  	[sflag:s18] =	ssyncadd.s32 $0xFFFFC000  }
0x32: {  	[spmem:s7] =	stream.linear.scatter [tilespmem:s17], [sflag:$0x6], $0x4000, $0x38;
	[tilespmem:$0x1CC00] =	vst v63  }
0x33: {  	_ =	swait.ge [sflag:s18], $0x4000  }
0x34: {  	[sflag:s18] =	ssyncset.done $0x0  }
0x35: {  	[sflag:s18] =	ssyncadd.s32 $0xFFFFC000  }
0x36: {  	[spmem:s8] =	stream.linear.scatter [tilespmem:s17], [sflag:$0x6], $0x4000, $0x38;
	[tilespmem:$0x1CC00] =	vst v63  }
0x37: {  	_ =	swait.ge [sflag:s18], $0x4000  }
0x38: {  	[sflag:s18] =	ssyncset.done $0x0  }
0x39: {  	[sflag:s18] =	ssyncadd.s32 $0xFFFFC000  }
0x3a: {  	[spmem:s9] =	stream.linear.scatter [tilespmem:s17], [sflag:$0x6], $0x3C00, $0x38;
	[tilespmem:$0x1CC00] =	vst v63  }
0x3b: {  	_ =	swait.ge [sflag:s18], $0x3C00  }
0x3c: {  	[sflag:s18] =	ssyncset.done $0x0  }
0x3d: {  	s26 =	simm.s32 $0x0;
	[sflag:s18] =	ssyncadd.s32 $0xFFFFC400  }
0x3e: {  	[tilespmem:s26], [sflag:$0x6] =	stream.linear.gather [hbm4b:s11+s26], $0x400, $0x38;
	[tilespmem:$0x1CC00] =	vst v63  }
0x3f: {  	_ =	swait.ge [sflag:s18], $0x400  }
0x40: {  	[sflag:s18] =	ssyncset.done $0x0  }
0x41: {  	s31 =	simm.s32 $0x800;
	[sflag:s18] =	ssyncadd.s32 $0xFFFFFC00  }
0x42: {  	[tilespmem:s31], [sflag:$0x6] =	stream.linear.gather [hbm4b:s12+s26], $0x400, $0x38;
	[tilespmem:$0x1CC00] =	vst v63  }
0x43: {  	_ =	swait.ge [sflag:s18], $0x400  }
0x44: {  	[sflag:s18] =	ssyncset.done $0x0  }
0x45: {  	s28 =	simm.s32 $0x1;
	[sflag:s18] =	ssyncadd.s32 $0xFFFFFC00  }
0x46: {  	s29 =	smov.u32 s16;
	s30 =	smov.u32 s15;
	[bflag:$0x0] =	sbarrier.arrive $0xFFFF  }
0x47: {  	[tilespmem:s17], [sflag:$0x1] =	stream.indirect.gather [hbm4b:s1+s20], $0x80, s26, s20, $0xb8;
	[tilespmem:$0x1CC00] =	vst v63  }
.LBB2_4:
0x48: {  	p0 =	seq.s32 s26, $0x0  }
0x49: {  	s2 =	simm.s32 @!p0 $0x4  }
0x4a: {  	_ =	swait.ge @!p0 [sflag:s2], $0x4000  }
0x4b: {  	s0 =	sadd.s32 $0xFFFFFFFF, s28;
	s31 =	rddreg [dreg:$0x4]  }
0x4c: {  	s0 =	sand.u32 $0x1, s0;
	[sflag:s2] =	ssyncset.done @!p0 $0x0;
	p1 =	sge.u32 s26, s31  }
0x4d: {  	[sflag:s2] =	ssyncadd.s32 @!p0 $0xFFFFC000;
	s2 =	sshll.u32 @!p1 s0, $0xA  }
0x4e: {  	s31 =	simm.s32 @!p1 $0x80;
	s19 =	simm.s32 @!p1 $0x5000;
	s2 =	sor.u32 @!p1 $0x80, s2  }
0x4f: {  	[tilespmem:s19], [sflag:$0x2] =	stream.indirect.gather @!p1 [hbm4b:s1+s31], $0x80, s2, s31, $0xb8;
	[tilespmem:$0x1CC00] =	vst v63  }
0x50: {  	_ =	swait.ge [sflag:s21], $0x4000  }
0x51: {  	s31 =	sshll.u32 s0, $0xA;
	[sflag:s21] =	ssyncset.done $0x0  }
0x52: {  	s0 =	sor.u32 $0x800, s31;
	[sflag:s21] =	ssyncadd.s32 $0xFFFFC000  }
0x53: {  	[spmem:s3] =	stream.indirect.scatter.add.f32 [tilespmem:s17], [sflag:$0x3], $0x80, s0, s20, $0xb8;
	[tilespmem:$0x1CC00] =	vst v63  }
0x54: {  	p0 =	sge.u32 s28, s10;
	_ =	swait.ge [sflag:s22], $0x4000  }
0x55: {  	s2 =	sand.u32 $0x1, s28;
	s19 =	simm.s32 @!p0 $0x0;
	[sflag:s22] =	ssyncset.done $0x0  }
0x56: {  	s0 =	sshll.u32 @!p0 s2, $0xA;
	s6 =	rddreg [dreg:$0x5];
	[sflag:s22] =	ssyncadd.s32 $0xFFFFC000  }
0x57: {  	[tilespmem:s0], [sflag:$0x5] =	stream.linear.gather @!p0 [hbm4b:s29+s19], $0x400, $0x38;
	[tilespmem:$0x1CC00] =	vst v63  }
0x58: {  	p1 =	sge.u32 s26, s6;
	s0 =	sor.u32 @!p0 $0x800, s0  }
0x59: {  	[tilespmem:s0], [sflag:$0x5] =	stream.linear.gather @!p0 [hbm4b:s30+s19], $0x400, $0x38;
	[tilespmem:$0x1CC00] =	vst v63  }
0x5a: {  	s6 =	simm.s32 @!p1 $0x80;
	s0 =	sadd.s32 @!p1 $0x100, s31;
	s19 =	simm.s32 @!p1 $0x1000  }
0x5b: {  	[tilespmem:s19], [sflag:$0x1] =	stream.indirect.gather @!p1 [hbm4b:s1+s6], $0x80, s0, s6, $0xb8;
	[tilespmem:$0x1CC00] =	vst v63  }
0x5c: {  	_ =	swait.ge [sflag:s23], $0x4000  }
0x5d: {  	[sflag:s23] =	ssyncset.done $0x0  }
0x5e: {  	s6 =	sadd.s32 $0x880, s31;
	[sflag:s23] =	ssyncadd.s32 $0xFFFFC000  }
0x5f: {  	[spmem:s3] =	stream.indirect.scatter.add.f32 [tilespmem:s24], [sflag:$0x4], $0x80, s6, s20, $0xb8;
	[tilespmem:$0x1CC00] =	vst v63  }
0x60: {  	_ =	swait.ge [sflag:s25], $0x4000  }
0x61: {  	s19 =	rddreg [dreg:$0x6];
	[sflag:s25] =	ssyncset.done $0x0  }
0x62: {  	[sflag:s25] =	ssyncadd.s32 $0xFFFFC000;
	p1 =	sge.u32 s26, s19  }
0x63: {  	s0 =	sadd.s32 @!p1 $0x180, s31;
	s6 =	simm.s32 @!p1 $0x80;
	s19 =	simm.s32 @!p1 $0x5000  }
0x64: {  	[tilespmem:s19], [sflag:$0x2] =	stream.indirect.gather @!p1 [hbm4b:s1+s6], $0x80, s0, s6, $0xb8;
	[tilespmem:$0x1CC00] =	vst v63  }
0x65: {  	_ =	swait.ge [sflag:s21], $0x4000  }
0x66: {  	[sflag:s21] =	ssyncset.done $0x0  }
0x67: {  	s6 =	sadd.s32 $0x900, s31;
	[sflag:s21] =	ssyncadd.s32 $0xFFFFC000  }
0x68: {  	[spmem:s3] =	stream.indirect.scatter.add.f32 [tilespmem:s17], [sflag:$0x3], $0x80, s6, s20, $0xb8;
	[tilespmem:$0x1CC00] =	vst v63  }
0x69: {  	_ =	swait.ge [sflag:s22], $0x4000  }
0x6a: {  	s19 =	rddreg [dreg:$0x7];
	[sflag:s22] =	ssyncset.done $0x0  }
0x6b: {  	[sflag:s22] =	ssyncadd.s32 $0xFFFFC000;
	p1 =	sge.u32 s26, s19  }
0x6c: {  	s0 =	sadd.s32 @!p1 $0x200, s31;
	s6 =	simm.s32 @!p1 $0x80;
	s19 =	simm.s32 @!p1 $0x1000  }
0x6d: {  	[tilespmem:s19], [sflag:$0x1] =	stream.indirect.gather @!p1 [hbm4b:s1+s6], $0x80, s0, s6, $0xb8;
	[tilespmem:$0x1CC00] =	vst v63  }
0x6e: {  	_ =	swait.ge [sflag:s23], $0x4000  }
0x6f: {  	[sflag:s23] =	ssyncset.done $0x0  }
0x70: {  	s6 =	sadd.s32 $0x980, s31;
	[sflag:s23] =	ssyncadd.s32 $0xFFFFC000  }
0x71: {  	[spmem:s3] =	stream.indirect.scatter.add.f32 [tilespmem:s24], [sflag:$0x4], $0x80, s6, s20, $0xb8;
	[tilespmem:$0x1CC00] =	vst v63  }
0x72: {  	_ =	swait.ge [sflag:s25], $0x4000  }
0x73: {  	s19 =	rddreg [dreg:$0x8];
	[sflag:s25] =	ssyncset.done $0x0  }
0x74: {  	[sflag:s25] =	ssyncadd.s32 $0xFFFFC000;
	p1 =	sge.u32 s26, s19  }
0x75: {  	s0 =	sadd.s32 @!p1 $0x280, s31;
	s6 =	simm.s32 @!p1 $0x80;
	s19 =	simm.s32 @!p1 $0x5000  }
0x76: {  	[tilespmem:s19], [sflag:$0x2] =	stream.indirect.gather @!p1 [hbm4b:s1+s6], $0x80, s0, s6, $0xb8;
	[tilespmem:$0x1CC00] =	vst v63  }
0x77: {  	_ =	swait.ge [sflag:s21], $0x4000  }
0x78: {  	[sflag:s21] =	ssyncset.done $0x0  }
0x79: {  	s6 =	sadd.s32 $0xA00, s31;
	[sflag:s21] =	ssyncadd.s32 $0xFFFFC000  }
0x7a: {  	[spmem:s3] =	stream.indirect.scatter.add.f32 [tilespmem:s17], [sflag:$0x3], $0x80, s6, s20, $0xb8;
	[tilespmem:$0x1CC00] =	vst v63  }
0x7b: {  	_ =	swait.ge [sflag:s22], $0x4000  }
0x7c: {  	s19 =	rddreg [dreg:$0x9];
	[sflag:s22] =	ssyncset.done $0x0  }
0x7d: {  	[sflag:s22] =	ssyncadd.s32 $0xFFFFC000;
	p1 =	sge.u32 s26, s19  }
0x7e: {  	s0 =	sadd.s32 @!p1 $0x300, s31;
	s6 =	simm.s32 @!p1 $0x80;
	s19 =	simm.s32 @!p1 $0x1000  }
0x7f: {  	[tilespmem:s19], [sflag:$0x1] =	stream.indirect.gather @!p1 [hbm4b:s1+s6], $0x80, s0, s6, $0xb8;
	[tilespmem:$0x1CC00] =	vst v63  }
0x80: {  	_ =	swait.ge [sflag:s23], $0x4000  }
0x81: {  	[sflag:s23] =	ssyncset.done $0x0  }
0x82: {  	s6 =	sadd.s32 $0xA80, s31;
	[sflag:s23] =	ssyncadd.s32 $0xFFFFC000  }
0x83: {  	[spmem:s3] =	stream.indirect.scatter.add.f32 [tilespmem:s24], [sflag:$0x4], $0x80, s6, s20, $0xb8;
	[tilespmem:$0x1CC00] =	vst v63  }
0x84: {  	_ =	swait.ge [sflag:s25], $0x4000  }
0x85: {  	[sflag:s25] =	ssyncset.done $0x0  }
0x86: {  	s0 =	simm.s32 @!p0 $0x5;
	[sflag:s25] =	ssyncadd.s32 $0xFFFFC000  }
0x87: {  	_ =	swait.ge @!p0 [sflag:s0], $0x400  }
0x88: {  	[sflag:s0] =	ssyncset.done @!p0 $0x0  }
0x89: {  	[sflag:s0] =	ssyncadd.s32 @!p0 $0xFFFFFC00  }
0x8a: {  	_ =	swait.ge @!p0 [sflag:s0], $0x400  }
0x8b: {  	s19 =	rddreg [dreg:$0xa];
	[sflag:s0] =	ssyncset.done @!p0 $0x0  }
0x8c: {  	[sflag:s0] =	ssyncadd.s32 @!p0 $0xFFFFFC00;
	p0 =	sge.u32 s26, s19  }
0x8d: {  	s0 =	sadd.s32 @!p0 $0x380, s31;
	s6 =	simm.s32 @!p0 $0x80;
	s19 =	simm.s32 @!p0 $0x5000  }
0x8e: {  	[tilespmem:s19], [sflag:$0x2] =	stream.indirect.gather @!p0 [hbm4b:s1+s6], $0x80, s0, s6, $0xb8;
	[tilespmem:$0x1CC00] =	vst v63  }
0x8f: {  	_ =	swait.ge [sflag:s21], $0x4000  }
0x90: {  	[sflag:s21] =	ssyncset.done $0x0  }
0x91: {  	s19 =	sadd.s32 $0xB00, s31;
	[sflag:s21] =	ssyncadd.s32 $0xFFFFC000  }
0x92: {  	[spmem:s3] =	stream.indirect.scatter.add.f32 [tilespmem:s17], [sflag:$0x3], $0x80, s19, s20, $0xb8;
	[tilespmem:$0x1CC00] =	vst v63  }
0x93: {  	_ =	swait.ge [sflag:s22], $0x4000  }
0x94: {  	s6 =	rddreg [dreg:$0xb];
	[sflag:s22] =	ssyncset.done $0x0  }
0x95: {  	[sflag:s22] =	ssyncadd.s32 $0xFFFFC000;
	p0 =	sge.u32 s26, s6  }
0x96: {  	s0 =	sshll.u32 @!p0 s2, $0xA;
	s2 =	simm.s32 @!p0 $0x80;
	s6 =	simm.s32 @!p0 $0x1000  }
0x97: {  	[tilespmem:s6], [sflag:$0x1] =	stream.indirect.gather @!p0 [hbm4b:s1+s2], $0x80, s0, s2, $0xb8;
	[tilespmem:$0x1CC00] =	vst v63  }
0x98: {  	_ =	swait.ge [sflag:s23], $0x4000  }
0x99: {  	s19 =	sadd.s32 $0xB80, s31;
	s26 =	sadd.s32 $0x8, s26;
	s31 =	rddreg [dreg:$0xc]  }
0x9a: {  	p0 =	sne.s32 s31, s26  }
.Ltmp1:
0x9b: {  	_ = 	snop;
	(pc) =	sbr.rel @p0 .LBB2_4-.Ltmp1, $4  }
0x9c: {  	_ = 	snop  }
0x9d: {  	s28 =	sadd.s32 $0x1, s28;
	[sflag:s23] =	ssyncset.done $0x0  }
0x9e: {  	s29 =	sadd.s32 $0x80, s29;
	s30 =	sadd.s32 $0x80, s30;
	[sflag:s23] =	ssyncadd.s32 $0xFFFFC000  }
0x9f: {  	[spmem:s3] =	stream.indirect.scatter.add.f32 [tilespmem:s24], [sflag:$0x4], $0x80, s19, s20, $0xb8;
	[tilespmem:$0x1CC00] =	vst v63  }
0xa0: {  	_ =	swait.ge [sflag:s25], $0x4000;
	s0 =	stileid.u32  }
0xa1: {  	s2 =	sshrl.u32 s5, $0x3;
	s4 =	sadd.s32 $0x1, s4;
	[sflag:s25] =	ssyncset.done $0x0  }
0xa2: {  	s0 =	sshll.u32 s0, $0x6;
	p0 =	sne.s32 s4, s14;
	[sflag:s25] =	ssyncadd.s32 $0xFFFFC000  }
.Ltmp2:
0xa3: {  	s0 =	sor.u32 $0x1C06, s0;
	[bflag:$0x0] =	sbarrier.arrive $0xFFFF;
	(pc) =	sbr.rel @p0 .LBB2_1-.Ltmp2, $4  }
0xa4: {  	[hbm:s13], [sflag:s0] =	dma.local [spmem:s2], $0x2780  }
0xa5: {  	_ =	swait.ge [sflag:s18], $0x2780  }
0xa6: {  	[sflag:s18] =	ssyncset.done $0x0  }
0xa7: {  	[sflag:s18] =	ssyncadd.s32 $0xFFFFD880  }
0xa8: {  	_ =	sfence.sel $0x180000  }
0xa9: {  	[bflag:$0x0] =	sbarrier.arrive $0xFFFF  }
0xaa: {  	_ =	strace $0x9000004A  }
0xab: {  	s0 =	stileid.u32;
	[bflag:$0x2] =	sbarrier.arrive $0xFFFF  }
0xac: {  	p0 =	sne.s32 s0, $0x0;
	s0 =	rddreg [dreg:$0x3]  }
0xad: {  	s0 =	sadd.s32 @!p0 $0x100000, s0  }
0xae: {  	[sflag:s0] =	ssyncadd.tile.s32 @!p0 $0x1;
	_ =	shalt  }
.Lfunc_end2:
_tile_overlayer_lowered:
.L_overlay_start_2:
0xaf: {  	(tag) =	ssettag $0x2  }
0xb0: {  	s0 =	rddreg [dreg:$0x0];
	s2 =	stileid.u32  }
0xb1: {  	s1 =	rddreg [dreg:$0x1];
	p0 =	sne.s32 s2, $0x0  }
0xb2: {  	s3 =	rddreg [dreg:$0x2];
	[bflag:$0x3] =	sbarrier.arrive $0xFFFF;
	s2 =	simm.s32 @!p0 $0x1C06  }
0xb3: {  	[timem:s3], [sflag:s2] =	dma.local @!p0 [hbm:s0], s1  }
0xb4: {  	s0 =	simm.s32 @!p0 $0x6  }
0xb5: {  	_ =	swait.ge @!p0 [sflag:s0], s1  }
0xb6: {  	s1 =	ssub.s32 @!p0 $0x0, s1;
	[sflag:s0] =	ssyncset.done @!p0 $0x0  }
0xb7: {  	[sflag:s0] =	ssyncadd.s32 @!p0 s1  }
0xb8: {  	[bflag:$0x3] =	sbarrier.arrive $0xFFFF  }
0xb9: {  	_ =	shalt  }

// kernel: kernel.14.cloned.1.call-start
scs
__scs_entry_jumppad:
0x0: {  	(pc) =	sbr.rel $0x88, $3  }
0x1: {  	(tag) =	ssettag $0x0;
	lr =	simm.s32 $0x1  }
0x2: {  	[smem:$0x3F9B] =	sst lr;
	_ =	strace $0xD0000000  }
0x3: {  	_ = 	snop  }
0x4: {  	_ = 	snop  }
0x5: {  	_ = 	snop  }
0x6: {  	_ = 	snop  }
0x7: {  	_ = 	snop  }
__scs_overlays_trampoline_lowered:
0x8: {  	[smem:$0x3FAA] =	sst s0  }
0x9: {  	[smem:$0x3FAB] =	sst s1  }
0xa: {  	[smem:$0x3FAC] =	sst s2  }
0xb: {  	[smem:$0x3FAD] =	sst s3  }
0xc: {  	[smem:$0x3FAE] =	sst s4  }
0xd: {  	[smem:$0x3FAF] =	sst s5  }
0xe: {  	[smem:$0x3FB0] =	sst s6  }
0xf: {  	[smem:$0x3FB1] =	sst s7  }
0x10: {  	[smem:$0x3FB2] =	sst s8  }
0x11: {  	[smem:$0x3FB3] =	sst s9;
	s0 =	simm.s32 @!p0 $0x0  }
0x12: {  	s1 =	sld [smem:$0x3F99];
	s0 =	simm.s32 @p0 $0x1  }
0x13: {  	[smem:$0x3FB4] =	sst s0;
	s0 =	simm.s32 @!p1 $0x0  }
0x14: {  	s2 =	sld [smem:$0x3F98];
	s0 =	simm.s32 @p1 $0x1  }
0x15: {  	[smem:$0x3FB5] =	sst s0;
	s0 =	simm.s32 @!p2 $0x0  }
0x16: {  	s3 =	sld [smem:$0x3FDB];
	s0 =	simm.s32 @p2 $0x1  }
0x17: {  	s4 =	simm.s32 $0x1BF5;
	[smem:$0x3FB7] =	sst s0  }
0x18: {  	s0 =	sld [smem:$0x3F9A];
	_ =	swait.ge [sflag:s4], $0x0  }
0x19: {  	s7 =	sld [smem:$0x3F9B]  }
0x1a: {  	s8 =	sadd.s32 $0xFFFFE003, lr  }
0x1b: {  	s9 =	sadd.s32 $0xFFFFFEF7, lr;
	s5 =	simm.s32 $0xFFFFFFFF;
	p2 =	slt.u32 s8, $0xFFFFF086  }
0x1c: {  	p1 =	slt.u32 s9, $0xF7A;
	s5 =	simm.s32 @!p2 $0x0  }
0x1d: {  	s5 =	simm.s32 @p1 $0x1;
	p0 =	seq.s32 s7, s2  }
0x1e: {  	s7 =	smul.u32 @!p0 $0xF7A, s2;
	p2 =	seq.s32 @!p0 s5, $0x0  }
0x1f: {  	s9 =	smul.u32 $0xF7A, s1;
	s8 =	simm.s32 @!p0 $0x1BF5;
	p2 =	por !p2, p0  }
0x20: {  	[sflag:s8] =	ssyncset.s32 @!p0 $0xFFFFF086;
	s6 =	sadd.s32 @!p0 s3, s7;
	s7 =	simm.s32 @!p0 $0x108  }
0x21: {  	s3 =	sadd.s32 s3, s9;
	s6 =	sadd.s32 @!p0 $0x88, s6;
	s7 =	simm.s32 @p2 $0x1082  }
0x22: {  	[simem:s7], [sflag:s8] =	dma.local @!p0 [hbm:s6], $0xF7A  }
0x23: {  	s9 =	sor.u32 $0xD0000000, s2;
	s6 =	simm.s32 $0x108;
	_ =	swait.ge @!p0 [sflag:s8], $0x0  }
0x24: {  	s3 =	sadd.s32 $0x88, s3;
	s6 =	simm.s32 @!p1 $0x1082;
	[sflag:s4] =	ssyncset.s32 $0xFFFFF086  }
0x25: {  	[simem:s6], [sflag:s4] =	dma.local [hbm:s3], $0xF7A  }
0x26: {  	[smem:$0x3F9B] =	sst s1;
	(tag) =	ssettag s2;
	_ =	strace s9  }
0x27: {  	s1 =	sld [smem:$0x3FAB]  }
0x28: {  	s2 =	sld [smem:$0x3FAC]  }
0x29: {  	s4 =	sld [smem:$0x3FAE]  }
0x2a: {  	p0 =	seq.s32 s5, $0x0;
	s5 =	sld [smem:$0x3FAF]  }
0x2b: {  	s6 =	sld [smem:$0x3FB0]  }
0x2c: {  	s7 =	sld [smem:$0x3FB1]  }
0x2d: {  	s3 =	simm.s32 $0x108;
	s8 =	sld [smem:$0x3FB2]  }
0x2e: {  	s3 =	simm.s32 @!p0 $0x1082;
	s9 =	sld [smem:$0x3FB3]  }
0x2f: {  	lr =	sadd.s32 s0, s3;
	s0 =	sld [smem:$0x3FAA]  }
0x30: {  	s3 =	sld [smem:$0x3FAD]  }
0x31: {  	[smem:$0x3FB6] =	sst s10  }
0x32: {  	s10 =	sld [smem:$0x3FB4];
	_ =	sdelay $0x3  }
0x33: {  	p0 =	seq.s32 s10, $0x1;
	s10 =	sld [smem:$0x3FB6];
	_ =	sdelay $0x3  }
0x34: {  	[smem:$0x3FB6] =	sst s10  }
0x35: {  	s10 =	sld [smem:$0x3FB5];
	_ =	sdelay $0x3  }
0x36: {  	p1 =	seq.s32 s10, $0x1;
	s10 =	sld [smem:$0x3FB6];
	_ =	sdelay $0x3  }
0x37: {  	[smem:$0x3FB6] =	sst s10  }
0x38: {  	s10 =	sld [smem:$0x3FB7]  }
0x39: {  	_ = 	snop;
	(pc) =	sbr.ind lr, $3  }
0x3a: {  	_ = 	snop  }
0x3b: {  	_ = 	snop  }
0x3c: {  	p2 =	seq.s32 s10, $0x1;
	s10 =	sld [smem:$0x3FB6]  }
0x3d: {  	_ =	shalt  }
0x3e: {  	_ =	shalt  }
0x3f: {  	_ =	shalt  }
0x40: {  	_ =	shalt  }
0x41: {  	_ =	shalt  }
0x42: {  	_ =	shalt  }
0x43: {  	_ =	shalt  }
0x44: {  	_ =	shalt  }
0x45: {  	_ =	shalt  }
0x46: {  	_ =	shalt  }
0x47: {  	_ =	shalt  }
0x48: {  	_ =	shalt  }
0x49: {  	_ =	shalt  }
0x4a: {  	_ =	shalt  }
0x4b: {  	_ =	shalt  }
0x4c: {  	_ =	shalt  }
0x4d: {  	_ =	shalt  }
0x4e: {  	_ =	shalt  }
0x4f: {  	_ =	shalt  }
0x50: {  	_ =	shalt  }
0x51: {  	_ =	shalt  }
0x52: {  	_ =	shalt  }
0x53: {  	_ =	shalt  }
0x54: {  	_ =	shalt  }
0x55: {  	_ =	shalt  }
0x56: {  	_ =	shalt  }
0x57: {  	_ =	shalt  }
0x58: {  	_ =	shalt  }
0x59: {  	_ =	shalt  }
0x5a: {  	_ =	shalt  }
0x5b: {  	_ =	shalt  }
0x5c: {  	_ =	shalt  }
0x5d: {  	_ =	shalt  }
0x5e: {  	_ =	shalt  }
0x5f: {  	_ =	shalt  }
0x60: {  	_ =	shalt  }
0x61: {  	_ =	shalt  }
0x62: {  	_ =	shalt  }
0x63: {  	_ =	shalt  }
0x64: {  	_ =	shalt  }
0x65: {  	_ =	shalt  }
0x66: {  	_ =	shalt  }
0x67: {  	_ =	shalt  }
0x68: {  	_ =	shalt  }
0x69: {  	_ =	shalt  }
0x6a: {  	_ =	shalt  }
0x6b: {  	_ =	shalt  }
0x6c: {  	_ =	shalt  }
0x6d: {  	_ =	shalt  }
0x6e: {  	_ =	shalt  }
0x6f: {  	_ =	shalt  }
0x70: {  	_ =	shalt  }
0x71: {  	_ =	shalt  }
0x72: {  	_ =	shalt  }
0x73: {  	_ =	shalt  }
0x74: {  	_ =	shalt  }
0x75: {  	_ =	shalt  }
0x76: {  	_ =	shalt  }
0x77: {  	_ =	shalt  }
0x78: {  	_ =	shalt  }
0x79: {  	_ =	shalt  }
0x7a: {  	_ =	shalt  }
0x7b: {  	_ =	shalt  }
0x7c: {  	_ =	shalt  }
0x7d: {  	_ =	shalt  }
0x7e: {  	_ =	shalt  }
0x7f: {  	_ =	shalt  }
0x80: {  	_ =	shalt  }
0x81: {  	_ =	shalt  }
0x82: {  	_ =	shalt  }
0x83: {  	_ =	shalt  }
0x84: {  	_ =	shalt  }
0x85: {  	_ =	shalt  }
0x86: {  	_ =	shalt  }
0x87: {  	_ =	shalt  }
.Lfunc_end0:
.L_simem_size_0:
called_computation.2_lowered:
.L_overlay_start_0:
0x88: {  	s2 =	sld [smem:$0x3FD9]  }
0x89: {  	s3 =	sld [smem:$0x3FFE];
	_ =	sdelay $0x1  }
0x8a: {  	s1 =	srdreg.scid  }
0x8b: {  	s0 =	sand.u32 $0x1, s1  }
0x8c: {  	s17 =	sshll.u32 s0, $0xA;
	s2 =	sadd.s32 s3, s2  }
0x8d: {  	s2 =	sadd.s32 s2, s17  }
0x8e: {  	[smem:$0x3FC2] =	sst s2  }
0x8f: {  	_ = 	snop  }
0x90: {  	s2 =	sld [smem:$0x3FD0];
	(tm) =	ssettm $0x1  }
0x91: {  	s18 =	sld [smem:$0x3FFB];
	_ =	sdelay $0x3  }
0x92: {  	_ =	strace s18  }
0x93: {  	s3 =	sld [smem:$0x3FFC];
	_ =	sdelay $0x3  }
0x94: {  	_ =	strace s3  }
0x95: {  	s3 =	sld [smem:$0x3FFD];
	_ =	sdelay $0x3  }
0x96: {  	_ =	strace s3  }
0x97: {  	_ =	strace $0x8FFFFFFF  }
0x98: {  	s19 =	sld [smem:$0x3FDB];
	_ =	sdelay $0x1  }
0x99: {  	s4 =	simm.s32 $_scs_section_size  }
0x9a: {  	s5 =	simm.s32 $_size__tile_overlayer_lowered;
	s6 =	simm.s32 $_tile_overlayer_lowered  }
0x9b: {  	s22 =	simm.s32 $0x1BFF;
	s21 =	sshll.u32 s6, $0x1;
	s3 =	sadd.s32 s4, s19  }
0x9c: {  	s7 =	simm.s32 $0x0;
	s20 =	sshll.u32 s5, $0x1;
	s5 =	sadd.s32 s21, s3  }
0x9d: {  	[timem:s7], [sflag:s22] =	dma.local [hbm:s5], s20  }
0x9e: {  	_ =	swait.ge [sflag:s22], s20  }
0x9f: {  	s4 =	ssub.s32 $0x0, s20;
	[sflag:s22] =	ssyncset.done $0x0  }
0xa0: {  	[sflag:s22] =	ssyncadd.s32 s4;
	_ =	sdelay $0x1  }
0xa1: {  	s23 =	simm.s32 $0x1B8B  }
0xa2: {  	_ =	swait.ge [sflag:s23], $0x1  }
0xa3: {  	[sflag:s23] =	ssyncset.done $0x0  }
0xa4: {  	s25 =	simm.s32 $0x1B8E;
	s24 =	sld [smem:$0x3FFE];
	[sflag:s23] =	ssyncadd.s32 $0xFFFFFFFF  }
0xa5: {  	s26 =	simm.s32 $execute0_lowered;
	[smem:$0x3FD2] =	sst s25  }
0xa6: {  	s5 =	sshll.u32 s26, $0x1;
	_ =	strace $0x8000004C;
	[dreg:$0x1] =	wrdreg $0xFFFFFFFF  }
0xa7: {  	s28 =	simm.s32 $_size_execute0_lowered;
	s3 =	sadd.s32 s3, s5;
	[dreg:$0x0] =	wrdreg $0x0  }
0xa8: {  	s5 =	sshll.u32 s28, $0x1;
	[dreg:$0x2] =	wrdreg s3  }
0xa9: {  	[dreg:$0x3] =	wrdreg s5  }
0xaa: {  	[dreg:$0x4] =	wrdreg $0xC0  }
0xab: {  	_ =	task [dreg:s7], $0x5FFFF  }
0xac: {  	[dreg:$0x1] =	wrdreg $0xFFFFFFFF  }
0xad: {  	[dreg:$0x0] =	wrdreg $0x60  }
0xae: {  	[dreg:$0x2] =	wrdreg s2  }
0xaf: {  	[dreg:$0x3] =	wrdreg s24  }
0xb0: {  	[dreg:$0x4] =	wrdreg $0x90000  }
0xb1: {  	[dreg:$0x5] =	wrdreg $0x9  }
0xb2: {  	_ =	task.clear_ibuf [dreg:s7], $0x6FFFF;
	_ =	strace $0x9000004C  }
0xb3: {  	s29 =	simm.s32 $0x9;
	_ =	strace $0x8000004E  }
0xb4: {  	_ =	swait.ge [sflag:s29], $0x1  }
0xb5: {  	[sflag:s29] =	ssyncadd.s32 $0xFFFFFFFF  }
0xb6: {  	_ =	strace $0x9000004E  }
0xb7: {  	_ =	sfence  }
0xb8: {  	s30 =	sld [smem:$0x0];
	_ =	sdelay $0x2  }
0xb9: {  	s31 =	sshll.u32 s1, $0xD;
	s1 =	sshrl.u32 s1, $0x2  }
0xba: {  	s3 =	sand.u32 $0x4000, s31;
	s1 =	sadd.s32 s1, s30  }
0xbb: {  	s0 =	sor.u32 s3, s0;
	s1 =	sshll.u32 s1, $0x11  }
0xbc: {  	s0 =	sor.u32 s1, s0  }
0xbd: {  	s0 =	sadd.s32 $0x8F2B, s0  }
0xbe: {  	[sflag:s0] =	ssyncadd.remote.s32 $0x1  }
0xbf: {  	_ =	sfence.sel $0xFFFF  }
0xc0: {  	[dreg:$0x0] =	wrdreg $0xFFFFFFFF;
	(pc) =	sbr.abs _section_cstart, $3  }
0xc1: {  	[dreg:$0x1] =	wrdreg $0xFFFFFFFF  }
0xc2: {  	_ =	task.clear_ibuf [dreg:s7], $0x2FFFF;
	_ =	strace $0x9FFFFFFF  }
0xc3: {  	(tm) =	ssettm $0x7FFFFFFF  }
tec
execute0_lowered:
.L_overlay_start_1:
0x0: {  	(tag) =	ssettag $0x1  }
0x1: {  	s1 =	rddreg [dreg:$0x0]  }
0x2: {  	s0 =	stileid.u32;
	s2 =	srdreg.scid  }
0x3: {  	s6 =	rddreg [dreg:$0x1];
	s5 =	smul.u32 $0xF, s0  }
0x4: {  	s3 =	rddreg [dreg:$0x2];
	s4 =	simm.s32 $0x0;
	s7 =	smul.u32 $0x5, s0  }
0x5: {  	s14 =	simm.s32 $0x78;
	s17 =	simm.s32 $0x1000;
	s9 =	smul.u32 $0x13C00, s0  }
0x6: {  	s18 =	simm.s32 $0x6;
	s2 =	sand.u32 $0x1, s2;
	s22 =	smul.u32 $0x4F000, s0  }
0x7: {  	s20 =	simm.s32 $0x80;
	[smem:$0x7FF] =	sst s4;
	s8 =	smul.u32 $0x13C000, s2  }
0x8: {  	p0 =	seq.s32 s2, $0x0;
	_ =	strace $0x8000004D;
	s2 =	ssub.s32 $0x2, s2  }
0x9: {  	s7 =	sadd.s32 $0xF0, s7;
	s23 =	sshrl.u32 s2, $0x1;
	s14 =	simm.s32 @!p0 $0x28  }
0xa: {  	s24 =	sshrl.u32 s22, $0x2;
	s22 =	simm.s32 $0x3;
	s26 =	sadd.s32 $0xFFFFFFFF, s14  }
0xb: {  	s7 =	smov.u32 @p0 s5;
	s10 =	sadd.s32 $0xFFFFFFFE, s14;
	[dreg:$0x4] =	wrdreg s26  }
0xc: {  	s21 =	sadd.s32 s9, s8;
	s11 =	sadd.s32 $0xFFFFFFFD, s14;
	[dreg:$0x5] =	wrdreg s10  }
0xd: {  	s2 =	ssub.s32 s2, s23;
	s28 =	sadd.s32 $0xFFFFFFFC, s14;
	[dreg:$0x6] =	wrdreg s11  }
0xe: {  	s12 =	sadd.s32 $0xFFFFFFFB, s14;
	s15 =	sadd.s32 $0xFFFFFFFA, s14;
	[dreg:$0x7] =	wrdreg s28  }
0xf: {  	s29 =	sadd.s32 $0xFFFFFFF9, s14;
	s30 =	sadd.s32 $0xFFFFFFF8, s14;
	[dreg:$0x8] =	wrdreg s12  }
0x10: {  	s23 =	simm.s32 $0x2;
	s7 =	sshll.u32 s7, $0x7;
	[dreg:$0x9] =	wrdreg s15  }
0x11: {  	s5 =	sshrl.u32 s21, $0x3;
	s10 =	simm.s32 $0xF;
	[dreg:$0xa] =	wrdreg s29  }
0x12: {  	s14 =	smax.u32 s2, $0x1;
	[dreg:$0xb] =	wrdreg s30;
	s21 =	simm.s32 $0x1  }
0x13: {  	s16 =	sadd.s32 s7, s6;
	s13 =	sadd.s32 s5, s6;
	s5 =	sadd.s32 s24, s3  }
0x14: {  	s10 =	simm.s32 @!p0 $0x5;
	s24 =	simm.s32 $0x5000;
	s25 =	sadd.s32 $0x4000, s5  }
0x15: {  	s7 =	sadd.s32 $0x8000, s5;
	s8 =	sadd.s32 $0xC000, s5;
	s9 =	sadd.s32 $0x10000, s5  }
0x16: {  	s11 =	sadd.s32 $0x5B000, s16;
	s12 =	sadd.s32 $0x2000, s16;
	s13 =	sadd.s32 $0x65000, s13  }
0x17: {  	s31 =	sshll.u32 s10, $0x3;
	s15 =	sadd.s32 $0x2080, s16;
	[dreg:$0xd] =	wrdreg s25  }
0x18: {  	v0 =	vimm.f32 $0.0e+00;
	s16 =	sadd.s32 $0x5B080, s16;
	[dreg:$0xc] =	wrdreg s31;
	s25 =	simm.s32 $0x4  }
.LBB2_1:
0x19: {  	s2 =	simm.s32 $0x0;
	s26 =	simm.s32 $0x200  }
.LBB2_2:
0x1a: {  	p0 =	sne.s32 s26, $0xFE00;
	[tilespmem:s2+$0x1070] =	vst v0  }
0x1b: {  	[tilespmem:s2+$0x1000] =	vst v0  }
0x1c: {  	[tilespmem:s2+$0x1010] =	vst v0  }
.Ltmp0:
0x1d: {  	[tilespmem:s2+$0x1020] =	vst v0;
	(pc) =	sbr.rel @p0 .LBB2_2-.Ltmp0, $4  }
0x1e: {  	[tilespmem:s2+$0x1030] =	vst v0  }
0x1f: {  	[tilespmem:s2+$0x1040] =	vst v0  }
0x20: {  	[tilespmem:s2+$0x1050] =	vst v0  }
0x21: {  	[tilespmem:s2+$0x1060] =	vst v0;
	s2 =	sshra.s32 s26, $0x2;
	s26 =	sadd.s32 $0x200, s26  }
0x22: {  	[tilespmem:s2+$0x1070] =	vst v0  }
0x23: {  	[tilespmem:s2+$0x1000] =	vst v0  }
0x24: {  	[tilespmem:s2+$0x1010] =	vst v0  }
0x25: {  	[tilespmem:s2+$0x1020] =	vst v0  }
0x26: {  	[tilespmem:s2+$0x1030] =	vst v0  }
0x27: {  	[tilespmem:s2+$0x1040] =	vst v0  }
0x28: {  	[tilespmem:s2+$0x1050] =	vst v0  }
0x29: {  	[tilespmem:s2+$0x1060] =	vst v0  }
0x2a: {  	[spmem:s5] =	stream.linear.scatter [tilespmem:s17], [sflag:$0x6], $0x4000, $0x38;
	[tilespmem:$0x1CC00] =	vst v63  }
0x2b: {  	_ =	swait.ge [sflag:s18], $0x4000  }
0x2c: {  	[sflag:s18] =	ssyncset.done $0x0  }
0x2d: {  	s0 =	rddreg [dreg:$0xd];
	[sflag:s18] =	ssyncadd.s32 $0xFFFFC000  }
0x2e: {  	[spmem:s0] =	stream.linear.scatter [tilespmem:s17], [sflag:$0x6], $0x4000, $0x38;
	[tilespmem:$0x1CC00] =	vst v63  }
0x2f: {  	_ =	swait.ge [sflag:s18], $0x4000  }
0x30: {  	[sflag:s18] =	ssyncset.done $0x0  }
0x31: {  	[sflag:s18] =	ssyncadd.s32 $0xFFFFC000  }
0x32: {  	[spmem:s7] =	stream.linear.scatter [tilespmem:s17], [sflag:$0x6], $0x4000, $0x38;
	[tilespmem:$0x1CC00] =	vst v63  }
0x33: {  	_ =	swait.ge [sflag:s18], $0x4000  }
0x34: {  	[sflag:s18] =	ssyncset.done $0x0  }
0x35: {  	[sflag:s18] =	ssyncadd.s32 $0xFFFFC000  }
0x36: {  	[spmem:s8] =	stream.linear.scatter [tilespmem:s17], [sflag:$0x6], $0x4000, $0x38;
	[tilespmem:$0x1CC00] =	vst v63  }
0x37: {  	_ =	swait.ge [sflag:s18], $0x4000  }
0x38: {  	[sflag:s18] =	ssyncset.done $0x0  }
0x39: {  	[sflag:s18] =	ssyncadd.s32 $0xFFFFC000  }
0x3a: {  	[spmem:s9] =	stream.linear.scatter [tilespmem:s17], [sflag:$0x6], $0x3C00, $0x38;
	[tilespmem:$0x1CC00] =	vst v63  }
0x3b: {  	_ =	swait.ge [sflag:s18], $0x3C00  }
0x3c: {  	[sflag:s18] =	ssyncset.done $0x0  }
0x3d: {  	s26 =	simm.s32 $0x0;
	[sflag:s18] =	ssyncadd.s32 $0xFFFFC400  }
0x3e: {  	[tilespmem:s26], [sflag:$0x6] =	stream.linear.gather [hbm4b:s11+s26], $0x400, $0x38;
	[tilespmem:$0x1CC00] =	vst v63  }
0x3f: {  	_ =	swait.ge [sflag:s18], $0x400  }
0x40: {  	[sflag:s18] =	ssyncset.done $0x0  }
0x41: {  	s31 =	simm.s32 $0x800;
	[sflag:s18] =	ssyncadd.s32 $0xFFFFFC00  }
0x42: {  	[tilespmem:s31], [sflag:$0x6] =	stream.linear.gather [hbm4b:s12+s26], $0x400, $0x38;
	[tilespmem:$0x1CC00] =	vst v63  }
0x43: {  	_ =	swait.ge [sflag:s18], $0x400  }
0x44: {  	[sflag:s18] =	ssyncset.done $0x0  }
0x45: {  	s28 =	simm.s32 $0x1;
	[sflag:s18] =	ssyncadd.s32 $0xFFFFFC00  }
0x46: {  	s29 =	smov.u32 s16;
	s30 =	smov.u32 s15;
	[bflag:$0x0] =	sbarrier.arrive $0xFFFF  }
0x47: {  	[tilespmem:s17], [sflag:$0x1] =	stream.indirect.gather [hbm4b:s1+s20], $0x80, s26, s20, $0xb8;
	[tilespmem:$0x1CC00] =	vst v63  }
.LBB2_4:
0x48: {  	p0 =	seq.s32 s26, $0x0  }
0x49: {  	s2 =	simm.s32 @!p0 $0x4  }
0x4a: {  	_ =	swait.ge @!p0 [sflag:s2], $0x4000  }
0x4b: {  	s0 =	sadd.s32 $0xFFFFFFFF, s28;
	s31 =	rddreg [dreg:$0x4]  }
0x4c: {  	s0 =	sand.u32 $0x1, s0;
	[sflag:s2] =	ssyncset.done @!p0 $0x0;
	p1 =	sge.u32 s26, s31  }
0x4d: {  	[sflag:s2] =	ssyncadd.s32 @!p0 $0xFFFFC000;
	s2 =	sshll.u32 @!p1 s0, $0xA  }
0x4e: {  	s31 =	simm.s32 @!p1 $0x80;
	s19 =	simm.s32 @!p1 $0x5000;
	s2 =	sor.u32 @!p1 $0x80, s2  }
0x4f: {  	[tilespmem:s19], [sflag:$0x2] =	stream.indirect.gather @!p1 [hbm4b:s1+s31], $0x80, s2, s31, $0xb8;
	[tilespmem:$0x1CC00] =	vst v63  }
0x50: {  	_ =	swait.ge [sflag:s21], $0x4000  }
0x51: {  	s31 =	sshll.u32 s0, $0xA;
	[sflag:s21] =	ssyncset.done $0x0  }
0x52: {  	s0 =	sor.u32 $0x800, s31;
	[sflag:s21] =	ssyncadd.s32 $0xFFFFC000  }
0x53: {  	[spmem:s3] =	stream.indirect.scatter.add.f32 [tilespmem:s17], [sflag:$0x3], $0x80, s0, s20, $0xb8;
	[tilespmem:$0x1CC00] =	vst v63  }
0x54: {  	p0 =	sge.u32 s28, s10;
	_ =	swait.ge [sflag:s22], $0x4000  }
0x55: {  	s2 =	sand.u32 $0x1, s28;
	s19 =	simm.s32 @!p0 $0x0;
	[sflag:s22] =	ssyncset.done $0x0  }
0x56: {  	s0 =	sshll.u32 @!p0 s2, $0xA;
	s6 =	rddreg [dreg:$0x5];
	[sflag:s22] =	ssyncadd.s32 $0xFFFFC000  }
0x57: {  	[tilespmem:s0], [sflag:$0x5] =	stream.linear.gather @!p0 [hbm4b:s29+s19], $0x400, $0x38;
	[tilespmem:$0x1CC00] =	vst v63  }
0x58: {  	p1 =	sge.u32 s26, s6;
	s0 =	sor.u32 @!p0 $0x800, s0  }
0x59: {  	[tilespmem:s0], [sflag:$0x5] =	stream.linear.gather @!p0 [hbm4b:s30+s19], $0x400, $0x38;
	[tilespmem:$0x1CC00] =	vst v63  }
0x5a: {  	s6 =	simm.s32 @!p1 $0x80;
	s0 =	sadd.s32 @!p1 $0x100, s31;
	s19 =	simm.s32 @!p1 $0x1000  }
0x5b: {  	[tilespmem:s19], [sflag:$0x1] =	stream.indirect.gather @!p1 [hbm4b:s1+s6], $0x80, s0, s6, $0xb8;
	[tilespmem:$0x1CC00] =	vst v63  }
0x5c: {  	_ =	swait.ge [sflag:s23], $0x4000  }
0x5d: {  	[sflag:s23] =	ssyncset.done $0x0  }
0x5e: {  	s6 =	sadd.s32 $0x880, s31;
	[sflag:s23] =	ssyncadd.s32 $0xFFFFC000  }
0x5f: {  	[spmem:s3] =	stream.indirect.scatter.add.f32 [tilespmem:s24], [sflag:$0x4], $0x80, s6, s20, $0xb8;
	[tilespmem:$0x1CC00] =	vst v63  }
0x60: {  	_ =	swait.ge [sflag:s25], $0x4000  }
0x61: {  	s19 =	rddreg [dreg:$0x6];
	[sflag:s25] =	ssyncset.done $0x0  }
0x62: {  	[sflag:s25] =	ssyncadd.s32 $0xFFFFC000;
	p1 =	sge.u32 s26, s19  }
0x63: {  	s0 =	sadd.s32 @!p1 $0x180, s31;
	s6 =	simm.s32 @!p1 $0x80;
	s19 =	simm.s32 @!p1 $0x5000  }
0x64: {  	[tilespmem:s19], [sflag:$0x2] =	stream.indirect.gather @!p1 [hbm4b:s1+s6], $0x80, s0, s6, $0xb8;
	[tilespmem:$0x1CC00] =	vst v63  }
0x65: {  	_ =	swait.ge [sflag:s21], $0x4000  }
0x66: {  	[sflag:s21] =	ssyncset.done $0x0  }
0x67: {  	s6 =	sadd.s32 $0x900, s31;
	[sflag:s21] =	ssyncadd.s32 $0xFFFFC000  }
0x68: {  	[spmem:s3] =	stream.indirect.scatter.add.f32 [tilespmem:s17], [sflag:$0x3], $0x80, s6, s20, $0xb8;
	[tilespmem:$0x1CC00] =	vst v63  }
0x69: {  	_ =	swait.ge [sflag:s22], $0x4000  }
0x6a: {  	s19 =	rddreg [dreg:$0x7];
	[sflag:s22] =	ssyncset.done $0x0  }
0x6b: {  	[sflag:s22] =	ssyncadd.s32 $0xFFFFC000;
	p1 =	sge.u32 s26, s19  }
0x6c: {  	s0 =	sadd.s32 @!p1 $0x200, s31;
	s6 =	simm.s32 @!p1 $0x80;
	s19 =	simm.s32 @!p1 $0x1000  }
0x6d: {  	[tilespmem:s19], [sflag:$0x1] =	stream.indirect.gather @!p1 [hbm4b:s1+s6], $0x80, s0, s6, $0xb8;
	[tilespmem:$0x1CC00] =	vst v63  }
0x6e: {  	_ =	swait.ge [sflag:s23], $0x4000  }
0x6f: {  	[sflag:s23] =	ssyncset.done $0x0  }
0x70: {  	s6 =	sadd.s32 $0x980, s31;
	[sflag:s23] =	ssyncadd.s32 $0xFFFFC000  }
0x71: {  	[spmem:s3] =	stream.indirect.scatter.add.f32 [tilespmem:s24], [sflag:$0x4], $0x80, s6, s20, $0xb8;
	[tilespmem:$0x1CC00] =	vst v63  }
0x72: {  	_ =	swait.ge [sflag:s25], $0x4000  }
0x73: {  	s19 =	rddreg [dreg:$0x8];
	[sflag:s25] =	ssyncset.done $0x0  }
0x74: {  	[sflag:s25] =	ssyncadd.s32 $0xFFFFC000;
	p1 =	sge.u32 s26, s19  }
0x75: {  	s0 =	sadd.s32 @!p1 $0x280, s31;
	s6 =	simm.s32 @!p1 $0x80;
	s19 =	simm.s32 @!p1 $0x5000  }
0x76: {  	[tilespmem:s19], [sflag:$0x2] =	stream.indirect.gather @!p1 [hbm4b:s1+s6], $0x80, s0, s6, $0xb8;
	[tilespmem:$0x1CC00] =	vst v63  }
0x77: {  	_ =	swait.ge [sflag:s21], $0x4000  }
0x78: {  	[sflag:s21] =	ssyncset.done $0x0  }
0x79: {  	s6 =	sadd.s32 $0xA00, s31;
	[sflag:s21] =	ssyncadd.s32 $0xFFFFC000  }
0x7a: {  	[spmem:s3] =	stream.indirect.scatter.add.f32 [tilespmem:s17], [sflag:$0x3], $0x80, s6, s20, $0xb8;
	[tilespmem:$0x1CC00] =	vst v63  }
0x7b: {  	_ =	swait.ge [sflag:s22], $0x4000  }
0x7c: {  	s19 =	rddreg [dreg:$0x9];
	[sflag:s22] =	ssyncset.done $0x0  }
0x7d: {  	[sflag:s22] =	ssyncadd.s32 $0xFFFFC000;
	p1 =	sge.u32 s26, s19  }
0x7e: {  	s0 =	sadd.s32 @!p1 $0x300, s31;
	s6 =	simm.s32 @!p1 $0x80;
	s19 =	simm.s32 @!p1 $0x1000  }
0x7f: {  	[tilespmem:s19], [sflag:$0x1] =	stream.indirect.gather @!p1 [hbm4b:s1+s6], $0x80, s0, s6, $0xb8;
	[tilespmem:$0x1CC00] =	vst v63  }
0x80: {  	_ =	swait.ge [sflag:s23], $0x4000  }
0x81: {  	[sflag:s23] =	ssyncset.done $0x0  }
0x82: {  	s6 =	sadd.s32 $0xA80, s31;
	[sflag:s23] =	ssyncadd.s32 $0xFFFFC000  }
0x83: {  	[spmem:s3] =	stream.indirect.scatter.add.f32 [tilespmem:s24], [sflag:$0x4], $0x80, s6, s20, $0xb8;
	[tilespmem:$0x1CC00] =	vst v63  }
0x84: {  	_ =	swait.ge [sflag:s25], $0x4000  }
0x85: {  	[sflag:s25] =	ssyncset.done $0x0  }
0x86: {  	s0 =	simm.s32 @!p0 $0x5;
	[sflag:s25] =	ssyncadd.s32 $0xFFFFC000  }
0x87: {  	_ =	swait.ge @!p0 [sflag:s0], $0x400  }
0x88: {  	[sflag:s0] =	ssyncset.done @!p0 $0x0  }
0x89: {  	[sflag:s0] =	ssyncadd.s32 @!p0 $0xFFFFFC00  }
0x8a: {  	_ =	swait.ge @!p0 [sflag:s0], $0x400  }
0x8b: {  	s19 =	rddreg [dreg:$0xa];
	[sflag:s0] =	ssyncset.done @!p0 $0x0  }
0x8c: {  	[sflag:s0] =	ssyncadd.s32 @!p0 $0xFFFFFC00;
	p0 =	sge.u32 s26, s19  }
0x8d: {  	s0 =	sadd.s32 @!p0 $0x380, s31;
	s6 =	simm.s32 @!p0 $0x80;
	s19 =	simm.s32 @!p0 $0x5000  }
0x8e: {  	[tilespmem:s19], [sflag:$0x2] =	stream.indirect.gather @!p0 [hbm4b:s1+s6], $0x80, s0, s6, $0xb8;
	[tilespmem:$0x1CC00] =	vst v63  }
0x8f: {  	_ =	swait.ge [sflag:s21], $0x4000  }
0x90: {  	[sflag:s21] =	ssyncset.done $0x0  }
0x91: {  	s19 =	sadd.s32 $0xB00, s31;
	[sflag:s21] =	ssyncadd.s32 $0xFFFFC000  }
0x92: {  	[spmem:s3] =	stream.indirect.scatter.add.f32 [tilespmem:s17], [sflag:$0x3], $0x80, s19, s20, $0xb8;
	[tilespmem:$0x1CC00] =	vst v63  }
0x93: {  	_ =	swait.ge [sflag:s22], $0x4000  }
0x94: {  	s6 =	rddreg [dreg:$0xb];
	[sflag:s22] =	ssyncset.done $0x0  }
0x95: {  	[sflag:s22] =	ssyncadd.s32 $0xFFFFC000;
	p0 =	sge.u32 s26, s6  }
0x96: {  	s0 =	sshll.u32 @!p0 s2, $0xA;
	s2 =	simm.s32 @!p0 $0x80;
	s6 =	simm.s32 @!p0 $0x1000  }
0x97: {  	[tilespmem:s6], [sflag:$0x1] =	stream.indirect.gather @!p0 [hbm4b:s1+s2], $0x80, s0, s2, $0xb8;
	[tilespmem:$0x1CC00] =	vst v63  }
0x98: {  	_ =	swait.ge [sflag:s23], $0x4000  }
0x99: {  	s19 =	sadd.s32 $0xB80, s31;
	s26 =	sadd.s32 $0x8, s26;
	s31 =	rddreg [dreg:$0xc]  }
0x9a: {  	p0 =	sne.s32 s31, s26  }
.Ltmp1:
0x9b: {  	_ = 	snop;
	(pc) =	sbr.rel @p0 .LBB2_4-.Ltmp1, $4  }
0x9c: {  	_ = 	snop  }
0x9d: {  	s28 =	sadd.s32 $0x1, s28;
	[sflag:s23] =	ssyncset.done $0x0  }
0x9e: {  	s29 =	sadd.s32 $0x80, s29;
	s30 =	sadd.s32 $0x80, s30;
	[sflag:s23] =	ssyncadd.s32 $0xFFFFC000  }
0x9f: {  	[spmem:s3] =	stream.indirect.scatter.add.f32 [tilespmem:s24], [sflag:$0x4], $0x80, s19, s20, $0xb8;
	[tilespmem:$0x1CC00] =	vst v63  }
0xa0: {  	_ =	swait.ge [sflag:s25], $0x4000;
	s0 =	stileid.u32  }
0xa1: {  	s2 =	sshrl.u32 s5, $0x3;
	s4 =	sadd.s32 $0x1, s4;
	[sflag:s25] =	ssyncset.done $0x0  }
0xa2: {  	s0 =	sshll.u32 s0, $0x6;
	p0 =	sne.s32 s4, s14;
	[sflag:s25] =	ssyncadd.s32 $0xFFFFC000  }
.Ltmp2:
0xa3: {  	s0 =	sor.u32 $0x1C06, s0;
	[bflag:$0x0] =	sbarrier.arrive $0xFFFF;
	(pc) =	sbr.rel @p0 .LBB2_1-.Ltmp2, $4  }
0xa4: {  	[hbm:s13], [sflag:s0] =	dma.local [spmem:s2], $0x2780  }
0xa5: {  	_ =	swait.ge [sflag:s18], $0x2780  }
0xa6: {  	[sflag:s18] =	ssyncset.done $0x0  }
0xa7: {  	[sflag:s18] =	ssyncadd.s32 $0xFFFFD880  }
0xa8: {  	_ =	sfence.sel $0x180000  }
0xa9: {  	[bflag:$0x0] =	sbarrier.arrive $0xFFFF  }
0xaa: {  	_ =	strace $0x9000004D  }
0xab: {  	s0 =	stileid.u32;
	[bflag:$0x2] =	sbarrier.arrive $0xFFFF  }
0xac: {  	p0 =	sne.s32 s0, $0x0;
	s0 =	rddreg [dreg:$0x3]  }
0xad: {  	s0 =	sadd.s32 @!p0 $0x100000, s0  }
0xae: {  	[sflag:s0] =	ssyncadd.tile.s32 @!p0 $0x1;
	_ =	shalt  }
.Lfunc_end2:
_tile_overlayer_lowered:
.L_overlay_start_2:
0xaf: {  	(tag) =	ssettag $0x2  }
0xb0: {  	s0 =	rddreg [dreg:$0x0];
	s2 =	stileid.u32  }
0xb1: {  	s1 =	rddreg [dreg:$0x1];
	p0 =	sne.s32 s2, $0x0  }
0xb2: {  	s3 =	rddreg [dreg:$0x2];
	[bflag:$0x3] =	sbarrier.arrive $0xFFFF;
	s2 =	simm.s32 @!p0 $0x1C06  }
0xb3: {  	[timem:s3], [sflag:s2] =	dma.local @!p0 [hbm:s0], s1  }
0xb4: {  	s0 =	simm.s32 @!p0 $0x6  }
0xb5: {  	_ =	swait.ge @!p0 [sflag:s0], s1  }
0xb6: {  	s1 =	ssub.s32 @!p0 $0x0, s1;
	[sflag:s0] =	ssyncset.done @!p0 $0x0  }
0xb7: {  	[sflag:s0] =	ssyncadd.s32 @!p0 s1  }
0xb8: {  	[bflag:$0x3] =	sbarrier.arrive $0xFFFF  }
0xb9: {  	_ =	shalt  }

// kernel: kernel.8.cloned.1.call-start
scs
__scs_entry_jumppad:
0x0: {  	(pc) =	sbr.rel $0x88, $3  }
0x1: {  	(tag) =	ssettag $0x0;
	lr =	simm.s32 $0x1  }
0x2: {  	[smem:$0x3F9B] =	sst lr;
	_ =	strace $0xD0000000  }
0x3: {  	_ = 	snop  }
0x4: {  	_ = 	snop  }
0x5: {  	_ = 	snop  }
0x6: {  	_ = 	snop  }
0x7: {  	_ = 	snop  }
__scs_overlays_trampoline_lowered:
0x8: {  	[smem:$0x3FAA] =	sst s0  }
0x9: {  	[smem:$0x3FAB] =	sst s1  }
0xa: {  	[smem:$0x3FAC] =	sst s2  }
0xb: {  	[smem:$0x3FAD] =	sst s3  }
0xc: {  	[smem:$0x3FAE] =	sst s4  }
0xd: {  	[smem:$0x3FAF] =	sst s5  }
0xe: {  	[smem:$0x3FB0] =	sst s6  }
0xf: {  	[smem:$0x3FB1] =	sst s7  }
0x10: {  	[smem:$0x3FB2] =	sst s8  }
0x11: {  	[smem:$0x3FB3] =	sst s9;
	s0 =	simm.s32 @!p0 $0x0  }
0x12: {  	s1 =	sld [smem:$0x3F99];
	s0 =	simm.s32 @p0 $0x1  }
0x13: {  	[smem:$0x3FB4] =	sst s0;
	s0 =	simm.s32 @!p1 $0x0  }
0x14: {  	s2 =	sld [smem:$0x3F98];
	s0 =	simm.s32 @p1 $0x1  }
0x15: {  	[smem:$0x3FB5] =	sst s0;
	s0 =	simm.s32 @!p2 $0x0  }
0x16: {  	s3 =	sld [smem:$0x3FDB];
	s0 =	simm.s32 @p2 $0x1  }
0x17: {  	s4 =	simm.s32 $0x1BF5;
	[smem:$0x3FB7] =	sst s0  }
0x18: {  	s0 =	sld [smem:$0x3F9A];
	_ =	swait.ge [sflag:s4], $0x0  }
0x19: {  	s7 =	sld [smem:$0x3F9B]  }
0x1a: {  	s8 =	sadd.s32 $0xFFFFE003, lr  }
0x1b: {  	s9 =	sadd.s32 $0xFFFFFEF7, lr;
	s5 =	simm.s32 $0xFFFFFFFF;
	p2 =	slt.u32 s8, $0xFFFFF086  }
0x1c: {  	p1 =	slt.u32 s9, $0xF7A;
	s5 =	simm.s32 @!p2 $0x0  }
0x1d: {  	s5 =	simm.s32 @p1 $0x1;
	p0 =	seq.s32 s7, s2  }
0x1e: {  	s7 =	smul.u32 @!p0 $0xF7A, s2;
	p2 =	seq.s32 @!p0 s5, $0x0  }
0x1f: {  	s9 =	smul.u32 $0xF7A, s1;
	s8 =	simm.s32 @!p0 $0x1BF5;
	p2 =	por !p2, p0  }
0x20: {  	[sflag:s8] =	ssyncset.s32 @!p0 $0xFFFFF086;
	s6 =	sadd.s32 @!p0 s3, s7;
	s7 =	simm.s32 @!p0 $0x108  }
0x21: {  	s3 =	sadd.s32 s3, s9;
	s6 =	sadd.s32 @!p0 $0x88, s6;
	s7 =	simm.s32 @p2 $0x1082  }
0x22: {  	[simem:s7], [sflag:s8] =	dma.local @!p0 [hbm:s6], $0xF7A  }
0x23: {  	s9 =	sor.u32 $0xD0000000, s2;
	s6 =	simm.s32 $0x108;
	_ =	swait.ge @!p0 [sflag:s8], $0x0  }
0x24: {  	s3 =	sadd.s32 $0x88, s3;
	s6 =	simm.s32 @!p1 $0x1082;
	[sflag:s4] =	ssyncset.s32 $0xFFFFF086  }
0x25: {  	[simem:s6], [sflag:s4] =	dma.local [hbm:s3], $0xF7A  }
0x26: {  	[smem:$0x3F9B] =	sst s1;
	(tag) =	ssettag s2;
	_ =	strace s9  }
0x27: {  	s1 =	sld [smem:$0x3FAB]  }
0x28: {  	s2 =	sld [smem:$0x3FAC]  }
0x29: {  	s4 =	sld [smem:$0x3FAE]  }
0x2a: {  	p0 =	seq.s32 s5, $0x0;
	s5 =	sld [smem:$0x3FAF]  }
0x2b: {  	s6 =	sld [smem:$0x3FB0]  }
0x2c: {  	s7 =	sld [smem:$0x3FB1]  }
0x2d: {  	s3 =	simm.s32 $0x108;
	s8 =	sld [smem:$0x3FB2]  }
0x2e: {  	s3 =	simm.s32 @!p0 $0x1082;
	s9 =	sld [smem:$0x3FB3]  }
0x2f: {  	lr =	sadd.s32 s0, s3;
	s0 =	sld [smem:$0x3FAA]  }
0x30: {  	s3 =	sld [smem:$0x3FAD]  }
0x31: {  	[smem:$0x3FB6] =	sst s10  }
0x32: {  	s10 =	sld [smem:$0x3FB4];
	_ =	sdelay $0x3  }
0x33: {  	p0 =	seq.s32 s10, $0x1;
	s10 =	sld [smem:$0x3FB6];
	_ =	sdelay $0x3  }
0x34: {  	[smem:$0x3FB6] =	sst s10  }
0x35: {  	s10 =	sld [smem:$0x3FB5];
	_ =	sdelay $0x3  }
0x36: {  	p1 =	seq.s32 s10, $0x1;
	s10 =	sld [smem:$0x3FB6];
	_ =	sdelay $0x3  }
0x37: {  	[smem:$0x3FB6] =	sst s10  }
0x38: {  	s10 =	sld [smem:$0x3FB7]  }
0x39: {  	_ = 	snop;
	(pc) =	sbr.ind lr, $3  }
0x3a: {  	_ = 	snop  }
0x3b: {  	_ = 	snop  }
0x3c: {  	p2 =	seq.s32 s10, $0x1;
	s10 =	sld [smem:$0x3FB6]  }
0x3d: {  	_ =	shalt  }
0x3e: {  	_ =	shalt  }
0x3f: {  	_ =	shalt  }
0x40: {  	_ =	shalt  }
0x41: {  	_ =	shalt  }
0x42: {  	_ =	shalt  }
0x43: {  	_ =	shalt  }
0x44: {  	_ =	shalt  }
0x45: {  	_ =	shalt  }
0x46: {  	_ =	shalt  }
0x47: {  	_ =	shalt  }
0x48: {  	_ =	shalt  }
0x49: {  	_ =	shalt  }
0x4a: {  	_ =	shalt  }
0x4b: {  	_ =	shalt  }
0x4c: {  	_ =	shalt  }
0x4d: {  	_ =	shalt  }
0x4e: {  	_ =	shalt  }
0x4f: {  	_ =	shalt  }
0x50: {  	_ =	shalt  }
0x51: {  	_ =	shalt  }
0x52: {  	_ =	shalt  }
0x53: {  	_ =	shalt  }
0x54: {  	_ =	shalt  }
0x55: {  	_ =	shalt  }
0x56: {  	_ =	shalt  }
0x57: {  	_ =	shalt  }
0x58: {  	_ =	shalt  }
0x59: {  	_ =	shalt  }
0x5a: {  	_ =	shalt  }
0x5b: {  	_ =	shalt  }
0x5c: {  	_ =	shalt  }
0x5d: {  	_ =	shalt  }
0x5e: {  	_ =	shalt  }
0x5f: {  	_ =	shalt  }
0x60: {  	_ =	shalt  }
0x61: {  	_ =	shalt  }
0x62: {  	_ =	shalt  }
0x63: {  	_ =	shalt  }
0x64: {  	_ =	shalt  }
0x65: {  	_ =	shalt  }
0x66: {  	_ =	shalt  }
0x67: {  	_ =	shalt  }
0x68: {  	_ =	shalt  }
0x69: {  	_ =	shalt  }
0x6a: {  	_ =	shalt  }
0x6b: {  	_ =	shalt  }
0x6c: {  	_ =	shalt  }
0x6d: {  	_ =	shalt  }
0x6e: {  	_ =	shalt  }
0x6f: {  	_ =	shalt  }
0x70: {  	_ =	shalt  }
0x71: {  	_ =	shalt  }
0x72: {  	_ =	shalt  }
0x73: {  	_ =	shalt  }
0x74: {  	_ =	shalt  }
0x75: {  	_ =	shalt  }
0x76: {  	_ =	shalt  }
0x77: {  	_ =	shalt  }
0x78: {  	_ =	shalt  }
0x79: {  	_ =	shalt  }
0x7a: {  	_ =	shalt  }
0x7b: {  	_ =	shalt  }
0x7c: {  	_ =	shalt  }
0x7d: {  	_ =	shalt  }
0x7e: {  	_ =	shalt  }
0x7f: {  	_ =	shalt  }
0x80: {  	_ =	shalt  }
0x81: {  	_ =	shalt  }
0x82: {  	_ =	shalt  }
0x83: {  	_ =	shalt  }
0x84: {  	_ =	shalt  }
0x85: {  	_ =	shalt  }
0x86: {  	_ =	shalt  }
0x87: {  	_ =	shalt  }
.Lfunc_end0:
.L_simem_size_0:
called_computation_lowered:
.L_overlay_start_0:
0x88: {  	s2 =	sld [smem:$0x3FD9]  }
0x89: {  	s3 =	sld [smem:$0x3FFE];
	_ =	sdelay $0x1  }
0x8a: {  	s1 =	srdreg.scid  }
0x8b: {  	s0 =	sand.u32 $0x1, s1  }
0x8c: {  	s17 =	sshll.u32 s0, $0xA;
	s2 =	sadd.s32 s3, s2  }
0x8d: {  	s2 =	sadd.s32 s2, s17  }
0x8e: {  	[smem:$0x3FC2] =	sst s2  }
0x8f: {  	_ = 	snop  }
0x90: {  	s2 =	sld [smem:$0x3FD0];
	(tm) =	ssettm $0x1  }
0x91: {  	s18 =	sld [smem:$0x3FFB];
	_ =	sdelay $0x3  }
0x92: {  	_ =	strace s18  }
0x93: {  	s3 =	sld [smem:$0x3FFC];
	_ =	sdelay $0x3  }
0x94: {  	_ =	strace s3  }
0x95: {  	s3 =	sld [smem:$0x3FFD];
	_ =	sdelay $0x3  }
0x96: {  	_ =	strace s3  }
0x97: {  	_ =	strace $0x8FFFFFFF  }
0x98: {  	s19 =	sld [smem:$0x3FDB];
	_ =	sdelay $0x1  }
0x99: {  	s4 =	simm.s32 $_scs_section_size  }
0x9a: {  	s5 =	simm.s32 $_size__tile_overlayer_lowered;
	s6 =	simm.s32 $_tile_overlayer_lowered  }
0x9b: {  	s22 =	simm.s32 $0x1BFF;
	s21 =	sshll.u32 s6, $0x1;
	s3 =	sadd.s32 s4, s19  }
0x9c: {  	s7 =	simm.s32 $0x0;
	s20 =	sshll.u32 s5, $0x1;
	s5 =	sadd.s32 s21, s3  }
0x9d: {  	[timem:s7], [sflag:s22] =	dma.local [hbm:s5], s20  }
0x9e: {  	_ =	swait.ge [sflag:s22], s20  }
0x9f: {  	s4 =	ssub.s32 $0x0, s20;
	[sflag:s22] =	ssyncset.done $0x0  }
0xa0: {  	[sflag:s22] =	ssyncadd.s32 s4;
	_ =	sdelay $0x1  }
0xa1: {  	s23 =	simm.s32 $0x1B8B  }
0xa2: {  	_ =	swait.ge [sflag:s23], $0x1  }
0xa3: {  	[sflag:s23] =	ssyncset.done $0x0  }
0xa4: {  	s25 =	simm.s32 $0x1B8E;
	s24 =	sld [smem:$0x3FFE];
	[sflag:s23] =	ssyncadd.s32 $0xFFFFFFFF  }
0xa5: {  	s26 =	simm.s32 $execute0_lowered;
	[smem:$0x3FD2] =	sst s25  }
0xa6: {  	s5 =	sshll.u32 s26, $0x1;
	_ =	strace $0x80000046;
	[dreg:$0x1] =	wrdreg $0xFFFFFFFF  }
0xa7: {  	s28 =	simm.s32 $_size_execute0_lowered;
	s3 =	sadd.s32 s3, s5;
	[dreg:$0x0] =	wrdreg $0x0  }
0xa8: {  	s5 =	sshll.u32 s28, $0x1;
	[dreg:$0x2] =	wrdreg s3  }
0xa9: {  	[dreg:$0x3] =	wrdreg s5  }
0xaa: {  	[dreg:$0x4] =	wrdreg $0xC0  }
0xab: {  	_ =	task [dreg:s7], $0x5FFFF  }
0xac: {  	[dreg:$0x1] =	wrdreg $0xFFFFFFFF  }
0xad: {  	[dreg:$0x0] =	wrdreg $0x60  }
0xae: {  	[dreg:$0x2] =	wrdreg s2  }
0xaf: {  	[dreg:$0x3] =	wrdreg s24  }
0xb0: {  	[dreg:$0x4] =	wrdreg $0x68000  }
0xb1: {  	[dreg:$0x5] =	wrdreg $0x9  }
0xb2: {  	_ =	task.clear_ibuf [dreg:s7], $0x6FFFF;
	_ =	strace $0x90000046  }
0xb3: {  	s29 =	simm.s32 $0x9;
	_ =	strace $0x80000048  }
0xb4: {  	_ =	swait.ge [sflag:s29], $0x1  }
0xb5: {  	[sflag:s29] =	ssyncadd.s32 $0xFFFFFFFF  }
0xb6: {  	_ =	strace $0x90000048  }
0xb7: {  	_ =	sfence  }
0xb8: {  	s30 =	sld [smem:$0x0];
	_ =	sdelay $0x2  }
0xb9: {  	s31 =	sshll.u32 s1, $0xD;
	s1 =	sshrl.u32 s1, $0x2  }
0xba: {  	s3 =	sand.u32 $0x4000, s31;
	s1 =	sadd.s32 s1, s30  }
0xbb: {  	s0 =	sor.u32 s3, s0;
	s1 =	sshll.u32 s1, $0x11  }
0xbc: {  	s0 =	sor.u32 s1, s0  }
0xbd: {  	s0 =	sadd.s32 $0x8F2B, s0  }
0xbe: {  	[sflag:s0] =	ssyncadd.remote.s32 $0x1  }
0xbf: {  	_ =	sfence.sel $0xFFFF  }
0xc0: {  	[dreg:$0x0] =	wrdreg $0xFFFFFFFF;
	(pc) =	sbr.abs _section_cstart, $3  }
0xc1: {  	[dreg:$0x1] =	wrdreg $0xFFFFFFFF  }
0xc2: {  	_ =	task.clear_ibuf [dreg:s7], $0x2FFFF;
	_ =	strace $0x9FFFFFFF  }
0xc3: {  	(tm) =	ssettm $0x7FFFFFFF  }
tec
execute0_lowered:
.L_overlay_start_1:
0x0: {  	(tag) =	ssettag $0x1  }
0x1: {  	s5 =	rddreg [dreg:$0x0]  }
0x2: {  	s4 =	rddreg [dreg:$0x1];
	s0 =	srdreg.scid  }
0x3: {  	s2 =	rddreg [dreg:$0x2];
	s1 =	stileid.u32  }
0x4: {  	s3 =	simm.s32 $0x0;
	s12 =	simm.s32 $0x1;
	s13 =	simm.s32 $0x2800  }
0x5: {  	s14 =	simm.s32 $0x80;
	s17 =	simm.s32 $0x0;
	s8 =	smul.u32 $0x13C00, s1  }
0x6: {  	s6 =	sand.u32 $0x1, s0;
	s0 =	rddreg [dreg:$0x3];
	s9 =	smul.u32 $0x4F000, s1  }
0x7: {  	[smem:$0x7FF] =	sst s3;
	s15 =	sshll.u32 s1, $0x6;
	s7 =	smul.u32 $0x13C000, s6  }
0x8: {  	s30 =	sshll.u32 s6, $0x4;
	_ =	strace $0x80000047;
	s6 =	ssub.s32 $0x2, s6  }
0x9: {  	s31 =	sshrl.u32 s6, $0x1;
	s7 =	sadd.s32 s8, s7;
	s8 =	sor.u32 s1, s30  }
0xa: {  	s15 =	sor.u32 $0x1C01, s15;
	s11 =	ssub.s32 s6, s31;
	s8 =	smul.u32 $0x500, s8  }
0xb: {  	s9 =	sshrl.u32 s9, $0x2;
	s7 =	sshrl.u32 s7, $0x3;
	s11 =	smax.u32 s11, $0x1  }
0xc: {  	s10 =	sadd.s32 s7, s4;
	s4 =	sadd.s32 s9, s2;
	s5 =	sadd.s32 s5, s8  }
0xd: {  	s6 =	sadd.s32 $0x4000, s4;
	s7 =	sadd.s32 $0x8000, s4;
	s8 =	sadd.s32 $0xC000, s4  }
0xe: {  	v0 =	vimm.f32 $0.0e+00;
	v1 =	vimm.f32 $1.000000000e+00;
	s9 =	sadd.s32 $0x10000, s4;
	s10 =	sadd.s32 $0xC000, s10;
	s16 =	sshrl.u32 s4, $0x3  }
.LBB2_1:
0xf: {  	[tilespmem:s3], [sflag:$0x1] =	stream.linear.gather [hbm4b:s5+s3], $0x2800, $0x38;
	[tilespmem:$0x1A400] =	vst v63  }
0x10: {  	_ =	swait.ge [sflag:s12], $0x2800  }
0x11: {  	[sflag:s12] =	ssyncset.done $0x0  }
0x12: {  	s18 =	simm.s32 $0x0;
	s19 =	simm.s32 $0x200;
	[sflag:s12] =	ssyncadd.s32 $0xFFFFD800  }
.LBB2_2:
0x13: {  	p0 =	sne.s32 s19, $0xFE00;
	[tilespmem:s18+$0x2870] =	vst v0  }
0x14: {  	[tilespmem:s18+$0x2800] =	vst v0  }
0x15: {  	[tilespmem:s18+$0x2810] =	vst v0  }
.Ltmp0:
0x16: {  	[tilespmem:s18+$0x2820] =	vst v0;
	(pc) =	sbr.rel @p0 .LBB2_2-.Ltmp0, $4  }
0x17: {  	[tilespmem:s18+$0x2830] =	vst v0  }
0x18: {  	[tilespmem:s18+$0x2840] =	vst v0  }
0x19: {  	[tilespmem:s18+$0x2850] =	vst v0  }
0x1a: {  	[tilespmem:s18+$0x2860] =	vst v0;
	s18 =	sshra.s32 s19, $0x2;
	s19 =	sadd.s32 $0x200, s19  }
0x1b: {  	[tilespmem:s18+$0x2870] =	vst v0  }
0x1c: {  	[tilespmem:s18+$0x2800] =	vst v0  }
0x1d: {  	[tilespmem:s18+$0x2810] =	vst v0  }
0x1e: {  	[tilespmem:s18+$0x2820] =	vst v0  }
0x1f: {  	[tilespmem:s18+$0x2830] =	vst v0  }
0x20: {  	[tilespmem:s18+$0x2840] =	vst v0  }
0x21: {  	[tilespmem:s18+$0x2850] =	vst v0  }
0x22: {  	[tilespmem:s18+$0x2860] =	vst v0  }
0x23: {  	[spmem:s4] =	stream.linear.scatter [tilespmem:s13], [sflag:$0x1], $0x4000, $0x38;
	[tilespmem:$0x1A400] =	vst v63  }
0x24: {  	_ =	swait.ge [sflag:s12], $0x4000  }
0x25: {  	[sflag:s12] =	ssyncset.done $0x0  }
0x26: {  	[sflag:s12] =	ssyncadd.s32 $0xFFFFC000  }
0x27: {  	[spmem:s6] =	stream.linear.scatter [tilespmem:s13], [sflag:$0x1], $0x4000, $0x38;
	[tilespmem:$0x1A400] =	vst v63  }
0x28: {  	_ =	swait.ge [sflag:s12], $0x4000  }
0x29: {  	[sflag:s12] =	ssyncset.done $0x0  }
0x2a: {  	[sflag:s12] =	ssyncadd.s32 $0xFFFFC000  }
0x2b: {  	[spmem:s7] =	stream.linear.scatter [tilespmem:s13], [sflag:$0x1], $0x4000, $0x38;
	[tilespmem:$0x1A400] =	vst v63  }
0x2c: {  	_ =	swait.ge [sflag:s12], $0x4000  }
0x2d: {  	[sflag:s12] =	ssyncset.done $0x0  }
0x2e: {  	[sflag:s12] =	ssyncadd.s32 $0xFFFFC000  }
0x2f: {  	[spmem:s8] =	stream.linear.scatter [tilespmem:s13], [sflag:$0x1], $0x4000, $0x38;
	[tilespmem:$0x1A400] =	vst v63  }
0x30: {  	_ =	swait.ge [sflag:s12], $0x4000  }
0x31: {  	[sflag:s12] =	ssyncset.done $0x0  }
0x32: {  	[sflag:s12] =	ssyncadd.s32 $0xFFFFC000  }
0x33: {  	[spmem:s9] =	stream.linear.scatter [tilespmem:s13], [sflag:$0x1], $0x3C00, $0x38;
	[tilespmem:$0x1A400] =	vst v63  }
0x34: {  	_ =	swait.ge [sflag:s12], $0x3C00  }
0x35: {  	[sflag:s12] =	ssyncset.done $0x0  }
0x36: {  	s18 =	simm.s32 $0x0;
	s19 =	simm.s32 $0x200;
	[sflag:s12] =	ssyncadd.s32 $0xFFFFC400  }
.LBB2_4:
0x37: {  	p0 =	sne.s32 s19, $0xFE00;
	[tilespmem:s18+$0x2870] =	vst v1  }
0x38: {  	[tilespmem:s18+$0x2800] =	vst v1  }
0x39: {  	[tilespmem:s18+$0x2810] =	vst v1  }
.Ltmp1:
0x3a: {  	[tilespmem:s18+$0x2820] =	vst v1;
	(pc) =	sbr.rel @p0 .LBB2_4-.Ltmp1, $4  }
0x3b: {  	[tilespmem:s18+$0x2830] =	vst v1  }
0x3c: {  	[tilespmem:s18+$0x2840] =	vst v1  }
0x3d: {  	[tilespmem:s18+$0x2850] =	vst v1  }
0x3e: {  	[tilespmem:s18+$0x2860] =	vst v1;
	s18 =	sshra.s32 s19, $0x2;
	s19 =	sadd.s32 $0x200, s19  }
0x3f: {  	[tilespmem:s18+$0x2870] =	vst v1  }
0x40: {  	[tilespmem:s18+$0x2800] =	vst v1  }
0x41: {  	[tilespmem:s18+$0x2810] =	vst v1  }
0x42: {  	[tilespmem:s18+$0x2820] =	vst v1  }
0x43: {  	[tilespmem:s18+$0x2830] =	vst v1  }
0x44: {  	[tilespmem:s18+$0x2840] =	vst v1  }
0x45: {  	[tilespmem:s18+$0x2850] =	vst v1  }
0x46: {  	[tilespmem:s18+$0x2860] =	vst v1  }
0x47: {  	s31 =	simm.s32 $0x0;
	[bflag:$0x0] =	sbarrier.arrive $0xFFFF  }
0x48: {  	[spmem:s2] =	stream.indirect.scatter.add.f32 [tilespmem:s13], [sflag:$0x1], $0x80, s31, s14, $0xb8;
	[tilespmem:$0x1A400] =	vst v63  }
0x49: {  	_ =	swait.ge [sflag:s12], $0x4000  }
0x4a: {  	s18 =	simm.s32 $0x200;
	[sflag:s12] =	ssyncset.done $0x0  }
.LBB2_6:
0x4b: {  	s19 =	sshra.s32 s18, $0x2;
	[sflag:s12] =	ssyncadd.s32 $0xFFFFC000;
	p0 =	sne.s32 s18, $0x9E00  }
0x4c: {  	[spmem:s2] =	stream.indirect.scatter.add.f32 [tilespmem:s13], [sflag:$0x1], $0x80, s19, s14, $0xb8;
	[tilespmem:$0x1A400] =	vst v63  }
.Ltmp2:
0x4d: {  	_ = 	snop;
	(pc) =	sbr.rel @p0 .LBB2_6-.Ltmp2, $4  }
0x4e: {  	_ = 	snop  }
0x4f: {  	s18 =	sadd.s32 $0x200, s18  }
0x50: {  	_ =	swait.ge [sflag:s12], $0x4000  }
0x51: {  	[sflag:s12] =	ssyncset.done $0x0  }
0x52: {  	s17 =	sadd.s32 $0x1, s17  }
0x53: {  	[sflag:s12] =	ssyncadd.s32 $0xFFFFC000;
	p0 =	sne.s32 s17, s11  }
.Ltmp3:
0x54: {  	[bflag:$0x0] =	sbarrier.arrive $0xFFFF;
	(pc) =	sbr.rel @p0 .LBB2_1-.Ltmp3, $4  }
0x55: {  	[hbm:s10], [sflag:s15] =	dma.local [spmem:s16], $0x2780  }
0x56: {  	_ =	swait.ge [sflag:s12], $0x2780  }
0x57: {  	[sflag:s12] =	ssyncset.done $0x0  }
0x58: {  	[sflag:s12] =	ssyncadd.s32 $0xFFFFD880  }
0x59: {  	_ =	sfence.sel $0x180000  }
0x5a: {  	[bflag:$0x0] =	sbarrier.arrive $0xFFFF  }
0x5b: {  	p0 =	sne.s32 s1, $0x0;
	_ =	strace $0x90000047  }
0x5c: {  	s0 =	sadd.s32 @!p0 $0x100000, s0;
	[bflag:$0x2] =	sbarrier.arrive $0xFFFF  }
0x5d: {  	[sflag:s0] =	ssyncadd.tile.s32 @!p0 $0x1;
	_ =	shalt  }
.Lfunc_end2:
_tile_overlayer_lowered:
.L_overlay_start_2:
0x5e: {  	(tag) =	ssettag $0x2  }
0x5f: {  	s0 =	rddreg [dreg:$0x0];
	s2 =	stileid.u32  }
0x60: {  	s1 =	rddreg [dreg:$0x1];
	p0 =	sne.s32 s2, $0x0  }
0x61: {  	s3 =	rddreg [dreg:$0x2];
	[bflag:$0x3] =	sbarrier.arrive $0xFFFF;
	s2 =	simm.s32 @!p0 $0x1C01  }
0x62: {  	[timem:s3], [sflag:s2] =	dma.local @!p0 [hbm:s0], s1  }
0x63: {  	s0 =	simm.s32 @!p0 $0x1  }
0x64: {  	_ =	swait.ge @!p0 [sflag:s0], s1  }
0x65: {  	s1 =	ssub.s32 @!p0 $0x0, s1;
	[sflag:s0] =	ssyncset.done @!p0 $0x0  }
0x66: {  	[sflag:s0] =	ssyncadd.s32 @!p0 s1  }
0x67: {  	[bflag:$0x3] =	sbarrier.arrive $0xFFFF  }
0x68: {  	_ =	shalt  }

</sc_bundles>
